<compile_context>
chip_gen: v7x
topology: tpu7x:2x2x1
jax: 0.10.2.dev20260603
libtpu: 0.0.44.dev20260713+nightly
codegen_flags: <defaults>
</compile_context>

<pallas_src>
import functools
import jax
import jax.numpy as jnp
from jax import lax
from jax.experimental import pallas as pl
from jax.experimental.pallas import tpu as pltpu
from jax.experimental.pallas import tpu_sc as plsc

_BS, _NA, _HW = 64, 9, 4200
_NW = 32
_PROWS = 3
_PUNITS = _BS * _NA // _PROWS // _NW
_RUNITS = _BS * _NA // _NW
_PBUF = _PROWS * 2 * _HW
_RBUF = 4 * _HW


def kernel(preds, regs):
    p1 = preds.reshape(-1)
    r1 = regs.reshape(-1)
    mesh = plsc.VectorSubcoreMesh(core_axis_name="c", subcore_axis_name="s")

    @functools.partial(
        pl.kernel,
        mesh=mesh,
        compiler_params=pltpu.CompilerParams(needs_layout_passes=False),
        out_type=[
            jax.ShapeDtypeStruct((_BS * _NA * 2 * _HW,), jnp.float32),
            jax.ShapeDtypeStruct((_BS * _NA * 4 * _HW,), jnp.float32),
        ],
        scratch_types=[
            pltpu.VMEM((_PBUF,), jnp.float32),
            pltpu.VMEM((_PBUF,), jnp.float32),
            pltpu.VMEM((_PBUF,), jnp.float32),
            pltpu.VMEM((_PBUF,), jnp.float32),
            pltpu.SemaphoreType.DMA,
            pltpu.SemaphoreType.DMA,
            pltpu.SemaphoreType.DMA,
            pltpu.SemaphoreType.DMA,
        ],
    )
    def k(p_hbm, r_hbm, po_hbm, ro_hbm,
          vin0, vin1, vout0, vout1, si0, si1, so0, so1):
        wid = lax.axis_index("s") * 2 + lax.axis_index("c")
        lane = jnp.arange(16, dtype=jnp.int32)
        vin = (vin0, vin1)
        vout = (vout0, vout1)
        sin = (si0, si1)
        sout = (so0, so1)

        def p_start_in(i, s):
            g = wid * _PUNITS + i
            b = g // 3
            a0 = (g - b * 3) * _PROWS
            srcA = (b * 2 * _NA + a0) * _HW
            cA = pltpu.async_copy(
                p_hbm.at[pl.ds(srcA, _PROWS * _HW)],
                vin[s].at[pl.ds(0, _PROWS * _HW)], sin[s])
            cB = pltpu.async_copy(
                p_hbm.at[pl.ds(srcA + _NA * _HW, _PROWS * _HW)],
                vin[s].at[pl.ds(_PROWS * _HW, _PROWS * _HW)], sin[s])
            return (cA, cB)

        def p_gather(s):
            for row in range(_PROWS):
                idx0 = (lane >> 1) + (lane & 1) * (_PROWS * _HW) + row * _HW
                obase = row * 2 * _HW

                @functools.partial(plsc.parallel_loop, 0, 2 * _HW // 16,
                                   unroll=7, carry=idx0)
                def body(vi, idx, row=row, obase=obase, s=s):
                    o = plsc.load_gather(vin[s], [idx])
                    vout[s][pl.ds(obase + vi * 16, 16)] = o
                    return idx + 8

        def p_start_out(i, s):
            g = wid * _PUNITS + i
            b = g // 3
            a0 = (g - b * 3) * _PROWS
            dst = (b * _NA + a0) * 2 * _HW
            return pltpu.async_copy(
                vout[s].at[pl.ds(0, _PROWS * 2 * _HW)],
                po_hbm.at[pl.ds(dst, _PROWS * 2 * _HW)], sout[s])

        ocp = [None, None]
        icp = [None, None]
        icp[0] = p_start_in(0, 0)
        for i in range(_PUNITS):
            s = i % 2
            if i + 1 < _PUNITS:
                icp[s ^ 1] = p_start_in(i + 1, s ^ 1)
            for c in icp[s]:
                c.wait()
            if ocp[s] is not None:
                ocp[s].wait()
            p_gather(s)
            ocp[s] = p_start_out(i, s)
        for s in (0, 1):
            if ocp[s] is not None:
                ocp[s].wait()

        def r_start_in(i, s):
            g = wid * _RUNITS + i
            b = g // _NA
            a = g - b * _NA
            src = (b * 4 * _NA + a) * _HW
            return tuple(
                pltpu.async_copy(
                    r_hbm.at[pl.ds(src + c * _NA * _HW, _HW)],
                    vin[s].at[pl.ds(c * _HW, _HW)], sin[s])
                for c in range(4))

        def r_gather(s):
            idx0 = (lane >> 2) + (lane & 3) * _HW

            @functools.partial(plsc.parallel_loop, 0, 4 * _HW // 16,
                               unroll=7, carry=idx0)
            def body(vi, idx, s=s):
                o = plsc.load_gather(vin[s], [idx])
                vout[s][pl.ds(vi * 16, 16)] = o
                return idx + 4

        def r_start_out(i, s):
            g = wid * _RUNITS + i
            b = g // _NA
            a = g - b * _NA
            dst = (b * _NA + a) * 4 * _HW
            return pltpu.async_copy(
                vout[s].at[pl.ds(0, 4 * _HW)],
                ro_hbm.at[pl.ds(dst, 4 * _HW)], sout[s])

        ocp = [None, None]
        icp = [None, None]
        icp[0] = r_start_in(0, 0)
        for i in range(_RUNITS):
            s = i % 2
            if i + 1 < _RUNITS:
                icp[s ^ 1] = r_start_in(i + 1, s ^ 1)
            for c in icp[s]:
                c.wait()
            if ocp[s] is not None:
                ocp[s].wait()
            r_gather(s)
            ocp[s] = r_start_out(i, s)
        for s in (0, 1):
            if ocp[s] is not None:
                ocp[s].wait()

    po, ro = k(p1, r1)
    return (
        po.reshape(_BS, _NA, 50, 84, 2),
        ro.reshape(_BS, _NA, 50, 84, 4),
    )

# --- scband reference (transcript-rebuilt; emitter-appended) ---
"""Pipeline reference for scband-detection-layer-51625506898668 (READ-ONLY COPY).

The authoritative reference and input builder live on the scoring server;
editing this copy changes nothing except your own understanding.
"""

import jax, jax.numpy as jnp
import numpy as np


def setup_inputs(seed: int = 0) -> dict:
    key = jax.random.key(seed)
    k1, k2 = jax.random.split(key)
    preds = jax.random.normal(k1, (64, 18, 50, 84), dtype=jnp.float32)
    regs = jax.random.normal(k2, (64, 36, 50, 84), dtype=jnp.float32)
    return {"preds": preds, "regs": regs}


def reference(preds, regs):
    # Faithful translation of DetectionLayer.forward:
    # reshape class logits to (bs, 2, nA, fh, fw) and box regressions to
    # (bs, 4, nA, fh, fw), then permute channel-last -> (bs, nA, fh, fw, 2/4).
    bs, _, fh, fw = preds.shape
    p = preds.reshape(bs, 2, -1, fh, fw).transpose(0, 2, 3, 4, 1)
    r = regs.reshape(bs, 4, -1, fh, fw).transpose(0, 2, 3, 4, 1)
    return (p, r)

if __name__ == "__main__":
    import jax
    _d = setup_inputs()
    print(jax.jit(kernel)(*tuple(_d.values())))

</pallas_src>

<mosaic_0001>
#map = affine_map<(d0, d1) -> (0)>
module attributes {stable_mosaic.version = 14 : i64} {
  func.func @k(%arg0: i32, %arg1: i32, %arg2: memref<4838400xf32, #tpu.memory_space<hbm>>, %arg3: memref<9676800xf32, #tpu.memory_space<hbm>>, %arg4: memref<4838400xf32, #tpu.memory_space<hbm>>, %arg5: memref<9676800xf32, #tpu.memory_space<hbm>>, %arg6: memref<25200xf32, #tpu.memory_space<vmem>>, %arg7: memref<25200xf32, #tpu.memory_space<vmem>>, %arg8: memref<25200xf32, #tpu.memory_space<vmem>>, %arg9: memref<25200xf32, #tpu.memory_space<vmem>>, %arg10: memref<!tpu.dma_semaphore, #tpu.memory_space<semaphore_mem>>, %arg11: memref<!tpu.dma_semaphore, #tpu.memory_space<semaphore_mem>>, %arg12: memref<!tpu.dma_semaphore, #tpu.memory_space<semaphore_mem>>, %arg13: memref<!tpu.dma_semaphore, #tpu.memory_space<semaphore_mem>>) attributes {dimension_semantics = [#tpu.dimension_semantics<core_parallel>, #tpu.dimension_semantics<subcore_parallel>], iteration_bounds = array<i64: 2, 16>, scalar_prefetch = 0 : i64, scratch_operands = 8 : i64, tpu.core_type = #tpu.core_type<sc_vector_subcore>, window_params = [{transform_indices = #map}, {transform_indices = #map}, {transform_indices = #map}, {transform_indices = #map}]} {
    %mul3A = arith.constant 2 : i32
    %mul3A_0 = arith.muli %arg1, %mul3A : i32
    %add3A = arith.addi %mul3A_0, %arg0 : i32
    %iota3A = tpu.iota {dimensions = array<i32: 0>} : vector<16xi32>
    %mul3A_1 = arith.constant 6 : i32
    %mul3A_2 = arith.muli %add3A, %mul3A_1 : i32
    %add3A_3 = arith.constant 0 : i32
    %add3A_4 = arith.addi %mul3A_2, %add3A_3 : i32
    %jit3A = arith.constant 3 : i32
    %div3A = arith.divsi %add3A_4, %jit3A : i32
    %sign3A = arith.constant 0 : i32
    %sign3A_5 = arith.cmpi sgt, %add3A_4, %sign3A : i32
    %sign3A_6 = arith.extui %sign3A_5 : i1 to i32
    %sign3A_7 = arith.constant 0 : i32
    %sign3A_8 = arith.cmpi slt, %add3A_4, %sign3A_7 : i32
    %sign3A_9 = arith.extui %sign3A_8 : i1 to i32
    %sign3A_10 = arith.subi %sign3A_6, %sign3A_9 : i32
    %sign3A_11 = arith.constant 0 : i32
    %sign3A_12 = arith.cmpi sgt, %jit3A, %sign3A_11 : i32
    %sign3A_13 = arith.extui %sign3A_12 : i1 to i32
    %sign3A_14 = arith.constant 0 : i32
    %sign3A_15 = arith.cmpi slt, %jit3A, %sign3A_14 : i32
    %sign3A_16 = arith.extui %sign3A_15 : i1 to i32
    %sign3A_17 = arith.subi %sign3A_13, %sign3A_16 : i32
    %ne3A = arith.cmpi ne, %sign3A_10, %sign3A_17 : i32
    %rem3A = arith.remsi %add3A_4, %jit3A : i32
    %ne3A_18 = arith.constant 0 : i32
    %ne3A_19 = arith.cmpi ne, %rem3A, %ne3A_18 : i32
    %and3A = arith.andi %ne3A, %ne3A_19 : i1
    %sub3A = arith.constant 1 : i32
    %sub3A_20 = arith.subi %div3A, %sub3A : i32
    %select_n3A = arith.select %and3A, %sub3A_20, %div3A : i32
    %mul3A_21 = arith.constant 3 : i32
    %mul3A_22 = arith.muli %select_n3A, %mul3A_21 : i32
    %sub3A_23 = arith.subi %add3A_4, %mul3A_22 : i32
    %mul3A_24 = arith.constant 3 : i32
    %mul3A_25 = arith.muli %sub3A_23, %mul3A_24 : i32
    %mul3A_26 = arith.constant 2 : i32
    %mul3A_27 = arith.muli %select_n3A, %mul3A_26 : i32
    %mul3A_28 = arith.constant 9 : i32
    %mul3A_29 = arith.muli %mul3A_27, %mul3A_28 : i32
    %add3A_30 = arith.addi %mul3A_29, %mul3A_25 : i32
    %mul3A_31 = arith.constant 4200 : i32
    %mul3A_32 = arith.muli %add3A_30, %mul3A_31 : i32
    %dma_start3A = arith.constant 0 : i32
    %dma_start3A_33 = tpu.memref_slice %arg6[%dma_start3A] : memref<25200xf32, #tpu.memory_space<vmem>> -> memref<12600xf32, #tpu.memory_space<vmem>>
    %dma_start3A_34 = tpu.memref_slice %arg2[%mul3A_32] : memref<4838400xf32, #tpu.memory_space<hbm>> -> memref<12600xf32, #tpu.memory_space<hbm>>
    %dma_start3A_35 = arith.constant 0 : i32
    %dma_start3A_36 = tpu.memref_slice %arg6[%dma_start3A_35] : memref<25200xf32, #tpu.memory_space<vmem>> -> memref<12600xf32, #tpu.memory_space<vmem>>
    %dma_start3A_37 = tpu.memref_slice %arg2[%mul3A_32] : memref<4838400xf32, #tpu.memory_space<hbm>> -> memref<12600xf32, #tpu.memory_space<hbm>>
    tpu.enqueue_dma source(%dma_start3A_37 : memref<12600xf32, #tpu.memory_space<hbm>>) target(%dma_start3A_36 : memref<12600xf32, #tpu.memory_space<vmem>>) target_semaphore(%arg10 : memref<!tpu.dma_semaphore, #tpu.memory_space<semaphore_mem>>)
    %add3A_38 = arith.constant 37800 : i32
    %add3A_39 = arith.addi %mul3A_32, %add3A_38 : i32
    %dma_start3A_40 = arith.constant 12600 : i32
    %dma_start3A_41 = tpu.memref_slice %arg6[%dma_start3A_40] : memref<25200xf32, #tpu.memory_space<vmem>> -> memref<12600xf32, #tpu.memory_space<vmem>>
    %dma_start3A_42 = tpu.memref_slice %arg2[%add3A_39] : memref<4838400xf32, #tpu.memory_space<hbm>> -> memref<12600xf32, #tpu.memory_space<hbm>>
    %dma_start3A_43 = arith.constant 12600 : i32
    %dma_start3A_44 = tpu.memref_slice %arg6[%dma_start3A_43] : memref<25200xf32, #tpu.memory_space<vmem>> -> memref<12600xf32, #tpu.memory_space<vmem>>
    %dma_start3A_45 = tpu.memref_slice %arg2[%add3A_39] : memref<4838400xf32, #tpu.memory_space<hbm>> -> memref<12600xf32, #tpu.memory_space<hbm>>
    tpu.enqueue_dma source(%dma_start3A_45 : memref<12600xf32, #tpu.memory_space<hbm>>) target(%dma_start3A_44 : memref<12600xf32, #tpu.memory_space<vmem>>) target_semaphore(%arg10 : memref<!tpu.dma_semaphore, #tpu.memory_space<semaphore_mem>>)
    %mul3A_46 = arith.constant 6 : i32
    %mul3A_47 = arith.muli %add3A, %mul3A_46 : i32
    %add3A_48 = arith.constant 1 : i32
    %add3A_49 = arith.addi %mul3A_47, %add3A_48 : i32
    %jit3A_50 = arith.constant 3 : i32
    %div3A_51 = arith.divsi %add3A_49, %jit3A_50 : i32
    %sign3A_52 = arith.constant 0 : i32
    %sign3A_53 = arith.cmpi sgt, %add3A_49, %sign3A_52 : i32
    %sign3A_54 = arith.extui %sign3A_53 : i1 to i32
    %sign3A_55 = arith.constant 0 : i32
    %sign3A_56 = arith.cmpi slt, %add3A_49, %sign3A_55 : i32
    %sign3A_57 = arith.extui %sign3A_56 : i1 to i32
    %sign3A_58 = arith.subi %sign3A_54, %sign3A_57 : i32
    %sign3A_59 = arith.constant 0 : i32
    %sign3A_60 = arith.cmpi sgt, %jit3A_50, %sign3A_59 : i32
    %sign3A_61 = arith.extui %sign3A_60 : i1 to i32
    %sign3A_62 = arith.constant 0 : i32
    %sign3A_63 = arith.cmpi slt, %jit3A_50, %sign3A_62 : i32
    %sign3A_64 = arith.extui %sign3A_63 : i1 to i32
    %sign3A_65 = arith.subi %sign3A_61, %sign3A_64 : i32
    %ne3A_66 = arith.cmpi ne, %sign3A_58, %sign3A_65 : i32
    %rem3A_67 = arith.remsi %add3A_49, %jit3A_50 : i32
    %ne3A_68 = arith.constant 0 : i32
    %ne3A_69 = arith.cmpi ne, %rem3A_67, %ne3A_68 : i32
    %and3A_70 = arith.andi %ne3A_66, %ne3A_69 : i1
    %sub3A_71 = arith.constant 1 : i32
    %sub3A_72 = arith.subi %div3A_51, %sub3A_71 : i32
    %select_n3A_73 = arith.select %and3A_70, %sub3A_72, %div3A_51 : i32
    %mul3A_74 = arith.constant 3 : i32
    %mul3A_75 = arith.muli %select_n3A_73, %mul3A_74 : i32
    %sub3A_76 = arith.subi %add3A_49, %mul3A_75 : i32
    %mul3A_77 = arith.constant 3 : i32
    %mul3A_78 = arith.muli %sub3A_76, %mul3A_77 : i32
    %mul3A_79 = arith.constant 2 : i32
    %mul3A_80 = arith.muli %select_n3A_73, %mul3A_79 : i32
    %mul3A_81 = arith.constant 9 : i32
    %mul3A_82 = arith.muli %mul3A_80, %mul3A_81 : i32
    %add3A_83 = arith.addi %mul3A_82, %mul3A_78 : i32
    %mul3A_84 = arith.constant 4200 : i32
    %mul3A_85 = arith.muli %add3A_83, %mul3A_84 : i32
    %dma_start3A_86 = arith.constant 0 : i32
    %dma_start3A_87 = tpu.memref_slice %arg7[%dma_start3A_86] : memref<25200xf32, #tpu.memory_space<vmem>> -> memref<12600xf32, #tpu.memory_space<vmem>>
    %dma_start3A_88 = tpu.memref_slice %arg2[%mul3A_85] : memref<4838400xf32, #tpu.memory_space<hbm>> -> memref<12600xf32, #tpu.memory_space<hbm>>
    %dma_start3A_89 = arith.constant 0 : i32
    %dma_start3A_90 = tpu.memref_slice %arg7[%dma_start3A_89] : memref<25200xf32, #tpu.memory_space<vmem>> -> memref<12600xf32, #tpu.memory_space<vmem>>
    %dma_start3A_91 = tpu.memref_slice %arg2[%mul3A_85] : memref<4838400xf32, #tpu.memory_space<hbm>> -> memref<12600xf32, #tpu.memory_space<hbm>>
    tpu.enqueue_dma source(%dma_start3A_91 : memref<12600xf32, #tpu.memory_space<hbm>>) target(%dma_start3A_90 : memref<12600xf32, #tpu.memory_space<vmem>>) target_semaphore(%arg11 : memref<!tpu.dma_semaphore, #tpu.memory_space<semaphore_mem>>)
    %add3A_92 = arith.constant 37800 : i32
    %add3A_93 = arith.addi %mul3A_85, %add3A_92 : i32
    %dma_start3A_94 = arith.constant 12600 : i32
    %dma_start3A_95 = tpu.memref_slice %arg7[%dma_start3A_94] : memref<25200xf32, #tpu.memory_space<vmem>> -> memref<12600xf32, #tpu.memory_space<vmem>>
    %dma_start3A_96 = tpu.memref_slice %arg2[%add3A_93] : memref<4838400xf32, #tpu.memory_space<hbm>> -> memref<12600xf32, #tpu.memory_space<hbm>>
    %dma_start3A_97 = arith.constant 12600 : i32
    %dma_start3A_98 = tpu.memref_slice %arg7[%dma_start3A_97] : memref<25200xf32, #tpu.memory_space<vmem>> -> memref<12600xf32, #tpu.memory_space<vmem>>
    %dma_start3A_99 = tpu.memref_slice %arg2[%add3A_93] : memref<4838400xf32, #tpu.memory_space<hbm>> -> memref<12600xf32, #tpu.memory_space<hbm>>
    tpu.enqueue_dma source(%dma_start3A_99 : memref<12600xf32, #tpu.memory_space<hbm>>) target(%dma_start3A_98 : memref<12600xf32, #tpu.memory_space<vmem>>) target_semaphore(%arg11 : memref<!tpu.dma_semaphore, #tpu.memory_space<semaphore_mem>>)
    %dma_wait3A = arith.constant 0 : i32
    %dma_wait3A_100 = tpu.memref_slice %arg6[%dma_wait3A] : memref<25200xf32, #tpu.memory_space<vmem>> -> memref<12600xf32, #tpu.memory_space<vmem>>
    %dma_wait3A_101 = tpu.memref_slice %arg2[%mul3A_32] : memref<4838400xf32, #tpu.memory_space<hbm>> -> memref<12600xf32, #tpu.memory_space<hbm>>
    %dma_wait3A_102 = arith.constant 0 : i32
    %dma_wait3A_103 = tpu.memref_slice %arg6[%dma_wait3A_102] : memref<25200xf32, #tpu.memory_space<vmem>> -> memref<12600xf32, #tpu.memory_space<vmem>>
    %dma_wait3A_104 = tpu.memref_slice %arg2[%mul3A_32] : memref<4838400xf32, #tpu.memory_space<hbm>> -> memref<12600xf32, #tpu.memory_space<hbm>>
    tpu.wait_dma2 semaphore(%arg10 : memref<!tpu.dma_semaphore, #tpu.memory_space<semaphore_mem>>) src(%dma_wait3A_104 : memref<12600xf32, #tpu.memory_space<hbm>>) dst(%dma_wait3A_103 : memref<12600xf32, #tpu.memory_space<vmem>>)
    %dma_wait3A_105 = arith.constant 12600 : i32
    %dma_wait3A_106 = tpu.memref_slice %arg6[%dma_wait3A_105] : memref<25200xf32, #tpu.memory_space<vmem>> -> memref<12600xf32, #tpu.memory_space<vmem>>
    %dma_wait3A_107 = tpu.memref_slice %arg2[%add3A_39] : memref<4838400xf32, #tpu.memory_space<hbm>> -> memref<12600xf32, #tpu.memory_space<hbm>>
    %dma_wait3A_108 = arith.constant 12600 : i32
    %dma_wait3A_109 = tpu.memref_slice %arg6[%dma_wait3A_108] : memref<25200xf32, #tpu.memory_space<vmem>> -> memref<12600xf32, #tpu.memory_space<vmem>>
    %dma_wait3A_110 = tpu.memref_slice %arg2[%add3A_39] : memref<4838400xf32, #tpu.memory_space<hbm>> -> memref<12600xf32, #tpu.memory_space<hbm>>
    tpu.wait_dma2 semaphore(%arg10 : memref<!tpu.dma_semaphore, #tpu.memory_space<semaphore_mem>>) src(%dma_wait3A_110 : memref<12600xf32, #tpu.memory_space<hbm>>) dst(%dma_wait3A_109 : memref<12600xf32, #tpu.memory_space<vmem>>)
    %shift_right_arithmetic3A = arith.constant 1 : i32
    %shift_right_arithmetic3A_111 = vector.broadcast %shift_right_arithmetic3A : i32 to vector<16xi32>
    %shift_right_arithmetic3A_112 = arith.shrsi %iota3A, %shift_right_arithmetic3A_111 : vector<16xi32>
    %and3A_113 = arith.constant 1 : i32
    %and3A_114 = vector.broadcast %and3A_113 : i32 to vector<16xi32>
    %and3A_115 = arith.andi %iota3A, %and3A_114 : vector<16xi32>
    %mul3A_116 = arith.constant 12600 : i32
    %mul3A_117 = vector.broadcast %mul3A_116 : i32 to vector<16xi32>
    %mul3A_118 = arith.muli %and3A_115, %mul3A_117 : vector<16xi32>
    %add3A_119 = arith.addi %shift_right_arithmetic3A_112, %mul3A_118 : vector<16xi32>
    %add3A_120 = arith.constant 0 : i32
    %add3A_121 = vector.broadcast %add3A_120 : i32 to vector<16xi32>
    %add3A_122 = arith.addi %add3A_119, %add3A_121 : vector<16xi32>
    %shift_right_arithmetic3A_123 = arith.constant 1 : i32
    %shift_right_arithmetic3A_124 = vector.broadcast %shift_right_arithmetic3A_123 : i32 to vector<16xi32>
    %shift_right_arithmetic3A_125 = arith.shrsi %iota3A, %shift_right_arithmetic3A_124 : vector<16xi32>
    %and3A_126 = arith.constant 1 : i32
    %and3A_127 = vector.broadcast %and3A_126 : i32 to vector<16xi32>
    %and3A_128 = arith.andi %iota3A, %and3A_127 : vector<16xi32>
    %mul3A_129 = arith.constant 12600 : i32
    %mul3A_130 = vector.broadcast %mul3A_129 : i32 to vector<16xi32>
    %mul3A_131 = arith.muli %and3A_128, %mul3A_130 : vector<16xi32>
    %add3A_132 = arith.addi %shift_right_arithmetic3A_125, %mul3A_131 : vector<16xi32>
    %add3A_133 = arith.constant 4200 : i32
    %add3A_134 = vector.broadcast %add3A_133 : i32 to vector<16xi32>
    %add3A_135 = arith.addi %add3A_132, %add3A_134 : vector<16xi32>
    %shift_right_arithmetic3A_136 = arith.constant 1 : i32
    %shift_right_arithmetic3A_137 = vector.broadcast %shift_right_arithmetic3A_136 : i32 to vector<16xi32>
    %shift_right_arithmetic3A_138 = arith.shrsi %iota3A, %shift_right_arithmetic3A_137 : vector<16xi32>
    %and3A_139 = arith.constant 1 : i32
    %and3A_140 = vector.broadcast %and3A_139 : i32 to vector<16xi32>
    %and3A_141 = arith.andi %iota3A, %and3A_140 : vector<16xi32>
    %mul3A_142 = arith.constant 12600 : i32
    %mul3A_143 = vector.broadcast %mul3A_142 : i32 to vector<16xi32>
    %mul3A_144 = arith.muli %and3A_141, %mul3A_143 : vector<16xi32>
    %add3A_145 = arith.addi %shift_right_arithmetic3A_138, %mul3A_144 : vector<16xi32>
    %add3A_146 = arith.constant 8400 : i32
    %add3A_147 = vector.broadcast %add3A_146 : i32 to vector<16xi32>
    %add3A_148 = arith.addi %add3A_145, %add3A_147 : vector<16xi32>
    %mul3A_149 = arith.constant 6 : i32
    %mul3A_150 = arith.muli %add3A, %mul3A_149 : i32
    %add3A_151 = arith.constant 0 : i32
    %add3A_152 = arith.addi %mul3A_150, %add3A_151 : i32
    %jit3A_153 = arith.constant 3 : i32
    %div3A_154 = arith.divsi %add3A_152, %jit3A_153 : i32
    %sign3A_155 = arith.constant 0 : i32
    %sign3A_156 = arith.cmpi sgt, %add3A_152, %sign3A_155 : i32
    %sign3A_157 = arith.extui %sign3A_156 : i1 to i32
    %sign3A_158 = arith.constant 0 : i32
    %sign3A_159 = arith.cmpi slt, %add3A_152, %sign3A_158 : i32
    %sign3A_160 = arith.extui %sign3A_159 : i1 to i32
    %sign3A_161 = arith.subi %sign3A_157, %sign3A_160 : i32
    %sign3A_162 = arith.constant 0 : i32
    %sign3A_163 = arith.cmpi sgt, %jit3A_153, %sign3A_162 : i32
    %sign3A_164 = arith.extui %sign3A_163 : i1 to i32
    %sign3A_165 = arith.constant 0 : i32
    %sign3A_166 = arith.cmpi slt, %jit3A_153, %sign3A_165 : i32
    %sign3A_167 = arith.extui %sign3A_166 : i1 to i32
    %sign3A_168 = arith.subi %sign3A_164, %sign3A_167 : i32
    %ne3A_169 = arith.cmpi ne, %sign3A_161, %sign3A_168 : i32
    %rem3A_170 = arith.remsi %add3A_152, %jit3A_153 : i32
    %ne3A_171 = arith.constant 0 : i32
    %ne3A_172 = arith.cmpi ne, %rem3A_170, %ne3A_171 : i32
    %and3A_173 = arith.andi %ne3A_169, %ne3A_172 : i1
    %sub3A_174 = arith.constant 1 : i32
    %sub3A_175 = arith.subi %div3A_154, %sub3A_174 : i32
    %select_n3A_176 = arith.select %and3A_173, %sub3A_175, %div3A_154 : i32
    %mul3A_177 = arith.constant 3 : i32
    %mul3A_178 = arith.muli %select_n3A_176, %mul3A_177 : i32
    %sub3A_179 = arith.subi %add3A_152, %mul3A_178 : i32
    %mul3A_180 = arith.constant 3 : i32
    %mul3A_181 = arith.muli %sub3A_179, %mul3A_180 : i32
    %mul3A_182 = arith.constant 9 : i32
    %mul3A_183 = arith.muli %select_n3A_176, %mul3A_182 : i32
    %add3A_184 = arith.addi %mul3A_183, %mul3A_181 : i32
    %mul3A_185 = arith.constant 2 : i32
    %mul3A_186 = arith.muli %add3A_184, %mul3A_185 : i32
    %mul3A_187 = arith.constant 4200 : i32
    %mul3A_188 = arith.muli %mul3A_186, %mul3A_187 : i32
    %dma_start3A_189 = arith.constant 0 : i32
    %dma_start3A_190 = tpu.memref_slice %arg8[%dma_start3A_189] : memref<25200xf32, #tpu.memory_space<vmem>> -> memref<25200xf32, #tpu.memory_space<vmem>>
    %dma_start3A_191 = tpu.memref_slice %arg4[%mul3A_188] : memref<4838400xf32, #tpu.memory_space<hbm>> -> memref<25200xf32, #tpu.memory_space<hbm>>
    %dma_start3A_192 = tpu.memref_slice %arg4[%mul3A_188] : memref<4838400xf32, #tpu.memory_space<hbm>> -> memref<25200xf32, #tpu.memory_space<hbm>>
    %dma_start3A_193 = arith.constant 0 : i32
    %dma_start3A_194 = tpu.memref_slice %arg8[%dma_start3A_193] : memref<25200xf32, #tpu.memory_space<vmem>> -> memref<25200xf32, #tpu.memory_space<vmem>>
    tpu.enqueue_dma source(%dma_start3A_194 : memref<25200xf32, #tpu.memory_space<vmem>>) target(%dma_start3A_192 : memref<25200xf32, #tpu.memory_space<hbm>>) target_semaphore(%arg12 : memref<!tpu.dma_semaphore, #tpu.memory_space<semaphore_mem>>)
    %mul3A_195 = arith.constant 6 : i32
    %mul3A_196 = arith.muli %add3A, %mul3A_195 : i32
    %add3A_197 = arith.constant 2 : i32
    %add3A_198 = arith.addi %mul3A_196, %add3A_197 : i32
    %jit3A_199 = arith.constant 3 : i32
    %div3A_200 = arith.divsi %add3A_198, %jit3A_199 : i32
    %sign3A_201 = arith.constant 0 : i32
    %sign3A_202 = arith.cmpi sgt, %add3A_198, %sign3A_201 : i32
    %sign3A_203 = arith.extui %sign3A_202 : i1 to i32
    %sign3A_204 = arith.constant 0 : i32
    %sign3A_205 = arith.cmpi slt, %add3A_198, %sign3A_204 : i32
    %sign3A_206 = arith.extui %sign3A_205 : i1 to i32
    %sign3A_207 = arith.subi %sign3A_203, %sign3A_206 : i32
    %sign3A_208 = arith.constant 0 : i32
    %sign3A_209 = arith.cmpi sgt, %jit3A_199, %sign3A_208 : i32
    %sign3A_210 = arith.extui %sign3A_209 : i1 to i32
    %sign3A_211 = arith.constant 0 : i32
    %sign3A_212 = arith.cmpi slt, %jit3A_199, %sign3A_211 : i32
    %sign3A_213 = arith.extui %sign3A_212 : i1 to i32
    %sign3A_214 = arith.subi %sign3A_210, %sign3A_213 : i32
    %ne3A_215 = arith.cmpi ne, %sign3A_207, %sign3A_214 : i32
    %rem3A_216 = arith.remsi %add3A_198, %jit3A_199 : i32
    %ne3A_217 = arith.constant 0 : i32
    %ne3A_218 = arith.cmpi ne, %rem3A_216, %ne3A_217 : i32
    %and3A_219 = arith.andi %ne3A_215, %ne3A_218 : i1
    %sub3A_220 = arith.constant 1 : i32
    %sub3A_221 = arith.subi %div3A_200, %sub3A_220 : i32
    %select_n3A_222 = arith.select %and3A_219, %sub3A_221, %div3A_200 : i32
    %mul3A_223 = arith.constant 3 : i32
    %mul3A_224 = arith.muli %select_n3A_222, %mul3A_223 : i32
    %sub3A_225 = arith.subi %add3A_198, %mul3A_224 : i32
    %mul3A_226 = arith.constant 3 : i32
    %mul3A_227 = arith.muli %sub3A_225, %mul3A_226 : i32
    %mul3A_228 = arith.constant 2 : i32
    %mul3A_229 = arith.muli %select_n3A_222, %mul3A_228 : i32
    %mul3A_230 = arith.constant 9 : i32
    %mul3A_231 = arith.muli %mul3A_229, %mul3A_230 : i32
    %add3A_232 = arith.addi %mul3A_231, %mul3A_227 : i32
    %mul3A_233 = arith.constant 4200 : i32
    %mul3A_234 = arith.muli %add3A_232, %mul3A_233 : i32
    %dma_start3A_235 = arith.constant 0 : i32
    %dma_start3A_236 = tpu.memref_slice %arg6[%dma_start3A_235] : memref<25200xf32, #tpu.memory_space<vmem>> -> memref<12600xf32, #tpu.memory_space<vmem>>
    %dma_start3A_237 = tpu.memref_slice %arg2[%mul3A_234] : memref<4838400xf32, #tpu.memory_space<hbm>> -> memref<12600xf32, #tpu.memory_space<hbm>>
    %dma_start3A_238 = arith.constant 0 : i32
    %dma_start3A_239 = tpu.memref_slice %arg6[%dma_start3A_238] : memref<25200xf32, #tpu.memory_space<vmem>> -> memref<12600xf32, #tpu.memory_space<vmem>>
    %dma_start3A_240 = tpu.memref_slice %arg2[%mul3A_234] : memref<4838400xf32, #tpu.memory_space<hbm>> -> memref<12600xf32, #tpu.memory_space<hbm>>
    tpu.enqueue_dma source(%dma_start3A_240 : memref<12600xf32, #tpu.memory_space<hbm>>) target(%dma_start3A_239 : memref<12600xf32, #tpu.memory_space<vmem>>) target_semaphore(%arg10 : memref<!tpu.dma_semaphore, #tpu.memory_space<semaphore_mem>>)
    %add3A_241 = arith.constant 37800 : i32
    %add3A_242 = arith.addi %mul3A_234, %add3A_241 : i32
    %dma_start3A_243 = arith.constant 12600 : i32
    %dma_start3A_244 = tpu.memref_slice %arg6[%dma_start3A_243] : memref<25200xf32, #tpu.memory_space<vmem>> -> memref<12600xf32, #tpu.memory_space<vmem>>
    %dma_start3A_245 = tpu.memref_slice %arg2[%add3A_242] : memref<4838400xf32, #tpu.memory_space<hbm>> -> memref<12600xf32, #tpu.memory_space<hbm>>
    %dma_start3A_246 = arith.constant 12600 : i32
    %dma_start3A_247 = tpu.memref_slice %arg6[%dma_start3A_246] : memref<25200xf32, #tpu.memory_space<vmem>> -> memref<12600xf32, #tpu.memory_space<vmem>>
    %dma_start3A_248 = tpu.memref_slice %arg2[%add3A_242] : memref<4838400xf32, #tpu.memory_space<hbm>> -> memref<12600xf32, #tpu.memory_space<hbm>>
    tpu.enqueue_dma source(%dma_start3A_248 : memref<12600xf32, #tpu.memory_space<hbm>>) target(%dma_start3A_247 : memref<12600xf32, #tpu.memory_space<vmem>>) target_semaphore(%arg10 : memref<!tpu.dma_semaphore, #tpu.memory_space<semaphore_mem>>)
    %dma_wait3A_249 = arith.constant 0 : i32
    %dma_wait3A_250 = tpu.memref_slice %arg7[%dma_wait3A_249] : memref<25200xf32, #tpu.memory_space<vmem>> -> memref<12600xf32, #tpu.memory_space<vmem>>
    %dma_wait3A_251 = tpu.memref_slice %arg2[%mul3A_85] : memref<4838400xf32, #tpu.memory_space<hbm>> -> memref<12600xf32, #tpu.memory_space<hbm>>
    %dma_wait3A_252 = arith.constant 0 : i32
    %dma_wait3A_253 = tpu.memref_slice %arg7[%dma_wait3A_252] : memref<25200xf32, #tpu.memory_space<vmem>> -> memref<12600xf32, #tpu.memory_space<vmem>>
    %dma_wait3A_254 = tpu.memref_slice %arg2[%mul3A_85] : memref<4838400xf32, #tpu.memory_space<hbm>> -> memref<12600xf32, #tpu.memory_space<hbm>>
    tpu.wait_dma2 semaphore(%arg11 : memref<!tpu.dma_semaphore, #tpu.memory_space<semaphore_mem>>) src(%dma_wait3A_254 : memref<12600xf32, #tpu.memory_space<hbm>>) dst(%dma_wait3A_253 : memref<12600xf32, #tpu.memory_space<vmem>>)
    %dma_wait3A_255 = arith.constant 12600 : i32
    %dma_wait3A_256 = tpu.memref_slice %arg7[%dma_wait3A_255] : memref<25200xf32, #tpu.memory_space<vmem>> -> memref<12600xf32, #tpu.memory_space<vmem>>
    %dma_wait3A_257 = tpu.memref_slice %arg2[%add3A_93] : memref<4838400xf32, #tpu.memory_space<hbm>> -> memref<12600xf32, #tpu.memory_space<hbm>>
    %dma_wait3A_258 = arith.constant 12600 : i32
    %dma_wait3A_259 = tpu.memref_slice %arg7[%dma_wait3A_258] : memref<25200xf32, #tpu.memory_space<vmem>> -> memref<12600xf32, #tpu.memory_space<vmem>>
    %dma_wait3A_260 = tpu.memref_slice %arg2[%add3A_93] : memref<4838400xf32, #tpu.memory_space<hbm>> -> memref<12600xf32, #tpu.memory_space<hbm>>
    tpu.wait_dma2 semaphore(%arg11 : memref<!tpu.dma_semaphore, #tpu.memory_space<semaphore_mem>>) src(%dma_wait3A_260 : memref<12600xf32, #tpu.memory_space<hbm>>) dst(%dma_wait3A_259 : memref<12600xf32, #tpu.memory_space<vmem>>)
    %shift_right_arithmetic3A_261 = arith.constant 1 : i32
    %shift_right_arithmetic3A_262 = vector.broadcast %shift_right_arithmetic3A_261 : i32 to vector<16xi32>
    %shift_right_arithmetic3A_263 = arith.shrsi %iota3A, %shift_right_arithmetic3A_262 : vector<16xi32>
    %and3A_264 = arith.constant 1 : i32
    %and3A_265 = vector.broadcast %and3A_264 : i32 to vector<16xi32>
    %and3A_266 = arith.andi %iota3A, %and3A_265 : vector<16xi32>
    %mul3A_267 = arith.constant 12600 : i32
    %mul3A_268 = vector.broadcast %mul3A_267 : i32 to vector<16xi32>
    %mul3A_269 = arith.muli %and3A_266, %mul3A_268 : vector<16xi32>
    %add3A_270 = arith.addi %shift_right_arithmetic3A_263, %mul3A_269 : vector<16xi32>
    %add3A_271 = arith.constant 0 : i32
    %add3A_272 = vector.broadcast %add3A_271 : i32 to vector<16xi32>
    %add3A_273 = arith.addi %add3A_270, %add3A_272 : vector<16xi32>
    %shift_right_arithmetic3A_274 = arith.constant 1 : i32
    %shift_right_arithmetic3A_275 = vector.broadcast %shift_right_arithmetic3A_274 : i32 to vector<16xi32>
    %shift_right_arithmetic3A_276 = arith.shrsi %iota3A, %shift_right_arithmetic3A_275 : vector<16xi32>
    %and3A_277 = arith.constant 1 : i32
    %and3A_278 = vector.broadcast %and3A_277 : i32 to vector<16xi32>
    %and3A_279 = arith.andi %iota3A, %and3A_278 : vector<16xi32>
    %mul3A_280 = arith.constant 12600 : i32
    %mul3A_281 = vector.broadcast %mul3A_280 : i32 to vector<16xi32>
    %mul3A_282 = arith.muli %and3A_279, %mul3A_281 : vector<16xi32>
    %add3A_283 = arith.addi %shift_right_arithmetic3A_276, %mul3A_282 : vector<16xi32>
    %add3A_284 = arith.constant 4200 : i32
    %add3A_285 = vector.broadcast %add3A_284 : i32 to vector<16xi32>
    %add3A_286 = arith.addi %add3A_283, %add3A_285 : vector<16xi32>
    %shift_right_arithmetic3A_287 = arith.constant 1 : i32
    %shift_right_arithmetic3A_288 = vector.broadcast %shift_right_arithmetic3A_287 : i32 to vector<16xi32>
    %shift_right_arithmetic3A_289 = arith.shrsi %iota3A, %shift_right_arithmetic3A_288 : vector<16xi32>
    %and3A_290 = arith.constant 1 : i32
    %and3A_291 = vector.broadcast %and3A_290 : i32 to vector<16xi32>
    %and3A_292 = arith.andi %iota3A, %and3A_291 : vector<16xi32>
    %mul3A_293 = arith.constant 12600 : i32
    %mul3A_294 = vector.broadcast %mul3A_293 : i32 to vector<16xi32>
    %mul3A_295 = arith.muli %and3A_292, %mul3A_294 : vector<16xi32>
    %add3A_296 = arith.addi %shift_right_arithmetic3A_289, %mul3A_295 : vector<16xi32>
    %add3A_297 = arith.constant 8400 : i32
    %add3A_298 = vector.broadcast %add3A_297 : i32 to vector<16xi32>
    %add3A_299 = arith.addi %add3A_296, %add3A_298 : vector<16xi32>
    %mul3A_300 = arith.constant 6 : i32
    %mul3A_301 = arith.muli %add3A, %mul3A_300 : i32
    %add3A_302 = arith.constant 1 : i32
    %add3A_303 = arith.addi %mul3A_301, %add3A_302 : i32
    %jit3A_304 = arith.constant 3 : i32
    %div3A_305 = arith.divsi %add3A_303, %jit3A_304 : i32
    %sign3A_306 = arith.constant 0 : i32
    %sign3A_307 = arith.cmpi sgt, %add3A_303, %sign3A_306 : i32
    %sign3A_308 = arith.extui %sign3A_307 : i1 to i32
    %sign3A_309 = arith.constant 0 : i32
    %sign3A_310 = arith.cmpi slt, %add3A_303, %sign3A_309 : i32
    %sign3A_311 = arith.extui %sign3A_310 : i1 to i32
    %sign3A_312 = arith.subi %sign3A_308, %sign3A_311 : i32
    %sign3A_313 = arith.constant 0 : i32
    %sign3A_314 = arith.cmpi sgt, %jit3A_304, %sign3A_313 : i32
    %sign3A_315 = arith.extui %sign3A_314 : i1 to i32
    %sign3A_316 = arith.constant 0 : i32
    %sign3A_317 = arith.cmpi slt, %jit3A_304, %sign3A_316 : i32
    %sign3A_318 = arith.extui %sign3A_317 : i1 to i32
    %sign3A_319 = arith.subi %sign3A_315, %sign3A_318 : i32
    %ne3A_320 = arith.cmpi ne, %sign3A_312, %sign3A_319 : i32
    %rem3A_321 = arith.remsi %add3A_303, %jit3A_304 : i32
    %ne3A_322 = arith.constant 0 : i32
    %ne3A_323 = arith.cmpi ne, %rem3A_321, %ne3A_322 : i32
    %and3A_324 = arith.andi %ne3A_320, %ne3A_323 : i1
    %sub3A_325 = arith.constant 1 : i32
    %sub3A_326 = arith.subi %div3A_305, %sub3A_325 : i32
    %select_n3A_327 = arith.select %and3A_324, %sub3A_326, %div3A_305 : i32
    %mul3A_328 = arith.constant 3 : i32
    %mul3A_329 = arith.muli %select_n3A_327, %mul3A_328 : i32
    %sub3A_330 = arith.subi %add3A_303, %mul3A_329 : i32
    %mul3A_331 = arith.constant 3 : i32
    %mul3A_332 = arith.muli %sub3A_330, %mul3A_331 : i32
    %mul3A_333 = arith.constant 9 : i32
    %mul3A_334 = arith.muli %select_n3A_327, %mul3A_333 : i32
    %add3A_335 = arith.addi %mul3A_334, %mul3A_332 : i32
    %mul3A_336 = arith.constant 2 : i32
    %mul3A_337 = arith.muli %add3A_335, %mul3A_336 : i32
    %mul3A_338 = arith.constant 4200 : i32
    %mul3A_339 = arith.muli %mul3A_337, %mul3A_338 : i32
    %dma_start3A_340 = arith.constant 0 : i32
    %dma_start3A_341 = tpu.memref_slice %arg9[%dma_start3A_340] : memref<25200xf32, #tpu.memory_space<vmem>> -> memref<25200xf32, #tpu.memory_space<vmem>>
    %dma_start3A_342 = tpu.memref_slice %arg4[%mul3A_339] : memref<4838400xf32, #tpu.memory_space<hbm>> -> memref<25200xf32, #tpu.memory_space<hbm>>
    %dma_start3A_343 = tpu.memref_slice %arg4[%mul3A_339] : memref<4838400xf32, #tpu.memory_space<hbm>> -> memref<25200xf32, #tpu.memory_space<hbm>>
    %dma_start3A_344 = arith.constant 0 : i32
    %dma_start3A_345 = tpu.memref_slice %arg9[%dma_start3A_344] : memref<25200xf32, #tpu.memory_space<vmem>> -> memref<25200xf32, #tpu.memory_space<vmem>>
    tpu.enqueue_dma source(%dma_start3A_345 : memref<25200xf32, #tpu.memory_space<vmem>>) target(%dma_start3A_343 : memref<25200xf32, #tpu.memory_space<hbm>>) target_semaphore(%arg13 : memref<!tpu.dma_semaphore, #tpu.memory_space<semaphore_mem>>)
    %mul3A_346 = arith.constant 6 : i32
    %mul3A_347 = arith.muli %add3A, %mul3A_346 : i32
    %add3A_348 = arith.constant 3 : i32
    %add3A_349 = arith.addi %mul3A_347, %add3A_348 : i32
    %jit3A_350 = arith.constant 3 : i32
    %div3A_351 = arith.divsi %add3A_349, %jit3A_350 : i32
    %sign3A_352 = arith.constant 0 : i32
    %sign3A_353 = arith.cmpi sgt, %add3A_349, %sign3A_352 : i32
    %sign3A_354 = arith.extui %sign3A_353 : i1 to i32
    %sign3A_355 = arith.constant 0 : i32
    %sign3A_356 = arith.cmpi slt, %add3A_349, %sign3A_355 : i32
    %sign3A_357 = arith.extui %sign3A_356 : i1 to i32
    %sign3A_358 = arith.subi %sign3A_354, %sign3A_357 : i32
    %sign3A_359 = arith.constant 0 : i32
    %sign3A_360 = arith.cmpi sgt, %jit3A_350, %sign3A_359 : i32
    %sign3A_361 = arith.extui %sign3A_360 : i1 to i32
    %sign3A_362 = arith.constant 0 : i32
    %sign3A_363 = arith.cmpi slt, %jit3A_350, %sign3A_362 : i32
    %sign3A_364 = arith.extui %sign3A_363 : i1 to i32
    %sign3A_365 = arith.subi %sign3A_361, %sign3A_364 : i32
    %ne3A_366 = arith.cmpi ne, %sign3A_358, %sign3A_365 : i32
    %rem3A_367 = arith.remsi %add3A_349, %jit3A_350 : i32
    %ne3A_368 = arith.constant 0 : i32
    %ne3A_369 = arith.cmpi ne, %rem3A_367, %ne3A_368 : i32
    %and3A_370 = arith.andi %ne3A_366, %ne3A_369 : i1
    %sub3A_371 = arith.constant 1 : i32
    %sub3A_372 = arith.subi %div3A_351, %sub3A_371 : i32
    %select_n3A_373 = arith.select %and3A_370, %sub3A_372, %div3A_351 : i32
    %mul3A_374 = arith.constant 3 : i32
    %mul3A_375 = arith.muli %select_n3A_373, %mul3A_374 : i32
    %sub3A_376 = arith.subi %add3A_349, %mul3A_375 : i32
    %mul3A_377 = arith.constant 3 : i32
    %mul3A_378 = arith.muli %sub3A_376, %mul3A_377 : i32
    %mul3A_379 = arith.constant 2 : i32
    %mul3A_380 = arith.muli %select_n3A_373, %mul3A_379 : i32
    %mul3A_381 = arith.constant 9 : i32
    %mul3A_382 = arith.muli %mul3A_380, %mul3A_381 : i32
    %add3A_383 = arith.addi %mul3A_382, %mul3A_378 : i32
    %mul3A_384 = arith.constant 4200 : i32
    %mul3A_385 = arith.muli %add3A_383, %mul3A_384 : i32
    %dma_start3A_386 = arith.constant 0 : i32
    %dma_start3A_387 = tpu.memref_slice %arg7[%dma_start3A_386] : memref<25200xf32, #tpu.memory_space<vmem>> -> memref<12600xf32, #tpu.memory_space<vmem>>
    %dma_start3A_388 = tpu.memref_slice %arg2[%mul3A_385] : memref<4838400xf32, #tpu.memory_space<hbm>> -> memref<12600xf32, #tpu.memory_space<hbm>>
    %dma_start3A_389 = arith.constant 0 : i32
    %dma_start3A_390 = tpu.memref_slice %arg7[%dma_start3A_389] : memref<25200xf32, #tpu.memory_space<vmem>> -> memref<12600xf32, #tpu.memory_space<vmem>>
    %dma_start3A_391 = tpu.memref_slice %arg2[%mul3A_385] : memref<4838400xf32, #tpu.memory_space<hbm>> -> memref<12600xf32, #tpu.memory_space<hbm>>
    tpu.enqueue_dma source(%dma_start3A_391 : memref<12600xf32, #tpu.memory_space<hbm>>) target(%dma_start3A_390 : memref<12600xf32, #tpu.memory_space<vmem>>) target_semaphore(%arg11 : memref<!tpu.dma_semaphore, #tpu.memory_space<semaphore_mem>>)
    %add3A_392 = arith.constant 37800 : i32
    %add3A_393 = arith.addi %mul3A_385, %add3A_392 : i32
    %dma_start3A_394 = arith.constant 12600 : i32
    %dma_start3A_395 = tpu.memref_slice %arg7[%dma_start3A_394] : memref<25200xf32, #tpu.memory_space<vmem>> -> memref<12600xf32, #tpu.memory_space<vmem>>
    %dma_start3A_396 = tpu.memref_slice %arg2[%add3A_393] : memref<4838400xf32, #tpu.memory_space<hbm>> -> memref<12600xf32, #tpu.memory_space<hbm>>
    %dma_start3A_397 = arith.constant 12600 : i32
    %dma_start3A_398 = tpu.memref_slice %arg7[%dma_start3A_397] : memref<25200xf32, #tpu.memory_space<vmem>> -> memref<12600xf32, #tpu.memory_space<vmem>>
    %dma_start3A_399 = tpu.memref_slice %arg2[%add3A_393] : memref<4838400xf32, #tpu.memory_space<hbm>> -> memref<12600xf32, #tpu.memory_space<hbm>>
    tpu.enqueue_dma source(%dma_start3A_399 : memref<12600xf32, #tpu.memory_space<hbm>>) target(%dma_start3A_398 : memref<12600xf32, #tpu.memory_space<vmem>>) target_semaphore(%arg11 : memref<!tpu.dma_semaphore, #tpu.memory_space<semaphore_mem>>)
    %dma_wait3A_400 = arith.constant 0 : i32
    %dma_wait3A_401 = tpu.memref_slice %arg6[%dma_wait3A_400] : memref<25200xf32, #tpu.memory_space<vmem>> -> memref<12600xf32, #tpu.memory_space<vmem>>
    %dma_wait3A_402 = tpu.memref_slice %arg2[%mul3A_234] : memref<4838400xf32, #tpu.memory_space<hbm>> -> memref<12600xf32, #tpu.memory_space<hbm>>
    %dma_wait3A_403 = arith.constant 0 : i32
    %dma_wait3A_404 = tpu.memref_slice %arg6[%dma_wait3A_403] : memref<25200xf32, #tpu.memory_space<vmem>> -> memref<12600xf32, #tpu.memory_space<vmem>>
    %dma_wait3A_405 = tpu.memref_slice %arg2[%mul3A_234] : memref<4838400xf32, #tpu.memory_space<hbm>> -> memref<12600xf32, #tpu.memory_space<hbm>>
    tpu.wait_dma2 semaphore(%arg10 : memref<!tpu.dma_semaphore, #tpu.memory_space<semaphore_mem>>) src(%dma_wait3A_405 : memref<12600xf32, #tpu.memory_space<hbm>>) dst(%dma_wait3A_404 : memref<12600xf32, #tpu.memory_space<vmem>>)
    %dma_wait3A_406 = arith.constant 12600 : i32
    %dma_wait3A_407 = tpu.memref_slice %arg6[%dma_wait3A_406] : memref<25200xf32, #tpu.memory_space<vmem>> -> memref<12600xf32, #tpu.memory_space<vmem>>
    %dma_wait3A_408 = tpu.memref_slice %arg2[%add3A_242] : memref<4838400xf32, #tpu.memory_space<hbm>> -> memref<12600xf32, #tpu.memory_space<hbm>>
    %dma_wait3A_409 = arith.constant 12600 : i32
    %dma_wait3A_410 = tpu.memref_slice %arg6[%dma_wait3A_409] : memref<25200xf32, #tpu.memory_space<vmem>> -> memref<12600xf32, #tpu.memory_space<vmem>>
    %dma_wait3A_411 = tpu.memref_slice %arg2[%add3A_242] : memref<4838400xf32, #tpu.memory_space<hbm>> -> memref<12600xf32, #tpu.memory_space<hbm>>
    tpu.wait_dma2 semaphore(%arg10 : memref<!tpu.dma_semaphore, #tpu.memory_space<semaphore_mem>>) src(%dma_wait3A_411 : memref<12600xf32, #tpu.memory_space<hbm>>) dst(%dma_wait3A_410 : memref<12600xf32, #tpu.memory_space<vmem>>)
    %dma_wait3A_412 = arith.constant 0 : i32
    %dma_wait3A_413 = tpu.memref_slice %arg8[%dma_wait3A_412] : memref<25200xf32, #tpu.memory_space<vmem>> -> memref<25200xf32, #tpu.memory_space<vmem>>
    %dma_wait3A_414 = tpu.memref_slice %arg4[%mul3A_188] : memref<4838400xf32, #tpu.memory_space<hbm>> -> memref<25200xf32, #tpu.memory_space<hbm>>
    %dma_wait3A_415 = tpu.memref_slice %arg4[%mul3A_188] : memref<4838400xf32, #tpu.memory_space<hbm>> -> memref<25200xf32, #tpu.memory_space<hbm>>
    %dma_wait3A_416 = arith.constant 0 : i32
    %dma_wait3A_417 = tpu.memref_slice %arg8[%dma_wait3A_416] : memref<25200xf32, #tpu.memory_space<vmem>> -> memref<25200xf32, #tpu.memory_space<vmem>>
    tpu.wait_dma2 semaphore(%arg12 : memref<!tpu.dma_semaphore, #tpu.memory_space<semaphore_mem>>) src(%dma_wait3A_417 : memref<25200xf32, #tpu.memory_space<vmem>>) dst(%dma_wait3A_415 : memref<25200xf32, #tpu.memory_space<hbm>>)
    %shift_right_arithmetic3A_418 = arith.constant 1 : i32
    %shift_right_arithmetic3A_419 = vector.broadcast %shift_right_arithmetic3A_418 : i32 to vector<16xi32>
    %shift_right_arithmetic3A_420 = arith.shrsi %iota3A, %shift_right_arithmetic3A_419 : vector<16xi32>
    %and3A_421 = arith.constant 1 : i32
    %and3A_422 = vector.broadcast %and3A_421 : i32 to vector<16xi32>
    %and3A_423 = arith.andi %iota3A, %and3A_422 : vector<16xi32>
    %mul3A_424 = arith.constant 12600 : i32
    %mul3A_425 = vector.broadcast %mul3A_424 : i32 to vector<16xi32>
    %mul3A_426 = arith.muli %and3A_423, %mul3A_425 : vector<16xi32>
    %add3A_427 = arith.addi %shift_right_arithmetic3A_420, %mul3A_426 : vector<16xi32>
    %add3A_428 = arith.constant 0 : i32
    %add3A_429 = vector.broadcast %add3A_428 : i32 to vector<16xi32>
    %add3A_430 = arith.addi %add3A_427, %add3A_429 : vector<16xi32>
    %shift_right_arithmetic3A_431 = arith.constant 1 : i32
    %shift_right_arithmetic3A_432 = vector.broadcast %shift_right_arithmetic3A_431 : i32 to vector<16xi32>
    %shift_right_arithmetic3A_433 = arith.shrsi %iota3A, %shift_right_arithmetic3A_432 : vector<16xi32>
    %and3A_434 = arith.constant 1 : i32
    %and3A_435 = vector.broadcast %and3A_434 : i32 to vector<16xi32>
    %and3A_436 = arith.andi %iota3A, %and3A_435 : vector<16xi32>
    %mul3A_437 = arith.constant 12600 : i32
    %mul3A_438 = vector.broadcast %mul3A_437 : i32 to vector<16xi32>
    %mul3A_439 = arith.muli %and3A_436, %mul3A_438 : vector<16xi32>
    %add3A_440 = arith.addi %shift_right_arithmetic3A_433, %mul3A_439 : vector<16xi32>
    %add3A_441 = arith.constant 4200 : i32
    %add3A_442 = vector.broadcast %add3A_441 : i32 to vector<16xi32>
    %add3A_443 = arith.addi %add3A_440, %add3A_442 : vector<16xi32>
    %shift_right_arithmetic3A_444 = arith.constant 1 : i32
    %shift_right_arithmetic3A_445 = vector.broadcast %shift_right_arithmetic3A_444 : i32 to vector<16xi32>
    %shift_right_arithmetic3A_446 = arith.shrsi %iota3A, %shift_right_arithmetic3A_445 : vector<16xi32>
    %and3A_447 = arith.constant 1 : i32
    %and3A_448 = vector.broadcast %and3A_447 : i32 to vector<16xi32>
    %and3A_449 = arith.andi %iota3A, %and3A_448 : vector<16xi32>
    %mul3A_450 = arith.constant 12600 : i32
    %mul3A_451 = vector.broadcast %mul3A_450 : i32 to vector<16xi32>
    %mul3A_452 = arith.muli %and3A_449, %mul3A_451 : vector<16xi32>
    %add3A_453 = arith.addi %shift_right_arithmetic3A_446, %mul3A_452 : vector<16xi32>
    %add3A_454 = arith.constant 8400 : i32
    %add3A_455 = vector.broadcast %add3A_454 : i32 to vector<16xi32>
    %add3A_456 = arith.addi %add3A_453, %add3A_455 : vector<16xi32>
    %mul3A_457 = arith.constant 6 : i32
    %mul3A_458 = arith.muli %add3A, %mul3A_457 : i32
    %add3A_459 = arith.constant 2 : i32
    %add3A_460 = arith.addi %mul3A_458, %add3A_459 : i32
    %jit3A_461 = arith.constant 3 : i32
    %div3A_462 = arith.divsi %add3A_460, %jit3A_461 : i32
    %sign3A_463 = arith.constant 0 : i32
    %sign3A_464 = arith.cmpi sgt, %add3A_460, %sign3A_463 : i32
    %sign3A_465 = arith.extui %sign3A_464 : i1 to i32
    %sign3A_466 = arith.constant 0 : i32
    %sign3A_467 = arith.cmpi slt, %add3A_460, %sign3A_466 : i32
    %sign3A_468 = arith.extui %sign3A_467 : i1 to i32
    %sign3A_469 = arith.subi %sign3A_465, %sign3A_468 : i32
    %sign3A_470 = arith.constant 0 : i32
    %sign3A_471 = arith.cmpi sgt, %jit3A_461, %sign3A_470 : i32
    %sign3A_472 = arith.extui %sign3A_471 : i1 to i32
    %sign3A_473 = arith.constant 0 : i32
    %sign3A_474 = arith.cmpi slt, %jit3A_461, %sign3A_473 : i32
    %sign3A_475 = arith.extui %sign3A_474 : i1 to i32
    %sign3A_476 = arith.subi %sign3A_472, %sign3A_475 : i32
    %ne3A_477 = arith.cmpi ne, %sign3A_469, %sign3A_476 : i32
    %rem3A_478 = arith.remsi %add3A_460, %jit3A_461 : i32
    %ne3A_479 = arith.constant 0 : i32
    %ne3A_480 = arith.cmpi ne, %rem3A_478, %ne3A_479 : i32
    %and3A_481 = arith.andi %ne3A_477, %ne3A_480 : i1
    %sub3A_482 = arith.constant 1 : i32
    %sub3A_483 = arith.subi %div3A_462, %sub3A_482 : i32
    %select_n3A_484 = arith.select %and3A_481, %sub3A_483, %div3A_462 : i32
    %mul3A_485 = arith.constant 3 : i32
    %mul3A_486 = arith.muli %select_n3A_484, %mul3A_485 : i32
    %sub3A_487 = arith.subi %add3A_460, %mul3A_486 : i32
    %mul3A_488 = arith.constant 3 : i32
    %mul3A_489 = arith.muli %sub3A_487, %mul3A_488 : i32
    %mul3A_490 = arith.constant 9 : i32
    %mul3A_491 = arith.muli %select_n3A_484, %mul3A_490 : i32
    %add3A_492 = arith.addi %mul3A_491, %mul3A_489 : i32
    %mul3A_493 = arith.constant 2 : i32
    %mul3A_494 = arith.muli %add3A_492, %mul3A_493 : i32
    %mul3A_495 = arith.constant 4200 : i32
    %mul3A_496 = arith.muli %mul3A_494, %mul3A_495 : i32
    %dma_start3A_497 = arith.constant 0 : i32
    %dma_start3A_498 = tpu.memref_slice %arg8[%dma_start3A_497] : memref<25200xf32, #tpu.memory_space<vmem>> -> memref<25200xf32, #tpu.memory_space<vmem>>
    %dma_start3A_499 = tpu.memref_slice %arg4[%mul3A_496] : memref<4838400xf32, #tpu.memory_space<hbm>> -> memref<25200xf32, #tpu.memory_space<hbm>>
    %dma_start3A_500 = tpu.memref_slice %arg4[%mul3A_496] : memref<4838400xf32, #tpu.memory_space<hbm>> -> memref<25200xf32, #tpu.memory_space<hbm>>
    %dma_start3A_501 = arith.constant 0 : i32
    %dma_start3A_502 = tpu.memref_slice %arg8[%dma_start3A_501] : memref<25200xf32, #tpu.memory_space<vmem>> -> memref<25200xf32, #tpu.memory_space<vmem>>
    tpu.enqueue_dma source(%dma_start3A_502 : memref<25200xf32, #tpu.memory_space<vmem>>) target(%dma_start3A_500 : memref<25200xf32, #tpu.memory_space<hbm>>) target_semaphore(%arg12 : memref<!tpu.dma_semaphore, #tpu.memory_space<semaphore_mem>>)
    %mul3A_503 = arith.constant 6 : i32
    %mul3A_504 = arith.muli %add3A, %mul3A_503 : i32
    %add3A_505 = arith.constant 4 : i32
    %add3A_506 = arith.addi %mul3A_504, %add3A_505 : i32
    %jit3A_507 = arith.constant 3 : i32
    %div3A_508 = arith.divsi %add3A_506, %jit3A_507 : i32
    %sign3A_509 = arith.constant 0 : i32
    %sign3A_510 = arith.cmpi sgt, %add3A_506, %sign3A_509 : i32
    %sign3A_511 = arith.extui %sign3A_510 : i1 to i32
    %sign3A_512 = arith.constant 0 : i32
    %sign3A_513 = arith.cmpi slt, %add3A_506, %sign3A_512 : i32
    %sign3A_514 = arith.extui %sign3A_513 : i1 to i32
    %sign3A_515 = arith.subi %sign3A_511, %sign3A_514 : i32
    %sign3A_516 = arith.constant 0 : i32
    %sign3A_517 = arith.cmpi sgt, %jit3A_507, %sign3A_516 : i32
    %sign3A_518 = arith.extui %sign3A_517 : i1 to i32
    %sign3A_519 = arith.constant 0 : i32
    %sign3A_520 = arith.cmpi slt, %jit3A_507, %sign3A_519 : i32
    %sign3A_521 = arith.extui %sign3A_520 : i1 to i32
    %sign3A_522 = arith.subi %sign3A_518, %sign3A_521 : i32
    %ne3A_523 = arith.cmpi ne, %sign3A_515, %sign3A_522 : i32
    %rem3A_524 = arith.remsi %add3A_506, %jit3A_507 : i32
    %ne3A_525 = arith.constant 0 : i32
    %ne3A_526 = arith.cmpi ne, %rem3A_524, %ne3A_525 : i32
    %and3A_527 = arith.andi %ne3A_523, %ne3A_526 : i1
    %sub3A_528 = arith.constant 1 : i32
    %sub3A_529 = arith.subi %div3A_508, %sub3A_528 : i32
    %select_n3A_530 = arith.select %and3A_527, %sub3A_529, %div3A_508 : i32
    %mul3A_531 = arith.constant 3 : i32
    %mul3A_532 = arith.muli %select_n3A_530, %mul3A_531 : i32
    %sub3A_533 = arith.subi %add3A_506, %mul3A_532 : i32
    %mul3A_534 = arith.constant 3 : i32
    %mul3A_535 = arith.muli %sub3A_533, %mul3A_534 : i32
    %mul3A_536 = arith.constant 2 : i32
    %mul3A_537 = arith.muli %select_n3A_530, %mul3A_536 : i32
    %mul3A_538 = arith.constant 9 : i32
    %mul3A_539 = arith.muli %mul3A_537, %mul3A_538 : i32
    %add3A_540 = arith.addi %mul3A_539, %mul3A_535 : i32
    %mul3A_541 = arith.constant 4200 : i32
    %mul3A_542 = arith.muli %add3A_540, %mul3A_541 : i32
    %dma_start3A_543 = arith.constant 0 : i32
    %dma_start3A_544 = tpu.memref_slice %arg6[%dma_start3A_543] : memref<25200xf32, #tpu.memory_space<vmem>> -> memref<12600xf32, #tpu.memory_space<vmem>>
    %dma_start3A_545 = tpu.memref_slice %arg2[%mul3A_542] : memref<4838400xf32, #tpu.memory_space<hbm>> -> memref<12600xf32, #tpu.memory_space<hbm>>
    %dma_start3A_546 = arith.constant 0 : i32
    %dma_start3A_547 = tpu.memref_slice %arg6[%dma_start3A_546] : memref<25200xf32, #tpu.memory_space<vmem>> -> memref<12600xf32, #tpu.memory_space<vmem>>
    %dma_start3A_548 = tpu.memref_slice %arg2[%mul3A_542] : memref<4838400xf32, #tpu.memory_space<hbm>> -> memref<12600xf32, #tpu.memory_space<hbm>>
    tpu.enqueue_dma source(%dma_start3A_548 : memref<12600xf32, #tpu.memory_space<hbm>>) target(%dma_start3A_547 : memref<12600xf32, #tpu.memory_space<vmem>>) target_semaphore(%arg10 : memref<!tpu.dma_semaphore, #tpu.memory_space<semaphore_mem>>)
    %add3A_549 = arith.constant 37800 : i32
    %add3A_550 = arith.addi %mul3A_542, %add3A_549 : i32
    %dma_start3A_551 = arith.constant 12600 : i32
    %dma_start3A_552 = tpu.memref_slice %arg6[%dma_start3A_551] : memref<25200xf32, #tpu.memory_space<vmem>> -> memref<12600xf32, #tpu.memory_space<vmem>>
    %dma_start3A_553 = tpu.memref_slice %arg2[%add3A_550] : memref<4838400xf32, #tpu.memory_space<hbm>> -> memref<12600xf32, #tpu.memory_space<hbm>>
    %dma_start3A_554 = arith.constant 12600 : i32
    %dma_start3A_555 = tpu.memref_slice %arg6[%dma_start3A_554] : memref<25200xf32, #tpu.memory_space<vmem>> -> memref<12600xf32, #tpu.memory_space<vmem>>
    %dma_start3A_556 = tpu.memref_slice %arg2[%add3A_550] : memref<4838400xf32, #tpu.memory_space<hbm>> -> memref<12600xf32, #tpu.memory_space<hbm>>
    tpu.enqueue_dma source(%dma_start3A_556 : memref<12600xf32, #tpu.memory_space<hbm>>) target(%dma_start3A_555 : memref<12600xf32, #tpu.memory_space<vmem>>) target_semaphore(%arg10 : memref<!tpu.dma_semaphore, #tpu.memory_space<semaphore_mem>>)
    %dma_wait3A_557 = arith.constant 0 : i32
    %dma_wait3A_558 = tpu.memref_slice %arg7[%dma_wait3A_557] : memref<25200xf32, #tpu.memory_space<vmem>> -> memref<12600xf32, #tpu.memory_space<vmem>>
    %dma_wait3A_559 = tpu.memref_slice %arg2[%mul3A_385] : memref<4838400xf32, #tpu.memory_space<hbm>> -> memref<12600xf32, #tpu.memory_space<hbm>>
    %dma_wait3A_560 = arith.constant 0 : i32
    %dma_wait3A_561 = tpu.memref_slice %arg7[%dma_wait3A_560] : memref<25200xf32, #tpu.memory_space<vmem>> -> memref<12600xf32, #tpu.memory_space<vmem>>
    %dma_wait3A_562 = tpu.memref_slice %arg2[%mul3A_385] : memref<4838400xf32, #tpu.memory_space<hbm>> -> memref<12600xf32, #tpu.memory_space<hbm>>
    tpu.wait_dma2 semaphore(%arg11 : memref<!tpu.dma_semaphore, #tpu.memory_space<semaphore_mem>>) src(%dma_wait3A_562 : memref<12600xf32, #tpu.memory_space<hbm>>) dst(%dma_wait3A_561 : memref<12600xf32, #tpu.memory_space<vmem>>)
    %dma_wait3A_563 = arith.constant 12600 : i32
    %dma_wait3A_564 = tpu.memref_slice %arg7[%dma_wait3A_563] : memref<25200xf32, #tpu.memory_space<vmem>> -> memref<12600xf32, #tpu.memory_space<vmem>>
    %dma_wait3A_565 = tpu.memref_slice %arg2[%add3A_393] : memref<4838400xf32, #tpu.memory_space<hbm>> -> memref<12600xf32, #tpu.memory_space<hbm>>
    %dma_wait3A_566 = arith.constant 12600 : i32
    %dma_wait3A_567 = tpu.memref_slice %arg7[%dma_wait3A_566] : memref<25200xf32, #tpu.memory_space<vmem>> -> memref<12600xf32, #tpu.memory_space<vmem>>
    %dma_wait3A_568 = tpu.memref_slice %arg2[%add3A_393] : memref<4838400xf32, #tpu.memory_space<hbm>> -> memref<12600xf32, #tpu.memory_space<hbm>>
    tpu.wait_dma2 semaphore(%arg11 : memref<!tpu.dma_semaphore, #tpu.memory_space<semaphore_mem>>) src(%dma_wait3A_568 : memref<12600xf32, #tpu.memory_space<hbm>>) dst(%dma_wait3A_567 : memref<12600xf32, #tpu.memory_space<vmem>>)
    %dma_wait3A_569 = arith.constant 0 : i32
    %dma_wait3A_570 = tpu.memref_slice %arg9[%dma_wait3A_569] : memref<25200xf32, #tpu.memory_space<vmem>> -> memref<25200xf32, #tpu.memory_space<vmem>>
    %dma_wait3A_571 = tpu.memref_slice %arg4[%mul3A_339] : memref<4838400xf32, #tpu.memory_space<hbm>> -> memref<25200xf32, #tpu.memory_space<hbm>>
    %dma_wait3A_572 = tpu.memref_slice %arg4[%mul3A_339] : memref<4838400xf32, #tpu.memory_space<hbm>> -> memref<25200xf32, #tpu.memory_space<hbm>>
    %dma_wait3A_573 = arith.constant 0 : i32
    %dma_wait3A_574 = tpu.memref_slice %arg9[%dma_wait3A_573] : memref<25200xf32, #tpu.memory_space<vmem>> -> memref<25200xf32, #tpu.memory_space<vmem>>
    tpu.wait_dma2 semaphore(%arg13 : memref<!tpu.dma_semaphore, #tpu.memory_space<semaphore_mem>>) src(%dma_wait3A_574 : memref<25200xf32, #tpu.memory_space<vmem>>) dst(%dma_wait3A_572 : memref<25200xf32, #tpu.memory_space<hbm>>)
    %shift_right_arithmetic3A_575 = arith.constant 1 : i32
    %shift_right_arithmetic3A_576 = vector.broadcast %shift_right_arithmetic3A_575 : i32 to vector<16xi32>
    %shift_right_arithmetic3A_577 = arith.shrsi %iota3A, %shift_right_arithmetic3A_576 : vector<16xi32>
    %and3A_578 = arith.constant 1 : i32
    %and3A_579 = vector.broadcast %and3A_578 : i32 to vector<16xi32>
    %and3A_580 = arith.andi %iota3A, %and3A_579 : vector<16xi32>
    %mul3A_581 = arith.constant 12600 : i32
    %mul3A_582 = vector.broadcast %mul3A_581 : i32 to vector<16xi32>
    %mul3A_583 = arith.muli %and3A_580, %mul3A_582 : vector<16xi32>
    %add3A_584 = arith.addi %shift_right_arithmetic3A_577, %mul3A_583 : vector<16xi32>
    %add3A_585 = arith.constant 0 : i32
    %add3A_586 = vector.broadcast %add3A_585 : i32 to vector<16xi32>
    %add3A_587 = arith.addi %add3A_584, %add3A_586 : vector<16xi32>
    %shift_right_arithmetic3A_588 = arith.constant 1 : i32
    %shift_right_arithmetic3A_589 = vector.broadcast %shift_right_arithmetic3A_588 : i32 to vector<16xi32>
    %shift_right_arithmetic3A_590 = arith.shrsi %iota3A, %shift_right_arithmetic3A_589 : vector<16xi32>
    %and3A_591 = arith.constant 1 : i32
    %and3A_592 = vector.broadcast %and3A_591 : i32 to vector<16xi32>
    %and3A_593 = arith.andi %iota3A, %and3A_592 : vector<16xi32>
    %mul3A_594 = arith.constant 12600 : i32
    %mul3A_595 = vector.broadcast %mul3A_594 : i32 to vector<16xi32>
    %mul3A_596 = arith.muli %and3A_593, %mul3A_595 : vector<16xi32>
    %add3A_597 = arith.addi %shift_right_arithmetic3A_590, %mul3A_596 : vector<16xi32>
    %add3A_598 = arith.constant 4200 : i32
    %add3A_599 = vector.broadcast %add3A_598 : i32 to vector<16xi32>
    %add3A_600 = arith.addi %add3A_597, %add3A_599 : vector<16xi32>
    %shift_right_arithmetic3A_601 = arith.constant 1 : i32
    %shift_right_arithmetic3A_602 = vector.broadcast %shift_right_arithmetic3A_601 : i32 to vector<16xi32>
    %shift_right_arithmetic3A_603 = arith.shrsi %iota3A, %shift_right_arithmetic3A_602 : vector<16xi32>
    %and3A_604 = arith.constant 1 : i32
    %and3A_605 = vector.broadcast %and3A_604 : i32 to vector<16xi32>
    %and3A_606 = arith.andi %iota3A, %and3A_605 : vector<16xi32>
    %mul3A_607 = arith.constant 12600 : i32
    %mul3A_608 = vector.broadcast %mul3A_607 : i32 to vector<16xi32>
    %mul3A_609 = arith.muli %and3A_606, %mul3A_608 : vector<16xi32>
    %add3A_610 = arith.addi %shift_right_arithmetic3A_603, %mul3A_609 : vector<16xi32>
    %add3A_611 = arith.constant 8400 : i32
    %add3A_612 = vector.broadcast %add3A_611 : i32 to vector<16xi32>
    %add3A_613 = arith.addi %add3A_610, %add3A_612 : vector<16xi32>
    %mul3A_614 = arith.constant 6 : i32
    %mul3A_615 = arith.muli %add3A, %mul3A_614 : i32
    %add3A_616 = arith.constant 3 : i32
    %add3A_617 = arith.addi %mul3A_615, %add3A_616 : i32
    %jit3A_618 = arith.constant 3 : i32
    %div3A_619 = arith.divsi %add3A_617, %jit3A_618 : i32
    %sign3A_620 = arith.constant 0 : i32
    %sign3A_621 = arith.cmpi sgt, %add3A_617, %sign3A_620 : i32
    %sign3A_622 = arith.extui %sign3A_621 : i1 to i32
    %sign3A_623 = arith.constant 0 : i32
    %sign3A_624 = arith.cmpi slt, %add3A_617, %sign3A_623 : i32
    %sign3A_625 = arith.extui %sign3A_624 : i1 to i32
    %sign3A_626 = arith.subi %sign3A_622, %sign3A_625 : i32
    %sign3A_627 = arith.constant 0 : i32
    %sign3A_628 = arith.cmpi sgt, %jit3A_618, %sign3A_627 : i32
    %sign3A_629 = arith.extui %sign3A_628 : i1 to i32
    %sign3A_630 = arith.constant 0 : i32
    %sign3A_631 = arith.cmpi slt, %jit3A_618, %sign3A_630 : i32
    %sign3A_632 = arith.extui %sign3A_631 : i1 to i32
    %sign3A_633 = arith.subi %sign3A_629, %sign3A_632 : i32
    %ne3A_634 = arith.cmpi ne, %sign3A_626, %sign3A_633 : i32
    %rem3A_635 = arith.remsi %add3A_617, %jit3A_618 : i32
    %ne3A_636 = arith.constant 0 : i32
    %ne3A_637 = arith.cmpi ne, %rem3A_635, %ne3A_636 : i32
    %and3A_638 = arith.andi %ne3A_634, %ne3A_637 : i1
    %sub3A_639 = arith.constant 1 : i32
    %sub3A_640 = arith.subi %div3A_619, %sub3A_639 : i32
    %select_n3A_641 = arith.select %and3A_638, %sub3A_640, %div3A_619 : i32
    %mul3A_642 = arith.constant 3 : i32
    %mul3A_643 = arith.muli %select_n3A_641, %mul3A_642 : i32
    %sub3A_644 = arith.subi %add3A_617, %mul3A_643 : i32
    %mul3A_645 = arith.constant 3 : i32
    %mul3A_646 = arith.muli %sub3A_644, %mul3A_645 : i32
    %mul3A_647 = arith.constant 9 : i32
    %mul3A_648 = arith.muli %select_n3A_641, %mul3A_647 : i32
    %add3A_649 = arith.addi %mul3A_648, %mul3A_646 : i32
    %mul3A_650 = arith.constant 2 : i32
    %mul3A_651 = arith.muli %add3A_649, %mul3A_650 : i32
    %mul3A_652 = arith.constant 4200 : i32
    %mul3A_653 = arith.muli %mul3A_651, %mul3A_652 : i32
    %dma_start3A_654 = arith.constant 0 : i32
    %dma_start3A_655 = tpu.memref_slice %arg9[%dma_start3A_654] : memref<25200xf32, #tpu.memory_space<vmem>> -> memref<25200xf32, #tpu.memory_space<vmem>>
    %dma_start3A_656 = tpu.memref_slice %arg4[%mul3A_653] : memref<4838400xf32, #tpu.memory_space<hbm>> -> memref<25200xf32, #tpu.memory_space<hbm>>
    %dma_start3A_657 = tpu.memref_slice %arg4[%mul3A_653] : memref<4838400xf32, #tpu.memory_space<hbm>> -> memref<25200xf32, #tpu.memory_space<hbm>>
    %dma_start3A_658 = arith.constant 0 : i32
    %dma_start3A_659 = tpu.memref_slice %arg9[%dma_start3A_658] : memref<25200xf32, #tpu.memory_space<vmem>> -> memref<25200xf32, #tpu.memory_space<vmem>>
    tpu.enqueue_dma source(%dma_start3A_659 : memref<25200xf32, #tpu.memory_space<vmem>>) target(%dma_start3A_657 : memref<25200xf32, #tpu.memory_space<hbm>>) target_semaphore(%arg13 : memref<!tpu.dma_semaphore, #tpu.memory_space<semaphore_mem>>)
    %mul3A_660 = arith.constant 6 : i32
    %mul3A_661 = arith.muli %add3A, %mul3A_660 : i32
    %add3A_662 = arith.constant 5 : i32
    %add3A_663 = arith.addi %mul3A_661, %add3A_662 : i32
    %jit3A_664 = arith.constant 3 : i32
    %div3A_665 = arith.divsi %add3A_663, %jit3A_664 : i32
    %sign3A_666 = arith.constant 0 : i32
    %sign3A_667 = arith.cmpi sgt, %add3A_663, %sign3A_666 : i32
    %sign3A_668 = arith.extui %sign3A_667 : i1 to i32
    %sign3A_669 = arith.constant 0 : i32
    %sign3A_670 = arith.cmpi slt, %add3A_663, %sign3A_669 : i32
    %sign3A_671 = arith.extui %sign3A_670 : i1 to i32
    %sign3A_672 = arith.subi %sign3A_668, %sign3A_671 : i32
    %sign3A_673 = arith.constant 0 : i32
    %sign3A_674 = arith.cmpi sgt, %jit3A_664, %sign3A_673 : i32
    %sign3A_675 = arith.extui %sign3A_674 : i1 to i32
    %sign3A_676 = arith.constant 0 : i32
    %sign3A_677 = arith.cmpi slt, %jit3A_664, %sign3A_676 : i32
    %sign3A_678 = arith.extui %sign3A_677 : i1 to i32
    %sign3A_679 = arith.subi %sign3A_675, %sign3A_678 : i32
    %ne3A_680 = arith.cmpi ne, %sign3A_672, %sign3A_679 : i32
    %rem3A_681 = arith.remsi %add3A_663, %jit3A_664 : i32
    %ne3A_682 = arith.constant 0 : i32
    %ne3A_683 = arith.cmpi ne, %rem3A_681, %ne3A_682 : i32
    %and3A_684 = arith.andi %ne3A_680, %ne3A_683 : i1
    %sub3A_685 = arith.constant 1 : i32
    %sub3A_686 = arith.subi %div3A_665, %sub3A_685 : i32
    %select_n3A_687 = arith.select %and3A_684, %sub3A_686, %div3A_665 : i32
    %mul3A_688 = arith.constant 3 : i32
    %mul3A_689 = arith.muli %select_n3A_687, %mul3A_688 : i32
    %sub3A_690 = arith.subi %add3A_663, %mul3A_689 : i32
    %mul3A_691 = arith.constant 3 : i32
    %mul3A_692 = arith.muli %sub3A_690, %mul3A_691 : i32
    %mul3A_693 = arith.constant 2 : i32
    %mul3A_694 = arith.muli %select_n3A_687, %mul3A_693 : i32
    %mul3A_695 = arith.constant 9 : i32
    %mul3A_696 = arith.muli %mul3A_694, %mul3A_695 : i32
    %add3A_697 = arith.addi %mul3A_696, %mul3A_692 : i32
    %mul3A_698 = arith.constant 4200 : i32
    %mul3A_699 = arith.muli %add3A_697, %mul3A_698 : i32
    %dma_start3A_700 = arith.constant 0 : i32
    %dma_start3A_701 = tpu.memref_slice %arg7[%dma_start3A_700] : memref<25200xf32, #tpu.memory_space<vmem>> -> memref<12600xf32, #tpu.memory_space<vmem>>
    %dma_start3A_702 = tpu.memref_slice %arg2[%mul3A_699] : memref<4838400xf32, #tpu.memory_space<hbm>> -> memref<12600xf32, #tpu.memory_space<hbm>>
    %dma_start3A_703 = arith.constant 0 : i32
    %dma_start3A_704 = tpu.memref_slice %arg7[%dma_start3A_703] : memref<25200xf32, #tpu.memory_space<vmem>> -> memref<12600xf32, #tpu.memory_space<vmem>>
    %dma_start3A_705 = tpu.memref_slice %arg2[%mul3A_699] : memref<4838400xf32, #tpu.memory_space<hbm>> -> memref<12600xf32, #tpu.memory_space<hbm>>
    tpu.enqueue_dma source(%dma_start3A_705 : memref<12600xf32, #tpu.memory_space<hbm>>) target(%dma_start3A_704 : memref<12600xf32, #tpu.memory_space<vmem>>) target_semaphore(%arg11 : memref<!tpu.dma_semaphore, #tpu.memory_space<semaphore_mem>>)
    %add3A_706 = arith.constant 37800 : i32
    %add3A_707 = arith.addi %mul3A_699, %add3A_706 : i32
    %dma_start3A_708 = arith.constant 12600 : i32
    %dma_start3A_709 = tpu.memref_slice %arg7[%dma_start3A_708] : memref<25200xf32, #tpu.memory_space<vmem>> -> memref<12600xf32, #tpu.memory_space<vmem>>
    %dma_start3A_710 = tpu.memref_slice %arg2[%add3A_707] : memref<4838400xf32, #tpu.memory_space<hbm>> -> memref<12600xf32, #tpu.memory_space<hbm>>
    %dma_start3A_711 = arith.constant 12600 : i32
    %dma_start3A_712 = tpu.memref_slice %arg7[%dma_start3A_711] : memref<25200xf32, #tpu.memory_space<vmem>> -> memref<12600xf32, #tpu.memory_space<vmem>>
    %dma_start3A_713 = tpu.memref_slice %arg2[%add3A_707] : memref<4838400xf32, #tpu.memory_space<hbm>> -> memref<12600xf32, #tpu.memory_space<hbm>>
    tpu.enqueue_dma source(%dma_start3A_713 : memref<12600xf32, #tpu.memory_space<hbm>>) target(%dma_start3A_712 : memref<12600xf32, #tpu.memory_space<vmem>>) target_semaphore(%arg11 : memref<!tpu.dma_semaphore, #tpu.memory_space<semaphore_mem>>)
    %dma_wait3A_714 = arith.constant 0 : i32
    %dma_wait3A_715 = tpu.memref_slice %arg6[%dma_wait3A_714] : memref<25200xf32, #tpu.memory_space<vmem>> -> memref<12600xf32, #tpu.memory_space<vmem>>
    %dma_wait3A_716 = tpu.memref_slice %arg2[%mul3A_542] : memref<4838400xf32, #tpu.memory_space<hbm>> -> memref<12600xf32, #tpu.memory_space<hbm>>
    %dma_wait3A_717 = arith.constant 0 : i32
    %dma_wait3A_718 = tpu.memref_slice %arg6[%dma_wait3A_717] : memref<25200xf32, #tpu.memory_space<vmem>> -> memref<12600xf32, #tpu.memory_space<vmem>>
    %dma_wait3A_719 = tpu.memref_slice %arg2[%mul3A_542] : memref<4838400xf32, #tpu.memory_space<hbm>> -> memref<12600xf32, #tpu.memory_space<hbm>>
    tpu.wait_dma2 semaphore(%arg10 : memref<!tpu.dma_semaphore, #tpu.memory_space<semaphore_mem>>) src(%dma_wait3A_719 : memref<12600xf32, #tpu.memory_space<hbm>>) dst(%dma_wait3A_718 : memref<12600xf32, #tpu.memory_space<vmem>>)
    %dma_wait3A_720 = arith.constant 12600 : i32
    %dma_wait3A_721 = tpu.memref_slice %arg6[%dma_wait3A_720] : memref<25200xf32, #tpu.memory_space<vmem>> -> memref<12600xf32, #tpu.memory_space<vmem>>
    %dma_wait3A_722 = tpu.memref_slice %arg2[%add3A_550] : memref<4838400xf32, #tpu.memory_space<hbm>> -> memref<12600xf32, #tpu.memory_space<hbm>>
    %dma_wait3A_723 = arith.constant 12600 : i32
    %dma_wait3A_724 = tpu.memref_slice %arg6[%dma_wait3A_723] : memref<25200xf32, #tpu.memory_space<vmem>> -> memref<12600xf32, #tpu.memory_space<vmem>>
    %dma_wait3A_725 = tpu.memref_slice %arg2[%add3A_550] : memref<4838400xf32, #tpu.memory_space<hbm>> -> memref<12600xf32, #tpu.memory_space<hbm>>
    tpu.wait_dma2 semaphore(%arg10 : memref<!tpu.dma_semaphore, #tpu.memory_space<semaphore_mem>>) src(%dma_wait3A_725 : memref<12600xf32, #tpu.memory_space<hbm>>) dst(%dma_wait3A_724 : memref<12600xf32, #tpu.memory_space<vmem>>)
    %dma_wait3A_726 = arith.constant 0 : i32
    %dma_wait3A_727 = tpu.memref_slice %arg8[%dma_wait3A_726] : memref<25200xf32, #tpu.memory_space<vmem>> -> memref<25200xf32, #tpu.memory_space<vmem>>
    %dma_wait3A_728 = tpu.memref_slice %arg4[%mul3A_496] : memref<4838400xf32, #tpu.memory_space<hbm>> -> memref<25200xf32, #tpu.memory_space<hbm>>
    %dma_wait3A_729 = tpu.memref_slice %arg4[%mul3A_496] : memref<4838400xf32, #tpu.memory_space<hbm>> -> memref<25200xf32, #tpu.memory_space<hbm>>
    %dma_wait3A_730 = arith.constant 0 : i32
    %dma_wait3A_731 = tpu.memref_slice %arg8[%dma_wait3A_730] : memref<25200xf32, #tpu.memory_space<vmem>> -> memref<25200xf32, #tpu.memory_space<vmem>>
    tpu.wait_dma2 semaphore(%arg12 : memref<!tpu.dma_semaphore, #tpu.memory_space<semaphore_mem>>) src(%dma_wait3A_731 : memref<25200xf32, #tpu.memory_space<vmem>>) dst(%dma_wait3A_729 : memref<25200xf32, #tpu.memory_space<hbm>>)
    %shift_right_arithmetic3A_732 = arith.constant 1 : i32
    %shift_right_arithmetic3A_733 = vector.broadcast %shift_right_arithmetic3A_732 : i32 to vector<16xi32>
    %shift_right_arithmetic3A_734 = arith.shrsi %iota3A, %shift_right_arithmetic3A_733 : vector<16xi32>
    %and3A_735 = arith.constant 1 : i32
    %and3A_736 = vector.broadcast %and3A_735 : i32 to vector<16xi32>
    %and3A_737 = arith.andi %iota3A, %and3A_736 : vector<16xi32>
    %mul3A_738 = arith.constant 12600 : i32
    %mul3A_739 = vector.broadcast %mul3A_738 : i32 to vector<16xi32>
    %mul3A_740 = arith.muli %and3A_737, %mul3A_739 : vector<16xi32>
    %add3A_741 = arith.addi %shift_right_arithmetic3A_734, %mul3A_740 : vector<16xi32>
    %add3A_742 = arith.constant 0 : i32
    %add3A_743 = vector.broadcast %add3A_742 : i32 to vector<16xi32>
    %add3A_744 = arith.addi %add3A_741, %add3A_743 : vector<16xi32>
    %shift_right_arithmetic3A_745 = arith.constant 1 : i32
    %shift_right_arithmetic3A_746 = vector.broadcast %shift_right_arithmetic3A_745 : i32 to vector<16xi32>
    %shift_right_arithmetic3A_747 = arith.shrsi %iota3A, %shift_right_arithmetic3A_746 : vector<16xi32>
    %and3A_748 = arith.constant 1 : i32
    %and3A_749 = vector.broadcast %and3A_748 : i32 to vector<16xi32>
    %and3A_750 = arith.andi %iota3A, %and3A_749 : vector<16xi32>
    %mul3A_751 = arith.constant 12600 : i32
    %mul3A_752 = vector.broadcast %mul3A_751 : i32 to vector<16xi32>
    %mul3A_753 = arith.muli %and3A_750, %mul3A_752 : vector<16xi32>
    %add3A_754 = arith.addi %shift_right_arithmetic3A_747, %mul3A_753 : vector<16xi32>
    %add3A_755 = arith.constant 4200 : i32
    %add3A_756 = vector.broadcast %add3A_755 : i32 to vector<16xi32>
    %add3A_757 = arith.addi %add3A_754, %add3A_756 : vector<16xi32>
    %shift_right_arithmetic3A_758 = arith.constant 1 : i32
    %shift_right_arithmetic3A_759 = vector.broadcast %shift_right_arithmetic3A_758 : i32 to vector<16xi32>
    %shift_right_arithmetic3A_760 = arith.shrsi %iota3A, %shift_right_arithmetic3A_759 : vector<16xi32>
    %and3A_761 = arith.constant 1 : i32
    %and3A_762 = vector.broadcast %and3A_761 : i32 to vector<16xi32>
    %and3A_763 = arith.andi %iota3A, %and3A_762 : vector<16xi32>
    %mul3A_764 = arith.constant 12600 : i32
    %mul3A_765 = vector.broadcast %mul3A_764 : i32 to vector<16xi32>
    %mul3A_766 = arith.muli %and3A_763, %mul3A_765 : vector<16xi32>
    %add3A_767 = arith.addi %shift_right_arithmetic3A_760, %mul3A_766 : vector<16xi32>
    %add3A_768 = arith.constant 8400 : i32
    %add3A_769 = vector.broadcast %add3A_768 : i32 to vector<16xi32>
    %add3A_770 = arith.addi %add3A_767, %add3A_769 : vector<16xi32>
    %mul3A_771 = arith.constant 6 : i32
    %mul3A_772 = arith.muli %add3A, %mul3A_771 : i32
    %add3A_773 = arith.constant 4 : i32
    %add3A_774 = arith.addi %mul3A_772, %add3A_773 : i32
    %jit3A_775 = arith.constant 3 : i32
    %div3A_776 = arith.divsi %add3A_774, %jit3A_775 : i32
    %sign3A_777 = arith.constant 0 : i32
    %sign3A_778 = arith.cmpi sgt, %add3A_774, %sign3A_777 : i32
    %sign3A_779 = arith.extui %sign3A_778 : i1 to i32
    %sign3A_780 = arith.constant 0 : i32
    %sign3A_781 = arith.cmpi slt, %add3A_774, %sign3A_780 : i32
    %sign3A_782 = arith.extui %sign3A_781 : i1 to i32
    %sign3A_783 = arith.subi %sign3A_779, %sign3A_782 : i32
    %sign3A_784 = arith.constant 0 : i32
    %sign3A_785 = arith.cmpi sgt, %jit3A_775, %sign3A_784 : i32
    %sign3A_786 = arith.extui %sign3A_785 : i1 to i32
    %sign3A_787 = arith.constant 0 : i32
    %sign3A_788 = arith.cmpi slt, %jit3A_775, %sign3A_787 : i32
    %sign3A_789 = arith.extui %sign3A_788 : i1 to i32
    %sign3A_790 = arith.subi %sign3A_786, %sign3A_789 : i32
    %ne3A_791 = arith.cmpi ne, %sign3A_783, %sign3A_790 : i32
    %rem3A_792 = arith.remsi %add3A_774, %jit3A_775 : i32
    %ne3A_793 = arith.constant 0 : i32
    %ne3A_794 = arith.cmpi ne, %rem3A_792, %ne3A_793 : i32
    %and3A_795 = arith.andi %ne3A_791, %ne3A_794 : i1
    %sub3A_796 = arith.constant 1 : i32
    %sub3A_797 = arith.subi %div3A_776, %sub3A_796 : i32
    %select_n3A_798 = arith.select %and3A_795, %sub3A_797, %div3A_776 : i32
    %mul3A_799 = arith.constant 3 : i32
    %mul3A_800 = arith.muli %select_n3A_798, %mul3A_799 : i32
    %sub3A_801 = arith.subi %add3A_774, %mul3A_800 : i32
    %mul3A_802 = arith.constant 3 : i32
    %mul3A_803 = arith.muli %sub3A_801, %mul3A_802 : i32
    %mul3A_804 = arith.constant 9 : i32
    %mul3A_805 = arith.muli %select_n3A_798, %mul3A_804 : i32
    %add3A_806 = arith.addi %mul3A_805, %mul3A_803 : i32
    %mul3A_807 = arith.constant 2 : i32
    %mul3A_808 = arith.muli %add3A_806, %mul3A_807 : i32
    %mul3A_809 = arith.constant 4200 : i32
    %mul3A_810 = arith.muli %mul3A_808, %mul3A_809 : i32
    %dma_start3A_811 = arith.constant 0 : i32
    %dma_start3A_812 = tpu.memref_slice %arg8[%dma_start3A_811] : memref<25200xf32, #tpu.memory_space<vmem>> -> memref<25200xf32, #tpu.memory_space<vmem>>
    %dma_start3A_813 = tpu.memref_slice %arg4[%mul3A_810] : memref<4838400xf32, #tpu.memory_space<hbm>> -> memref<25200xf32, #tpu.memory_space<hbm>>
    %dma_start3A_814 = tpu.memref_slice %arg4[%mul3A_810] : memref<4838400xf32, #tpu.memory_space<hbm>> -> memref<25200xf32, #tpu.memory_space<hbm>>
    %dma_start3A_815 = arith.constant 0 : i32
    %dma_start3A_816 = tpu.memref_slice %arg8[%dma_start3A_815] : memref<25200xf32, #tpu.memory_space<vmem>> -> memref<25200xf32, #tpu.memory_space<vmem>>
    tpu.enqueue_dma source(%dma_start3A_816 : memref<25200xf32, #tpu.memory_space<vmem>>) target(%dma_start3A_814 : memref<25200xf32, #tpu.memory_space<hbm>>) target_semaphore(%arg12 : memref<!tpu.dma_semaphore, #tpu.memory_space<semaphore_mem>>)
    %dma_wait3A_817 = arith.constant 0 : i32
    %dma_wait3A_818 = tpu.memref_slice %arg7[%dma_wait3A_817] : memref<25200xf32, #tpu.memory_space<vmem>> -> memref<12600xf32, #tpu.memory_space<vmem>>
    %dma_wait3A_819 = tpu.memref_slice %arg2[%mul3A_699] : memref<4838400xf32, #tpu.memory_space<hbm>> -> memref<12600xf32, #tpu.memory_space<hbm>>
    %dma_wait3A_820 = arith.constant 0 : i32
    %dma_wait3A_821 = tpu.memref_slice %arg7[%dma_wait3A_820] : memref<25200xf32, #tpu.memory_space<vmem>> -> memref<12600xf32, #tpu.memory_space<vmem>>
    %dma_wait3A_822 = tpu.memref_slice %arg2[%mul3A_699] : memref<4838400xf32, #tpu.memory_space<hbm>> -> memref<12600xf32, #tpu.memory_space<hbm>>
    tpu.wait_dma2 semaphore(%arg11 : memref<!tpu.dma_semaphore, #tpu.memory_space<semaphore_mem>>) src(%dma_wait3A_822 : memref<12600xf32, #tpu.memory_space<hbm>>) dst(%dma_wait3A_821 : memref<12600xf32, #tpu.memory_space<vmem>>)
    %dma_wait3A_823 = arith.constant 12600 : i32
    %dma_wait3A_824 = tpu.memref_slice %arg7[%dma_wait3A_823] : memref<25200xf32, #tpu.memory_space<vmem>> -> memref<12600xf32, #tpu.memory_space<vmem>>
    %dma_wait3A_825 = tpu.memref_slice %arg2[%add3A_707] : memref<4838400xf32, #tpu.memory_space<hbm>> -> memref<12600xf32, #tpu.memory_space<hbm>>
    %dma_wait3A_826 = arith.constant 12600 : i32
    %dma_wait3A_827 = tpu.memref_slice %arg7[%dma_wait3A_826] : memref<25200xf32, #tpu.memory_space<vmem>> -> memref<12600xf32, #tpu.memory_space<vmem>>
    %dma_wait3A_828 = tpu.memref_slice %arg2[%add3A_707] : memref<4838400xf32, #tpu.memory_space<hbm>> -> memref<12600xf32, #tpu.memory_space<hbm>>
    tpu.wait_dma2 semaphore(%arg11 : memref<!tpu.dma_semaphore, #tpu.memory_space<semaphore_mem>>) src(%dma_wait3A_828 : memref<12600xf32, #tpu.memory_space<hbm>>) dst(%dma_wait3A_827 : memref<12600xf32, #tpu.memory_space<vmem>>)
    %dma_wait3A_829 = arith.constant 0 : i32
    %dma_wait3A_830 = tpu.memref_slice %arg9[%dma_wait3A_829] : memref<25200xf32, #tpu.memory_space<vmem>> -> memref<25200xf32, #tpu.memory_space<vmem>>
    %dma_wait3A_831 = tpu.memref_slice %arg4[%mul3A_653] : memref<4838400xf32, #tpu.memory_space<hbm>> -> memref<25200xf32, #tpu.memory_space<hbm>>
    %dma_wait3A_832 = tpu.memref_slice %arg4[%mul3A_653] : memref<4838400xf32, #tpu.memory_space<hbm>> -> memref<25200xf32, #tpu.memory_space<hbm>>
    %dma_wait3A_833 = arith.constant 0 : i32
    %dma_wait3A_834 = tpu.memref_slice %arg9[%dma_wait3A_833] : memref<25200xf32, #tpu.memory_space<vmem>> -> memref<25200xf32, #tpu.memory_space<vmem>>
    tpu.wait_dma2 semaphore(%arg13 : memref<!tpu.dma_semaphore, #tpu.memory_space<semaphore_mem>>) src(%dma_wait3A_834 : memref<25200xf32, #tpu.memory_space<vmem>>) dst(%dma_wait3A_832 : memref<25200xf32, #tpu.memory_space<hbm>>)
    %shift_right_arithmetic3A_835 = arith.constant 1 : i32
    %shift_right_arithmetic3A_836 = vector.broadcast %shift_right_arithmetic3A_835 : i32 to vector<16xi32>
    %shift_right_arithmetic3A_837 = arith.shrsi %iota3A, %shift_right_arithmetic3A_836 : vector<16xi32>
    %and3A_838 = arith.constant 1 : i32
    %and3A_839 = vector.broadcast %and3A_838 : i32 to vector<16xi32>
    %and3A_840 = arith.andi %iota3A, %and3A_839 : vector<16xi32>
    %mul3A_841 = arith.constant 12600 : i32
    %mul3A_842 = vector.broadcast %mul3A_841 : i32 to vector<16xi32>
    %mul3A_843 = arith.muli %and3A_840, %mul3A_842 : vector<16xi32>
    %add3A_844 = arith.addi %shift_right_arithmetic3A_837, %mul3A_843 : vector<16xi32>
    %add3A_845 = arith.constant 0 : i32
    %add3A_846 = vector.broadcast %add3A_845 : i32 to vector<16xi32>
    %add3A_847 = arith.addi %add3A_844, %add3A_846 : vector<16xi32>
    %shift_right_arithmetic3A_848 = arith.constant 1 : i32
    %shift_right_arithmetic3A_849 = vector.broadcast %shift_right_arithmetic3A_848 : i32 to vector<16xi32>
    %shift_right_arithmetic3A_850 = arith.shrsi %iota3A, %shift_right_arithmetic3A_849 : vector<16xi32>
    %and3A_851 = arith.constant 1 : i32
    %and3A_852 = vector.broadcast %and3A_851 : i32 to vector<16xi32>
    %and3A_853 = arith.andi %iota3A, %and3A_852 : vector<16xi32>
    %mul3A_854 = arith.constant 12600 : i32
    %mul3A_855 = vector.broadcast %mul3A_854 : i32 to vector<16xi32>
    %mul3A_856 = arith.muli %and3A_853, %mul3A_855 : vector<16xi32>
    %add3A_857 = arith.addi %shift_right_arithmetic3A_850, %mul3A_856 : vector<16xi32>
    %add3A_858 = arith.constant 4200 : i32
    %add3A_859 = vector.broadcast %add3A_858 : i32 to vector<16xi32>
    %add3A_860 = arith.addi %add3A_857, %add3A_859 : vector<16xi32>
    %shift_right_arithmetic3A_861 = arith.constant 1 : i32
    %shift_right_arithmetic3A_862 = vector.broadcast %shift_right_arithmetic3A_861 : i32 to vector<16xi32>
    %shift_right_arithmetic3A_863 = arith.shrsi %iota3A, %shift_right_arithmetic3A_862 : vector<16xi32>
    %and3A_864 = arith.constant 1 : i32
    %and3A_865 = vector.broadcast %and3A_864 : i32 to vector<16xi32>
    %and3A_866 = arith.andi %iota3A, %and3A_865 : vector<16xi32>
    %mul3A_867 = arith.constant 12600 : i32
    %mul3A_868 = vector.broadcast %mul3A_867 : i32 to vector<16xi32>
    %mul3A_869 = arith.muli %and3A_866, %mul3A_868 : vector<16xi32>
    %add3A_870 = arith.addi %shift_right_arithmetic3A_863, %mul3A_869 : vector<16xi32>
    %add3A_871 = arith.constant 8400 : i32
    %add3A_872 = vector.broadcast %add3A_871 : i32 to vector<16xi32>
    %add3A_873 = arith.addi %add3A_870, %add3A_872 : vector<16xi32>
    %mul3A_874 = arith.constant 6 : i32
    %mul3A_875 = arith.muli %add3A, %mul3A_874 : i32
    %add3A_876 = arith.constant 5 : i32
    %add3A_877 = arith.addi %mul3A_875, %add3A_876 : i32
    %jit3A_878 = arith.constant 3 : i32
    %div3A_879 = arith.divsi %add3A_877, %jit3A_878 : i32
    %sign3A_880 = arith.constant 0 : i32
    %sign3A_881 = arith.cmpi sgt, %add3A_877, %sign3A_880 : i32
    %sign3A_882 = arith.extui %sign3A_881 : i1 to i32
    %sign3A_883 = arith.constant 0 : i32
    %sign3A_884 = arith.cmpi slt, %add3A_877, %sign3A_883 : i32
    %sign3A_885 = arith.extui %sign3A_884 : i1 to i32
    %sign3A_886 = arith.subi %sign3A_882, %sign3A_885 : i32
    %sign3A_887 = arith.constant 0 : i32
    %sign3A_888 = arith.cmpi sgt, %jit3A_878, %sign3A_887 : i32
    %sign3A_889 = arith.extui %sign3A_888 : i1 to i32
    %sign3A_890 = arith.constant 0 : i32
    %sign3A_891 = arith.cmpi slt, %jit3A_878, %sign3A_890 : i32
    %sign3A_892 = arith.extui %sign3A_891 : i1 to i32
    %sign3A_893 = arith.subi %sign3A_889, %sign3A_892 : i32
    %ne3A_894 = arith.cmpi ne, %sign3A_886, %sign3A_893 : i32
    %rem3A_895 = arith.remsi %add3A_877, %jit3A_878 : i32
    %ne3A_896 = arith.constant 0 : i32
    %ne3A_897 = arith.cmpi ne, %rem3A_895, %ne3A_896 : i32
    %and3A_898 = arith.andi %ne3A_894, %ne3A_897 : i1
    %sub3A_899 = arith.constant 1 : i32
    %sub3A_900 = arith.subi %div3A_879, %sub3A_899 : i32
    %select_n3A_901 = arith.select %and3A_898, %sub3A_900, %div3A_879 : i32
    %mul3A_902 = arith.constant 3 : i32
    %mul3A_903 = arith.muli %select_n3A_901, %mul3A_902 : i32
    %sub3A_904 = arith.subi %add3A_877, %mul3A_903 : i32
    %mul3A_905 = arith.constant 3 : i32
    %mul3A_906 = arith.muli %sub3A_904, %mul3A_905 : i32
    %mul3A_907 = arith.constant 9 : i32
    %mul3A_908 = arith.muli %select_n3A_901, %mul3A_907 : i32
    %add3A_909 = arith.addi %mul3A_908, %mul3A_906 : i32
    %mul3A_910 = arith.constant 2 : i32
    %mul3A_911 = arith.muli %add3A_909, %mul3A_910 : i32
    %mul3A_912 = arith.constant 4200 : i32
    %mul3A_913 = arith.muli %mul3A_911, %mul3A_912 : i32
    %dma_start3A_914 = arith.constant 0 : i32
    %dma_start3A_915 = tpu.memref_slice %arg9[%dma_start3A_914] : memref<25200xf32, #tpu.memory_space<vmem>> -> memref<25200xf32, #tpu.memory_space<vmem>>
    %dma_start3A_916 = tpu.memref_slice %arg4[%mul3A_913] : memref<4838400xf32, #tpu.memory_space<hbm>> -> memref<25200xf32, #tpu.memory_space<hbm>>
    %dma_start3A_917 = tpu.memref_slice %arg4[%mul3A_913] : memref<4838400xf32, #tpu.memory_space<hbm>> -> memref<25200xf32, #tpu.memory_space<hbm>>
    %dma_start3A_918 = arith.constant 0 : i32
    %dma_start3A_919 = tpu.memref_slice %arg9[%dma_start3A_918] : memref<25200xf32, #tpu.memory_space<vmem>> -> memref<25200xf32, #tpu.memory_space<vmem>>
    tpu.enqueue_dma source(%dma_start3A_919 : memref<25200xf32, #tpu.memory_space<vmem>>) target(%dma_start3A_917 : memref<25200xf32, #tpu.memory_space<hbm>>) target_semaphore(%arg13 : memref<!tpu.dma_semaphore, #tpu.memory_space<semaphore_mem>>)
    %dma_wait3A_920 = arith.constant 0 : i32
    %dma_wait3A_921 = tpu.memref_slice %arg8[%dma_wait3A_920] : memref<25200xf32, #tpu.memory_space<vmem>> -> memref<25200xf32, #tpu.memory_space<vmem>>
    %dma_wait3A_922 = tpu.memref_slice %arg4[%mul3A_810] : memref<4838400xf32, #tpu.memory_space<hbm>> -> memref<25200xf32, #tpu.memory_space<hbm>>
    %dma_wait3A_923 = tpu.memref_slice %arg4[%mul3A_810] : memref<4838400xf32, #tpu.memory_space<hbm>> -> memref<25200xf32, #tpu.memory_space<hbm>>
    %dma_wait3A_924 = arith.constant 0 : i32
    %dma_wait3A_925 = tpu.memref_slice %arg8[%dma_wait3A_924] : memref<25200xf32, #tpu.memory_space<vmem>> -> memref<25200xf32, #tpu.memory_space<vmem>>
    tpu.wait_dma2 semaphore(%arg12 : memref<!tpu.dma_semaphore, #tpu.memory_space<semaphore_mem>>) src(%dma_wait3A_925 : memref<25200xf32, #tpu.memory_space<vmem>>) dst(%dma_wait3A_923 : memref<25200xf32, #tpu.memory_space<hbm>>)
    %dma_wait3A_926 = arith.constant 0 : i32
    %dma_wait3A_927 = tpu.memref_slice %arg9[%dma_wait3A_926] : memref<25200xf32, #tpu.memory_space<vmem>> -> memref<25200xf32, #tpu.memory_space<vmem>>
    %dma_wait3A_928 = tpu.memref_slice %arg4[%mul3A_913] : memref<4838400xf32, #tpu.memory_space<hbm>> -> memref<25200xf32, #tpu.memory_space<hbm>>
    %dma_wait3A_929 = tpu.memref_slice %arg4[%mul3A_913] : memref<4838400xf32, #tpu.memory_space<hbm>> -> memref<25200xf32, #tpu.memory_space<hbm>>
    %dma_wait3A_930 = arith.constant 0 : i32
    %dma_wait3A_931 = tpu.memref_slice %arg9[%dma_wait3A_930] : memref<25200xf32, #tpu.memory_space<vmem>> -> memref<25200xf32, #tpu.memory_space<vmem>>
    tpu.wait_dma2 semaphore(%arg13 : memref<!tpu.dma_semaphore, #tpu.memory_space<semaphore_mem>>) src(%dma_wait3A_931 : memref<25200xf32, #tpu.memory_space<vmem>>) dst(%dma_wait3A_929 : memref<25200xf32, #tpu.memory_space<hbm>>)
    %mul3A_932 = arith.constant 18 : i32
    %mul3A_933 = arith.muli %add3A, %mul3A_932 : i32
    %add3A_934 = arith.constant 0 : i32
    %add3A_935 = arith.addi %mul3A_933, %add3A_934 : i32
    %jit3A_936 = arith.constant 9 : i32
    %div3A_937 = arith.divsi %add3A_935, %jit3A_936 : i32
    %sign3A_938 = arith.constant 0 : i32
    %sign3A_939 = arith.cmpi sgt, %add3A_935, %sign3A_938 : i32
    %sign3A_940 = arith.extui %sign3A_939 : i1 to i32
    %sign3A_941 = arith.constant 0 : i32
    %sign3A_942 = arith.cmpi slt, %add3A_935, %sign3A_941 : i32
    %sign3A_943 = arith.extui %sign3A_942 : i1 to i32
    %sign3A_944 = arith.subi %sign3A_940, %sign3A_943 : i32
    %sign3A_945 = arith.constant 0 : i32
    %sign3A_946 = arith.cmpi sgt, %jit3A_936, %sign3A_945 : i32
    %sign3A_947 = arith.extui %sign3A_946 : i1 to i32
    %sign3A_948 = arith.constant 0 : i32
    %sign3A_949 = arith.cmpi slt, %jit3A_936, %sign3A_948 : i32
    %sign3A_950 = arith.extui %sign3A_949 : i1 to i32
    %sign3A_951 = arith.subi %sign3A_947, %sign3A_950 : i32
    %ne3A_952 = arith.cmpi ne, %sign3A_944, %sign3A_951 : i32
    %rem3A_953 = arith.remsi %add3A_935, %jit3A_936 : i32
    %ne3A_954 = arith.constant 0 : i32
    %ne3A_955 = arith.cmpi ne, %rem3A_953, %ne3A_954 : i32
    %and3A_956 = arith.andi %ne3A_952, %ne3A_955 : i1
    %sub3A_957 = arith.constant 1 : i32
    %sub3A_958 = arith.subi %div3A_937, %sub3A_957 : i32
    %select_n3A_959 = arith.select %and3A_956, %sub3A_958, %div3A_937 : i32
    %mul3A_960 = arith.constant 9 : i32
    %mul3A_961 = arith.muli %select_n3A_959, %mul3A_960 : i32
    %sub3A_962 = arith.subi %add3A_935, %mul3A_961 : i32
    %mul3A_963 = arith.constant 4 : i32
    %mul3A_964 = arith.muli %select_n3A_959, %mul3A_963 : i32
    %mul3A_965 = arith.constant 9 : i32
    %mul3A_966 = arith.muli %mul3A_964, %mul3A_965 : i32
    %add3A_967 = arith.addi %mul3A_966, %sub3A_962 : i32
    %mul3A_968 = arith.constant 4200 : i32
    %mul3A_969 = arith.muli %add3A_967, %mul3A_968 : i32
    %add3A_970 = arith.constant 0 : i32
    %add3A_971 = arith.addi %mul3A_969, %add3A_970 : i32
    %dma_start3A_972 = arith.constant 0 : i32
    %dma_start3A_973 = tpu.memref_slice %arg6[%dma_start3A_972] : memref<25200xf32, #tpu.memory_space<vmem>> -> memref<4200xf32, #tpu.memory_space<vmem>>
    %dma_start3A_974 = tpu.memref_slice %arg3[%add3A_971] : memref<9676800xf32, #tpu.memory_space<hbm>> -> memref<4200xf32, #tpu.memory_space<hbm>>
    %dma_start3A_975 = arith.constant 0 : i32
    %dma_start3A_976 = tpu.memref_slice %arg6[%dma_start3A_975] : memref<25200xf32, #tpu.memory_space<vmem>> -> memref<4200xf32, #tpu.memory_space<vmem>>
    %dma_start3A_977 = tpu.memref_slice %arg3[%add3A_971] : memref<9676800xf32, #tpu.memory_space<hbm>> -> memref<4200xf32, #tpu.memory_space<hbm>>
    tpu.enqueue_dma source(%dma_start3A_977 : memref<4200xf32, #tpu.memory_space<hbm>>) target(%dma_start3A_976 : memref<4200xf32, #tpu.memory_space<vmem>>) target_semaphore(%arg10 : memref<!tpu.dma_semaphore, #tpu.memory_space<semaphore_mem>>)
    %add3A_978 = arith.constant 37800 : i32
    %add3A_979 = arith.addi %mul3A_969, %add3A_978 : i32
    %dma_start3A_980 = arith.constant 4200 : i32
    %dma_start3A_981 = tpu.memref_slice %arg6[%dma_start3A_980] : memref<25200xf32, #tpu.memory_space<vmem>> -> memref<4200xf32, #tpu.memory_space<vmem>>
    %dma_start3A_982 = tpu.memref_slice %arg3[%add3A_979] : memref<9676800xf32, #tpu.memory_space<hbm>> -> memref<4200xf32, #tpu.memory_space<hbm>>
    %dma_start3A_983 = arith.constant 4200 : i32
    %dma_start3A_984 = tpu.memref_slice %arg6[%dma_start3A_983] : memref<25200xf32, #tpu.memory_space<vmem>> -> memref<4200xf32, #tpu.memory_space<vmem>>
    %dma_start3A_985 = tpu.memref_slice %arg3[%add3A_979] : memref<9676800xf32, #tpu.memory_space<hbm>> -> memref<4200xf32, #tpu.memory_space<hbm>>
    tpu.enqueue_dma source(%dma_start3A_985 : memref<4200xf32, #tpu.memory_space<hbm>>) target(%dma_start3A_984 : memref<4200xf32, #tpu.memory_space<vmem>>) target_semaphore(%arg10 : memref<!tpu.dma_semaphore, #tpu.memory_space<semaphore_mem>>)
    %add3A_986 = arith.constant 75600 : i32
    %add3A_987 = arith.addi %mul3A_969, %add3A_986 : i32
    %dma_start3A_988 = arith.constant 8400 : i32
    %dma_start3A_989 = tpu.memref_slice %arg6[%dma_start3A_988] : memref<25200xf32, #tpu.memory_space<vmem>> -> memref<4200xf32, #tpu.memory_space<vmem>>
    %dma_start3A_990 = tpu.memref_slice %arg3[%add3A_987] : memref<9676800xf32, #tpu.memory_space<hbm>> -> memref<4200xf32, #tpu.memory_space<hbm>>
    %dma_start3A_991 = arith.constant 8400 : i32
    %dma_start3A_992 = tpu.memref_slice %arg6[%dma_start3A_991] : memref<25200xf32, #tpu.memory_space<vmem>> -> memref<4200xf32, #tpu.memory_space<vmem>>
    %dma_start3A_993 = tpu.memref_slice %arg3[%add3A_987] : memref<9676800xf32, #tpu.memory_space<hbm>> -> memref<4200xf32, #tpu.memory_space<hbm>>
    tpu.enqueue_dma source(%dma_start3A_993 : memref<4200xf32, #tpu.memory_space<hbm>>) target(%dma_start3A_992 : memref<4200xf32, #tpu.memory_space<vmem>>) target_semaphore(%arg10 : memref<!tpu.dma_semaphore, #tpu.memory_space<semaphore_mem>>)
    %add3A_994 = arith.constant 113400 : i32
    %add3A_995 = arith.addi %mul3A_969, %add3A_994 : i32
    %dma_start3A_996 = arith.constant 12600 : i32
    %dma_start3A_997 = tpu.memref_slice %arg6[%dma_start3A_996] : memref<25200xf32, #tpu.memory_space<vmem>> -> memref<4200xf32, #tpu.memory_space<vmem>>
    %dma_start3A_998 = tpu.memref_slice %arg3[%add3A_995] : memref<9676800xf32, #tpu.memory_space<hbm>> -> memref<4200xf32, #tpu.memory_space<hbm>>
    %dma_start3A_999 = arith.constant 12600 : i32
    %dma_start3A_1000 = tpu.memref_slice %arg6[%dma_start3A_999] : memref<25200xf32, #tpu.memory_space<vmem>> -> memref<4200xf32, #tpu.memory_space<vmem>>
    %dma_start3A_1001 = tpu.memref_slice %arg3[%add3A_995] : memref<9676800xf32, #tpu.memory_space<hbm>> -> memref<4200xf32, #tpu.memory_space<hbm>>
    tpu.enqueue_dma source(%dma_start3A_1001 : memref<4200xf32, #tpu.memory_space<hbm>>) target(%dma_start3A_1000 : memref<4200xf32, #tpu.memory_space<vmem>>) target_semaphore(%arg10 : memref<!tpu.dma_semaphore, #tpu.memory_space<semaphore_mem>>)
    %mul3A_1002 = arith.constant 18 : i32
    %mul3A_1003 = arith.muli %add3A, %mul3A_1002 : i32
    %add3A_1004 = arith.constant 1 : i32
    %add3A_1005 = arith.addi %mul3A_1003, %add3A_1004 : i32
    %jit3A_1006 = arith.constant 9 : i32
    %div3A_1007 = arith.divsi %add3A_1005, %jit3A_1006 : i32
    %sign3A_1008 = arith.constant 0 : i32
    %sign3A_1009 = arith.cmpi sgt, %add3A_1005, %sign3A_1008 : i32
    %sign3A_1010 = arith.extui %sign3A_1009 : i1 to i32
    %sign3A_1011 = arith.constant 0 : i32
    %sign3A_1012 = arith.cmpi slt, %add3A_1005, %sign3A_1011 : i32
    %sign3A_1013 = arith.extui %sign3A_1012 : i1 to i32
    %sign3A_1014 = arith.subi %sign3A_1010, %sign3A_1013 : i32
    %sign3A_1015 = arith.constant 0 : i32
    %sign3A_1016 = arith.cmpi sgt, %jit3A_1006, %sign3A_1015 : i32
    %sign3A_1017 = arith.extui %sign3A_1016 : i1 to i32
    %sign3A_1018 = arith.constant 0 : i32
    %sign3A_1019 = arith.cmpi slt, %jit3A_1006, %sign3A_1018 : i32
    %sign3A_1020 = arith.extui %sign3A_1019 : i1 to i32
    %sign3A_1021 = arith.subi %sign3A_1017, %sign3A_1020 : i32
    %ne3A_1022 = arith.cmpi ne, %sign3A_1014, %sign3A_1021 : i32
    %rem3A_1023 = arith.remsi %add3A_1005, %jit3A_1006 : i32
    %ne3A_1024 = arith.constant 0 : i32
    %ne3A_1025 = arith.cmpi ne, %rem3A_1023, %ne3A_1024 : i32
    %and3A_1026 = arith.andi %ne3A_1022, %ne3A_1025 : i1
    %sub3A_1027 = arith.constant 1 : i32
    %sub3A_1028 = arith.subi %div3A_1007, %sub3A_1027 : i32
    %select_n3A_1029 = arith.select %and3A_1026, %sub3A_1028, %div3A_1007 : i32
    %mul3A_1030 = arith.constant 9 : i32
    %mul3A_1031 = arith.muli %select_n3A_1029, %mul3A_1030 : i32
    %sub3A_1032 = arith.subi %add3A_1005, %mul3A_1031 : i32
    %mul3A_1033 = arith.constant 4 : i32
    %mul3A_1034 = arith.muli %select_n3A_1029, %mul3A_1033 : i32
    %mul3A_1035 = arith.constant 9 : i32
    %mul3A_1036 = arith.muli %mul3A_1034, %mul3A_1035 : i32
    %add3A_1037 = arith.addi %mul3A_1036, %sub3A_1032 : i32
    %mul3A_1038 = arith.constant 4200 : i32
    %mul3A_1039 = arith.muli %add3A_1037, %mul3A_1038 : i32
    %add3A_1040 = arith.constant 0 : i32
    %add3A_1041 = arith.addi %mul3A_1039, %add3A_1040 : i32
    %dma_start3A_1042 = arith.constant 0 : i32
    %dma_start3A_1043 = tpu.memref_slice %arg7[%dma_start3A_1042] : memref<25200xf32, #tpu.memory_space<vmem>> -> memref<4200xf32, #tpu.memory_space<vmem>>
    %dma_start3A_1044 = tpu.memref_slice %arg3[%add3A_1041] : memref<9676800xf32, #tpu.memory_space<hbm>> -> memref<4200xf32, #tpu.memory_space<hbm>>
    %dma_start3A_1045 = arith.constant 0 : i32
    %dma_start3A_1046 = tpu.memref_slice %arg7[%dma_start3A_1045] : memref<25200xf32, #tpu.memory_space<vmem>> -> memref<4200xf32, #tpu.memory_space<vmem>>
    %dma_start3A_1047 = tpu.memref_slice %arg3[%add3A_1041] : memref<9676800xf32, #tpu.memory_space<hbm>> -> memref<4200xf32, #tpu.memory_space<hbm>>
    tpu.enqueue_dma source(%dma_start3A_1047 : memref<4200xf32, #tpu.memory_space<hbm>>) target(%dma_start3A_1046 : memref<4200xf32, #tpu.memory_space<vmem>>) target_semaphore(%arg11 : memref<!tpu.dma_semaphore, #tpu.memory_space<semaphore_mem>>)
    %add3A_1048 = arith.constant 37800 : i32
    %add3A_1049 = arith.addi %mul3A_1039, %add3A_1048 : i32
    %dma_start3A_1050 = arith.constant 4200 : i32
    %dma_start3A_1051 = tpu.memref_slice %arg7[%dma_start3A_1050] : memref<25200xf32, #tpu.memory_space<vmem>> -> memref<4200xf32, #tpu.memory_space<vmem>>
    %dma_start3A_1052 = tpu.memref_slice %arg3[%add3A_1049] : memref<9676800xf32, #tpu.memory_space<hbm>> -> memref<4200xf32, #tpu.memory_space<hbm>>
    %dma_start3A_1053 = arith.constant 4200 : i32
    %dma_start3A_1054 = tpu.memref_slice %arg7[%dma_start3A_1053] : memref<25200xf32, #tpu.memory_space<vmem>> -> memref<4200xf32, #tpu.memory_space<vmem>>
    %dma_start3A_1055 = tpu.memref_slice %arg3[%add3A_1049] : memref<9676800xf32, #tpu.memory_space<hbm>> -> memref<4200xf32, #tpu.memory_space<hbm>>
    tpu.enqueue_dma source(%dma_start3A_1055 : memref<4200xf32, #tpu.memory_space<hbm>>) target(%dma_start3A_1054 : memref<4200xf32, #tpu.memory_space<vmem>>) target_semaphore(%arg11 : memref<!tpu.dma_semaphore, #tpu.memory_space<semaphore_mem>>)
    %add3A_1056 = arith.constant 75600 : i32
    %add3A_1057 = arith.addi %mul3A_1039, %add3A_1056 : i32
    %dma_start3A_1058 = arith.constant 8400 : i32
    %dma_start3A_1059 = tpu.memref_slice %arg7[%dma_start3A_1058] : memref<25200xf32, #tpu.memory_space<vmem>> -> memref<4200xf32, #tpu.memory_space<vmem>>
    %dma_start3A_1060 = tpu.memref_slice %arg3[%add3A_1057] : memref<9676800xf32, #tpu.memory_space<hbm>> -> memref<4200xf32, #tpu.memory_space<hbm>>
    %dma_start3A_1061 = arith.constant 8400 : i32
    %dma_start3A_1062 = tpu.memref_slice %arg7[%dma_start3A_1061] : memref<25200xf32, #tpu.memory_space<vmem>> -> memref<4200xf32, #tpu.memory_space<vmem>>
    %dma_start3A_1063 = tpu.memref_slice %arg3[%add3A_1057] : memref<9676800xf32, #tpu.memory_space<hbm>> -> memref<4200xf32, #tpu.memory_space<hbm>>
    tpu.enqueue_dma source(%dma_start3A_1063 : memref<4200xf32, #tpu.memory_space<hbm>>) target(%dma_start3A_1062 : memref<4200xf32, #tpu.memory_space<vmem>>) target_semaphore(%arg11 : memref<!tpu.dma_semaphore, #tpu.memory_space<semaphore_mem>>)
    %add3A_1064 = arith.constant 113400 : i32
    %add3A_1065 = arith.addi %mul3A_1039, %add3A_1064 : i32
    %dma_start3A_1066 = arith.constant 12600 : i32
    %dma_start3A_1067 = tpu.memref_slice %arg7[%dma_start3A_1066] : memref<25200xf32, #tpu.memory_space<vmem>> -> memref<4200xf32, #tpu.memory_space<vmem>>
    %dma_start3A_1068 = tpu.memref_slice %arg3[%add3A_1065] : memref<9676800xf32, #tpu.memory_space<hbm>> -> memref<4200xf32, #tpu.memory_space<hbm>>
    %dma_start3A_1069 = arith.constant 12600 : i32
    %dma_start3A_1070 = tpu.memref_slice %arg7[%dma_start3A_1069] : memref<25200xf32, #tpu.memory_space<vmem>> -> memref<4200xf32, #tpu.memory_space<vmem>>
    %dma_start3A_1071 = tpu.memref_slice %arg3[%add3A_1065] : memref<9676800xf32, #tpu.memory_space<hbm>> -> memref<4200xf32, #tpu.memory_space<hbm>>
    tpu.enqueue_dma source(%dma_start3A_1071 : memref<4200xf32, #tpu.memory_space<hbm>>) target(%dma_start3A_1070 : memref<4200xf32, #tpu.memory_space<vmem>>) target_semaphore(%arg11 : memref<!tpu.dma_semaphore, #tpu.memory_space<semaphore_mem>>)
    %dma_wait3A_1072 = arith.constant 0 : i32
    %dma_wait3A_1073 = tpu.memref_slice %arg6[%dma_wait3A_1072] : memref<25200xf32, #tpu.memory_space<vmem>> -> memref<4200xf32, #tpu.memory_space<vmem>>
    %dma_wait3A_1074 = tpu.memref_slice %arg3[%add3A_971] : memref<9676800xf32, #tpu.memory_space<hbm>> -> memref<4200xf32, #tpu.memory_space<hbm>>
    %dma_wait3A_1075 = arith.constant 0 : i32
    %dma_wait3A_1076 = tpu.memref_slice %arg6[%dma_wait3A_1075] : memref<25200xf32, #tpu.memory_space<vmem>> -> memref<4200xf32, #tpu.memory_space<vmem>>
    %dma_wait3A_1077 = tpu.memref_slice %arg3[%add3A_971] : memref<9676800xf32, #tpu.memory_space<hbm>> -> memref<4200xf32, #tpu.memory_space<hbm>>
    tpu.wait_dma2 semaphore(%arg10 : memref<!tpu.dma_semaphore, #tpu.memory_space<semaphore_mem>>) src(%dma_wait3A_1077 : memref<4200xf32, #tpu.memory_space<hbm>>) dst(%dma_wait3A_1076 : memref<4200xf32, #tpu.memory_space<vmem>>)
    %dma_wait3A_1078 = arith.constant 4200 : i32
    %dma_wait3A_1079 = tpu.memref_slice %arg6[%dma_wait3A_1078] : memref<25200xf32, #tpu.memory_space<vmem>> -> memref<4200xf32, #tpu.memory_space<vmem>>
    %dma_wait3A_1080 = tpu.memref_slice %arg3[%add3A_979] : memref<9676800xf32, #tpu.memory_space<hbm>> -> memref<4200xf32, #tpu.memory_space<hbm>>
    %dma_wait3A_1081 = arith.constant 4200 : i32
    %dma_wait3A_1082 = tpu.memref_slice %arg6[%dma_wait3A_1081] : memref<25200xf32, #tpu.memory_space<vmem>> -> memref<4200xf32, #tpu.memory_space<vmem>>
    %dma_wait3A_1083 = tpu.memref_slice %arg3[%add3A_979] : memref<9676800xf32, #tpu.memory_space<hbm>> -> memref<4200xf32, #tpu.memory_space<hbm>>
    tpu.wait_dma2 semaphore(%arg10 : memref<!tpu.dma_semaphore, #tpu.memory_space<semaphore_mem>>) src(%dma_wait3A_1083 : memref<4200xf32, #tpu.memory_space<hbm>>) dst(%dma_wait3A_1082 : memref<4200xf32, #tpu.memory_space<vmem>>)
    %dma_wait3A_1084 = arith.constant 8400 : i32
    %dma_wait3A_1085 = tpu.memref_slice %arg6[%dma_wait3A_1084] : memref<25200xf32, #tpu.memory_space<vmem>> -> memref<4200xf32, #tpu.memory_space<vmem>>
    %dma_wait3A_1086 = tpu.memref_slice %arg3[%add3A_987] : memref<9676800xf32, #tpu.memory_space<hbm>> -> memref<4200xf32, #tpu.memory_space<hbm>>
    %dma_wait3A_1087 = arith.constant 8400 : i32
    %dma_wait3A_1088 = tpu.memref_slice %arg6[%dma_wait3A_1087] : memref<25200xf32, #tpu.memory_space<vmem>> -> memref<4200xf32, #tpu.memory_space<vmem>>
    %dma_wait3A_1089 = tpu.memref_slice %arg3[%add3A_987] : memref<9676800xf32, #tpu.memory_space<hbm>> -> memref<4200xf32, #tpu.memory_space<hbm>>
    tpu.wait_dma2 semaphore(%arg10 : memref<!tpu.dma_semaphore, #tpu.memory_space<semaphore_mem>>) src(%dma_wait3A_1089 : memref<4200xf32, #tpu.memory_space<hbm>>) dst(%dma_wait3A_1088 : memref<4200xf32, #tpu.memory_space<vmem>>)
    %dma_wait3A_1090 = arith.constant 12600 : i32
    %dma_wait3A_1091 = tpu.memref_slice %arg6[%dma_wait3A_1090] : memref<25200xf32, #tpu.memory_space<vmem>> -> memref<4200xf32, #tpu.memory_space<vmem>>
    %dma_wait3A_1092 = tpu.memref_slice %arg3[%add3A_995] : memref<9676800xf32, #tpu.memory_space<hbm>> -> memref<4200xf32, #tpu.memory_space<hbm>>
    %dma_wait3A_1093 = arith.constant 12600 : i32
    %dma_wait3A_1094 = tpu.memref_slice %arg6[%dma_wait3A_1093] : memref<25200xf32, #tpu.memory_space<vmem>> -> memref<4200xf32, #tpu.memory_space<vmem>>
    %dma_wait3A_1095 = tpu.memref_slice %arg3[%add3A_995] : memref<9676800xf32, #tpu.memory_space<hbm>> -> memref<4200xf32, #tpu.memory_space<hbm>>
    tpu.wait_dma2 semaphore(%arg10 : memref<!tpu.dma_semaphore, #tpu.memory_space<semaphore_mem>>) src(%dma_wait3A_1095 : memref<4200xf32, #tpu.memory_space<hbm>>) dst(%dma_wait3A_1094 : memref<4200xf32, #tpu.memory_space<vmem>>)
    %shift_right_arithmetic3A_1096 = arith.constant 2 : i32
    %shift_right_arithmetic3A_1097 = vector.broadcast %shift_right_arithmetic3A_1096 : i32 to vector<16xi32>
    %shift_right_arithmetic3A_1098 = arith.shrsi %iota3A, %shift_right_arithmetic3A_1097 : vector<16xi32>
    %and3A_1099 = arith.constant 3 : i32
    %and3A_1100 = vector.broadcast %and3A_1099 : i32 to vector<16xi32>
    %and3A_1101 = arith.andi %iota3A, %and3A_1100 : vector<16xi32>
    %mul3A_1102 = arith.constant 4200 : i32
    %mul3A_1103 = vector.broadcast %mul3A_1102 : i32 to vector<16xi32>
    %mul3A_1104 = arith.muli %and3A_1101, %mul3A_1103 : vector<16xi32>
    %add3A_1105 = arith.addi %shift_right_arithmetic3A_1098, %mul3A_1104 : vector<16xi32>
    %mul3A_1106 = arith.constant 18 : i32
    %mul3A_1107 = arith.muli %add3A, %mul3A_1106 : i32
    %add3A_1108 = arith.constant 0 : i32
    %add3A_1109 = arith.addi %mul3A_1107, %add3A_1108 : i32
    %jit3A_1110 = arith.constant 9 : i32
    %div3A_1111 = arith.divsi %add3A_1109, %jit3A_1110 : i32
    %sign3A_1112 = arith.constant 0 : i32
    %sign3A_1113 = arith.cmpi sgt, %add3A_1109, %sign3A_1112 : i32
    %sign3A_1114 = arith.extui %sign3A_1113 : i1 to i32
    %sign3A_1115 = arith.constant 0 : i32
    %sign3A_1116 = arith.cmpi slt, %add3A_1109, %sign3A_1115 : i32
    %sign3A_1117 = arith.extui %sign3A_1116 : i1 to i32
    %sign3A_1118 = arith.subi %sign3A_1114, %sign3A_1117 : i32
    %sign3A_1119 = arith.constant 0 : i32
    %sign3A_1120 = arith.cmpi sgt, %jit3A_1110, %sign3A_1119 : i32
    %sign3A_1121 = arith.extui %sign3A_1120 : i1 to i32
    %sign3A_1122 = arith.constant 0 : i32
    %sign3A_1123 = arith.cmpi slt, %jit3A_1110, %sign3A_1122 : i32
    %sign3A_1124 = arith.extui %sign3A_1123 : i1 to i32
    %sign3A_1125 = arith.subi %sign3A_1121, %sign3A_1124 : i32
    %ne3A_1126 = arith.cmpi ne, %sign3A_1118, %sign3A_1125 : i32
    %rem3A_1127 = arith.remsi %add3A_1109, %jit3A_1110 : i32
    %ne3A_1128 = arith.constant 0 : i32
    %ne3A_1129 = arith.cmpi ne, %rem3A_1127, %ne3A_1128 : i32
    %and3A_1130 = arith.andi %ne3A_1126, %ne3A_1129 : i1
    %sub3A_1131 = arith.constant 1 : i32
    %sub3A_1132 = arith.subi %div3A_1111, %sub3A_1131 : i32
    %select_n3A_1133 = arith.select %and3A_1130, %sub3A_1132, %div3A_1111 : i32
    %mul3A_1134 = arith.constant 9 : i32
    %mul3A_1135 = arith.muli %select_n3A_1133, %mul3A_1134 : i32
    %sub3A_1136 = arith.subi %add3A_1109, %mul3A_1135 : i32
    %mul3A_1137 = arith.constant 9 : i32
    %mul3A_1138 = arith.muli %select_n3A_1133, %mul3A_1137 : i32
    %add3A_1139 = arith.addi %mul3A_1138, %sub3A_1136 : i32
    %mul3A_1140 = arith.constant 4 : i32
    %mul3A_1141 = arith.muli %add3A_1139, %mul3A_1140 : i32
    %mul3A_1142 = arith.constant 4200 : i32
    %mul3A_1143 = arith.muli %mul3A_1141, %mul3A_1142 : i32
    %dma_start3A_1144 = arith.constant 0 : i32
    %dma_start3A_1145 = tpu.memref_slice %arg8[%dma_start3A_1144] : memref<25200xf32, #tpu.memory_space<vmem>> -> memref<16800xf32, #tpu.memory_space<vmem>>
    %dma_start3A_1146 = tpu.memref_slice %arg5[%mul3A_1143] : memref<9676800xf32, #tpu.memory_space<hbm>> -> memref<16800xf32, #tpu.memory_space<hbm>>
    %dma_start3A_1147 = tpu.memref_slice %arg5[%mul3A_1143] : memref<9676800xf32, #tpu.memory_space<hbm>> -> memref<16800xf32, #tpu.memory_space<hbm>>
    %dma_start3A_1148 = arith.constant 0 : i32
    %dma_start3A_1149 = tpu.memref_slice %arg8[%dma_start3A_1148] : memref<25200xf32, #tpu.memory_space<vmem>> -> memref<16800xf32, #tpu.memory_space<vmem>>
    tpu.enqueue_dma source(%dma_start3A_1149 : memref<16800xf32, #tpu.memory_space<vmem>>) target(%dma_start3A_1147 : memref<16800xf32, #tpu.memory_space<hbm>>) target_semaphore(%arg12 : memref<!tpu.dma_semaphore, #tpu.memory_space<semaphore_mem>>)
    %mul3A_1150 = arith.constant 18 : i32
    %mul3A_1151 = arith.muli %add3A, %mul3A_1150 : i32
    %add3A_1152 = arith.constant 2 : i32
    %add3A_1153 = arith.addi %mul3A_1151, %add3A_1152 : i32
    %jit3A_1154 = arith.constant 9 : i32
    %div3A_1155 = arith.divsi %add3A_1153, %jit3A_1154 : i32
    %sign3A_1156 = arith.constant 0 : i32
    %sign3A_1157 = arith.cmpi sgt, %add3A_1153, %sign3A_1156 : i32
    %sign3A_1158 = arith.extui %sign3A_1157 : i1 to i32
    %sign3A_1159 = arith.constant 0 : i32
    %sign3A_1160 = arith.cmpi slt, %add3A_1153, %sign3A_1159 : i32
    %sign3A_1161 = arith.extui %sign3A_1160 : i1 to i32
    %sign3A_1162 = arith.subi %sign3A_1158, %sign3A_1161 : i32
    %sign3A_1163 = arith.constant 0 : i32
    %sign3A_1164 = arith.cmpi sgt, %jit3A_1154, %sign3A_1163 : i32
    %sign3A_1165 = arith.extui %sign3A_1164 : i1 to i32
    %sign3A_1166 = arith.constant 0 : i32
    %sign3A_1167 = arith.cmpi slt, %jit3A_1154, %sign3A_1166 : i32
    %sign3A_1168 = arith.extui %sign3A_1167 : i1 to i32
    %sign3A_1169 = arith.subi %sign3A_1165, %sign3A_1168 : i32
    %ne3A_1170 = arith.cmpi ne, %sign3A_1162, %sign3A_1169 : i32
    %rem3A_1171 = arith.remsi %add3A_1153, %jit3A_1154 : i32
    %ne3A_1172 = arith.constant 0 : i32
    %ne3A_1173 = arith.cmpi ne, %rem3A_1171, %ne3A_1172 : i32
    %and3A_1174 = arith.andi %ne3A_1170, %ne3A_1173 : i1
    %sub3A_1175 = arith.constant 1 : i32
    %sub3A_1176 = arith.subi %div3A_1155, %sub3A_1175 : i32
    %select_n3A_1177 = arith.select %and3A_1174, %sub3A_1176, %div3A_1155 : i32
    %mul3A_1178 = arith.constant 9 : i32
    %mul3A_1179 = arith.muli %select_n3A_1177, %mul3A_1178 : i32
    %sub3A_1180 = arith.subi %add3A_1153, %mul3A_1179 : i32
    %mul3A_1181 = arith.constant 4 : i32
    %mul3A_1182 = arith.muli %select_n3A_1177, %mul3A_1181 : i32
    %mul3A_1183 = arith.constant 9 : i32
    %mul3A_1184 = arith.muli %mul3A_1182, %mul3A_1183 : i32
    %add3A_1185 = arith.addi %mul3A_1184, %sub3A_1180 : i32
    %mul3A_1186 = arith.constant 4200 : i32
    %mul3A_1187 = arith.muli %add3A_1185, %mul3A_1186 : i32
    %add3A_1188 = arith.constant 0 : i32
    %add3A_1189 = arith.addi %mul3A_1187, %add3A_1188 : i32
    %dma_start3A_1190 = arith.constant 0 : i32
    %dma_start3A_1191 = tpu.memref_slice %arg6[%dma_start3A_1190] : memref<25200xf32, #tpu.memory_space<vmem>> -> memref<4200xf32, #tpu.memory_space<vmem>>
    %dma_start3A_1192 = tpu.memref_slice %arg3[%add3A_1189] : memref<9676800xf32, #tpu.memory_space<hbm>> -> memref<4200xf32, #tpu.memory_space<hbm>>
    %dma_start3A_1193 = arith.constant 0 : i32
    %dma_start3A_1194 = tpu.memref_slice %arg6[%dma_start3A_1193] : memref<25200xf32, #tpu.memory_space<vmem>> -> memref<4200xf32, #tpu.memory_space<vmem>>
    %dma_start3A_1195 = tpu.memref_slice %arg3[%add3A_1189] : memref<9676800xf32, #tpu.memory_space<hbm>> -> memref<4200xf32, #tpu.memory_space<hbm>>
    tpu.enqueue_dma source(%dma_start3A_1195 : memref<4200xf32, #tpu.memory_space<hbm>>) target(%dma_start3A_1194 : memref<4200xf32, #tpu.memory_space<vmem>>) target_semaphore(%arg10 : memref<!tpu.dma_semaphore, #tpu.memory_space<semaphore_mem>>)
    %add3A_1196 = arith.constant 37800 : i32
    %add3A_1197 = arith.addi %mul3A_1187, %add3A_1196 : i32
    %dma_start3A_1198 = arith.constant 4200 : i32
    %dma_start3A_1199 = tpu.memref_slice %arg6[%dma_start3A_1198] : memref<25200xf32, #tpu.memory_space<vmem>> -> memref<4200xf32, #tpu.memory_space<vmem>>
    %dma_start3A_1200 = tpu.memref_slice %arg3[%add3A_1197] : memref<9676800xf32, #tpu.memory_space<hbm>> -> memref<4200xf32, #tpu.memory_space<hbm>>
    %dma_start3A_1201 = arith.constant 4200 : i32
    %dma_start3A_1202 = tpu.memref_slice %arg6[%dma_start3A_1201] : memref<25200xf32, #tpu.memory_space<vmem>> -> memref<4200xf32, #tpu.memory_space<vmem>>
    %dma_start3A_1203 = tpu.memref_slice %arg3[%add3A_1197] : memref<9676800xf32, #tpu.memory_space<hbm>> -> memref<4200xf32, #tpu.memory_space<hbm>>
    tpu.enqueue_dma source(%dma_start3A_1203 : memref<4200xf32, #tpu.memory_space<hbm>>) target(%dma_start3A_1202 : memref<4200xf32, #tpu.memory_space<vmem>>) target_semaphore(%arg10 : memref<!tpu.dma_semaphore, #tpu.memory_space<semaphore_mem>>)
    %add3A_1204 = arith.constant 75600 : i32
    %add3A_1205 = arith.addi %mul3A_1187, %add3A_1204 : i32
    %dma_start3A_1206 = arith.constant 8400 : i32
    %dma_start3A_1207 = tpu.memref_slice %arg6[%dma_start3A_1206] : memref<25200xf32, #tpu.memory_space<vmem>> -> memref<4200xf32, #tpu.memory_space<vmem>>
    %dma_start3A_1208 = tpu.memref_slice %arg3[%add3A_1205] : memref<9676800xf32, #tpu.memory_space<hbm>> -> memref<4200xf32, #tpu.memory_space<hbm>>
    %dma_start3A_1209 = arith.constant 8400 : i32
    %dma_start3A_1210 = tpu.memref_slice %arg6[%dma_start3A_1209] : memref<25200xf32, #tpu.memory_space<vmem>> -> memref<4200xf32, #tpu.memory_space<vmem>>
    %dma_start3A_1211 = tpu.memref_slice %arg3[%add3A_1205] : memref<9676800xf32, #tpu.memory_space<hbm>> -> memref<4200xf32, #tpu.memory_space<hbm>>
    tpu.enqueue_dma source(%dma_start3A_1211 : memref<4200xf32, #tpu.memory_space<hbm>>) target(%dma_start3A_1210 : memref<4200xf32, #tpu.memory_space<vmem>>) target_semaphore(%arg10 : memref<!tpu.dma_semaphore, #tpu.memory_space<semaphore_mem>>)
    %add3A_1212 = arith.constant 113400 : i32
    %add3A_1213 = arith.addi %mul3A_1187, %add3A_1212 : i32
    %dma_start3A_1214 = arith.constant 12600 : i32
    %dma_start3A_1215 = tpu.memref_slice %arg6[%dma_start3A_1214] : memref<25200xf32, #tpu.memory_space<vmem>> -> memref<4200xf32, #tpu.memory_space<vmem>>
    %dma_start3A_1216 = tpu.memref_slice %arg3[%add3A_1213] : memref<9676800xf32, #tpu.memory_space<hbm>> -> memref<4200xf32, #tpu.memory_space<hbm>>
    %dma_start3A_1217 = arith.constant 12600 : i32
    %dma_start3A_1218 = tpu.memref_slice %arg6[%dma_start3A_1217] : memref<25200xf32, #tpu.memory_space<vmem>> -> memref<4200xf32, #tpu.memory_space<vmem>>
    %dma_start3A_1219 = tpu.memref_slice %arg3[%add3A_1213] : memref<9676800xf32, #tpu.memory_space<hbm>> -> memref<4200xf32, #tpu.memory_space<hbm>>
    tpu.enqueue_dma source(%dma_start3A_1219 : memref<4200xf32, #tpu.memory_space<hbm>>) target(%dma_start3A_1218 : memref<4200xf32, #tpu.memory_space<vmem>>) target_semaphore(%arg10 : memref<!tpu.dma_semaphore, #tpu.memory_space<semaphore_mem>>)
    %dma_wait3A_1220 = arith.constant 0 : i32
    %dma_wait3A_1221 = tpu.memref_slice %arg7[%dma_wait3A_1220] : memref<25200xf32, #tpu.memory_space<vmem>> -> memref<4200xf32, #tpu.memory_space<vmem>>
    %dma_wait3A_1222 = tpu.memref_slice %arg3[%add3A_1041] : memref<9676800xf32, #tpu.memory_space<hbm>> -> memref<4200xf32, #tpu.memory_space<hbm>>
    %dma_wait3A_1223 = arith.constant 0 : i32
    %dma_wait3A_1224 = tpu.memref_slice %arg7[%dma_wait3A_1223] : memref<25200xf32, #tpu.memory_space<vmem>> -> memref<4200xf32, #tpu.memory_space<vmem>>
    %dma_wait3A_1225 = tpu.memref_slice %arg3[%add3A_1041] : memref<9676800xf32, #tpu.memory_space<hbm>> -> memref<4200xf32, #tpu.memory_space<hbm>>
    tpu.wait_dma2 semaphore(%arg11 : memref<!tpu.dma_semaphore, #tpu.memory_space<semaphore_mem>>) src(%dma_wait3A_1225 : memref<4200xf32, #tpu.memory_space<hbm>>) dst(%dma_wait3A_1224 : memref<4200xf32, #tpu.memory_space<vmem>>)
    %dma_wait3A_1226 = arith.constant 4200 : i32
    %dma_wait3A_1227 = tpu.memref_slice %arg7[%dma_wait3A_1226] : memref<25200xf32, #tpu.memory_space<vmem>> -> memref<4200xf32, #tpu.memory_space<vmem>>
    %dma_wait3A_1228 = tpu.memref_slice %arg3[%add3A_1049] : memref<9676800xf32, #tpu.memory_space<hbm>> -> memref<4200xf32, #tpu.memory_space<hbm>>
    %dma_wait3A_1229 = arith.constant 4200 : i32
    %dma_wait3A_1230 = tpu.memref_slice %arg7[%dma_wait3A_1229] : memref<25200xf32, #tpu.memory_space<vmem>> -> memref<4200xf32, #tpu.memory_space<vmem>>
    %dma_wait3A_1231 = tpu.memref_slice %arg3[%add3A_1049] : memref<9676800xf32, #tpu.memory_space<hbm>> -> memref<4200xf32, #tpu.memory_space<hbm>>
    tpu.wait_dma2 semaphore(%arg11 : memref<!tpu.dma_semaphore, #tpu.memory_space<semaphore_mem>>) src(%dma_wait3A_1231 : memref<4200xf32, #tpu.memory_space<hbm>>) dst(%dma_wait3A_1230 : memref<4200xf32, #tpu.memory_space<vmem>>)
    %dma_wait3A_1232 = arith.constant 8400 : i32
    %dma_wait3A_1233 = tpu.memref_slice %arg7[%dma_wait3A_1232] : memref<25200xf32, #tpu.memory_space<vmem>> -> memref<4200xf32, #tpu.memory_space<vmem>>
    %dma_wait3A_1234 = tpu.memref_slice %arg3[%add3A_1057] : memref<9676800xf32, #tpu.memory_space<hbm>> -> memref<4200xf32, #tpu.memory_space<hbm>>
    %dma_wait3A_1235 = arith.constant 8400 : i32
    %dma_wait3A_1236 = tpu.memref_slice %arg7[%dma_wait3A_1235] : memref<25200xf32, #tpu.memory_space<vmem>> -> memref<4200xf32, #tpu.memory_space<vmem>>
    %dma_wait3A_1237 = tpu.memref_slice %arg3[%add3A_1057] : memref<9676800xf32, #tpu.memory_space<hbm>> -> memref<4200xf32, #tpu.memory_space<hbm>>
    tpu.wait_dma2 semaphore(%arg11 : memref<!tpu.dma_semaphore, #tpu.memory_space<semaphore_mem>>) src(%dma_wait3A_1237 : memref<4200xf32, #tpu.memory_space<hbm>>) dst(%dma_wait3A_1236 : memref<4200xf32, #tpu.memory_space<vmem>>)
    %dma_wait3A_1238 = arith.constant 12600 : i32
    %dma_wait3A_1239 = tpu.memref_slice %arg7[%dma_wait3A_1238] : memref<25200xf32, #tpu.memory_space<vmem>> -> memref<4200xf32, #tpu.memory_space<vmem>>
    %dma_wait3A_1240 = tpu.memref_slice %arg3[%add3A_1065] : memref<9676800xf32, #tpu.memory_space<hbm>> -> memref<4200xf32, #tpu.memory_space<hbm>>
    %dma_wait3A_1241 = arith.constant 12600 : i32
    %dma_wait3A_1242 = tpu.memref_slice %arg7[%dma_wait3A_1241] : memref<25200xf32, #tpu.memory_space<vmem>> -> memref<4200xf32, #tpu.memory_space<vmem>>
    %dma_wait3A_1243 = tpu.memref_slice %arg3[%add3A_1065] : memref<9676800xf32, #tpu.memory_space<hbm>> -> memref<4200xf32, #tpu.memory_space<hbm>>
    tpu.wait_dma2 semaphore(%arg11 : memref<!tpu.dma_semaphore, #tpu.memory_space<semaphore_mem>>) src(%dma_wait3A_1243 : memref<4200xf32, #tpu.memory_space<hbm>>) dst(%dma_wait3A_1242 : memref<4200xf32, #tpu.memory_space<vmem>>)
    %shift_right_arithmetic3A_1244 = arith.constant 2 : i32
    %shift_right_arithmetic3A_1245 = vector.broadcast %shift_right_arithmetic3A_1244 : i32 to vector<16xi32>
    %shift_right_arithmetic3A_1246 = arith.shrsi %iota3A, %shift_right_arithmetic3A_1245 : vector<16xi32>
    %and3A_1247 = arith.constant 3 : i32
    %and3A_1248 = vector.broadcast %and3A_1247 : i32 to vector<16xi32>
    %and3A_1249 = arith.andi %iota3A, %and3A_1248 : vector<16xi32>
    %mul3A_1250 = arith.constant 4200 : i32
    %mul3A_1251 = vector.broadcast %mul3A_1250 : i32 to vector<16xi32>
    %mul3A_1252 = arith.muli %and3A_1249, %mul3A_1251 : vector<16xi32>
    %add3A_1253 = arith.addi %shift_right_arithmetic3A_1246, %mul3A_1252 : vector<16xi32>
    %mul3A_1254 = arith.constant 18 : i32
    %mul3A_1255 = arith.muli %add3A, %mul3A_1254 : i32
    %add3A_1256 = arith.constant 1 : i32
    %add3A_1257 = arith.addi %mul3A_1255, %add3A_1256 : i32
    %jit3A_1258 = arith.constant 9 : i32
    %div3A_1259 = arith.divsi %add3A_1257, %jit3A_1258 : i32
    %sign3A_1260 = arith.constant 0 : i32
    %sign3A_1261 = arith.cmpi sgt, %add3A_1257, %sign3A_1260 : i32
    %sign3A_1262 = arith.extui %sign3A_1261 : i1 to i32
    %sign3A_1263 = arith.constant 0 : i32
    %sign3A_1264 = arith.cmpi slt, %add3A_1257, %sign3A_1263 : i32
    %sign3A_1265 = arith.extui %sign3A_1264 : i1 to i32
    %sign3A_1266 = arith.subi %sign3A_1262, %sign3A_1265 : i32
    %sign3A_1267 = arith.constant 0 : i32
    %sign3A_1268 = arith.cmpi sgt, %jit3A_1258, %sign3A_1267 : i32
    %sign3A_1269 = arith.extui %sign3A_1268 : i1 to i32
    %sign3A_1270 = arith.constant 0 : i32
    %sign3A_1271 = arith.cmpi slt, %jit3A_1258, %sign3A_1270 : i32
    %sign3A_1272 = arith.extui %sign3A_1271 : i1 to i32
    %sign3A_1273 = arith.subi %sign3A_1269, %sign3A_1272 : i32
    %ne3A_1274 = arith.cmpi ne, %sign3A_1266, %sign3A_1273 : i32
    %rem3A_1275 = arith.remsi %add3A_1257, %jit3A_1258 : i32
    %ne3A_1276 = arith.constant 0 : i32
    %ne3A_1277 = arith.cmpi ne, %rem3A_1275, %ne3A_1276 : i32
    %and3A_1278 = arith.andi %ne3A_1274, %ne3A_1277 : i1
    %sub3A_1279 = arith.constant 1 : i32
    %sub3A_1280 = arith.subi %div3A_1259, %sub3A_1279 : i32
    %select_n3A_1281 = arith.select %and3A_1278, %sub3A_1280, %div3A_1259 : i32
    %mul3A_1282 = arith.constant 9 : i32
    %mul3A_1283 = arith.muli %select_n3A_1281, %mul3A_1282 : i32
    %sub3A_1284 = arith.subi %add3A_1257, %mul3A_1283 : i32
    %mul3A_1285 = arith.constant 9 : i32
    %mul3A_1286 = arith.muli %select_n3A_1281, %mul3A_1285 : i32
    %add3A_1287 = arith.addi %mul3A_1286, %sub3A_1284 : i32
    %mul3A_1288 = arith.constant 4 : i32
    %mul3A_1289 = arith.muli %add3A_1287, %mul3A_1288 : i32
    %mul3A_1290 = arith.constant 4200 : i32
    %mul3A_1291 = arith.muli %mul3A_1289, %mul3A_1290 : i32
    %dma_start3A_1292 = arith.constant 0 : i32
    %dma_start3A_1293 = tpu.memref_slice %arg9[%dma_start3A_1292] : memref<25200xf32, #tpu.memory_space<vmem>> -> memref<16800xf32, #tpu.memory_space<vmem>>
    %dma_start3A_1294 = tpu.memref_slice %arg5[%mul3A_1291] : memref<9676800xf32, #tpu.memory_space<hbm>> -> memref<16800xf32, #tpu.memory_space<hbm>>
    %dma_start3A_1295 = tpu.memref_slice %arg5[%mul3A_1291] : memref<9676800xf32, #tpu.memory_space<hbm>> -> memref<16800xf32, #tpu.memory_space<hbm>>
    %dma_start3A_1296 = arith.constant 0 : i32
    %dma_start3A_1297 = tpu.memref_slice %arg9[%dma_start3A_1296] : memref<25200xf32, #tpu.memory_space<vmem>> -> memref<16800xf32, #tpu.memory_space<vmem>>
    tpu.enqueue_dma source(%dma_start3A_1297 : memref<16800xf32, #tpu.memory_space<vmem>>) target(%dma_start3A_1295 : memref<16800xf32, #tpu.memory_space<hbm>>) target_semaphore(%arg13 : memref<!tpu.dma_semaphore, #tpu.memory_space<semaphore_mem>>)
    %mul3A_1298 = arith.constant 18 : i32
    %mul3A_1299 = arith.muli %add3A, %mul3A_1298 : i32
    %add3A_1300 = arith.constant 3 : i32
    %add3A_1301 = arith.addi %mul3A_1299, %add3A_1300 : i32
    %jit3A_1302 = arith.constant 9 : i32
    %div3A_1303 = arith.divsi %add3A_1301, %jit3A_1302 : i32
    %sign3A_1304 = arith.constant 0 : i32
    %sign3A_1305 = arith.cmpi sgt, %add3A_1301, %sign3A_1304 : i32
    %sign3A_1306 = arith.extui %sign3A_1305 : i1 to i32
    %sign3A_1307 = arith.constant 0 : i32
    %sign3A_1308 = arith.cmpi slt, %add3A_1301, %sign3A_1307 : i32
    %sign3A_1309 = arith.extui %sign3A_1308 : i1 to i32
    %sign3A_1310 = arith.subi %sign3A_1306, %sign3A_1309 : i32
    %sign3A_1311 = arith.constant 0 : i32
    %sign3A_1312 = arith.cmpi sgt, %jit3A_1302, %sign3A_1311 : i32
    %sign3A_1313 = arith.extui %sign3A_1312 : i1 to i32
    %sign3A_1314 = arith.constant 0 : i32
    %sign3A_1315 = arith.cmpi slt, %jit3A_1302, %sign3A_1314 : i32
    %sign3A_1316 = arith.extui %sign3A_1315 : i1 to i32
    %sign3A_1317 = arith.subi %sign3A_1313, %sign3A_1316 : i32
    %ne3A_1318 = arith.cmpi ne, %sign3A_1310, %sign3A_1317 : i32
    %rem3A_1319 = arith.remsi %add3A_1301, %jit3A_1302 : i32
    %ne3A_1320 = arith.constant 0 : i32
    %ne3A_1321 = arith.cmpi ne, %rem3A_1319, %ne3A_1320 : i32
    %and3A_1322 = arith.andi %ne3A_1318, %ne3A_1321 : i1
    %sub3A_1323 = arith.constant 1 : i32
    %sub3A_1324 = arith.subi %div3A_1303, %sub3A_1323 : i32
    %select_n3A_1325 = arith.select %and3A_1322, %sub3A_1324, %div3A_1303 : i32
    %mul3A_1326 = arith.constant 9 : i32
    %mul3A_1327 = arith.muli %select_n3A_1325, %mul3A_1326 : i32
    %sub3A_1328 = arith.subi %add3A_1301, %mul3A_1327 : i32
    %mul3A_1329 = arith.constant 4 : i32
    %mul3A_1330 = arith.muli %select_n3A_1325, %mul3A_1329 : i32
    %mul3A_1331 = arith.constant 9 : i32
    %mul3A_1332 = arith.muli %mul3A_1330, %mul3A_1331 : i32
    %add3A_1333 = arith.addi %mul3A_1332, %sub3A_1328 : i32
    %mul3A_1334 = arith.constant 4200 : i32
    %mul3A_1335 = arith.muli %add3A_1333, %mul3A_1334 : i32
    %add3A_1336 = arith.constant 0 : i32
    %add3A_1337 = arith.addi %mul3A_1335, %add3A_1336 : i32
    %dma_start3A_1338 = arith.constant 0 : i32
    %dma_start3A_1339 = tpu.memref_slice %arg7[%dma_start3A_1338] : memref<25200xf32, #tpu.memory_space<vmem>> -> memref<4200xf32, #tpu.memory_space<vmem>>
    %dma_start3A_1340 = tpu.memref_slice %arg3[%add3A_1337] : memref<9676800xf32, #tpu.memory_space<hbm>> -> memref<4200xf32, #tpu.memory_space<hbm>>
    %dma_start3A_1341 = arith.constant 0 : i32
    %dma_start3A_1342 = tpu.memref_slice %arg7[%dma_start3A_1341] : memref<25200xf32, #tpu.memory_space<vmem>> -> memref<4200xf32, #tpu.memory_space<vmem>>
    %dma_start3A_1343 = tpu.memref_slice %arg3[%add3A_1337] : memref<9676800xf32, #tpu.memory_space<hbm>> -> memref<4200xf32, #tpu.memory_space<hbm>>
    tpu.enqueue_dma source(%dma_start3A_1343 : memref<4200xf32, #tpu.memory_space<hbm>>) target(%dma_start3A_1342 : memref<4200xf32, #tpu.memory_space<vmem>>) target_semaphore(%arg11 : memref<!tpu.dma_semaphore, #tpu.memory_space<semaphore_mem>>)
    %add3A_1344 = arith.constant 37800 : i32
    %add3A_1345 = arith.addi %mul3A_1335, %add3A_1344 : i32
    %dma_start3A_1346 = arith.constant 4200 : i32
    %dma_start3A_1347 = tpu.memref_slice %arg7[%dma_start3A_1346] : memref<25200xf32, #tpu.memory_space<vmem>> -> memref<4200xf32, #tpu.memory_space<vmem>>
    %dma_start3A_1348 = tpu.memref_slice %arg3[%add3A_1345] : memref<9676800xf32, #tpu.memory_space<hbm>> -> memref<4200xf32, #tpu.memory_space<hbm>>
    %dma_start3A_1349 = arith.constant 4200 : i32
    %dma_start3A_1350 = tpu.memref_slice %arg7[%dma_start3A_1349] : memref<25200xf32, #tpu.memory_space<vmem>> -> memref<4200xf32, #tpu.memory_space<vmem>>
    %dma_start3A_1351 = tpu.memref_slice %arg3[%add3A_1345] : memref<9676800xf32, #tpu.memory_space<hbm>> -> memref<4200xf32, #tpu.memory_space<hbm>>
    tpu.enqueue_dma source(%dma_start3A_1351 : memref<4200xf32, #tpu.memory_space<hbm>>) target(%dma_start3A_1350 : memref<4200xf32, #tpu.memory_space<vmem>>) target_semaphore(%arg11 : memref<!tpu.dma_semaphore, #tpu.memory_space<semaphore_mem>>)
    %add3A_1352 = arith.constant 75600 : i32
    %add3A_1353 = arith.addi %mul3A_1335, %add3A_1352 : i32
    %dma_start3A_1354 = arith.constant 8400 : i32
    %dma_start3A_1355 = tpu.memref_slice %arg7[%dma_start3A_1354] : memref<25200xf32, #tpu.memory_space<vmem>> -> memref<4200xf32, #tpu.memory_space<vmem>>
    %dma_start3A_1356 = tpu.memref_slice %arg3[%add3A_1353] : memref<9676800xf32, #tpu.memory_space<hbm>> -> memref<4200xf32, #tpu.memory_space<hbm>>
    %dma_start3A_1357 = arith.constant 8400 : i32
    %dma_start3A_1358 = tpu.memref_slice %arg7[%dma_start3A_1357] : memref<25200xf32, #tpu.memory_space<vmem>> -> memref<4200xf32, #tpu.memory_space<vmem>>
    %dma_start3A_1359 = tpu.memref_slice %arg3[%add3A_1353] : memref<9676800xf32, #tpu.memory_space<hbm>> -> memref<4200xf32, #tpu.memory_space<hbm>>
    tpu.enqueue_dma source(%dma_start3A_1359 : memref<4200xf32, #tpu.memory_space<hbm>>) target(%dma_start3A_1358 : memref<4200xf32, #tpu.memory_space<vmem>>) target_semaphore(%arg11 : memref<!tpu.dma_semaphore, #tpu.memory_space<semaphore_mem>>)
    %add3A_1360 = arith.constant 113400 : i32
    %add3A_1361 = arith.addi %mul3A_1335, %add3A_1360 : i32
    %dma_start3A_1362 = arith.constant 12600 : i32
    %dma_start3A_1363 = tpu.memref_slice %arg7[%dma_start3A_1362] : memref<25200xf32, #tpu.memory_space<vmem>> -> memref<4200xf32, #tpu.memory_space<vmem>>
    %dma_start3A_1364 = tpu.memref_slice %arg3[%add3A_1361] : memref<9676800xf32, #tpu.memory_space<hbm>> -> memref<4200xf32, #tpu.memory_space<hbm>>
    %dma_start3A_1365 = arith.constant 12600 : i32
    %dma_start3A_1366 = tpu.memref_slice %arg7[%dma_start3A_1365] : memref<25200xf32, #tpu.memory_space<vmem>> -> memref<4200xf32, #tpu.memory_space<vmem>>
    %dma_start3A_1367 = tpu.memref_slice %arg3[%add3A_1361] : memref<9676800xf32, #tpu.memory_space<hbm>> -> memref<4200xf32, #tpu.memory_space<hbm>>
    tpu.enqueue_dma source(%dma_start3A_1367 : memref<4200xf32, #tpu.memory_space<hbm>>) target(%dma_start3A_1366 : memref<4200xf32, #tpu.memory_space<vmem>>) target_semaphore(%arg11 : memref<!tpu.dma_semaphore, #tpu.memory_space<semaphore_mem>>)
    %dma_wait3A_1368 = arith.constant 0 : i32
    %dma_wait3A_1369 = tpu.memref_slice %arg6[%dma_wait3A_1368] : memref<25200xf32, #tpu.memory_space<vmem>> -> memref<4200xf32, #tpu.memory_space<vmem>>
    %dma_wait3A_1370 = tpu.memref_slice %arg3[%add3A_1189] : memref<9676800xf32, #tpu.memory_space<hbm>> -> memref<4200xf32, #tpu.memory_space<hbm>>
    %dma_wait3A_1371 = arith.constant 0 : i32
    %dma_wait3A_1372 = tpu.memref_slice %arg6[%dma_wait3A_1371] : memref<25200xf32, #tpu.memory_space<vmem>> -> memref<4200xf32, #tpu.memory_space<vmem>>
    %dma_wait3A_1373 = tpu.memref_slice %arg3[%add3A_1189] : memref<9676800xf32, #tpu.memory_space<hbm>> -> memref<4200xf32, #tpu.memory_space<hbm>>
    tpu.wait_dma2 semaphore(%arg10 : memref<!tpu.dma_semaphore, #tpu.memory_space<semaphore_mem>>) src(%dma_wait3A_1373 : memref<4200xf32, #tpu.memory_space<hbm>>) dst(%dma_wait3A_1372 : memref<4200xf32, #tpu.memory_space<vmem>>)
    %dma_wait3A_1374 = arith.constant 4200 : i32
    %dma_wait3A_1375 = tpu.memref_slice %arg6[%dma_wait3A_1374] : memref<25200xf32, #tpu.memory_space<vmem>> -> memref<4200xf32, #tpu.memory_space<vmem>>
    %dma_wait3A_1376 = tpu.memref_slice %arg3[%add3A_1197] : memref<9676800xf32, #tpu.memory_space<hbm>> -> memref<4200xf32, #tpu.memory_space<hbm>>
    %dma_wait3A_1377 = arith.constant 4200 : i32
    %dma_wait3A_1378 = tpu.memref_slice %arg6[%dma_wait3A_1377] : memref<25200xf32, #tpu.memory_space<vmem>> -> memref<4200xf32, #tpu.memory_space<vmem>>
    %dma_wait3A_1379 = tpu.memref_slice %arg3[%add3A_1197] : memref<9676800xf32, #tpu.memory_space<hbm>> -> memref<4200xf32, #tpu.memory_space<hbm>>
    tpu.wait_dma2 semaphore(%arg10 : memref<!tpu.dma_semaphore, #tpu.memory_space<semaphore_mem>>) src(%dma_wait3A_1379 : memref<4200xf32, #tpu.memory_space<hbm>>) dst(%dma_wait3A_1378 : memref<4200xf32, #tpu.memory_space<vmem>>)
    %dma_wait3A_1380 = arith.constant 8400 : i32
    %dma_wait3A_1381 = tpu.memref_slice %arg6[%dma_wait3A_1380] : memref<25200xf32, #tpu.memory_space<vmem>> -> memref<4200xf32, #tpu.memory_space<vmem>>
    %dma_wait3A_1382 = tpu.memref_slice %arg3[%add3A_1205] : memref<9676800xf32, #tpu.memory_space<hbm>> -> memref<4200xf32, #tpu.memory_space<hbm>>
    %dma_wait3A_1383 = arith.constant 8400 : i32
    %dma_wait3A_1384 = tpu.memref_slice %arg6[%dma_wait3A_1383] : memref<25200xf32, #tpu.memory_space<vmem>> -> memref<4200xf32, #tpu.memory_space<vmem>>
    %dma_wait3A_1385 = tpu.memref_slice %arg3[%add3A_1205] : memref<9676800xf32, #tpu.memory_space<hbm>> -> memref<4200xf32, #tpu.memory_space<hbm>>
    tpu.wait_dma2 semaphore(%arg10 : memref<!tpu.dma_semaphore, #tpu.memory_space<semaphore_mem>>) src(%dma_wait3A_1385 : memref<4200xf32, #tpu.memory_space<hbm>>) dst(%dma_wait3A_1384 : memref<4200xf32, #tpu.memory_space<vmem>>)
    %dma_wait3A_1386 = arith.constant 12600 : i32
    %dma_wait3A_1387 = tpu.memref_slice %arg6[%dma_wait3A_1386] : memref<25200xf32, #tpu.memory_space<vmem>> -> memref<4200xf32, #tpu.memory_space<vmem>>
    %dma_wait3A_1388 = tpu.memref_slice %arg3[%add3A_1213] : memref<9676800xf32, #tpu.memory_space<hbm>> -> memref<4200xf32, #tpu.memory_space<hbm>>
    %dma_wait3A_1389 = arith.constant 12600 : i32
    %dma_wait3A_1390 = tpu.memref_slice %arg6[%dma_wait3A_1389] : memref<25200xf32, #tpu.memory_space<vmem>> -> memref<4200xf32, #tpu.memory_space<vmem>>
    %dma_wait3A_1391 = tpu.memref_slice %arg3[%add3A_1213] : memref<9676800xf32, #tpu.memory_space<hbm>> -> memref<4200xf32, #tpu.memory_space<hbm>>
    tpu.wait_dma2 semaphore(%arg10 : memref<!tpu.dma_semaphore, #tpu.memory_space<semaphore_mem>>) src(%dma_wait3A_1391 : memref<4200xf32, #tpu.memory_space<hbm>>) dst(%dma_wait3A_1390 : memref<4200xf32, #tpu.memory_space<vmem>>)
    %dma_wait3A_1392 = arith.constant 0 : i32
    %dma_wait3A_1393 = tpu.memref_slice %arg8[%dma_wait3A_1392] : memref<25200xf32, #tpu.memory_space<vmem>> -> memref<16800xf32, #tpu.memory_space<vmem>>
    %dma_wait3A_1394 = tpu.memref_slice %arg5[%mul3A_1143] : memref<9676800xf32, #tpu.memory_space<hbm>> -> memref<16800xf32, #tpu.memory_space<hbm>>
    %dma_wait3A_1395 = tpu.memref_slice %arg5[%mul3A_1143] : memref<9676800xf32, #tpu.memory_space<hbm>> -> memref<16800xf32, #tpu.memory_space<hbm>>
    %dma_wait3A_1396 = arith.constant 0 : i32
    %dma_wait3A_1397 = tpu.memref_slice %arg8[%dma_wait3A_1396] : memref<25200xf32, #tpu.memory_space<vmem>> -> memref<16800xf32, #tpu.memory_space<vmem>>
    tpu.wait_dma2 semaphore(%arg12 : memref<!tpu.dma_semaphore, #tpu.memory_space<semaphore_mem>>) src(%dma_wait3A_1397 : memref<16800xf32, #tpu.memory_space<vmem>>) dst(%dma_wait3A_1395 : memref<16800xf32, #tpu.memory_space<hbm>>)
    %shift_right_arithmetic3A_1398 = arith.constant 2 : i32
    %shift_right_arithmetic3A_1399 = vector.broadcast %shift_right_arithmetic3A_1398 : i32 to vector<16xi32>
    %shift_right_arithmetic3A_1400 = arith.shrsi %iota3A, %shift_right_arithmetic3A_1399 : vector<16xi32>
    %and3A_1401 = arith.constant 3 : i32
    %and3A_1402 = vector.broadcast %and3A_1401 : i32 to vector<16xi32>
    %and3A_1403 = arith.andi %iota3A, %and3A_1402 : vector<16xi32>
    %mul3A_1404 = arith.constant 4200 : i32
    %mul3A_1405 = vector.broadcast %mul3A_1404 : i32 to vector<16xi32>
    %mul3A_1406 = arith.muli %and3A_1403, %mul3A_1405 : vector<16xi32>
    %add3A_1407 = arith.addi %shift_right_arithmetic3A_1400, %mul3A_1406 : vector<16xi32>
    %mul3A_1408 = arith.constant 18 : i32
    %mul3A_1409 = arith.muli %add3A, %mul3A_1408 : i32
    %add3A_1410 = arith.constant 2 : i32
    %add3A_1411 = arith.addi %mul3A_1409, %add3A_1410 : i32
    %jit3A_1412 = arith.constant 9 : i32
    %div3A_1413 = arith.divsi %add3A_1411, %jit3A_1412 : i32
    %sign3A_1414 = arith.constant 0 : i32
    %sign3A_1415 = arith.cmpi sgt, %add3A_1411, %sign3A_1414 : i32
    %sign3A_1416 = arith.extui %sign3A_1415 : i1 to i32
    %sign3A_1417 = arith.constant 0 : i32
    %sign3A_1418 = arith.cmpi slt, %add3A_1411, %sign3A_1417 : i32
    %sign3A_1419 = arith.extui %sign3A_1418 : i1 to i32
    %sign3A_1420 = arith.subi %sign3A_1416, %sign3A_1419 : i32
    %sign3A_1421 = arith.constant 0 : i32
    %sign3A_1422 = arith.cmpi sgt, %jit3A_1412, %sign3A_1421 : i32
    %sign3A_1423 = arith.extui %sign3A_1422 : i1 to i32
    %sign3A_1424 = arith.constant 0 : i32
    %sign3A_1425 = arith.cmpi slt, %jit3A_1412, %sign3A_1424 : i32
    %sign3A_1426 = arith.extui %sign3A_1425 : i1 to i32
    %sign3A_1427 = arith.subi %sign3A_1423, %sign3A_1426 : i32
    %ne3A_1428 = arith.cmpi ne, %sign3A_1420, %sign3A_1427 : i32
    %rem3A_1429 = arith.remsi %add3A_1411, %jit3A_1412 : i32
    %ne3A_1430 = arith.constant 0 : i32
    %ne3A_1431 = arith.cmpi ne, %rem3A_1429, %ne3A_1430 : i32
    %and3A_1432 = arith.andi %ne3A_1428, %ne3A_1431 : i1
    %sub3A_1433 = arith.constant 1 : i32
    %sub3A_1434 = arith.subi %div3A_1413, %sub3A_1433 : i32
    %select_n3A_1435 = arith.select %and3A_1432, %sub3A_1434, %div3A_1413 : i32
    %mul3A_1436 = arith.constant 9 : i32
    %mul3A_1437 = arith.muli %select_n3A_1435, %mul3A_1436 : i32
    %sub3A_1438 = arith.subi %add3A_1411, %mul3A_1437 : i32
    %mul3A_1439 = arith.constant 9 : i32
    %mul3A_1440 = arith.muli %select_n3A_1435, %mul3A_1439 : i32
    %add3A_1441 = arith.addi %mul3A_1440, %sub3A_1438 : i32
    %mul3A_1442 = arith.constant 4 : i32
    %mul3A_1443 = arith.muli %add3A_1441, %mul3A_1442 : i32
    %mul3A_1444 = arith.constant 4200 : i32
    %mul3A_1445 = arith.muli %mul3A_1443, %mul3A_1444 : i32
    %dma_start3A_1446 = arith.constant 0 : i32
    %dma_start3A_1447 = tpu.memref_slice %arg8[%dma_start3A_1446] : memref<25200xf32, #tpu.memory_space<vmem>> -> memref<16800xf32, #tpu.memory_space<vmem>>
    %dma_start3A_1448 = tpu.memref_slice %arg5[%mul3A_1445] : memref<9676800xf32, #tpu.memory_space<hbm>> -> memref<16800xf32, #tpu.memory_space<hbm>>
    %dma_start3A_1449 = tpu.memref_slice %arg5[%mul3A_1445] : memref<9676800xf32, #tpu.memory_space<hbm>> -> memref<16800xf32, #tpu.memory_space<hbm>>
    %dma_start3A_1450 = arith.constant 0 : i32
    %dma_start3A_1451 = tpu.memref_slice %arg8[%dma_start3A_1450] : memref<25200xf32, #tpu.memory_space<vmem>> -> memref<16800xf32, #tpu.memory_space<vmem>>
    tpu.enqueue_dma source(%dma_start3A_1451 : memref<16800xf32, #tpu.memory_space<vmem>>) target(%dma_start3A_1449 : memref<16800xf32, #tpu.memory_space<hbm>>) target_semaphore(%arg12 : memref<!tpu.dma_semaphore, #tpu.memory_space<semaphore_mem>>)
    %mul3A_1452 = arith.constant 18 : i32
    %mul3A_1453 = arith.muli %add3A, %mul3A_1452 : i32
    %add3A_1454 = arith.constant 4 : i32
    %add3A_1455 = arith.addi %mul3A_1453, %add3A_1454 : i32
    %jit3A_1456 = arith.constant 9 : i32
    %div3A_1457 = arith.divsi %add3A_1455, %jit3A_1456 : i32
    %sign3A_1458 = arith.constant 0 : i32
    %sign3A_1459 = arith.cmpi sgt, %add3A_1455, %sign3A_1458 : i32
    %sign3A_1460 = arith.extui %sign3A_1459 : i1 to i32
    %sign3A_1461 = arith.constant 0 : i32
    %sign3A_1462 = arith.cmpi slt, %add3A_1455, %sign3A_1461 : i32
    %sign3A_1463 = arith.extui %sign3A_1462 : i1 to i32
    %sign3A_1464 = arith.subi %sign3A_1460, %sign3A_1463 : i32
    %sign3A_1465 = arith.constant 0 : i32
    %sign3A_1466 = arith.cmpi sgt, %jit3A_1456, %sign3A_1465 : i32
    %sign3A_1467 = arith.extui %sign3A_1466 : i1 to i32
    %sign3A_1468 = arith.constant 0 : i32
    %sign3A_1469 = arith.cmpi slt, %jit3A_1456, %sign3A_1468 : i32
    %sign3A_1470 = arith.extui %sign3A_1469 : i1 to i32
    %sign3A_1471 = arith.subi %sign3A_1467, %sign3A_1470 : i32
    %ne3A_1472 = arith.cmpi ne, %sign3A_1464, %sign3A_1471 : i32
    %rem3A_1473 = arith.remsi %add3A_1455, %jit3A_1456 : i32
    %ne3A_1474 = arith.constant 0 : i32
    %ne3A_1475 = arith.cmpi ne, %rem3A_1473, %ne3A_1474 : i32
    %and3A_1476 = arith.andi %ne3A_1472, %ne3A_1475 : i1
    %sub3A_1477 = arith.constant 1 : i32
    %sub3A_1478 = arith.subi %div3A_1457, %sub3A_1477 : i32
    %select_n3A_1479 = arith.select %and3A_1476, %sub3A_1478, %div3A_1457 : i32
    %mul3A_1480 = arith.constant 9 : i32
    %mul3A_1481 = arith.muli %select_n3A_1479, %mul3A_1480 : i32
    %sub3A_1482 = arith.subi %add3A_1455, %mul3A_1481 : i32
    %mul3A_1483 = arith.constant 4 : i32
    %mul3A_1484 = arith.muli %select_n3A_1479, %mul3A_1483 : i32
    %mul3A_1485 = arith.constant 9 : i32
    %mul3A_1486 = arith.muli %mul3A_1484, %mul3A_1485 : i32
    %add3A_1487 = arith.addi %mul3A_1486, %sub3A_1482 : i32
    %mul3A_1488 = arith.constant 4200 : i32
    %mul3A_1489 = arith.muli %add3A_1487, %mul3A_1488 : i32
    %add3A_1490 = arith.constant 0 : i32
    %add3A_1491 = arith.addi %mul3A_1489, %add3A_1490 : i32
    %dma_start3A_1492 = arith.constant 0 : i32
    %dma_start3A_1493 = tpu.memref_slice %arg6[%dma_start3A_1492] : memref<25200xf32, #tpu.memory_space<vmem>> -> memref<4200xf32, #tpu.memory_space<vmem>>
    %dma_start3A_1494 = tpu.memref_slice %arg3[%add3A_1491] : memref<9676800xf32, #tpu.memory_space<hbm>> -> memref<4200xf32, #tpu.memory_space<hbm>>
    %dma_start3A_1495 = arith.constant 0 : i32
    %dma_start3A_1496 = tpu.memref_slice %arg6[%dma_start3A_1495] : memref<25200xf32, #tpu.memory_space<vmem>> -> memref<4200xf32, #tpu.memory_space<vmem>>
    %dma_start3A_1497 = tpu.memref_slice %arg3[%add3A_1491] : memref<9676800xf32, #tpu.memory_space<hbm>> -> memref<4200xf32, #tpu.memory_space<hbm>>
    tpu.enqueue_dma source(%dma_start3A_1497 : memref<4200xf32, #tpu.memory_space<hbm>>) target(%dma_start3A_1496 : memref<4200xf32, #tpu.memory_space<vmem>>) target_semaphore(%arg10 : memref<!tpu.dma_semaphore, #tpu.memory_space<semaphore_mem>>)
    %add3A_1498 = arith.constant 37800 : i32
    %add3A_1499 = arith.addi %mul3A_1489, %add3A_1498 : i32
    %dma_start3A_1500 = arith.constant 4200 : i32
    %dma_start3A_1501 = tpu.memref_slice %arg6[%dma_start3A_1500] : memref<25200xf32, #tpu.memory_space<vmem>> -> memref<4200xf32, #tpu.memory_space<vmem>>
    %dma_start3A_1502 = tpu.memref_slice %arg3[%add3A_1499] : memref<9676800xf32, #tpu.memory_space<hbm>> -> memref<4200xf32, #tpu.memory_space<hbm>>
    %dma_start3A_1503 = arith.constant 4200 : i32
    %dma_start3A_1504 = tpu.memref_slice %arg6[%dma_start3A_1503] : memref<25200xf32, #tpu.memory_space<vmem>> -> memref<4200xf32, #tpu.memory_space<vmem>>
    %dma_start3A_1505 = tpu.memref_slice %arg3[%add3A_1499] : memref<9676800xf32, #tpu.memory_space<hbm>> -> memref<4200xf32, #tpu.memory_space<hbm>>
    tpu.enqueue_dma source(%dma_start3A_1505 : memref<4200xf32, #tpu.memory_space<hbm>>) target(%dma_start3A_1504 : memref<4200xf32, #tpu.memory_space<vmem>>) target_semaphore(%arg10 : memref<!tpu.dma_semaphore, #tpu.memory_space<semaphore_mem>>)
    %add3A_1506 = arith.constant 75600 : i32
    %add3A_1507 = arith.addi %mul3A_1489, %add3A_1506 : i32
    %dma_start3A_1508 = arith.constant 8400 : i32
    %dma_start3A_1509 = tpu.memref_slice %arg6[%dma_start3A_1508] : memref<25200xf32, #tpu.memory_space<vmem>> -> memref<4200xf32, #tpu.memory_space<vmem>>
    %dma_start3A_1510 = tpu.memref_slice %arg3[%add3A_1507] : memref<9676800xf32, #tpu.memory_space<hbm>> -> memref<4200xf32, #tpu.memory_space<hbm>>
    %dma_start3A_1511 = arith.constant 8400 : i32
    %dma_start3A_1512 = tpu.memref_slice %arg6[%dma_start3A_1511] : memref<25200xf32, #tpu.memory_space<vmem>> -> memref<4200xf32, #tpu.memory_space<vmem>>
    %dma_start3A_1513 = tpu.memref_slice %arg3[%add3A_1507] : memref<9676800xf32, #tpu.memory_space<hbm>> -> memref<4200xf32, #tpu.memory_space<hbm>>
    tpu.enqueue_dma source(%dma_start3A_1513 : memref<4200xf32, #tpu.memory_space<hbm>>) target(%dma_start3A_1512 : memref<4200xf32, #tpu.memory_space<vmem>>) target_semaphore(%arg10 : memref<!tpu.dma_semaphore, #tpu.memory_space<semaphore_mem>>)
    %add3A_1514 = arith.constant 113400 : i32
    %add3A_1515 = arith.addi %mul3A_1489, %add3A_1514 : i32
    %dma_start3A_1516 = arith.constant 12600 : i32
    %dma_start3A_1517 = tpu.memref_slice %arg6[%dma_start3A_1516] : memref<25200xf32, #tpu.memory_space<vmem>> -> memref<4200xf32, #tpu.memory_space<vmem>>
    %dma_start3A_1518 = tpu.memref_slice %arg3[%add3A_1515] : memref<9676800xf32, #tpu.memory_space<hbm>> -> memref<4200xf32, #tpu.memory_space<hbm>>
    %dma_start3A_1519 = arith.constant 12600 : i32
    %dma_start3A_1520 = tpu.memref_slice %arg6[%dma_start3A_1519] : memref<25200xf32, #tpu.memory_space<vmem>> -> memref<4200xf32, #tpu.memory_space<vmem>>
    %dma_start3A_1521 = tpu.memref_slice %arg3[%add3A_1515] : memref<9676800xf32, #tpu.memory_space<hbm>> -> memref<4200xf32, #tpu.memory_space<hbm>>
    tpu.enqueue_dma source(%dma_start3A_1521 : memref<4200xf32, #tpu.memory_space<hbm>>) target(%dma_start3A_1520 : memref<4200xf32, #tpu.memory_space<vmem>>) target_semaphore(%arg10 : memref<!tpu.dma_semaphore, #tpu.memory_space<semaphore_mem>>)
    %dma_wait3A_1522 = arith.constant 0 : i32
    %dma_wait3A_1523 = tpu.memref_slice %arg7[%dma_wait3A_1522] : memref<25200xf32, #tpu.memory_space<vmem>> -> memref<4200xf32, #tpu.memory_space<vmem>>
    %dma_wait3A_1524 = tpu.memref_slice %arg3[%add3A_1337] : memref<9676800xf32, #tpu.memory_space<hbm>> -> memref<4200xf32, #tpu.memory_space<hbm>>
    %dma_wait3A_1525 = arith.constant 0 : i32
    %dma_wait3A_1526 = tpu.memref_slice %arg7[%dma_wait3A_1525] : memref<25200xf32, #tpu.memory_space<vmem>> -> memref<4200xf32, #tpu.memory_space<vmem>>
    %dma_wait3A_1527 = tpu.memref_slice %arg3[%add3A_1337] : memref<9676800xf32, #tpu.memory_space<hbm>> -> memref<4200xf32, #tpu.memory_space<hbm>>
    tpu.wait_dma2 semaphore(%arg11 : memref<!tpu.dma_semaphore, #tpu.memory_space<semaphore_mem>>) src(%dma_wait3A_1527 : memref<4200xf32, #tpu.memory_space<hbm>>) dst(%dma_wait3A_1526 : memref<4200xf32, #tpu.memory_space<vmem>>)
    %dma_wait3A_1528 = arith.constant 4200 : i32
    %dma_wait3A_1529 = tpu.memref_slice %arg7[%dma_wait3A_1528] : memref<25200xf32, #tpu.memory_space<vmem>> -> memref<4200xf32, #tpu.memory_space<vmem>>
    %dma_wait3A_1530 = tpu.memref_slice %arg3[%add3A_1345] : memref<9676800xf32, #tpu.memory_space<hbm>> -> memref<4200xf32, #tpu.memory_space<hbm>>
    %dma_wait3A_1531 = arith.constant 4200 : i32
    %dma_wait3A_1532 = tpu.memref_slice %arg7[%dma_wait3A_1531] : memref<25200xf32, #tpu.memory_space<vmem>> -> memref<4200xf32, #tpu.memory_space<vmem>>
    %dma_wait3A_1533 = tpu.memref_slice %arg3[%add3A_1345] : memref<9676800xf32, #tpu.memory_space<hbm>> -> memref<4200xf32, #tpu.memory_space<hbm>>
    tpu.wait_dma2 semaphore(%arg11 : memref<!tpu.dma_semaphore, #tpu.memory_space<semaphore_mem>>) src(%dma_wait3A_1533 : memref<4200xf32, #tpu.memory_space<hbm>>) dst(%dma_wait3A_1532 : memref<4200xf32, #tpu.memory_space<vmem>>)
    %dma_wait3A_1534 = arith.constant 8400 : i32
    %dma_wait3A_1535 = tpu.memref_slice %arg7[%dma_wait3A_1534] : memref<25200xf32, #tpu.memory_space<vmem>> -> memref<4200xf32, #tpu.memory_space<vmem>>
    %dma_wait3A_1536 = tpu.memref_slice %arg3[%add3A_1353] : memref<9676800xf32, #tpu.memory_space<hbm>> -> memref<4200xf32, #tpu.memory_space<hbm>>
    %dma_wait3A_1537 = arith.constant 8400 : i32
    %dma_wait3A_1538 = tpu.memref_slice %arg7[%dma_wait3A_1537] : memref<25200xf32, #tpu.memory_space<vmem>> -> memref<4200xf32, #tpu.memory_space<vmem>>
    %dma_wait3A_1539 = tpu.memref_slice %arg3[%add3A_1353] : memref<9676800xf32, #tpu.memory_space<hbm>> -> memref<4200xf32, #tpu.memory_space<hbm>>
    tpu.wait_dma2 semaphore(%arg11 : memref<!tpu.dma_semaphore, #tpu.memory_space<semaphore_mem>>) src(%dma_wait3A_1539 : memref<4200xf32, #tpu.memory_space<hbm>>) dst(%dma_wait3A_1538 : memref<4200xf32, #tpu.memory_space<vmem>>)
    %dma_wait3A_1540 = arith.constant 12600 : i32
    %dma_wait3A_1541 = tpu.memref_slice %arg7[%dma_wait3A_1540] : memref<25200xf32, #tpu.memory_space<vmem>> -> memref<4200xf32, #tpu.memory_space<vmem>>
    %dma_wait3A_1542 = tpu.memref_slice %arg3[%add3A_1361] : memref<9676800xf32, #tpu.memory_space<hbm>> -> memref<4200xf32, #tpu.memory_space<hbm>>
    %dma_wait3A_1543 = arith.constant 12600 : i32
    %dma_wait3A_1544 = tpu.memref_slice %arg7[%dma_wait3A_1543] : memref<25200xf32, #tpu.memory_space<vmem>> -> memref<4200xf32, #tpu.memory_space<vmem>>
    %dma_wait3A_1545 = tpu.memref_slice %arg3[%add3A_1361] : memref<9676800xf32, #tpu.memory_space<hbm>> -> memref<4200xf32, #tpu.memory_space<hbm>>
    tpu.wait_dma2 semaphore(%arg11 : memref<!tpu.dma_semaphore, #tpu.memory_space<semaphore_mem>>) src(%dma_wait3A_1545 : memref<4200xf32, #tpu.memory_space<hbm>>) dst(%dma_wait3A_1544 : memref<4200xf32, #tpu.memory_space<vmem>>)
    %dma_wait3A_1546 = arith.constant 0 : i32
    %dma_wait3A_1547 = tpu.memref_slice %arg9[%dma_wait3A_1546] : memref<25200xf32, #tpu.memory_space<vmem>> -> memref<16800xf32, #tpu.memory_space<vmem>>
    %dma_wait3A_1548 = tpu.memref_slice %arg5[%mul3A_1291] : memref<9676800xf32, #tpu.memory_space<hbm>> -> memref<16800xf32, #tpu.memory_space<hbm>>
    %dma_wait3A_1549 = tpu.memref_slice %arg5[%mul3A_1291] : memref<9676800xf32, #tpu.memory_space<hbm>> -> memref<16800xf32, #tpu.memory_space<hbm>>
    %dma_wait3A_1550 = arith.constant 0 : i32
    %dma_wait3A_1551 = tpu.memref_slice %arg9[%dma_wait3A_1550] : memref<25200xf32, #tpu.memory_space<vmem>> -> memref<16800xf32, #tpu.memory_space<vmem>>
    tpu.wait_dma2 semaphore(%arg13 : memref<!tpu.dma_semaphore, #tpu.memory_space<semaphore_mem>>) src(%dma_wait3A_1551 : memref<16800xf32, #tpu.memory_space<vmem>>) dst(%dma_wait3A_1549 : memref<16800xf32, #tpu.memory_space<hbm>>)
    %shift_right_arithmetic3A_1552 = arith.constant 2 : i32
    %shift_right_arithmetic3A_1553 = vector.broadcast %shift_right_arithmetic3A_1552 : i32 to vector<16xi32>
    %shift_right_arithmetic3A_1554 = arith.shrsi %iota3A, %shift_right_arithmetic3A_1553 : vector<16xi32>
    %and3A_1555 = arith.constant 3 : i32
    %and3A_1556 = vector.broadcast %and3A_1555 : i32 to vector<16xi32>
    %and3A_1557 = arith.andi %iota3A, %and3A_1556 : vector<16xi32>
    %mul3A_1558 = arith.constant 4200 : i32
    %mul3A_1559 = vector.broadcast %mul3A_1558 : i32 to vector<16xi32>
    %mul3A_1560 = arith.muli %and3A_1557, %mul3A_1559 : vector<16xi32>
    %add3A_1561 = arith.addi %shift_right_arithmetic3A_1554, %mul3A_1560 : vector<16xi32>
    %mul3A_1562 = arith.constant 18 : i32
    %mul3A_1563 = arith.muli %add3A, %mul3A_1562 : i32
    %add3A_1564 = arith.constant 3 : i32
    %add3A_1565 = arith.addi %mul3A_1563, %add3A_1564 : i32
    %jit3A_1566 = arith.constant 9 : i32
    %div3A_1567 = arith.divsi %add3A_1565, %jit3A_1566 : i32
    %sign3A_1568 = arith.constant 0 : i32
    %sign3A_1569 = arith.cmpi sgt, %add3A_1565, %sign3A_1568 : i32
    %sign3A_1570 = arith.extui %sign3A_1569 : i1 to i32
    %sign3A_1571 = arith.constant 0 : i32
    %sign3A_1572 = arith.cmpi slt, %add3A_1565, %sign3A_1571 : i32
    %sign3A_1573 = arith.extui %sign3A_1572 : i1 to i32
    %sign3A_1574 = arith.subi %sign3A_1570, %sign3A_1573 : i32
    %sign3A_1575 = arith.constant 0 : i32
    %sign3A_1576 = arith.cmpi sgt, %jit3A_1566, %sign3A_1575 : i32
    %sign3A_1577 = arith.extui %sign3A_1576 : i1 to i32
    %sign3A_1578 = arith.constant 0 : i32
    %sign3A_1579 = arith.cmpi slt, %jit3A_1566, %sign3A_1578 : i32
    %sign3A_1580 = arith.extui %sign3A_1579 : i1 to i32
    %sign3A_1581 = arith.subi %sign3A_1577, %sign3A_1580 : i32
    %ne3A_1582 = arith.cmpi ne, %sign3A_1574, %sign3A_1581 : i32
    %rem3A_1583 = arith.remsi %add3A_1565, %jit3A_1566 : i32
    %ne3A_1584 = arith.constant 0 : i32
    %ne3A_1585 = arith.cmpi ne, %rem3A_1583, %ne3A_1584 : i32
    %and3A_1586 = arith.andi %ne3A_1582, %ne3A_1585 : i1
    %sub3A_1587 = arith.constant 1 : i32
    %sub3A_1588 = arith.subi %div3A_1567, %sub3A_1587 : i32
    %select_n3A_1589 = arith.select %and3A_1586, %sub3A_1588, %div3A_1567 : i32
    %mul3A_1590 = arith.constant 9 : i32
    %mul3A_1591 = arith.muli %select_n3A_1589, %mul3A_1590 : i32
    %sub3A_1592 = arith.subi %add3A_1565, %mul3A_1591 : i32
    %mul3A_1593 = arith.constant 9 : i32
    %mul3A_1594 = arith.muli %select_n3A_1589, %mul3A_1593 : i32
    %add3A_1595 = arith.addi %mul3A_1594, %sub3A_1592 : i32
    %mul3A_1596 = arith.constant 4 : i32
    %mul3A_1597 = arith.muli %add3A_1595, %mul3A_1596 : i32
    %mul3A_1598 = arith.constant 4200 : i32
    %mul3A_1599 = arith.muli %mul3A_1597, %mul3A_1598 : i32
    %dma_start3A_1600 = arith.constant 0 : i32
    %dma_start3A_1601 = tpu.memref_slice %arg9[%dma_start3A_1600] : memref<25200xf32, #tpu.memory_space<vmem>> -> memref<16800xf32, #tpu.memory_space<vmem>>
    %dma_start3A_1602 = tpu.memref_slice %arg5[%mul3A_1599] : memref<9676800xf32, #tpu.memory_space<hbm>> -> memref<16800xf32, #tpu.memory_space<hbm>>
    %dma_start3A_1603 = tpu.memref_slice %arg5[%mul3A_1599] : memref<9676800xf32, #tpu.memory_space<hbm>> -> memref<16800xf32, #tpu.memory_space<hbm>>
    %dma_start3A_1604 = arith.constant 0 : i32
    %dma_start3A_1605 = tpu.memref_slice %arg9[%dma_start3A_1604] : memref<25200xf32, #tpu.memory_space<vmem>> -> memref<16800xf32, #tpu.memory_space<vmem>>
    tpu.enqueue_dma source(%dma_start3A_1605 : memref<16800xf32, #tpu.memory_space<vmem>>) target(%dma_start3A_1603 : memref<16800xf32, #tpu.memory_space<hbm>>) target_semaphore(%arg13 : memref<!tpu.dma_semaphore, #tpu.memory_space<semaphore_mem>>)
    %mul3A_1606 = arith.constant 18 : i32
    %mul3A_1607 = arith.muli %add3A, %mul3A_1606 : i32
    %add3A_1608 = arith.constant 5 : i32
    %add3A_1609 = arith.addi %mul3A_1607, %add3A_1608 : i32
    %jit3A_1610 = arith.constant 9 : i32
    %div3A_1611 = arith.divsi %add3A_1609, %jit3A_1610 : i32
    %sign3A_1612 = arith.constant 0 : i32
    %sign3A_1613 = arith.cmpi sgt, %add3A_1609, %sign3A_1612 : i32
    %sign3A_1614 = arith.extui %sign3A_1613 : i1 to i32
    %sign3A_1615 = arith.constant 0 : i32
    %sign3A_1616 = arith.cmpi slt, %add3A_1609, %sign3A_1615 : i32
    %sign3A_1617 = arith.extui %sign3A_1616 : i1 to i32
    %sign3A_1618 = arith.subi %sign3A_1614, %sign3A_1617 : i32
    %sign3A_1619 = arith.constant 0 : i32
    %sign3A_1620 = arith.cmpi sgt, %jit3A_1610, %sign3A_1619 : i32
    %sign3A_1621 = arith.extui %sign3A_1620 : i1 to i32
    %sign3A_1622 = arith.constant 0 : i32
    %sign3A_1623 = arith.cmpi slt, %jit3A_1610, %sign3A_1622 : i32
    %sign3A_1624 = arith.extui %sign3A_1623 : i1 to i32
    %sign3A_1625 = arith.subi %sign3A_1621, %sign3A_1624 : i32
    %ne3A_1626 = arith.cmpi ne, %sign3A_1618, %sign3A_1625 : i32
    %rem3A_1627 = arith.remsi %add3A_1609, %jit3A_1610 : i32
    %ne3A_1628 = arith.constant 0 : i32
    %ne3A_1629 = arith.cmpi ne, %rem3A_1627, %ne3A_1628 : i32
    %and3A_1630 = arith.andi %ne3A_1626, %ne3A_1629 : i1
    %sub3A_1631 = arith.constant 1 : i32
    %sub3A_1632 = arith.subi %div3A_1611, %sub3A_1631 : i32
    %select_n3A_1633 = arith.select %and3A_1630, %sub3A_1632, %div3A_1611 : i32
    %mul3A_1634 = arith.constant 9 : i32
    %mul3A_1635 = arith.muli %select_n3A_1633, %mul3A_1634 : i32
    %sub3A_1636 = arith.subi %add3A_1609, %mul3A_1635 : i32
    %mul3A_1637 = arith.constant 4 : i32
    %mul3A_1638 = arith.muli %select_n3A_1633, %mul3A_1637 : i32
    %mul3A_1639 = arith.constant 9 : i32
    %mul3A_1640 = arith.muli %mul3A_1638, %mul3A_1639 : i32
    %add3A_1641 = arith.addi %mul3A_1640, %sub3A_1636 : i32
    %mul3A_1642 = arith.constant 4200 : i32
    %mul3A_1643 = arith.muli %add3A_1641, %mul3A_1642 : i32
    %add3A_1644 = arith.constant 0 : i32
    %add3A_1645 = arith.addi %mul3A_1643, %add3A_1644 : i32
    %dma_start3A_1646 = arith.constant 0 : i32
    %dma_start3A_1647 = tpu.memref_slice %arg7[%dma_start3A_1646] : memref<25200xf32, #tpu.memory_space<vmem>> -> memref<4200xf32, #tpu.memory_space<vmem>>
    %dma_start3A_1648 = tpu.memref_slice %arg3[%add3A_1645] : memref<9676800xf32, #tpu.memory_space<hbm>> -> memref<4200xf32, #tpu.memory_space<hbm>>
    %dma_start3A_1649 = arith.constant 0 : i32
    %dma_start3A_1650 = tpu.memref_slice %arg7[%dma_start3A_1649] : memref<25200xf32, #tpu.memory_space<vmem>> -> memref<4200xf32, #tpu.memory_space<vmem>>
    %dma_start3A_1651 = tpu.memref_slice %arg3[%add3A_1645] : memref<9676800xf32, #tpu.memory_space<hbm>> -> memref<4200xf32, #tpu.memory_space<hbm>>
    tpu.enqueue_dma source(%dma_start3A_1651 : memref<4200xf32, #tpu.memory_space<hbm>>) target(%dma_start3A_1650 : memref<4200xf32, #tpu.memory_space<vmem>>) target_semaphore(%arg11 : memref<!tpu.dma_semaphore, #tpu.memory_space<semaphore_mem>>)
    %add3A_1652 = arith.constant 37800 : i32
    %add3A_1653 = arith.addi %mul3A_1643, %add3A_1652 : i32
    %dma_start3A_1654 = arith.constant 4200 : i32
    %dma_start3A_1655 = tpu.memref_slice %arg7[%dma_start3A_1654] : memref<25200xf32, #tpu.memory_space<vmem>> -> memref<4200xf32, #tpu.memory_space<vmem>>
    %dma_start3A_1656 = tpu.memref_slice %arg3[%add3A_1653] : memref<9676800xf32, #tpu.memory_space<hbm>> -> memref<4200xf32, #tpu.memory_space<hbm>>
    %dma_start3A_1657 = arith.constant 4200 : i32
    %dma_start3A_1658 = tpu.memref_slice %arg7[%dma_start3A_1657] : memref<25200xf32, #tpu.memory_space<vmem>> -> memref<4200xf32, #tpu.memory_space<vmem>>
    %dma_start3A_1659 = tpu.memref_slice %arg3[%add3A_1653] : memref<9676800xf32, #tpu.memory_space<hbm>> -> memref<4200xf32, #tpu.memory_space<hbm>>
    tpu.enqueue_dma source(%dma_start3A_1659 : memref<4200xf32, #tpu.memory_space<hbm>>) target(%dma_start3A_1658 : memref<4200xf32, #tpu.memory_space<vmem>>) target_semaphore(%arg11 : memref<!tpu.dma_semaphore, #tpu.memory_space<semaphore_mem>>)
    %add3A_1660 = arith.constant 75600 : i32
    %add3A_1661 = arith.addi %mul3A_1643, %add3A_1660 : i32
    %dma_start3A_1662 = arith.constant 8400 : i32
    %dma_start3A_1663 = tpu.memref_slice %arg7[%dma_start3A_1662] : memref<25200xf32, #tpu.memory_space<vmem>> -> memref<4200xf32, #tpu.memory_space<vmem>>
    %dma_start3A_1664 = tpu.memref_slice %arg3[%add3A_1661] : memref<9676800xf32, #tpu.memory_space<hbm>> -> memref<4200xf32, #tpu.memory_space<hbm>>
    %dma_start3A_1665 = arith.constant 8400 : i32
    %dma_start3A_1666 = tpu.memref_slice %arg7[%dma_start3A_1665] : memref<25200xf32, #tpu.memory_space<vmem>> -> memref<4200xf32, #tpu.memory_space<vmem>>
    %dma_start3A_1667 = tpu.memref_slice %arg3[%add3A_1661] : memref<9676800xf32, #tpu.memory_space<hbm>> -> memref<4200xf32, #tpu.memory_space<hbm>>
    tpu.enqueue_dma source(%dma_start3A_1667 : memref<4200xf32, #tpu.memory_space<hbm>>) target(%dma_start3A_1666 : memref<4200xf32, #tpu.memory_space<vmem>>) target_semaphore(%arg11 : memref<!tpu.dma_semaphore, #tpu.memory_space<semaphore_mem>>)
    %add3A_1668 = arith.constant 113400 : i32
    %add3A_1669 = arith.addi %mul3A_1643, %add3A_1668 : i32
    %dma_start3A_1670 = arith.constant 12600 : i32
    %dma_start3A_1671 = tpu.memref_slice %arg7[%dma_start3A_1670] : memref<25200xf32, #tpu.memory_space<vmem>> -> memref<4200xf32, #tpu.memory_space<vmem>>
    %dma_start3A_1672 = tpu.memref_slice %arg3[%add3A_1669] : memref<9676800xf32, #tpu.memory_space<hbm>> -> memref<4200xf32, #tpu.memory_space<hbm>>
    %dma_start3A_1673 = arith.constant 12600 : i32
    %dma_start3A_1674 = tpu.memref_slice %arg7[%dma_start3A_1673] : memref<25200xf32, #tpu.memory_space<vmem>> -> memref<4200xf32, #tpu.memory_space<vmem>>
    %dma_start3A_1675 = tpu.memref_slice %arg3[%add3A_1669] : memref<9676800xf32, #tpu.memory_space<hbm>> -> memref<4200xf32, #tpu.memory_space<hbm>>
    tpu.enqueue_dma source(%dma_start3A_1675 : memref<4200xf32, #tpu.memory_space<hbm>>) target(%dma_start3A_1674 : memref<4200xf32, #tpu.memory_space<vmem>>) target_semaphore(%arg11 : memref<!tpu.dma_semaphore, #tpu.memory_space<semaphore_mem>>)
    %dma_wait3A_1676 = arith.constant 0 : i32
    %dma_wait3A_1677 = tpu.memref_slice %arg6[%dma_wait3A_1676] : memref<25200xf32, #tpu.memory_space<vmem>> -> memref<4200xf32, #tpu.memory_space<vmem>>
    %dma_wait3A_1678 = tpu.memref_slice %arg3[%add3A_1491] : memref<9676800xf32, #tpu.memory_space<hbm>> -> memref<4200xf32, #tpu.memory_space<hbm>>
    %dma_wait3A_1679 = arith.constant 0 : i32
    %dma_wait3A_1680 = tpu.memref_slice %arg6[%dma_wait3A_1679] : memref<25200xf32, #tpu.memory_space<vmem>> -> memref<4200xf32, #tpu.memory_space<vmem>>
    %dma_wait3A_1681 = tpu.memref_slice %arg3[%add3A_1491] : memref<9676800xf32, #tpu.memory_space<hbm>> -> memref<4200xf32, #tpu.memory_space<hbm>>
    tpu.wait_dma2 semaphore(%arg10 : memref<!tpu.dma_semaphore, #tpu.memory_space<semaphore_mem>>) src(%dma_wait3A_1681 : memref<4200xf32, #tpu.memory_space<hbm>>) dst(%dma_wait3A_1680 : memref<4200xf32, #tpu.memory_space<vmem>>)
    %dma_wait3A_1682 = arith.constant 4200 : i32
    %dma_wait3A_1683 = tpu.memref_slice %arg6[%dma_wait3A_1682] : memref<25200xf32, #tpu.memory_space<vmem>> -> memref<4200xf32, #tpu.memory_space<vmem>>
    %dma_wait3A_1684 = tpu.memref_slice %arg3[%add3A_1499] : memref<9676800xf32, #tpu.memory_space<hbm>> -> memref<4200xf32, #tpu.memory_space<hbm>>
    %dma_wait3A_1685 = arith.constant 4200 : i32
    %dma_wait3A_1686 = tpu.memref_slice %arg6[%dma_wait3A_1685] : memref<25200xf32, #tpu.memory_space<vmem>> -> memref<4200xf32, #tpu.memory_space<vmem>>
    %dma_wait3A_1687 = tpu.memref_slice %arg3[%add3A_1499] : memref<9676800xf32, #tpu.memory_space<hbm>> -> memref<4200xf32, #tpu.memory_space<hbm>>
    tpu.wait_dma2 semaphore(%arg10 : memref<!tpu.dma_semaphore, #tpu.memory_space<semaphore_mem>>) src(%dma_wait3A_1687 : memref<4200xf32, #tpu.memory_space<hbm>>) dst(%dma_wait3A_1686 : memref<4200xf32, #tpu.memory_space<vmem>>)
    %dma_wait3A_1688 = arith.constant 8400 : i32
    %dma_wait3A_1689 = tpu.memref_slice %arg6[%dma_wait3A_1688] : memref<25200xf32, #tpu.memory_space<vmem>> -> memref<4200xf32, #tpu.memory_space<vmem>>
    %dma_wait3A_1690 = tpu.memref_slice %arg3[%add3A_1507] : memref<9676800xf32, #tpu.memory_space<hbm>> -> memref<4200xf32, #tpu.memory_space<hbm>>
    %dma_wait3A_1691 = arith.constant 8400 : i32
    %dma_wait3A_1692 = tpu.memref_slice %arg6[%dma_wait3A_1691] : memref<25200xf32, #tpu.memory_space<vmem>> -> memref<4200xf32, #tpu.memory_space<vmem>>
    %dma_wait3A_1693 = tpu.memref_slice %arg3[%add3A_1507] : memref<9676800xf32, #tpu.memory_space<hbm>> -> memref<4200xf32, #tpu.memory_space<hbm>>
    tpu.wait_dma2 semaphore(%arg10 : memref<!tpu.dma_semaphore, #tpu.memory_space<semaphore_mem>>) src(%dma_wait3A_1693 : memref<4200xf32, #tpu.memory_space<hbm>>) dst(%dma_wait3A_1692 : memref<4200xf32, #tpu.memory_space<vmem>>)
    %dma_wait3A_1694 = arith.constant 12600 : i32
    %dma_wait3A_1695 = tpu.memref_slice %arg6[%dma_wait3A_1694] : memref<25200xf32, #tpu.memory_space<vmem>> -> memref<4200xf32, #tpu.memory_space<vmem>>
    %dma_wait3A_1696 = tpu.memref_slice %arg3[%add3A_1515] : memref<9676800xf32, #tpu.memory_space<hbm>> -> memref<4200xf32, #tpu.memory_space<hbm>>
    %dma_wait3A_1697 = arith.constant 12600 : i32
    %dma_wait3A_1698 = tpu.memref_slice %arg6[%dma_wait3A_1697] : memref<25200xf32, #tpu.memory_space<vmem>> -> memref<4200xf32, #tpu.memory_space<vmem>>
    %dma_wait3A_1699 = tpu.memref_slice %arg3[%add3A_1515] : memref<9676800xf32, #tpu.memory_space<hbm>> -> memref<4200xf32, #tpu.memory_space<hbm>>
    tpu.wait_dma2 semaphore(%arg10 : memref<!tpu.dma_semaphore, #tpu.memory_space<semaphore_mem>>) src(%dma_wait3A_1699 : memref<4200xf32, #tpu.memory_space<hbm>>) dst(%dma_wait3A_1698 : memref<4200xf32, #tpu.memory_space<vmem>>)
    %dma_wait3A_1700 = arith.constant 0 : i32
    %dma_wait3A_1701 = tpu.memref_slice %arg8[%dma_wait3A_1700] : memref<25200xf32, #tpu.memory_space<vmem>> -> memref<16800xf32, #tpu.memory_space<vmem>>
    %dma_wait3A_1702 = tpu.memref_slice %arg5[%mul3A_1445] : memref<9676800xf32, #tpu.memory_space<hbm>> -> memref<16800xf32, #tpu.memory_space<hbm>>
    %dma_wait3A_1703 = tpu.memref_slice %arg5[%mul3A_1445] : memref<9676800xf32, #tpu.memory_space<hbm>> -> memref<16800xf32, #tpu.memory_space<hbm>>
    %dma_wait3A_1704 = arith.constant 0 : i32
    %dma_wait3A_1705 = tpu.memref_slice %arg8[%dma_wait3A_1704] : memref<25200xf32, #tpu.memory_space<vmem>> -> memref<16800xf32, #tpu.memory_space<vmem>>
    tpu.wait_dma2 semaphore(%arg12 : memref<!tpu.dma_semaphore, #tpu.memory_space<semaphore_mem>>) src(%dma_wait3A_1705 : memref<16800xf32, #tpu.memory_space<vmem>>) dst(%dma_wait3A_1703 : memref<16800xf32, #tpu.memory_space<hbm>>)
    %shift_right_arithmetic3A_1706 = arith.constant 2 : i32
    %shift_right_arithmetic3A_1707 = vector.broadcast %shift_right_arithmetic3A_1706 : i32 to vector<16xi32>
    %shift_right_arithmetic3A_1708 = arith.shrsi %iota3A, %shift_right_arithmetic3A_1707 : vector<16xi32>
    %and3A_1709 = arith.constant 3 : i32
    %and3A_1710 = vector.broadcast %and3A_1709 : i32 to vector<16xi32>
    %and3A_1711 = arith.andi %iota3A, %and3A_1710 : vector<16xi32>
    %mul3A_1712 = arith.constant 4200 : i32
    %mul3A_1713 = vector.broadcast %mul3A_1712 : i32 to vector<16xi32>
    %mul3A_1714 = arith.muli %and3A_1711, %mul3A_1713 : vector<16xi32>
    %add3A_1715 = arith.addi %shift_right_arithmetic3A_1708, %mul3A_1714 : vector<16xi32>
    %mul3A_1716 = arith.constant 18 : i32
    %mul3A_1717 = arith.muli %add3A, %mul3A_1716 : i32
    %add3A_1718 = arith.constant 4 : i32
    %add3A_1719 = arith.addi %mul3A_1717, %add3A_1718 : i32
    %jit3A_1720 = arith.constant 9 : i32
    %div3A_1721 = arith.divsi %add3A_1719, %jit3A_1720 : i32
    %sign3A_1722 = arith.constant 0 : i32
    %sign3A_1723 = arith.cmpi sgt, %add3A_1719, %sign3A_1722 : i32
    %sign3A_1724 = arith.extui %sign3A_1723 : i1 to i32
    %sign3A_1725 = arith.constant 0 : i32
    %sign3A_1726 = arith.cmpi slt, %add3A_1719, %sign3A_1725 : i32
    %sign3A_1727 = arith.extui %sign3A_1726 : i1 to i32
    %sign3A_1728 = arith.subi %sign3A_1724, %sign3A_1727 : i32
    %sign3A_1729 = arith.constant 0 : i32
    %sign3A_1730 = arith.cmpi sgt, %jit3A_1720, %sign3A_1729 : i32
    %sign3A_1731 = arith.extui %sign3A_1730 : i1 to i32
    %sign3A_1732 = arith.constant 0 : i32
    %sign3A_1733 = arith.cmpi slt, %jit3A_1720, %sign3A_1732 : i32
    %sign3A_1734 = arith.extui %sign3A_1733 : i1 to i32
    %sign3A_1735 = arith.subi %sign3A_1731, %sign3A_1734 : i32
    %ne3A_1736 = arith.cmpi ne, %sign3A_1728, %sign3A_1735 : i32
    %rem3A_1737 = arith.remsi %add3A_1719, %jit3A_1720 : i32
    %ne3A_1738 = arith.constant 0 : i32
    %ne3A_1739 = arith.cmpi ne, %rem3A_1737, %ne3A_1738 : i32
    %and3A_1740 = arith.andi %ne3A_1736, %ne3A_1739 : i1
    %sub3A_1741 = arith.constant 1 : i32
    %sub3A_1742 = arith.subi %div3A_1721, %sub3A_1741 : i32
    %select_n3A_1743 = arith.select %and3A_1740, %sub3A_1742, %div3A_1721 : i32
    %mul3A_1744 = arith.constant 9 : i32
    %mul3A_1745 = arith.muli %select_n3A_1743, %mul3A_1744 : i32
    %sub3A_1746 = arith.subi %add3A_1719, %mul3A_1745 : i32
    %mul3A_1747 = arith.constant 9 : i32
    %mul3A_1748 = arith.muli %select_n3A_1743, %mul3A_1747 : i32
    %add3A_1749 = arith.addi %mul3A_1748, %sub3A_1746 : i32
    %mul3A_1750 = arith.constant 4 : i32
    %mul3A_1751 = arith.muli %add3A_1749, %mul3A_1750 : i32
    %mul3A_1752 = arith.constant 4200 : i32
    %mul3A_1753 = arith.muli %mul3A_1751, %mul3A_1752 : i32
    %dma_start3A_1754 = arith.constant 0 : i32
    %dma_start3A_1755 = tpu.memref_slice %arg8[%dma_start3A_1754] : memref<25200xf32, #tpu.memory_space<vmem>> -> memref<16800xf32, #tpu.memory_space<vmem>>
    %dma_start3A_1756 = tpu.memref_slice %arg5[%mul3A_1753] : memref<9676800xf32, #tpu.memory_space<hbm>> -> memref<16800xf32, #tpu.memory_space<hbm>>
    %dma_start3A_1757 = tpu.memref_slice %arg5[%mul3A_1753] : memref<9676800xf32, #tpu.memory_space<hbm>> -> memref<16800xf32, #tpu.memory_space<hbm>>
    %dma_start3A_1758 = arith.constant 0 : i32
    %dma_start3A_1759 = tpu.memref_slice %arg8[%dma_start3A_1758] : memref<25200xf32, #tpu.memory_space<vmem>> -> memref<16800xf32, #tpu.memory_space<vmem>>
    tpu.enqueue_dma source(%dma_start3A_1759 : memref<16800xf32, #tpu.memory_space<vmem>>) target(%dma_start3A_1757 : memref<16800xf32, #tpu.memory_space<hbm>>) target_semaphore(%arg12 : memref<!tpu.dma_semaphore, #tpu.memory_space<semaphore_mem>>)
    %mul3A_1760 = arith.constant 18 : i32
    %mul3A_1761 = arith.muli %add3A, %mul3A_1760 : i32
    %add3A_1762 = arith.constant 6 : i32
    %add3A_1763 = arith.addi %mul3A_1761, %add3A_1762 : i32
    %jit3A_1764 = arith.constant 9 : i32
    %div3A_1765 = arith.divsi %add3A_1763, %jit3A_1764 : i32
    %sign3A_1766 = arith.constant 0 : i32
    %sign3A_1767 = arith.cmpi sgt, %add3A_1763, %sign3A_1766 : i32
    %sign3A_1768 = arith.extui %sign3A_1767 : i1 to i32
    %sign3A_1769 = arith.constant 0 : i32
    %sign3A_1770 = arith.cmpi slt, %add3A_1763, %sign3A_1769 : i32
    %sign3A_1771 = arith.extui %sign3A_1770 : i1 to i32
    %sign3A_1772 = arith.subi %sign3A_1768, %sign3A_1771 : i32
    %sign3A_1773 = arith.constant 0 : i32
    %sign3A_1774 = arith.cmpi sgt, %jit3A_1764, %sign3A_1773 : i32
    %sign3A_1775 = arith.extui %sign3A_1774 : i1 to i32
    %sign3A_1776 = arith.constant 0 : i32
    %sign3A_1777 = arith.cmpi slt, %jit3A_1764, %sign3A_1776 : i32
    %sign3A_1778 = arith.extui %sign3A_1777 : i1 to i32
    %sign3A_1779 = arith.subi %sign3A_1775, %sign3A_1778 : i32
    %ne3A_1780 = arith.cmpi ne, %sign3A_1772, %sign3A_1779 : i32
    %rem3A_1781 = arith.remsi %add3A_1763, %jit3A_1764 : i32
    %ne3A_1782 = arith.constant 0 : i32
    %ne3A_1783 = arith.cmpi ne, %rem3A_1781, %ne3A_1782 : i32
    %and3A_1784 = arith.andi %ne3A_1780, %ne3A_1783 : i1
    %sub3A_1785 = arith.constant 1 : i32
    %sub3A_1786 = arith.subi %div3A_1765, %sub3A_1785 : i32
    %select_n3A_1787 = arith.select %and3A_1784, %sub3A_1786, %div3A_1765 : i32
    %mul3A_1788 = arith.constant 9 : i32
    %mul3A_1789 = arith.muli %select_n3A_1787, %mul3A_1788 : i32
    %sub3A_1790 = arith.subi %add3A_1763, %mul3A_1789 : i32
    %mul3A_1791 = arith.constant 4 : i32
    %mul3A_1792 = arith.muli %select_n3A_1787, %mul3A_1791 : i32
    %mul3A_1793 = arith.constant 9 : i32
    %mul3A_1794 = arith.muli %mul3A_1792, %mul3A_1793 : i32
    %add3A_1795 = arith.addi %mul3A_1794, %sub3A_1790 : i32
    %mul3A_1796 = arith.constant 4200 : i32
    %mul3A_1797 = arith.muli %add3A_1795, %mul3A_1796 : i32
    %add3A_1798 = arith.constant 0 : i32
    %add3A_1799 = arith.addi %mul3A_1797, %add3A_1798 : i32
    %dma_start3A_1800 = arith.constant 0 : i32
    %dma_start3A_1801 = tpu.memref_slice %arg6[%dma_start3A_1800] : memref<25200xf32, #tpu.memory_space<vmem>> -> memref<4200xf32, #tpu.memory_space<vmem>>
    %dma_start3A_1802 = tpu.memref_slice %arg3[%add3A_1799] : memref<9676800xf32, #tpu.memory_space<hbm>> -> memref<4200xf32, #tpu.memory_space<hbm>>
    %dma_start3A_1803 = arith.constant 0 : i32
    %dma_start3A_1804 = tpu.memref_slice %arg6[%dma_start3A_1803] : memref<25200xf32, #tpu.memory_space<vmem>> -> memref<4200xf32, #tpu.memory_space<vmem>>
    %dma_start3A_1805 = tpu.memref_slice %arg3[%add3A_1799] : memref<9676800xf32, #tpu.memory_space<hbm>> -> memref<4200xf32, #tpu.memory_space<hbm>>
    tpu.enqueue_dma source(%dma_start3A_1805 : memref<4200xf32, #tpu.memory_space<hbm>>) target(%dma_start3A_1804 : memref<4200xf32, #tpu.memory_space<vmem>>) target_semaphore(%arg10 : memref<!tpu.dma_semaphore, #tpu.memory_space<semaphore_mem>>)
    %add3A_1806 = arith.constant 37800 : i32
    %add3A_1807 = arith.addi %mul3A_1797, %add3A_1806 : i32
    %dma_start3A_1808 = arith.constant 4200 : i32
    %dma_start3A_1809 = tpu.memref_slice %arg6[%dma_start3A_1808] : memref<25200xf32, #tpu.memory_space<vmem>> -> memref<4200xf32, #tpu.memory_space<vmem>>
    %dma_start3A_1810 = tpu.memref_slice %arg3[%add3A_1807] : memref<9676800xf32, #tpu.memory_space<hbm>> -> memref<4200xf32, #tpu.memory_space<hbm>>
    %dma_start3A_1811 = arith.constant 4200 : i32
    %dma_start3A_1812 = tpu.memref_slice %arg6[%dma_start3A_1811] : memref<25200xf32, #tpu.memory_space<vmem>> -> memref<4200xf32, #tpu.memory_space<vmem>>
    %dma_start3A_1813 = tpu.memref_slice %arg3[%add3A_1807] : memref<9676800xf32, #tpu.memory_space<hbm>> -> memref<4200xf32, #tpu.memory_space<hbm>>
    tpu.enqueue_dma source(%dma_start3A_1813 : memref<4200xf32, #tpu.memory_space<hbm>>) target(%dma_start3A_1812 : memref<4200xf32, #tpu.memory_space<vmem>>) target_semaphore(%arg10 : memref<!tpu.dma_semaphore, #tpu.memory_space<semaphore_mem>>)
    %add3A_1814 = arith.constant 75600 : i32
    %add3A_1815 = arith.addi %mul3A_1797, %add3A_1814 : i32
    %dma_start3A_1816 = arith.constant 8400 : i32
    %dma_start3A_1817 = tpu.memref_slice %arg6[%dma_start3A_1816] : memref<25200xf32, #tpu.memory_space<vmem>> -> memref<4200xf32, #tpu.memory_space<vmem>>
    %dma_start3A_1818 = tpu.memref_slice %arg3[%add3A_1815] : memref<9676800xf32, #tpu.memory_space<hbm>> -> memref<4200xf32, #tpu.memory_space<hbm>>
    %dma_start3A_1819 = arith.constant 8400 : i32
    %dma_start3A_1820 = tpu.memref_slice %arg6[%dma_start3A_1819] : memref<25200xf32, #tpu.memory_space<vmem>> -> memref<4200xf32, #tpu.memory_space<vmem>>
    %dma_start3A_1821 = tpu.memref_slice %arg3[%add3A_1815] : memref<9676800xf32, #tpu.memory_space<hbm>> -> memref<4200xf32, #tpu.memory_space<hbm>>
    tpu.enqueue_dma source(%dma_start3A_1821 : memref<4200xf32, #tpu.memory_space<hbm>>) target(%dma_start3A_1820 : memref<4200xf32, #tpu.memory_space<vmem>>) target_semaphore(%arg10 : memref<!tpu.dma_semaphore, #tpu.memory_space<semaphore_mem>>)
    %add3A_1822 = arith.constant 113400 : i32
    %add3A_1823 = arith.addi %mul3A_1797, %add3A_1822 : i32
    %dma_start3A_1824 = arith.constant 12600 : i32
    %dma_start3A_1825 = tpu.memref_slice %arg6[%dma_start3A_1824] : memref<25200xf32, #tpu.memory_space<vmem>> -> memref<4200xf32, #tpu.memory_space<vmem>>
    %dma_start3A_1826 = tpu.memref_slice %arg3[%add3A_1823] : memref<9676800xf32, #tpu.memory_space<hbm>> -> memref<4200xf32, #tpu.memory_space<hbm>>
    %dma_start3A_1827 = arith.constant 12600 : i32
    %dma_start3A_1828 = tpu.memref_slice %arg6[%dma_start3A_1827] : memref<25200xf32, #tpu.memory_space<vmem>> -> memref<4200xf32, #tpu.memory_space<vmem>>
    %dma_start3A_1829 = tpu.memref_slice %arg3[%add3A_1823] : memref<9676800xf32, #tpu.memory_space<hbm>> -> memref<4200xf32, #tpu.memory_space<hbm>>
    tpu.enqueue_dma source(%dma_start3A_1829 : memref<4200xf32, #tpu.memory_space<hbm>>) target(%dma_start3A_1828 : memref<4200xf32, #tpu.memory_space<vmem>>) target_semaphore(%arg10 : memref<!tpu.dma_semaphore, #tpu.memory_space<semaphore_mem>>)
    %dma_wait3A_1830 = arith.constant 0 : i32
    %dma_wait3A_1831 = tpu.memref_slice %arg7[%dma_wait3A_1830] : memref<25200xf32, #tpu.memory_space<vmem>> -> memref<4200xf32, #tpu.memory_space<vmem>>
    %dma_wait3A_1832 = tpu.memref_slice %arg3[%add3A_1645] : memref<9676800xf32, #tpu.memory_space<hbm>> -> memref<4200xf32, #tpu.memory_space<hbm>>
    %dma_wait3A_1833 = arith.constant 0 : i32
    %dma_wait3A_1834 = tpu.memref_slice %arg7[%dma_wait3A_1833] : memref<25200xf32, #tpu.memory_space<vmem>> -> memref<4200xf32, #tpu.memory_space<vmem>>
    %dma_wait3A_1835 = tpu.memref_slice %arg3[%add3A_1645] : memref<9676800xf32, #tpu.memory_space<hbm>> -> memref<4200xf32, #tpu.memory_space<hbm>>
    tpu.wait_dma2 semaphore(%arg11 : memref<!tpu.dma_semaphore, #tpu.memory_space<semaphore_mem>>) src(%dma_wait3A_1835 : memref<4200xf32, #tpu.memory_space<hbm>>) dst(%dma_wait3A_1834 : memref<4200xf32, #tpu.memory_space<vmem>>)
    %dma_wait3A_1836 = arith.constant 4200 : i32
    %dma_wait3A_1837 = tpu.memref_slice %arg7[%dma_wait3A_1836] : memref<25200xf32, #tpu.memory_space<vmem>> -> memref<4200xf32, #tpu.memory_space<vmem>>
    %dma_wait3A_1838 = tpu.memref_slice %arg3[%add3A_1653] : memref<9676800xf32, #tpu.memory_space<hbm>> -> memref<4200xf32, #tpu.memory_space<hbm>>
    %dma_wait3A_1839 = arith.constant 4200 : i32
    %dma_wait3A_1840 = tpu.memref_slice %arg7[%dma_wait3A_1839] : memref<25200xf32, #tpu.memory_space<vmem>> -> memref<4200xf32, #tpu.memory_space<vmem>>
    %dma_wait3A_1841 = tpu.memref_slice %arg3[%add3A_1653] : memref<9676800xf32, #tpu.memory_space<hbm>> -> memref<4200xf32, #tpu.memory_space<hbm>>
    tpu.wait_dma2 semaphore(%arg11 : memref<!tpu.dma_semaphore, #tpu.memory_space<semaphore_mem>>) src(%dma_wait3A_1841 : memref<4200xf32, #tpu.memory_space<hbm>>) dst(%dma_wait3A_1840 : memref<4200xf32, #tpu.memory_space<vmem>>)
    %dma_wait3A_1842 = arith.constant 8400 : i32
    %dma_wait3A_1843 = tpu.memref_slice %arg7[%dma_wait3A_1842] : memref<25200xf32, #tpu.memory_space<vmem>> -> memref<4200xf32, #tpu.memory_space<vmem>>
    %dma_wait3A_1844 = tpu.memref_slice %arg3[%add3A_1661] : memref<9676800xf32, #tpu.memory_space<hbm>> -> memref<4200xf32, #tpu.memory_space<hbm>>
    %dma_wait3A_1845 = arith.constant 8400 : i32
    %dma_wait3A_1846 = tpu.memref_slice %arg7[%dma_wait3A_1845] : memref<25200xf32, #tpu.memory_space<vmem>> -> memref<4200xf32, #tpu.memory_space<vmem>>
    %dma_wait3A_1847 = tpu.memref_slice %arg3[%add3A_1661] : memref<9676800xf32, #tpu.memory_space<hbm>> -> memref<4200xf32, #tpu.memory_space<hbm>>
    tpu.wait_dma2 semaphore(%arg11 : memref<!tpu.dma_semaphore, #tpu.memory_space<semaphore_mem>>) src(%dma_wait3A_1847 : memref<4200xf32, #tpu.memory_space<hbm>>) dst(%dma_wait3A_1846 : memref<4200xf32, #tpu.memory_space<vmem>>)
    %dma_wait3A_1848 = arith.constant 12600 : i32
    %dma_wait3A_1849 = tpu.memref_slice %arg7[%dma_wait3A_1848] : memref<25200xf32, #tpu.memory_space<vmem>> -> memref<4200xf32, #tpu.memory_space<vmem>>
    %dma_wait3A_1850 = tpu.memref_slice %arg3[%add3A_1669] : memref<9676800xf32, #tpu.memory_space<hbm>> -> memref<4200xf32, #tpu.memory_space<hbm>>
    %dma_wait3A_1851 = arith.constant 12600 : i32
    %dma_wait3A_1852 = tpu.memref_slice %arg7[%dma_wait3A_1851] : memref<25200xf32, #tpu.memory_space<vmem>> -> memref<4200xf32, #tpu.memory_space<vmem>>
    %dma_wait3A_1853 = tpu.memref_slice %arg3[%add3A_1669] : memref<9676800xf32, #tpu.memory_space<hbm>> -> memref<4200xf32, #tpu.memory_space<hbm>>
    tpu.wait_dma2 semaphore(%arg11 : memref<!tpu.dma_semaphore, #tpu.memory_space<semaphore_mem>>) src(%dma_wait3A_1853 : memref<4200xf32, #tpu.memory_space<hbm>>) dst(%dma_wait3A_1852 : memref<4200xf32, #tpu.memory_space<vmem>>)
    %dma_wait3A_1854 = arith.constant 0 : i32
    %dma_wait3A_1855 = tpu.memref_slice %arg9[%dma_wait3A_1854] : memref<25200xf32, #tpu.memory_space<vmem>> -> memref<16800xf32, #tpu.memory_space<vmem>>
    %dma_wait3A_1856 = tpu.memref_slice %arg5[%mul3A_1599] : memref<9676800xf32, #tpu.memory_space<hbm>> -> memref<16800xf32, #tpu.memory_space<hbm>>
    %dma_wait3A_1857 = tpu.memref_slice %arg5[%mul3A_1599] : memref<9676800xf32, #tpu.memory_space<hbm>> -> memref<16800xf32, #tpu.memory_space<hbm>>
    %dma_wait3A_1858 = arith.constant 0 : i32
    %dma_wait3A_1859 = tpu.memref_slice %arg9[%dma_wait3A_1858] : memref<25200xf32, #tpu.memory_space<vmem>> -> memref<16800xf32, #tpu.memory_space<vmem>>
    tpu.wait_dma2 semaphore(%arg13 : memref<!tpu.dma_semaphore, #tpu.memory_space<semaphore_mem>>) src(%dma_wait3A_1859 : memref<16800xf32, #tpu.memory_space<vmem>>) dst(%dma_wait3A_1857 : memref<16800xf32, #tpu.memory_space<hbm>>)
    %shift_right_arithmetic3A_1860 = arith.constant 2 : i32
    %shift_right_arithmetic3A_1861 = vector.broadcast %shift_right_arithmetic3A_1860 : i32 to vector<16xi32>
    %shift_right_arithmetic3A_1862 = arith.shrsi %iota3A, %shift_right_arithmetic3A_1861 : vector<16xi32>
    %and3A_1863 = arith.constant 3 : i32
    %and3A_1864 = vector.broadcast %and3A_1863 : i32 to vector<16xi32>
    %and3A_1865 = arith.andi %iota3A, %and3A_1864 : vector<16xi32>
    %mul3A_1866 = arith.constant 4200 : i32
    %mul3A_1867 = vector.broadcast %mul3A_1866 : i32 to vector<16xi32>
    %mul3A_1868 = arith.muli %and3A_1865, %mul3A_1867 : vector<16xi32>
    %add3A_1869 = arith.addi %shift_right_arithmetic3A_1862, %mul3A_1868 : vector<16xi32>
    %mul3A_1870 = arith.constant 18 : i32
    %mul3A_1871 = arith.muli %add3A, %mul3A_1870 : i32
    %add3A_1872 = arith.constant 5 : i32
    %add3A_1873 = arith.addi %mul3A_1871, %add3A_1872 : i32
    %jit3A_1874 = arith.constant 9 : i32
    %div3A_1875 = arith.divsi %add3A_1873, %jit3A_1874 : i32
    %sign3A_1876 = arith.constant 0 : i32
    %sign3A_1877 = arith.cmpi sgt, %add3A_1873, %sign3A_1876 : i32
    %sign3A_1878 = arith.extui %sign3A_1877 : i1 to i32
    %sign3A_1879 = arith.constant 0 : i32
    %sign3A_1880 = arith.cmpi slt, %add3A_1873, %sign3A_1879 : i32
    %sign3A_1881 = arith.extui %sign3A_1880 : i1 to i32
    %sign3A_1882 = arith.subi %sign3A_1878, %sign3A_1881 : i32
    %sign3A_1883 = arith.constant 0 : i32
    %sign3A_1884 = arith.cmpi sgt, %jit3A_1874, %sign3A_1883 : i32
    %sign3A_1885 = arith.extui %sign3A_1884 : i1 to i32
    %sign3A_1886 = arith.constant 0 : i32
    %sign3A_1887 = arith.cmpi slt, %jit3A_1874, %sign3A_1886 : i32
    %sign3A_1888 = arith.extui %sign3A_1887 : i1 to i32
    %sign3A_1889 = arith.subi %sign3A_1885, %sign3A_1888 : i32
    %ne3A_1890 = arith.cmpi ne, %sign3A_1882, %sign3A_1889 : i32
    %rem3A_1891 = arith.remsi %add3A_1873, %jit3A_1874 : i32
    %ne3A_1892 = arith.constant 0 : i32
    %ne3A_1893 = arith.cmpi ne, %rem3A_1891, %ne3A_1892 : i32
    %and3A_1894 = arith.andi %ne3A_1890, %ne3A_1893 : i1
    %sub3A_1895 = arith.constant 1 : i32
    %sub3A_1896 = arith.subi %div3A_1875, %sub3A_1895 : i32
    %select_n3A_1897 = arith.select %and3A_1894, %sub3A_1896, %div3A_1875 : i32
    %mul3A_1898 = arith.constant 9 : i32
    %mul3A_1899 = arith.muli %select_n3A_1897, %mul3A_1898 : i32
    %sub3A_1900 = arith.subi %add3A_1873, %mul3A_1899 : i32
    %mul3A_1901 = arith.constant 9 : i32
    %mul3A_1902 = arith.muli %select_n3A_1897, %mul3A_1901 : i32
    %add3A_1903 = arith.addi %mul3A_1902, %sub3A_1900 : i32
    %mul3A_1904 = arith.constant 4 : i32
    %mul3A_1905 = arith.muli %add3A_1903, %mul3A_1904 : i32
    %mul3A_1906 = arith.constant 4200 : i32
    %mul3A_1907 = arith.muli %mul3A_1905, %mul3A_1906 : i32
    %dma_start3A_1908 = arith.constant 0 : i32
    %dma_start3A_1909 = tpu.memref_slice %arg9[%dma_start3A_1908] : memref<25200xf32, #tpu.memory_space<vmem>> -> memref<16800xf32, #tpu.memory_space<vmem>>
    %dma_start3A_1910 = tpu.memref_slice %arg5[%mul3A_1907] : memref<9676800xf32, #tpu.memory_space<hbm>> -> memref<16800xf32, #tpu.memory_space<hbm>>
    %dma_start3A_1911 = tpu.memref_slice %arg5[%mul3A_1907] : memref<9676800xf32, #tpu.memory_space<hbm>> -> memref<16800xf32, #tpu.memory_space<hbm>>
    %dma_start3A_1912 = arith.constant 0 : i32
    %dma_start3A_1913 = tpu.memref_slice %arg9[%dma_start3A_1912] : memref<25200xf32, #tpu.memory_space<vmem>> -> memref<16800xf32, #tpu.memory_space<vmem>>
    tpu.enqueue_dma source(%dma_start3A_1913 : memref<16800xf32, #tpu.memory_space<vmem>>) target(%dma_start3A_1911 : memref<16800xf32, #tpu.memory_space<hbm>>) target_semaphore(%arg13 : memref<!tpu.dma_semaphore, #tpu.memory_space<semaphore_mem>>)
    %mul3A_1914 = arith.constant 18 : i32
    %mul3A_1915 = arith.muli %add3A, %mul3A_1914 : i32
    %add3A_1916 = arith.constant 7 : i32
    %add3A_1917 = arith.addi %mul3A_1915, %add3A_1916 : i32
    %jit3A_1918 = arith.constant 9 : i32
    %div3A_1919 = arith.divsi %add3A_1917, %jit3A_1918 : i32
    %sign3A_1920 = arith.constant 0 : i32
    %sign3A_1921 = arith.cmpi sgt, %add3A_1917, %sign3A_1920 : i32
    %sign3A_1922 = arith.extui %sign3A_1921 : i1 to i32
    %sign3A_1923 = arith.constant 0 : i32
    %sign3A_1924 = arith.cmpi slt, %add3A_1917, %sign3A_1923 : i32
    %sign3A_1925 = arith.extui %sign3A_1924 : i1 to i32
    %sign3A_1926 = arith.subi %sign3A_1922, %sign3A_1925 : i32
    %sign3A_1927 = arith.constant 0 : i32
    %sign3A_1928 = arith.cmpi sgt, %jit3A_1918, %sign3A_1927 : i32
    %sign3A_1929 = arith.extui %sign3A_1928 : i1 to i32
    %sign3A_1930 = arith.constant 0 : i32
    %sign3A_1931 = arith.cmpi slt, %jit3A_1918, %sign3A_1930 : i32
    %sign3A_1932 = arith.extui %sign3A_1931 : i1 to i32
    %sign3A_1933 = arith.subi %sign3A_1929, %sign3A_1932 : i32
    %ne3A_1934 = arith.cmpi ne, %sign3A_1926, %sign3A_1933 : i32
    %rem3A_1935 = arith.remsi %add3A_1917, %jit3A_1918 : i32
    %ne3A_1936 = arith.constant 0 : i32
    %ne3A_1937 = arith.cmpi ne, %rem3A_1935, %ne3A_1936 : i32
    %and3A_1938 = arith.andi %ne3A_1934, %ne3A_1937 : i1
    %sub3A_1939 = arith.constant 1 : i32
    %sub3A_1940 = arith.subi %div3A_1919, %sub3A_1939 : i32
    %select_n3A_1941 = arith.select %and3A_1938, %sub3A_1940, %div3A_1919 : i32
    %mul3A_1942 = arith.constant 9 : i32
    %mul3A_1943 = arith.muli %select_n3A_1941, %mul3A_1942 : i32
    %sub3A_1944 = arith.subi %add3A_1917, %mul3A_1943 : i32
    %mul3A_1945 = arith.constant 4 : i32
    %mul3A_1946 = arith.muli %select_n3A_1941, %mul3A_1945 : i32
    %mul3A_1947 = arith.constant 9 : i32
    %mul3A_1948 = arith.muli %mul3A_1946, %mul3A_1947 : i32
    %add3A_1949 = arith.addi %mul3A_1948, %sub3A_1944 : i32
    %mul3A_1950 = arith.constant 4200 : i32
    %mul3A_1951 = arith.muli %add3A_1949, %mul3A_1950 : i32
    %add3A_1952 = arith.constant 0 : i32
    %add3A_1953 = arith.addi %mul3A_1951, %add3A_1952 : i32
    %dma_start3A_1954 = arith.constant 0 : i32
    %dma_start3A_1955 = tpu.memref_slice %arg7[%dma_start3A_1954] : memref<25200xf32, #tpu.memory_space<vmem>> -> memref<4200xf32, #tpu.memory_space<vmem>>
    %dma_start3A_1956 = tpu.memref_slice %arg3[%add3A_1953] : memref<9676800xf32, #tpu.memory_space<hbm>> -> memref<4200xf32, #tpu.memory_space<hbm>>
    %dma_start3A_1957 = arith.constant 0 : i32
    %dma_start3A_1958 = tpu.memref_slice %arg7[%dma_start3A_1957] : memref<25200xf32, #tpu.memory_space<vmem>> -> memref<4200xf32, #tpu.memory_space<vmem>>
    %dma_start3A_1959 = tpu.memref_slice %arg3[%add3A_1953] : memref<9676800xf32, #tpu.memory_space<hbm>> -> memref<4200xf32, #tpu.memory_space<hbm>>
    tpu.enqueue_dma source(%dma_start3A_1959 : memref<4200xf32, #tpu.memory_space<hbm>>) target(%dma_start3A_1958 : memref<4200xf32, #tpu.memory_space<vmem>>) target_semaphore(%arg11 : memref<!tpu.dma_semaphore, #tpu.memory_space<semaphore_mem>>)
    %add3A_1960 = arith.constant 37800 : i32
    %add3A_1961 = arith.addi %mul3A_1951, %add3A_1960 : i32
    %dma_start3A_1962 = arith.constant 4200 : i32
    %dma_start3A_1963 = tpu.memref_slice %arg7[%dma_start3A_1962] : memref<25200xf32, #tpu.memory_space<vmem>> -> memref<4200xf32, #tpu.memory_space<vmem>>
    %dma_start3A_1964 = tpu.memref_slice %arg3[%add3A_1961] : memref<9676800xf32, #tpu.memory_space<hbm>> -> memref<4200xf32, #tpu.memory_space<hbm>>
    %dma_start3A_1965 = arith.constant 4200 : i32
    %dma_start3A_1966 = tpu.memref_slice %arg7[%dma_start3A_1965] : memref<25200xf32, #tpu.memory_space<vmem>> -> memref<4200xf32, #tpu.memory_space<vmem>>
    %dma_start3A_1967 = tpu.memref_slice %arg3[%add3A_1961] : memref<9676800xf32, #tpu.memory_space<hbm>> -> memref<4200xf32, #tpu.memory_space<hbm>>
    tpu.enqueue_dma source(%dma_start3A_1967 : memref<4200xf32, #tpu.memory_space<hbm>>) target(%dma_start3A_1966 : memref<4200xf32, #tpu.memory_space<vmem>>) target_semaphore(%arg11 : memref<!tpu.dma_semaphore, #tpu.memory_space<semaphore_mem>>)
    %add3A_1968 = arith.constant 75600 : i32
    %add3A_1969 = arith.addi %mul3A_1951, %add3A_1968 : i32
    %dma_start3A_1970 = arith.constant 8400 : i32
    %dma_start3A_1971 = tpu.memref_slice %arg7[%dma_start3A_1970] : memref<25200xf32, #tpu.memory_space<vmem>> -> memref<4200xf32, #tpu.memory_space<vmem>>
    %dma_start3A_1972 = tpu.memref_slice %arg3[%add3A_1969] : memref<9676800xf32, #tpu.memory_space<hbm>> -> memref<4200xf32, #tpu.memory_space<hbm>>
    %dma_start3A_1973 = arith.constant 8400 : i32
    %dma_start3A_1974 = tpu.memref_slice %arg7[%dma_start3A_1973] : memref<25200xf32, #tpu.memory_space<vmem>> -> memref<4200xf32, #tpu.memory_space<vmem>>
    %dma_start3A_1975 = tpu.memref_slice %arg3[%add3A_1969] : memref<9676800xf32, #tpu.memory_space<hbm>> -> memref<4200xf32, #tpu.memory_space<hbm>>
    tpu.enqueue_dma source(%dma_start3A_1975 : memref<4200xf32, #tpu.memory_space<hbm>>) target(%dma_start3A_1974 : memref<4200xf32, #tpu.memory_space<vmem>>) target_semaphore(%arg11 : memref<!tpu.dma_semaphore, #tpu.memory_space<semaphore_mem>>)
    %add3A_1976 = arith.constant 113400 : i32
    %add3A_1977 = arith.addi %mul3A_1951, %add3A_1976 : i32
    %dma_start3A_1978 = arith.constant 12600 : i32
    %dma_start3A_1979 = tpu.memref_slice %arg7[%dma_start3A_1978] : memref<25200xf32, #tpu.memory_space<vmem>> -> memref<4200xf32, #tpu.memory_space<vmem>>
    %dma_start3A_1980 = tpu.memref_slice %arg3[%add3A_1977] : memref<9676800xf32, #tpu.memory_space<hbm>> -> memref<4200xf32, #tpu.memory_space<hbm>>
    %dma_start3A_1981 = arith.constant 12600 : i32
    %dma_start3A_1982 = tpu.memref_slice %arg7[%dma_start3A_1981] : memref<25200xf32, #tpu.memory_space<vmem>> -> memref<4200xf32, #tpu.memory_space<vmem>>
    %dma_start3A_1983 = tpu.memref_slice %arg3[%add3A_1977] : memref<9676800xf32, #tpu.memory_space<hbm>> -> memref<4200xf32, #tpu.memory_space<hbm>>
    tpu.enqueue_dma source(%dma_start3A_1983 : memref<4200xf32, #tpu.memory_space<hbm>>) target(%dma_start3A_1982 : memref<4200xf32, #tpu.memory_space<vmem>>) target_semaphore(%arg11 : memref<!tpu.dma_semaphore, #tpu.memory_space<semaphore_mem>>)
    %dma_wait3A_1984 = arith.constant 0 : i32
    %dma_wait3A_1985 = tpu.memref_slice %arg6[%dma_wait3A_1984] : memref<25200xf32, #tpu.memory_space<vmem>> -> memref<4200xf32, #tpu.memory_space<vmem>>
    %dma_wait3A_1986 = tpu.memref_slice %arg3[%add3A_1799] : memref<9676800xf32, #tpu.memory_space<hbm>> -> memref<4200xf32, #tpu.memory_space<hbm>>
    %dma_wait3A_1987 = arith.constant 0 : i32
    %dma_wait3A_1988 = tpu.memref_slice %arg6[%dma_wait3A_1987] : memref<25200xf32, #tpu.memory_space<vmem>> -> memref<4200xf32, #tpu.memory_space<vmem>>
    %dma_wait3A_1989 = tpu.memref_slice %arg3[%add3A_1799] : memref<9676800xf32, #tpu.memory_space<hbm>> -> memref<4200xf32, #tpu.memory_space<hbm>>
    tpu.wait_dma2 semaphore(%arg10 : memref<!tpu.dma_semaphore, #tpu.memory_space<semaphore_mem>>) src(%dma_wait3A_1989 : memref<4200xf32, #tpu.memory_space<hbm>>) dst(%dma_wait3A_1988 : memref<4200xf32, #tpu.memory_space<vmem>>)
    %dma_wait3A_1990 = arith.constant 4200 : i32
    %dma_wait3A_1991 = tpu.memref_slice %arg6[%dma_wait3A_1990] : memref<25200xf32, #tpu.memory_space<vmem>> -> memref<4200xf32, #tpu.memory_space<vmem>>
    %dma_wait3A_1992 = tpu.memref_slice %arg3[%add3A_1807] : memref<9676800xf32, #tpu.memory_space<hbm>> -> memref<4200xf32, #tpu.memory_space<hbm>>
    %dma_wait3A_1993 = arith.constant 4200 : i32
    %dma_wait3A_1994 = tpu.memref_slice %arg6[%dma_wait3A_1993] : memref<25200xf32, #tpu.memory_space<vmem>> -> memref<4200xf32, #tpu.memory_space<vmem>>
    %dma_wait3A_1995 = tpu.memref_slice %arg3[%add3A_1807] : memref<9676800xf32, #tpu.memory_space<hbm>> -> memref<4200xf32, #tpu.memory_space<hbm>>
    tpu.wait_dma2 semaphore(%arg10 : memref<!tpu.dma_semaphore, #tpu.memory_space<semaphore_mem>>) src(%dma_wait3A_1995 : memref<4200xf32, #tpu.memory_space<hbm>>) dst(%dma_wait3A_1994 : memref<4200xf32, #tpu.memory_space<vmem>>)
    %dma_wait3A_1996 = arith.constant 8400 : i32
    %dma_wait3A_1997 = tpu.memref_slice %arg6[%dma_wait3A_1996] : memref<25200xf32, #tpu.memory_space<vmem>> -> memref<4200xf32, #tpu.memory_space<vmem>>
    %dma_wait3A_1998 = tpu.memref_slice %arg3[%add3A_1815] : memref<9676800xf32, #tpu.memory_space<hbm>> -> memref<4200xf32, #tpu.memory_space<hbm>>
    %dma_wait3A_1999 = arith.constant 8400 : i32
    %dma_wait3A_2000 = tpu.memref_slice %arg6[%dma_wait3A_1999] : memref<25200xf32, #tpu.memory_space<vmem>> -> memref<4200xf32, #tpu.memory_space<vmem>>
    %dma_wait3A_2001 = tpu.memref_slice %arg3[%add3A_1815] : memref<9676800xf32, #tpu.memory_space<hbm>> -> memref<4200xf32, #tpu.memory_space<hbm>>
    tpu.wait_dma2 semaphore(%arg10 : memref<!tpu.dma_semaphore, #tpu.memory_space<semaphore_mem>>) src(%dma_wait3A_2001 : memref<4200xf32, #tpu.memory_space<hbm>>) dst(%dma_wait3A_2000 : memref<4200xf32, #tpu.memory_space<vmem>>)
    %dma_wait3A_2002 = arith.constant 12600 : i32
    %dma_wait3A_2003 = tpu.memref_slice %arg6[%dma_wait3A_2002] : memref<25200xf32, #tpu.memory_space<vmem>> -> memref<4200xf32, #tpu.memory_space<vmem>>
    %dma_wait3A_2004 = tpu.memref_slice %arg3[%add3A_1823] : memref<9676800xf32, #tpu.memory_space<hbm>> -> memref<4200xf32, #tpu.memory_space<hbm>>
    %dma_wait3A_2005 = arith.constant 12600 : i32
    %dma_wait3A_2006 = tpu.memref_slice %arg6[%dma_wait3A_2005] : memref<25200xf32, #tpu.memory_space<vmem>> -> memref<4200xf32, #tpu.memory_space<vmem>>
    %dma_wait3A_2007 = tpu.memref_slice %arg3[%add3A_1823] : memref<9676800xf32, #tpu.memory_space<hbm>> -> memref<4200xf32, #tpu.memory_space<hbm>>
    tpu.wait_dma2 semaphore(%arg10 : memref<!tpu.dma_semaphore, #tpu.memory_space<semaphore_mem>>) src(%dma_wait3A_2007 : memref<4200xf32, #tpu.memory_space<hbm>>) dst(%dma_wait3A_2006 : memref<4200xf32, #tpu.memory_space<vmem>>)
    %dma_wait3A_2008 = arith.constant 0 : i32
    %dma_wait3A_2009 = tpu.memref_slice %arg8[%dma_wait3A_2008] : memref<25200xf32, #tpu.memory_space<vmem>> -> memref<16800xf32, #tpu.memory_space<vmem>>
    %dma_wait3A_2010 = tpu.memref_slice %arg5[%mul3A_1753] : memref<9676800xf32, #tpu.memory_space<hbm>> -> memref<16800xf32, #tpu.memory_space<hbm>>
    %dma_wait3A_2011 = tpu.memref_slice %arg5[%mul3A_1753] : memref<9676800xf32, #tpu.memory_space<hbm>> -> memref<16800xf32, #tpu.memory_space<hbm>>
    %dma_wait3A_2012 = arith.constant 0 : i32
    %dma_wait3A_2013 = tpu.memref_slice %arg8[%dma_wait3A_2012] : memref<25200xf32, #tpu.memory_space<vmem>> -> memref<16800xf32, #tpu.memory_space<vmem>>
    tpu.wait_dma2 semaphore(%arg12 : memref<!tpu.dma_semaphore, #tpu.memory_space<semaphore_mem>>) src(%dma_wait3A_2013 : memref<16800xf32, #tpu.memory_space<vmem>>) dst(%dma_wait3A_2011 : memref<16800xf32, #tpu.memory_space<hbm>>)
    %shift_right_arithmetic3A_2014 = arith.constant 2 : i32
    %shift_right_arithmetic3A_2015 = vector.broadcast %shift_right_arithmetic3A_2014 : i32 to vector<16xi32>
    %shift_right_arithmetic3A_2016 = arith.shrsi %iota3A, %shift_right_arithmetic3A_2015 : vector<16xi32>
    %and3A_2017 = arith.constant 3 : i32
    %and3A_2018 = vector.broadcast %and3A_2017 : i32 to vector<16xi32>
    %and3A_2019 = arith.andi %iota3A, %and3A_2018 : vector<16xi32>
    %mul3A_2020 = arith.constant 4200 : i32
    %mul3A_2021 = vector.broadcast %mul3A_2020 : i32 to vector<16xi32>
    %mul3A_2022 = arith.muli %and3A_2019, %mul3A_2021 : vector<16xi32>
    %add3A_2023 = arith.addi %shift_right_arithmetic3A_2016, %mul3A_2022 : vector<16xi32>
    %mul3A_2024 = arith.constant 18 : i32
    %mul3A_2025 = arith.muli %add3A, %mul3A_2024 : i32
    %add3A_2026 = arith.constant 6 : i32
    %add3A_2027 = arith.addi %mul3A_2025, %add3A_2026 : i32
    %jit3A_2028 = arith.constant 9 : i32
    %div3A_2029 = arith.divsi %add3A_2027, %jit3A_2028 : i32
    %sign3A_2030 = arith.constant 0 : i32
    %sign3A_2031 = arith.cmpi sgt, %add3A_2027, %sign3A_2030 : i32
    %sign3A_2032 = arith.extui %sign3A_2031 : i1 to i32
    %sign3A_2033 = arith.constant 0 : i32
    %sign3A_2034 = arith.cmpi slt, %add3A_2027, %sign3A_2033 : i32
    %sign3A_2035 = arith.extui %sign3A_2034 : i1 to i32
    %sign3A_2036 = arith.subi %sign3A_2032, %sign3A_2035 : i32
    %sign3A_2037 = arith.constant 0 : i32
    %sign3A_2038 = arith.cmpi sgt, %jit3A_2028, %sign3A_2037 : i32
    %sign3A_2039 = arith.extui %sign3A_2038 : i1 to i32
    %sign3A_2040 = arith.constant 0 : i32
    %sign3A_2041 = arith.cmpi slt, %jit3A_2028, %sign3A_2040 : i32
    %sign3A_2042 = arith.extui %sign3A_2041 : i1 to i32
    %sign3A_2043 = arith.subi %sign3A_2039, %sign3A_2042 : i32
    %ne3A_2044 = arith.cmpi ne, %sign3A_2036, %sign3A_2043 : i32
    %rem3A_2045 = arith.remsi %add3A_2027, %jit3A_2028 : i32
    %ne3A_2046 = arith.constant 0 : i32
    %ne3A_2047 = arith.cmpi ne, %rem3A_2045, %ne3A_2046 : i32
    %and3A_2048 = arith.andi %ne3A_2044, %ne3A_2047 : i1
    %sub3A_2049 = arith.constant 1 : i32
    %sub3A_2050 = arith.subi %div3A_2029, %sub3A_2049 : i32
    %select_n3A_2051 = arith.select %and3A_2048, %sub3A_2050, %div3A_2029 : i32
    %mul3A_2052 = arith.constant 9 : i32
    %mul3A_2053 = arith.muli %select_n3A_2051, %mul3A_2052 : i32
    %sub3A_2054 = arith.subi %add3A_2027, %mul3A_2053 : i32
    %mul3A_2055 = arith.constant 9 : i32
    %mul3A_2056 = arith.muli %select_n3A_2051, %mul3A_2055 : i32
    %add3A_2057 = arith.addi %mul3A_2056, %sub3A_2054 : i32
    %mul3A_2058 = arith.constant 4 : i32
    %mul3A_2059 = arith.muli %add3A_2057, %mul3A_2058 : i32
    %mul3A_2060 = arith.constant 4200 : i32
    %mul3A_2061 = arith.muli %mul3A_2059, %mul3A_2060 : i32
    %dma_start3A_2062 = arith.constant 0 : i32
    %dma_start3A_2063 = tpu.memref_slice %arg8[%dma_start3A_2062] : memref<25200xf32, #tpu.memory_space<vmem>> -> memref<16800xf32, #tpu.memory_space<vmem>>
    %dma_start3A_2064 = tpu.memref_slice %arg5[%mul3A_2061] : memref<9676800xf32, #tpu.memory_space<hbm>> -> memref<16800xf32, #tpu.memory_space<hbm>>
    %dma_start3A_2065 = tpu.memref_slice %arg5[%mul3A_2061] : memref<9676800xf32, #tpu.memory_space<hbm>> -> memref<16800xf32, #tpu.memory_space<hbm>>
    %dma_start3A_2066 = arith.constant 0 : i32
    %dma_start3A_2067 = tpu.memref_slice %arg8[%dma_start3A_2066] : memref<25200xf32, #tpu.memory_space<vmem>> -> memref<16800xf32, #tpu.memory_space<vmem>>
    tpu.enqueue_dma source(%dma_start3A_2067 : memref<16800xf32, #tpu.memory_space<vmem>>) target(%dma_start3A_2065 : memref<16800xf32, #tpu.memory_space<hbm>>) target_semaphore(%arg12 : memref<!tpu.dma_semaphore, #tpu.memory_space<semaphore_mem>>)
    %mul3A_2068 = arith.constant 18 : i32
    %mul3A_2069 = arith.muli %add3A, %mul3A_2068 : i32
    %add3A_2070 = arith.constant 8 : i32
    %add3A_2071 = arith.addi %mul3A_2069, %add3A_2070 : i32
    %jit3A_2072 = arith.constant 9 : i32
    %div3A_2073 = arith.divsi %add3A_2071, %jit3A_2072 : i32
    %sign3A_2074 = arith.constant 0 : i32
    %sign3A_2075 = arith.cmpi sgt, %add3A_2071, %sign3A_2074 : i32
    %sign3A_2076 = arith.extui %sign3A_2075 : i1 to i32
    %sign3A_2077 = arith.constant 0 : i32
    %sign3A_2078 = arith.cmpi slt, %add3A_2071, %sign3A_2077 : i32
    %sign3A_2079 = arith.extui %sign3A_2078 : i1 to i32
    %sign3A_2080 = arith.subi %sign3A_2076, %sign3A_2079 : i32
    %sign3A_2081 = arith.constant 0 : i32
    %sign3A_2082 = arith.cmpi sgt, %jit3A_2072, %sign3A_2081 : i32
    %sign3A_2083 = arith.extui %sign3A_2082 : i1 to i32
    %sign3A_2084 = arith.constant 0 : i32
    %sign3A_2085 = arith.cmpi slt, %jit3A_2072, %sign3A_2084 : i32
    %sign3A_2086 = arith.extui %sign3A_2085 : i1 to i32
    %sign3A_2087 = arith.subi %sign3A_2083, %sign3A_2086 : i32
    %ne3A_2088 = arith.cmpi ne, %sign3A_2080, %sign3A_2087 : i32
    %rem3A_2089 = arith.remsi %add3A_2071, %jit3A_2072 : i32
    %ne3A_2090 = arith.constant 0 : i32
    %ne3A_2091 = arith.cmpi ne, %rem3A_2089, %ne3A_2090 : i32
    %and3A_2092 = arith.andi %ne3A_2088, %ne3A_2091 : i1
    %sub3A_2093 = arith.constant 1 : i32
    %sub3A_2094 = arith.subi %div3A_2073, %sub3A_2093 : i32
    %select_n3A_2095 = arith.select %and3A_2092, %sub3A_2094, %div3A_2073 : i32
    %mul3A_2096 = arith.constant 9 : i32
    %mul3A_2097 = arith.muli %select_n3A_2095, %mul3A_2096 : i32
    %sub3A_2098 = arith.subi %add3A_2071, %mul3A_2097 : i32
    %mul3A_2099 = arith.constant 4 : i32
    %mul3A_2100 = arith.muli %select_n3A_2095, %mul3A_2099 : i32
    %mul3A_2101 = arith.constant 9 : i32
    %mul3A_2102 = arith.muli %mul3A_2100, %mul3A_2101 : i32
    %add3A_2103 = arith.addi %mul3A_2102, %sub3A_2098 : i32
    %mul3A_2104 = arith.constant 4200 : i32
    %mul3A_2105 = arith.muli %add3A_2103, %mul3A_2104 : i32
    %add3A_2106 = arith.constant 0 : i32
    %add3A_2107 = arith.addi %mul3A_2105, %add3A_2106 : i32
    %dma_start3A_2108 = arith.constant 0 : i32
    %dma_start3A_2109 = tpu.memref_slice %arg6[%dma_start3A_2108] : memref<25200xf32, #tpu.memory_space<vmem>> -> memref<4200xf32, #tpu.memory_space<vmem>>
    %dma_start3A_2110 = tpu.memref_slice %arg3[%add3A_2107] : memref<9676800xf32, #tpu.memory_space<hbm>> -> memref<4200xf32, #tpu.memory_space<hbm>>
    %dma_start3A_2111 = arith.constant 0 : i32
    %dma_start3A_2112 = tpu.memref_slice %arg6[%dma_start3A_2111] : memref<25200xf32, #tpu.memory_space<vmem>> -> memref<4200xf32, #tpu.memory_space<vmem>>
    %dma_start3A_2113 = tpu.memref_slice %arg3[%add3A_2107] : memref<9676800xf32, #tpu.memory_space<hbm>> -> memref<4200xf32, #tpu.memory_space<hbm>>
    tpu.enqueue_dma source(%dma_start3A_2113 : memref<4200xf32, #tpu.memory_space<hbm>>) target(%dma_start3A_2112 : memref<4200xf32, #tpu.memory_space<vmem>>) target_semaphore(%arg10 : memref<!tpu.dma_semaphore, #tpu.memory_space<semaphore_mem>>)
    %add3A_2114 = arith.constant 37800 : i32
    %add3A_2115 = arith.addi %mul3A_2105, %add3A_2114 : i32
    %dma_start3A_2116 = arith.constant 4200 : i32
    %dma_start3A_2117 = tpu.memref_slice %arg6[%dma_start3A_2116] : memref<25200xf32, #tpu.memory_space<vmem>> -> memref<4200xf32, #tpu.memory_space<vmem>>
    %dma_start3A_2118 = tpu.memref_slice %arg3[%add3A_2115] : memref<9676800xf32, #tpu.memory_space<hbm>> -> memref<4200xf32, #tpu.memory_space<hbm>>
    %dma_start3A_2119 = arith.constant 4200 : i32
    %dma_start3A_2120 = tpu.memref_slice %arg6[%dma_start3A_2119] : memref<25200xf32, #tpu.memory_space<vmem>> -> memref<4200xf32, #tpu.memory_space<vmem>>
    %dma_start3A_2121 = tpu.memref_slice %arg3[%add3A_2115] : memref<9676800xf32, #tpu.memory_space<hbm>> -> memref<4200xf32, #tpu.memory_space<hbm>>
    tpu.enqueue_dma source(%dma_start3A_2121 : memref<4200xf32, #tpu.memory_space<hbm>>) target(%dma_start3A_2120 : memref<4200xf32, #tpu.memory_space<vmem>>) target_semaphore(%arg10 : memref<!tpu.dma_semaphore, #tpu.memory_space<semaphore_mem>>)
    %add3A_2122 = arith.constant 75600 : i32
    %add3A_2123 = arith.addi %mul3A_2105, %add3A_2122 : i32
    %dma_start3A_2124 = arith.constant 8400 : i32
    %dma_start3A_2125 = tpu.memref_slice %arg6[%dma_start3A_2124] : memref<25200xf32, #tpu.memory_space<vmem>> -> memref<4200xf32, #tpu.memory_space<vmem>>
    %dma_start3A_2126 = tpu.memref_slice %arg3[%add3A_2123] : memref<9676800xf32, #tpu.memory_space<hbm>> -> memref<4200xf32, #tpu.memory_space<hbm>>
    %dma_start3A_2127 = arith.constant 8400 : i32
    %dma_start3A_2128 = tpu.memref_slice %arg6[%dma_start3A_2127] : memref<25200xf32, #tpu.memory_space<vmem>> -> memref<4200xf32, #tpu.memory_space<vmem>>
    %dma_start3A_2129 = tpu.memref_slice %arg3[%add3A_2123] : memref<9676800xf32, #tpu.memory_space<hbm>> -> memref<4200xf32, #tpu.memory_space<hbm>>
    tpu.enqueue_dma source(%dma_start3A_2129 : memref<4200xf32, #tpu.memory_space<hbm>>) target(%dma_start3A_2128 : memref<4200xf32, #tpu.memory_space<vmem>>) target_semaphore(%arg10 : memref<!tpu.dma_semaphore, #tpu.memory_space<semaphore_mem>>)
    %add3A_2130 = arith.constant 113400 : i32
    %add3A_2131 = arith.addi %mul3A_2105, %add3A_2130 : i32
    %dma_start3A_2132 = arith.constant 12600 : i32
    %dma_start3A_2133 = tpu.memref_slice %arg6[%dma_start3A_2132] : memref<25200xf32, #tpu.memory_space<vmem>> -> memref<4200xf32, #tpu.memory_space<vmem>>
    %dma_start3A_2134 = tpu.memref_slice %arg3[%add3A_2131] : memref<9676800xf32, #tpu.memory_space<hbm>> -> memref<4200xf32, #tpu.memory_space<hbm>>
    %dma_start3A_2135 = arith.constant 12600 : i32
    %dma_start3A_2136 = tpu.memref_slice %arg6[%dma_start3A_2135] : memref<25200xf32, #tpu.memory_space<vmem>> -> memref<4200xf32, #tpu.memory_space<vmem>>
    %dma_start3A_2137 = tpu.memref_slice %arg3[%add3A_2131] : memref<9676800xf32, #tpu.memory_space<hbm>> -> memref<4200xf32, #tpu.memory_space<hbm>>
    tpu.enqueue_dma source(%dma_start3A_2137 : memref<4200xf32, #tpu.memory_space<hbm>>) target(%dma_start3A_2136 : memref<4200xf32, #tpu.memory_space<vmem>>) target_semaphore(%arg10 : memref<!tpu.dma_semaphore, #tpu.memory_space<semaphore_mem>>)
    %dma_wait3A_2138 = arith.constant 0 : i32
    %dma_wait3A_2139 = tpu.memref_slice %arg7[%dma_wait3A_2138] : memref<25200xf32, #tpu.memory_space<vmem>> -> memref<4200xf32, #tpu.memory_space<vmem>>
    %dma_wait3A_2140 = tpu.memref_slice %arg3[%add3A_1953] : memref<9676800xf32, #tpu.memory_space<hbm>> -> memref<4200xf32, #tpu.memory_space<hbm>>
    %dma_wait3A_2141 = arith.constant 0 : i32
    %dma_wait3A_2142 = tpu.memref_slice %arg7[%dma_wait3A_2141] : memref<25200xf32, #tpu.memory_space<vmem>> -> memref<4200xf32, #tpu.memory_space<vmem>>
    %dma_wait3A_2143 = tpu.memref_slice %arg3[%add3A_1953] : memref<9676800xf32, #tpu.memory_space<hbm>> -> memref<4200xf32, #tpu.memory_space<hbm>>
    tpu.wait_dma2 semaphore(%arg11 : memref<!tpu.dma_semaphore, #tpu.memory_space<semaphore_mem>>) src(%dma_wait3A_2143 : memref<4200xf32, #tpu.memory_space<hbm>>) dst(%dma_wait3A_2142 : memref<4200xf32, #tpu.memory_space<vmem>>)
    %dma_wait3A_2144 = arith.constant 4200 : i32
    %dma_wait3A_2145 = tpu.memref_slice %arg7[%dma_wait3A_2144] : memref<25200xf32, #tpu.memory_space<vmem>> -> memref<4200xf32, #tpu.memory_space<vmem>>
    %dma_wait3A_2146 = tpu.memref_slice %arg3[%add3A_1961] : memref<9676800xf32, #tpu.memory_space<hbm>> -> memref<4200xf32, #tpu.memory_space<hbm>>
    %dma_wait3A_2147 = arith.constant 4200 : i32
    %dma_wait3A_2148 = tpu.memref_slice %arg7[%dma_wait3A_2147] : memref<25200xf32, #tpu.memory_space<vmem>> -> memref<4200xf32, #tpu.memory_space<vmem>>
    %dma_wait3A_2149 = tpu.memref_slice %arg3[%add3A_1961] : memref<9676800xf32, #tpu.memory_space<hbm>> -> memref<4200xf32, #tpu.memory_space<hbm>>
    tpu.wait_dma2 semaphore(%arg11 : memref<!tpu.dma_semaphore, #tpu.memory_space<semaphore_mem>>) src(%dma_wait3A_2149 : memref<4200xf32, #tpu.memory_space<hbm>>) dst(%dma_wait3A_2148 : memref<4200xf32, #tpu.memory_space<vmem>>)
    %dma_wait3A_2150 = arith.constant 8400 : i32
    %dma_wait3A_2151 = tpu.memref_slice %arg7[%dma_wait3A_2150] : memref<25200xf32, #tpu.memory_space<vmem>> -> memref<4200xf32, #tpu.memory_space<vmem>>
    %dma_wait3A_2152 = tpu.memref_slice %arg3[%add3A_1969] : memref<9676800xf32, #tpu.memory_space<hbm>> -> memref<4200xf32, #tpu.memory_space<hbm>>
    %dma_wait3A_2153 = arith.constant 8400 : i32
    %dma_wait3A_2154 = tpu.memref_slice %arg7[%dma_wait3A_2153] : memref<25200xf32, #tpu.memory_space<vmem>> -> memref<4200xf32, #tpu.memory_space<vmem>>
    %dma_wait3A_2155 = tpu.memref_slice %arg3[%add3A_1969] : memref<9676800xf32, #tpu.memory_space<hbm>> -> memref<4200xf32, #tpu.memory_space<hbm>>
    tpu.wait_dma2 semaphore(%arg11 : memref<!tpu.dma_semaphore, #tpu.memory_space<semaphore_mem>>) src(%dma_wait3A_2155 : memref<4200xf32, #tpu.memory_space<hbm>>) dst(%dma_wait3A_2154 : memref<4200xf32, #tpu.memory_space<vmem>>)
    %dma_wait3A_2156 = arith.constant 12600 : i32
    %dma_wait3A_2157 = tpu.memref_slice %arg7[%dma_wait3A_2156] : memref<25200xf32, #tpu.memory_space<vmem>> -> memref<4200xf32, #tpu.memory_space<vmem>>
    %dma_wait3A_2158 = tpu.memref_slice %arg3[%add3A_1977] : memref<9676800xf32, #tpu.memory_space<hbm>> -> memref<4200xf32, #tpu.memory_space<hbm>>
    %dma_wait3A_2159 = arith.constant 12600 : i32
    %dma_wait3A_2160 = tpu.memref_slice %arg7[%dma_wait3A_2159] : memref<25200xf32, #tpu.memory_space<vmem>> -> memref<4200xf32, #tpu.memory_space<vmem>>
    %dma_wait3A_2161 = tpu.memref_slice %arg3[%add3A_1977] : memref<9676800xf32, #tpu.memory_space<hbm>> -> memref<4200xf32, #tpu.memory_space<hbm>>
    tpu.wait_dma2 semaphore(%arg11 : memref<!tpu.dma_semaphore, #tpu.memory_space<semaphore_mem>>) src(%dma_wait3A_2161 : memref<4200xf32, #tpu.memory_space<hbm>>) dst(%dma_wait3A_2160 : memref<4200xf32, #tpu.memory_space<vmem>>)
    %dma_wait3A_2162 = arith.constant 0 : i32
    %dma_wait3A_2163 = tpu.memref_slice %arg9[%dma_wait3A_2162] : memref<25200xf32, #tpu.memory_space<vmem>> -> memref<16800xf32, #tpu.memory_space<vmem>>
    %dma_wait3A_2164 = tpu.memref_slice %arg5[%mul3A_1907] : memref<9676800xf32, #tpu.memory_space<hbm>> -> memref<16800xf32, #tpu.memory_space<hbm>>
    %dma_wait3A_2165 = tpu.memref_slice %arg5[%mul3A_1907] : memref<9676800xf32, #tpu.memory_space<hbm>> -> memref<16800xf32, #tpu.memory_space<hbm>>
    %dma_wait3A_2166 = arith.constant 0 : i32
    %dma_wait3A_2167 = tpu.memref_slice %arg9[%dma_wait3A_2166] : memref<25200xf32, #tpu.memory_space<vmem>> -> memref<16800xf32, #tpu.memory_space<vmem>>
    tpu.wait_dma2 semaphore(%arg13 : memref<!tpu.dma_semaphore, #tpu.memory_space<semaphore_mem>>) src(%dma_wait3A_2167 : memref<16800xf32, #tpu.memory_space<vmem>>) dst(%dma_wait3A_2165 : memref<16800xf32, #tpu.memory_space<hbm>>)
    %shift_right_arithmetic3A_2168 = arith.constant 2 : i32
    %shift_right_arithmetic3A_2169 = vector.broadcast %shift_right_arithmetic3A_2168 : i32 to vector<16xi32>
    %shift_right_arithmetic3A_2170 = arith.shrsi %iota3A, %shift_right_arithmetic3A_2169 : vector<16xi32>
    %and3A_2171 = arith.constant 3 : i32
    %and3A_2172 = vector.broadcast %and3A_2171 : i32 to vector<16xi32>
    %and3A_2173 = arith.andi %iota3A, %and3A_2172 : vector<16xi32>
    %mul3A_2174 = arith.constant 4200 : i32
    %mul3A_2175 = vector.broadcast %mul3A_2174 : i32 to vector<16xi32>
    %mul3A_2176 = arith.muli %and3A_2173, %mul3A_2175 : vector<16xi32>
    %add3A_2177 = arith.addi %shift_right_arithmetic3A_2170, %mul3A_2176 : vector<16xi32>
    %mul3A_2178 = arith.constant 18 : i32
    %mul3A_2179 = arith.muli %add3A, %mul3A_2178 : i32
    %add3A_2180 = arith.constant 7 : i32
    %add3A_2181 = arith.addi %mul3A_2179, %add3A_2180 : i32
    %jit3A_2182 = arith.constant 9 : i32
    %div3A_2183 = arith.divsi %add3A_2181, %jit3A_2182 : i32
    %sign3A_2184 = arith.constant 0 : i32
    %sign3A_2185 = arith.cmpi sgt, %add3A_2181, %sign3A_2184 : i32
    %sign3A_2186 = arith.extui %sign3A_2185 : i1 to i32
    %sign3A_2187 = arith.constant 0 : i32
    %sign3A_2188 = arith.cmpi slt, %add3A_2181, %sign3A_2187 : i32
    %sign3A_2189 = arith.extui %sign3A_2188 : i1 to i32
    %sign3A_2190 = arith.subi %sign3A_2186, %sign3A_2189 : i32
    %sign3A_2191 = arith.constant 0 : i32
    %sign3A_2192 = arith.cmpi sgt, %jit3A_2182, %sign3A_2191 : i32
    %sign3A_2193 = arith.extui %sign3A_2192 : i1 to i32
    %sign3A_2194 = arith.constant 0 : i32
    %sign3A_2195 = arith.cmpi slt, %jit3A_2182, %sign3A_2194 : i32
    %sign3A_2196 = arith.extui %sign3A_2195 : i1 to i32
    %sign3A_2197 = arith.subi %sign3A_2193, %sign3A_2196 : i32
    %ne3A_2198 = arith.cmpi ne, %sign3A_2190, %sign3A_2197 : i32
    %rem3A_2199 = arith.remsi %add3A_2181, %jit3A_2182 : i32
    %ne3A_2200 = arith.constant 0 : i32
    %ne3A_2201 = arith.cmpi ne, %rem3A_2199, %ne3A_2200 : i32
    %and3A_2202 = arith.andi %ne3A_2198, %ne3A_2201 : i1
    %sub3A_2203 = arith.constant 1 : i32
    %sub3A_2204 = arith.subi %div3A_2183, %sub3A_2203 : i32
    %select_n3A_2205 = arith.select %and3A_2202, %sub3A_2204, %div3A_2183 : i32
    %mul3A_2206 = arith.constant 9 : i32
    %mul3A_2207 = arith.muli %select_n3A_2205, %mul3A_2206 : i32
    %sub3A_2208 = arith.subi %add3A_2181, %mul3A_2207 : i32
    %mul3A_2209 = arith.constant 9 : i32
    %mul3A_2210 = arith.muli %select_n3A_2205, %mul3A_2209 : i32
    %add3A_2211 = arith.addi %mul3A_2210, %sub3A_2208 : i32
    %mul3A_2212 = arith.constant 4 : i32
    %mul3A_2213 = arith.muli %add3A_2211, %mul3A_2212 : i32
    %mul3A_2214 = arith.constant 4200 : i32
    %mul3A_2215 = arith.muli %mul3A_2213, %mul3A_2214 : i32
    %dma_start3A_2216 = arith.constant 0 : i32
    %dma_start3A_2217 = tpu.memref_slice %arg9[%dma_start3A_2216] : memref<25200xf32, #tpu.memory_space<vmem>> -> memref<16800xf32, #tpu.memory_space<vmem>>
    %dma_start3A_2218 = tpu.memref_slice %arg5[%mul3A_2215] : memref<9676800xf32, #tpu.memory_space<hbm>> -> memref<16800xf32, #tpu.memory_space<hbm>>
    %dma_start3A_2219 = tpu.memref_slice %arg5[%mul3A_2215] : memref<9676800xf32, #tpu.memory_space<hbm>> -> memref<16800xf32, #tpu.memory_space<hbm>>
    %dma_start3A_2220 = arith.constant 0 : i32
    %dma_start3A_2221 = tpu.memref_slice %arg9[%dma_start3A_2220] : memref<25200xf32, #tpu.memory_space<vmem>> -> memref<16800xf32, #tpu.memory_space<vmem>>
    tpu.enqueue_dma source(%dma_start3A_2221 : memref<16800xf32, #tpu.memory_space<vmem>>) target(%dma_start3A_2219 : memref<16800xf32, #tpu.memory_space<hbm>>) target_semaphore(%arg13 : memref<!tpu.dma_semaphore, #tpu.memory_space<semaphore_mem>>)
    %mul3A_2222 = arith.constant 18 : i32
    %mul3A_2223 = arith.muli %add3A, %mul3A_2222 : i32
    %add3A_2224 = arith.constant 9 : i32
    %add3A_2225 = arith.addi %mul3A_2223, %add3A_2224 : i32
    %jit3A_2226 = arith.constant 9 : i32
    %div3A_2227 = arith.divsi %add3A_2225, %jit3A_2226 : i32
    %sign3A_2228 = arith.constant 0 : i32
    %sign3A_2229 = arith.cmpi sgt, %add3A_2225, %sign3A_2228 : i32
    %sign3A_2230 = arith.extui %sign3A_2229 : i1 to i32
    %sign3A_2231 = arith.constant 0 : i32
    %sign3A_2232 = arith.cmpi slt, %add3A_2225, %sign3A_2231 : i32
    %sign3A_2233 = arith.extui %sign3A_2232 : i1 to i32
    %sign3A_2234 = arith.subi %sign3A_2230, %sign3A_2233 : i32
    %sign3A_2235 = arith.constant 0 : i32
    %sign3A_2236 = arith.cmpi sgt, %jit3A_2226, %sign3A_2235 : i32
    %sign3A_2237 = arith.extui %sign3A_2236 : i1 to i32
    %sign3A_2238 = arith.constant 0 : i32
    %sign3A_2239 = arith.cmpi slt, %jit3A_2226, %sign3A_2238 : i32
    %sign3A_2240 = arith.extui %sign3A_2239 : i1 to i32
    %sign3A_2241 = arith.subi %sign3A_2237, %sign3A_2240 : i32
    %ne3A_2242 = arith.cmpi ne, %sign3A_2234, %sign3A_2241 : i32
    %rem3A_2243 = arith.remsi %add3A_2225, %jit3A_2226 : i32
    %ne3A_2244 = arith.constant 0 : i32
    %ne3A_2245 = arith.cmpi ne, %rem3A_2243, %ne3A_2244 : i32
    %and3A_2246 = arith.andi %ne3A_2242, %ne3A_2245 : i1
    %sub3A_2247 = arith.constant 1 : i32
    %sub3A_2248 = arith.subi %div3A_2227, %sub3A_2247 : i32
    %select_n3A_2249 = arith.select %and3A_2246, %sub3A_2248, %div3A_2227 : i32
    %mul3A_2250 = arith.constant 9 : i32
    %mul3A_2251 = arith.muli %select_n3A_2249, %mul3A_2250 : i32
    %sub3A_2252 = arith.subi %add3A_2225, %mul3A_2251 : i32
    %mul3A_2253 = arith.constant 4 : i32
    %mul3A_2254 = arith.muli %select_n3A_2249, %mul3A_2253 : i32
    %mul3A_2255 = arith.constant 9 : i32
    %mul3A_2256 = arith.muli %mul3A_2254, %mul3A_2255 : i32
    %add3A_2257 = arith.addi %mul3A_2256, %sub3A_2252 : i32
    %mul3A_2258 = arith.constant 4200 : i32
    %mul3A_2259 = arith.muli %add3A_2257, %mul3A_2258 : i32
    %add3A_2260 = arith.constant 0 : i32
    %add3A_2261 = arith.addi %mul3A_2259, %add3A_2260 : i32
    %dma_start3A_2262 = arith.constant 0 : i32
    %dma_start3A_2263 = tpu.memref_slice %arg7[%dma_start3A_2262] : memref<25200xf32, #tpu.memory_space<vmem>> -> memref<4200xf32, #tpu.memory_space<vmem>>
    %dma_start3A_2264 = tpu.memref_slice %arg3[%add3A_2261] : memref<9676800xf32, #tpu.memory_space<hbm>> -> memref<4200xf32, #tpu.memory_space<hbm>>
    %dma_start3A_2265 = arith.constant 0 : i32
    %dma_start3A_2266 = tpu.memref_slice %arg7[%dma_start3A_2265] : memref<25200xf32, #tpu.memory_space<vmem>> -> memref<4200xf32, #tpu.memory_space<vmem>>
    %dma_start3A_2267 = tpu.memref_slice %arg3[%add3A_2261] : memref<9676800xf32, #tpu.memory_space<hbm>> -> memref<4200xf32, #tpu.memory_space<hbm>>
    tpu.enqueue_dma source(%dma_start3A_2267 : memref<4200xf32, #tpu.memory_space<hbm>>) target(%dma_start3A_2266 : memref<4200xf32, #tpu.memory_space<vmem>>) target_semaphore(%arg11 : memref<!tpu.dma_semaphore, #tpu.memory_space<semaphore_mem>>)
    %add3A_2268 = arith.constant 37800 : i32
    %add3A_2269 = arith.addi %mul3A_2259, %add3A_2268 : i32
    %dma_start3A_2270 = arith.constant 4200 : i32
    %dma_start3A_2271 = tpu.memref_slice %arg7[%dma_start3A_2270] : memref<25200xf32, #tpu.memory_space<vmem>> -> memref<4200xf32, #tpu.memory_space<vmem>>
    %dma_start3A_2272 = tpu.memref_slice %arg3[%add3A_2269] : memref<9676800xf32, #tpu.memory_space<hbm>> -> memref<4200xf32, #tpu.memory_space<hbm>>
    %dma_start3A_2273 = arith.constant 4200 : i32
    %dma_start3A_2274 = tpu.memref_slice %arg7[%dma_start3A_2273] : memref<25200xf32, #tpu.memory_space<vmem>> -> memref<4200xf32, #tpu.memory_space<vmem>>
    %dma_start3A_2275 = tpu.memref_slice %arg3[%add3A_2269] : memref<9676800xf32, #tpu.memory_space<hbm>> -> memref<4200xf32, #tpu.memory_space<hbm>>
    tpu.enqueue_dma source(%dma_start3A_2275 : memref<4200xf32, #tpu.memory_space<hbm>>) target(%dma_start3A_2274 : memref<4200xf32, #tpu.memory_space<vmem>>) target_semaphore(%arg11 : memref<!tpu.dma_semaphore, #tpu.memory_space<semaphore_mem>>)
    %add3A_2276 = arith.constant 75600 : i32
    %add3A_2277 = arith.addi %mul3A_2259, %add3A_2276 : i32
    %dma_start3A_2278 = arith.constant 8400 : i32
    %dma_start3A_2279 = tpu.memref_slice %arg7[%dma_start3A_2278] : memref<25200xf32, #tpu.memory_space<vmem>> -> memref<4200xf32, #tpu.memory_space<vmem>>
    %dma_start3A_2280 = tpu.memref_slice %arg3[%add3A_2277] : memref<9676800xf32, #tpu.memory_space<hbm>> -> memref<4200xf32, #tpu.memory_space<hbm>>
    %dma_start3A_2281 = arith.constant 8400 : i32
    %dma_start3A_2282 = tpu.memref_slice %arg7[%dma_start3A_2281] : memref<25200xf32, #tpu.memory_space<vmem>> -> memref<4200xf32, #tpu.memory_space<vmem>>
    %dma_start3A_2283 = tpu.memref_slice %arg3[%add3A_2277] : memref<9676800xf32, #tpu.memory_space<hbm>> -> memref<4200xf32, #tpu.memory_space<hbm>>
    tpu.enqueue_dma source(%dma_start3A_2283 : memref<4200xf32, #tpu.memory_space<hbm>>) target(%dma_start3A_2282 : memref<4200xf32, #tpu.memory_space<vmem>>) target_semaphore(%arg11 : memref<!tpu.dma_semaphore, #tpu.memory_space<semaphore_mem>>)
    %add3A_2284 = arith.constant 113400 : i32
    %add3A_2285 = arith.addi %mul3A_2259, %add3A_2284 : i32
    %dma_start3A_2286 = arith.constant 12600 : i32
    %dma_start3A_2287 = tpu.memref_slice %arg7[%dma_start3A_2286] : memref<25200xf32, #tpu.memory_space<vmem>> -> memref<4200xf32, #tpu.memory_space<vmem>>
    %dma_start3A_2288 = tpu.memref_slice %arg3[%add3A_2285] : memref<9676800xf32, #tpu.memory_space<hbm>> -> memref<4200xf32, #tpu.memory_space<hbm>>
    %dma_start3A_2289 = arith.constant 12600 : i32
    %dma_start3A_2290 = tpu.memref_slice %arg7[%dma_start3A_2289] : memref<25200xf32, #tpu.memory_space<vmem>> -> memref<4200xf32, #tpu.memory_space<vmem>>
    %dma_start3A_2291 = tpu.memref_slice %arg3[%add3A_2285] : memref<9676800xf32, #tpu.memory_space<hbm>> -> memref<4200xf32, #tpu.memory_space<hbm>>
    tpu.enqueue_dma source(%dma_start3A_2291 : memref<4200xf32, #tpu.memory_space<hbm>>) target(%dma_start3A_2290 : memref<4200xf32, #tpu.memory_space<vmem>>) target_semaphore(%arg11 : memref<!tpu.dma_semaphore, #tpu.memory_space<semaphore_mem>>)
    %dma_wait3A_2292 = arith.constant 0 : i32
    %dma_wait3A_2293 = tpu.memref_slice %arg6[%dma_wait3A_2292] : memref<25200xf32, #tpu.memory_space<vmem>> -> memref<4200xf32, #tpu.memory_space<vmem>>
    %dma_wait3A_2294 = tpu.memref_slice %arg3[%add3A_2107] : memref<9676800xf32, #tpu.memory_space<hbm>> -> memref<4200xf32, #tpu.memory_space<hbm>>
    %dma_wait3A_2295 = arith.constant 0 : i32
    %dma_wait3A_2296 = tpu.memref_slice %arg6[%dma_wait3A_2295] : memref<25200xf32, #tpu.memory_space<vmem>> -> memref<4200xf32, #tpu.memory_space<vmem>>
    %dma_wait3A_2297 = tpu.memref_slice %arg3[%add3A_2107] : memref<9676800xf32, #tpu.memory_space<hbm>> -> memref<4200xf32, #tpu.memory_space<hbm>>
    tpu.wait_dma2 semaphore(%arg10 : memref<!tpu.dma_semaphore, #tpu.memory_space<semaphore_mem>>) src(%dma_wait3A_2297 : memref<4200xf32, #tpu.memory_space<hbm>>) dst(%dma_wait3A_2296 : memref<4200xf32, #tpu.memory_space<vmem>>)
    %dma_wait3A_2298 = arith.constant 4200 : i32
    %dma_wait3A_2299 = tpu.memref_slice %arg6[%dma_wait3A_2298] : memref<25200xf32, #tpu.memory_space<vmem>> -> memref<4200xf32, #tpu.memory_space<vmem>>
    %dma_wait3A_2300 = tpu.memref_slice %arg3[%add3A_2115] : memref<9676800xf32, #tpu.memory_space<hbm>> -> memref<4200xf32, #tpu.memory_space<hbm>>
    %dma_wait3A_2301 = arith.constant 4200 : i32
    %dma_wait3A_2302 = tpu.memref_slice %arg6[%dma_wait3A_2301] : memref<25200xf32, #tpu.memory_space<vmem>> -> memref<4200xf32, #tpu.memory_space<vmem>>
    %dma_wait3A_2303 = tpu.memref_slice %arg3[%add3A_2115] : memref<9676800xf32, #tpu.memory_space<hbm>> -> memref<4200xf32, #tpu.memory_space<hbm>>
    tpu.wait_dma2 semaphore(%arg10 : memref<!tpu.dma_semaphore, #tpu.memory_space<semaphore_mem>>) src(%dma_wait3A_2303 : memref<4200xf32, #tpu.memory_space<hbm>>) dst(%dma_wait3A_2302 : memref<4200xf32, #tpu.memory_space<vmem>>)
    %dma_wait3A_2304 = arith.constant 8400 : i32
    %dma_wait3A_2305 = tpu.memref_slice %arg6[%dma_wait3A_2304] : memref<25200xf32, #tpu.memory_space<vmem>> -> memref<4200xf32, #tpu.memory_space<vmem>>
    %dma_wait3A_2306 = tpu.memref_slice %arg3[%add3A_2123] : memref<9676800xf32, #tpu.memory_space<hbm>> -> memref<4200xf32, #tpu.memory_space<hbm>>
    %dma_wait3A_2307 = arith.constant 8400 : i32
    %dma_wait3A_2308 = tpu.memref_slice %arg6[%dma_wait3A_2307] : memref<25200xf32, #tpu.memory_space<vmem>> -> memref<4200xf32, #tpu.memory_space<vmem>>
    %dma_wait3A_2309 = tpu.memref_slice %arg3[%add3A_2123] : memref<9676800xf32, #tpu.memory_space<hbm>> -> memref<4200xf32, #tpu.memory_space<hbm>>
    tpu.wait_dma2 semaphore(%arg10 : memref<!tpu.dma_semaphore, #tpu.memory_space<semaphore_mem>>) src(%dma_wait3A_2309 : memref<4200xf32, #tpu.memory_space<hbm>>) dst(%dma_wait3A_2308 : memref<4200xf32, #tpu.memory_space<vmem>>)
    %dma_wait3A_2310 = arith.constant 12600 : i32
    %dma_wait3A_2311 = tpu.memref_slice %arg6[%dma_wait3A_2310] : memref<25200xf32, #tpu.memory_space<vmem>> -> memref<4200xf32, #tpu.memory_space<vmem>>
    %dma_wait3A_2312 = tpu.memref_slice %arg3[%add3A_2131] : memref<9676800xf32, #tpu.memory_space<hbm>> -> memref<4200xf32, #tpu.memory_space<hbm>>
    %dma_wait3A_2313 = arith.constant 12600 : i32
    %dma_wait3A_2314 = tpu.memref_slice %arg6[%dma_wait3A_2313] : memref<25200xf32, #tpu.memory_space<vmem>> -> memref<4200xf32, #tpu.memory_space<vmem>>
    %dma_wait3A_2315 = tpu.memref_slice %arg3[%add3A_2131] : memref<9676800xf32, #tpu.memory_space<hbm>> -> memref<4200xf32, #tpu.memory_space<hbm>>
    tpu.wait_dma2 semaphore(%arg10 : memref<!tpu.dma_semaphore, #tpu.memory_space<semaphore_mem>>) src(%dma_wait3A_2315 : memref<4200xf32, #tpu.memory_space<hbm>>) dst(%dma_wait3A_2314 : memref<4200xf32, #tpu.memory_space<vmem>>)
    %dma_wait3A_2316 = arith.constant 0 : i32
    %dma_wait3A_2317 = tpu.memref_slice %arg8[%dma_wait3A_2316] : memref<25200xf32, #tpu.memory_space<vmem>> -> memref<16800xf32, #tpu.memory_space<vmem>>
    %dma_wait3A_2318 = tpu.memref_slice %arg5[%mul3A_2061] : memref<9676800xf32, #tpu.memory_space<hbm>> -> memref<16800xf32, #tpu.memory_space<hbm>>
    %dma_wait3A_2319 = tpu.memref_slice %arg5[%mul3A_2061] : memref<9676800xf32, #tpu.memory_space<hbm>> -> memref<16800xf32, #tpu.memory_space<hbm>>
    %dma_wait3A_2320 = arith.constant 0 : i32
    %dma_wait3A_2321 = tpu.memref_slice %arg8[%dma_wait3A_2320] : memref<25200xf32, #tpu.memory_space<vmem>> -> memref<16800xf32, #tpu.memory_space<vmem>>
    tpu.wait_dma2 semaphore(%arg12 : memref<!tpu.dma_semaphore, #tpu.memory_space<semaphore_mem>>) src(%dma_wait3A_2321 : memref<16800xf32, #tpu.memory_space<vmem>>) dst(%dma_wait3A_2319 : memref<16800xf32, #tpu.memory_space<hbm>>)
    %shift_right_arithmetic3A_2322 = arith.constant 2 : i32
    %shift_right_arithmetic3A_2323 = vector.broadcast %shift_right_arithmetic3A_2322 : i32 to vector<16xi32>
    %shift_right_arithmetic3A_2324 = arith.shrsi %iota3A, %shift_right_arithmetic3A_2323 : vector<16xi32>
    %and3A_2325 = arith.constant 3 : i32
    %and3A_2326 = vector.broadcast %and3A_2325 : i32 to vector<16xi32>
    %and3A_2327 = arith.andi %iota3A, %and3A_2326 : vector<16xi32>
    %mul3A_2328 = arith.constant 4200 : i32
    %mul3A_2329 = vector.broadcast %mul3A_2328 : i32 to vector<16xi32>
    %mul3A_2330 = arith.muli %and3A_2327, %mul3A_2329 : vector<16xi32>
    %add3A_2331 = arith.addi %shift_right_arithmetic3A_2324, %mul3A_2330 : vector<16xi32>
    %mul3A_2332 = arith.constant 18 : i32
    %mul3A_2333 = arith.muli %add3A, %mul3A_2332 : i32
    %add3A_2334 = arith.constant 8 : i32
    %add3A_2335 = arith.addi %mul3A_2333, %add3A_2334 : i32
    %jit3A_2336 = arith.constant 9 : i32
    %div3A_2337 = arith.divsi %add3A_2335, %jit3A_2336 : i32
    %sign3A_2338 = arith.constant 0 : i32
    %sign3A_2339 = arith.cmpi sgt, %add3A_2335, %sign3A_2338 : i32
    %sign3A_2340 = arith.extui %sign3A_2339 : i1 to i32
    %sign3A_2341 = arith.constant 0 : i32
    %sign3A_2342 = arith.cmpi slt, %add3A_2335, %sign3A_2341 : i32
    %sign3A_2343 = arith.extui %sign3A_2342 : i1 to i32
    %sign3A_2344 = arith.subi %sign3A_2340, %sign3A_2343 : i32
    %sign3A_2345 = arith.constant 0 : i32
    %sign3A_2346 = arith.cmpi sgt, %jit3A_2336, %sign3A_2345 : i32
    %sign3A_2347 = arith.extui %sign3A_2346 : i1 to i32
    %sign3A_2348 = arith.constant 0 : i32
    %sign3A_2349 = arith.cmpi slt, %jit3A_2336, %sign3A_2348 : i32
    %sign3A_2350 = arith.extui %sign3A_2349 : i1 to i32
    %sign3A_2351 = arith.subi %sign3A_2347, %sign3A_2350 : i32
    %ne3A_2352 = arith.cmpi ne, %sign3A_2344, %sign3A_2351 : i32
    %rem3A_2353 = arith.remsi %add3A_2335, %jit3A_2336 : i32
    %ne3A_2354 = arith.constant 0 : i32
    %ne3A_2355 = arith.cmpi ne, %rem3A_2353, %ne3A_2354 : i32
    %and3A_2356 = arith.andi %ne3A_2352, %ne3A_2355 : i1
    %sub3A_2357 = arith.constant 1 : i32
    %sub3A_2358 = arith.subi %div3A_2337, %sub3A_2357 : i32
    %select_n3A_2359 = arith.select %and3A_2356, %sub3A_2358, %div3A_2337 : i32
    %mul3A_2360 = arith.constant 9 : i32
    %mul3A_2361 = arith.muli %select_n3A_2359, %mul3A_2360 : i32
    %sub3A_2362 = arith.subi %add3A_2335, %mul3A_2361 : i32
    %mul3A_2363 = arith.constant 9 : i32
    %mul3A_2364 = arith.muli %select_n3A_2359, %mul3A_2363 : i32
    %add3A_2365 = arith.addi %mul3A_2364, %sub3A_2362 : i32
    %mul3A_2366 = arith.constant 4 : i32
    %mul3A_2367 = arith.muli %add3A_2365, %mul3A_2366 : i32
    %mul3A_2368 = arith.constant 4200 : i32
    %mul3A_2369 = arith.muli %mul3A_2367, %mul3A_2368 : i32
    %dma_start3A_2370 = arith.constant 0 : i32
    %dma_start3A_2371 = tpu.memref_slice %arg8[%dma_start3A_2370] : memref<25200xf32, #tpu.memory_space<vmem>> -> memref<16800xf32, #tpu.memory_space<vmem>>
    %dma_start3A_2372 = tpu.memref_slice %arg5[%mul3A_2369] : memref<9676800xf32, #tpu.memory_space<hbm>> -> memref<16800xf32, #tpu.memory_space<hbm>>
    %dma_start3A_2373 = tpu.memref_slice %arg5[%mul3A_2369] : memref<9676800xf32, #tpu.memory_space<hbm>> -> memref<16800xf32, #tpu.memory_space<hbm>>
    %dma_start3A_2374 = arith.constant 0 : i32
    %dma_start3A_2375 = tpu.memref_slice %arg8[%dma_start3A_2374] : memref<25200xf32, #tpu.memory_space<vmem>> -> memref<16800xf32, #tpu.memory_space<vmem>>
    tpu.enqueue_dma source(%dma_start3A_2375 : memref<16800xf32, #tpu.memory_space<vmem>>) target(%dma_start3A_2373 : memref<16800xf32, #tpu.memory_space<hbm>>) target_semaphore(%arg12 : memref<!tpu.dma_semaphore, #tpu.memory_space<semaphore_mem>>)
    %mul3A_2376 = arith.constant 18 : i32
    %mul3A_2377 = arith.muli %add3A, %mul3A_2376 : i32
    %add3A_2378 = arith.constant 10 : i32
    %add3A_2379 = arith.addi %mul3A_2377, %add3A_2378 : i32
    %jit3A_2380 = arith.constant 9 : i32
    %div3A_2381 = arith.divsi %add3A_2379, %jit3A_2380 : i32
    %sign3A_2382 = arith.constant 0 : i32
    %sign3A_2383 = arith.cmpi sgt, %add3A_2379, %sign3A_2382 : i32
    %sign3A_2384 = arith.extui %sign3A_2383 : i1 to i32
    %sign3A_2385 = arith.constant 0 : i32
    %sign3A_2386 = arith.cmpi slt, %add3A_2379, %sign3A_2385 : i32
    %sign3A_2387 = arith.extui %sign3A_2386 : i1 to i32
    %sign3A_2388 = arith.subi %sign3A_2384, %sign3A_2387 : i32
    %sign3A_2389 = arith.constant 0 : i32
    %sign3A_2390 = arith.cmpi sgt, %jit3A_2380, %sign3A_2389 : i32
    %sign3A_2391 = arith.extui %sign3A_2390 : i1 to i32
    %sign3A_2392 = arith.constant 0 : i32
    %sign3A_2393 = arith.cmpi slt, %jit3A_2380, %sign3A_2392 : i32
    %sign3A_2394 = arith.extui %sign3A_2393 : i1 to i32
    %sign3A_2395 = arith.subi %sign3A_2391, %sign3A_2394 : i32
    %ne3A_2396 = arith.cmpi ne, %sign3A_2388, %sign3A_2395 : i32
    %rem3A_2397 = arith.remsi %add3A_2379, %jit3A_2380 : i32
    %ne3A_2398 = arith.constant 0 : i32
    %ne3A_2399 = arith.cmpi ne, %rem3A_2397, %ne3A_2398 : i32
    %and3A_2400 = arith.andi %ne3A_2396, %ne3A_2399 : i1
    %sub3A_2401 = arith.constant 1 : i32
    %sub3A_2402 = arith.subi %div3A_2381, %sub3A_2401 : i32
    %select_n3A_2403 = arith.select %and3A_2400, %sub3A_2402, %div3A_2381 : i32
    %mul3A_2404 = arith.constant 9 : i32
    %mul3A_2405 = arith.muli %select_n3A_2403, %mul3A_2404 : i32
    %sub3A_2406 = arith.subi %add3A_2379, %mul3A_2405 : i32
    %mul3A_2407 = arith.constant 4 : i32
    %mul3A_2408 = arith.muli %select_n3A_2403, %mul3A_2407 : i32
    %mul3A_2409 = arith.constant 9 : i32
    %mul3A_2410 = arith.muli %mul3A_2408, %mul3A_2409 : i32
    %add3A_2411 = arith.addi %mul3A_2410, %sub3A_2406 : i32
    %mul3A_2412 = arith.constant 4200 : i32
    %mul3A_2413 = arith.muli %add3A_2411, %mul3A_2412 : i32
    %add3A_2414 = arith.constant 0 : i32
    %add3A_2415 = arith.addi %mul3A_2413, %add3A_2414 : i32
    %dma_start3A_2416 = arith.constant 0 : i32
    %dma_start3A_2417 = tpu.memref_slice %arg6[%dma_start3A_2416] : memref<25200xf32, #tpu.memory_space<vmem>> -> memref<4200xf32, #tpu.memory_space<vmem>>
    %dma_start3A_2418 = tpu.memref_slice %arg3[%add3A_2415] : memref<9676800xf32, #tpu.memory_space<hbm>> -> memref<4200xf32, #tpu.memory_space<hbm>>
    %dma_start3A_2419 = arith.constant 0 : i32
    %dma_start3A_2420 = tpu.memref_slice %arg6[%dma_start3A_2419] : memref<25200xf32, #tpu.memory_space<vmem>> -> memref<4200xf32, #tpu.memory_space<vmem>>
    %dma_start3A_2421 = tpu.memref_slice %arg3[%add3A_2415] : memref<9676800xf32, #tpu.memory_space<hbm>> -> memref<4200xf32, #tpu.memory_space<hbm>>
    tpu.enqueue_dma source(%dma_start3A_2421 : memref<4200xf32, #tpu.memory_space<hbm>>) target(%dma_start3A_2420 : memref<4200xf32, #tpu.memory_space<vmem>>) target_semaphore(%arg10 : memref<!tpu.dma_semaphore, #tpu.memory_space<semaphore_mem>>)
    %add3A_2422 = arith.constant 37800 : i32
    %add3A_2423 = arith.addi %mul3A_2413, %add3A_2422 : i32
    %dma_start3A_2424 = arith.constant 4200 : i32
    %dma_start3A_2425 = tpu.memref_slice %arg6[%dma_start3A_2424] : memref<25200xf32, #tpu.memory_space<vmem>> -> memref<4200xf32, #tpu.memory_space<vmem>>
    %dma_start3A_2426 = tpu.memref_slice %arg3[%add3A_2423] : memref<9676800xf32, #tpu.memory_space<hbm>> -> memref<4200xf32, #tpu.memory_space<hbm>>
    %dma_start3A_2427 = arith.constant 4200 : i32
    %dma_start3A_2428 = tpu.memref_slice %arg6[%dma_start3A_2427] : memref<25200xf32, #tpu.memory_space<vmem>> -> memref<4200xf32, #tpu.memory_space<vmem>>
    %dma_start3A_2429 = tpu.memref_slice %arg3[%add3A_2423] : memref<9676800xf32, #tpu.memory_space<hbm>> -> memref<4200xf32, #tpu.memory_space<hbm>>
    tpu.enqueue_dma source(%dma_start3A_2429 : memref<4200xf32, #tpu.memory_space<hbm>>) target(%dma_start3A_2428 : memref<4200xf32, #tpu.memory_space<vmem>>) target_semaphore(%arg10 : memref<!tpu.dma_semaphore, #tpu.memory_space<semaphore_mem>>)
    %add3A_2430 = arith.constant 75600 : i32
    %add3A_2431 = arith.addi %mul3A_2413, %add3A_2430 : i32
    %dma_start3A_2432 = arith.constant 8400 : i32
    %dma_start3A_2433 = tpu.memref_slice %arg6[%dma_start3A_2432] : memref<25200xf32, #tpu.memory_space<vmem>> -> memref<4200xf32, #tpu.memory_space<vmem>>
    %dma_start3A_2434 = tpu.memref_slice %arg3[%add3A_2431] : memref<9676800xf32, #tpu.memory_space<hbm>> -> memref<4200xf32, #tpu.memory_space<hbm>>
    %dma_start3A_2435 = arith.constant 8400 : i32
    %dma_start3A_2436 = tpu.memref_slice %arg6[%dma_start3A_2435] : memref<25200xf32, #tpu.memory_space<vmem>> -> memref<4200xf32, #tpu.memory_space<vmem>>
    %dma_start3A_2437 = tpu.memref_slice %arg3[%add3A_2431] : memref<9676800xf32, #tpu.memory_space<hbm>> -> memref<4200xf32, #tpu.memory_space<hbm>>
    tpu.enqueue_dma source(%dma_start3A_2437 : memref<4200xf32, #tpu.memory_space<hbm>>) target(%dma_start3A_2436 : memref<4200xf32, #tpu.memory_space<vmem>>) target_semaphore(%arg10 : memref<!tpu.dma_semaphore, #tpu.memory_space<semaphore_mem>>)
    %add3A_2438 = arith.constant 113400 : i32
    %add3A_2439 = arith.addi %mul3A_2413, %add3A_2438 : i32
    %dma_start3A_2440 = arith.constant 12600 : i32
    %dma_start3A_2441 = tpu.memref_slice %arg6[%dma_start3A_2440] : memref<25200xf32, #tpu.memory_space<vmem>> -> memref<4200xf32, #tpu.memory_space<vmem>>
    %dma_start3A_2442 = tpu.memref_slice %arg3[%add3A_2439] : memref<9676800xf32, #tpu.memory_space<hbm>> -> memref<4200xf32, #tpu.memory_space<hbm>>
    %dma_start3A_2443 = arith.constant 12600 : i32
    %dma_start3A_2444 = tpu.memref_slice %arg6[%dma_start3A_2443] : memref<25200xf32, #tpu.memory_space<vmem>> -> memref<4200xf32, #tpu.memory_space<vmem>>
    %dma_start3A_2445 = tpu.memref_slice %arg3[%add3A_2439] : memref<9676800xf32, #tpu.memory_space<hbm>> -> memref<4200xf32, #tpu.memory_space<hbm>>
    tpu.enqueue_dma source(%dma_start3A_2445 : memref<4200xf32, #tpu.memory_space<hbm>>) target(%dma_start3A_2444 : memref<4200xf32, #tpu.memory_space<vmem>>) target_semaphore(%arg10 : memref<!tpu.dma_semaphore, #tpu.memory_space<semaphore_mem>>)
    %dma_wait3A_2446 = arith.constant 0 : i32
    %dma_wait3A_2447 = tpu.memref_slice %arg7[%dma_wait3A_2446] : memref<25200xf32, #tpu.memory_space<vmem>> -> memref<4200xf32, #tpu.memory_space<vmem>>
    %dma_wait3A_2448 = tpu.memref_slice %arg3[%add3A_2261] : memref<9676800xf32, #tpu.memory_space<hbm>> -> memref<4200xf32, #tpu.memory_space<hbm>>
    %dma_wait3A_2449 = arith.constant 0 : i32
    %dma_wait3A_2450 = tpu.memref_slice %arg7[%dma_wait3A_2449] : memref<25200xf32, #tpu.memory_space<vmem>> -> memref<4200xf32, #tpu.memory_space<vmem>>
    %dma_wait3A_2451 = tpu.memref_slice %arg3[%add3A_2261] : memref<9676800xf32, #tpu.memory_space<hbm>> -> memref<4200xf32, #tpu.memory_space<hbm>>
    tpu.wait_dma2 semaphore(%arg11 : memref<!tpu.dma_semaphore, #tpu.memory_space<semaphore_mem>>) src(%dma_wait3A_2451 : memref<4200xf32, #tpu.memory_space<hbm>>) dst(%dma_wait3A_2450 : memref<4200xf32, #tpu.memory_space<vmem>>)
    %dma_wait3A_2452 = arith.constant 4200 : i32
    %dma_wait3A_2453 = tpu.memref_slice %arg7[%dma_wait3A_2452] : memref<25200xf32, #tpu.memory_space<vmem>> -> memref<4200xf32, #tpu.memory_space<vmem>>
    %dma_wait3A_2454 = tpu.memref_slice %arg3[%add3A_2269] : memref<9676800xf32, #tpu.memory_space<hbm>> -> memref<4200xf32, #tpu.memory_space<hbm>>
    %dma_wait3A_2455 = arith.constant 4200 : i32
    %dma_wait3A_2456 = tpu.memref_slice %arg7[%dma_wait3A_2455] : memref<25200xf32, #tpu.memory_space<vmem>> -> memref<4200xf32, #tpu.memory_space<vmem>>
    %dma_wait3A_2457 = tpu.memref_slice %arg3[%add3A_2269] : memref<9676800xf32, #tpu.memory_space<hbm>> -> memref<4200xf32, #tpu.memory_space<hbm>>
    tpu.wait_dma2 semaphore(%arg11 : memref<!tpu.dma_semaphore, #tpu.memory_space<semaphore_mem>>) src(%dma_wait3A_2457 : memref<4200xf32, #tpu.memory_space<hbm>>) dst(%dma_wait3A_2456 : memref<4200xf32, #tpu.memory_space<vmem>>)
    %dma_wait3A_2458 = arith.constant 8400 : i32
    %dma_wait3A_2459 = tpu.memref_slice %arg7[%dma_wait3A_2458] : memref<25200xf32, #tpu.memory_space<vmem>> -> memref<4200xf32, #tpu.memory_space<vmem>>
    %dma_wait3A_2460 = tpu.memref_slice %arg3[%add3A_2277] : memref<9676800xf32, #tpu.memory_space<hbm>> -> memref<4200xf32, #tpu.memory_space<hbm>>
    %dma_wait3A_2461 = arith.constant 8400 : i32
    %dma_wait3A_2462 = tpu.memref_slice %arg7[%dma_wait3A_2461] : memref<25200xf32, #tpu.memory_space<vmem>> -> memref<4200xf32, #tpu.memory_space<vmem>>
    %dma_wait3A_2463 = tpu.memref_slice %arg3[%add3A_2277] : memref<9676800xf32, #tpu.memory_space<hbm>> -> memref<4200xf32, #tpu.memory_space<hbm>>
    tpu.wait_dma2 semaphore(%arg11 : memref<!tpu.dma_semaphore, #tpu.memory_space<semaphore_mem>>) src(%dma_wait3A_2463 : memref<4200xf32, #tpu.memory_space<hbm>>) dst(%dma_wait3A_2462 : memref<4200xf32, #tpu.memory_space<vmem>>)
    %dma_wait3A_2464 = arith.constant 12600 : i32
    %dma_wait3A_2465 = tpu.memref_slice %arg7[%dma_wait3A_2464] : memref<25200xf32, #tpu.memory_space<vmem>> -> memref<4200xf32, #tpu.memory_space<vmem>>
    %dma_wait3A_2466 = tpu.memref_slice %arg3[%add3A_2285] : memref<9676800xf32, #tpu.memory_space<hbm>> -> memref<4200xf32, #tpu.memory_space<hbm>>
    %dma_wait3A_2467 = arith.constant 12600 : i32
    %dma_wait3A_2468 = tpu.memref_slice %arg7[%dma_wait3A_2467] : memref<25200xf32, #tpu.memory_space<vmem>> -> memref<4200xf32, #tpu.memory_space<vmem>>
    %dma_wait3A_2469 = tpu.memref_slice %arg3[%add3A_2285] : memref<9676800xf32, #tpu.memory_space<hbm>> -> memref<4200xf32, #tpu.memory_space<hbm>>
    tpu.wait_dma2 semaphore(%arg11 : memref<!tpu.dma_semaphore, #tpu.memory_space<semaphore_mem>>) src(%dma_wait3A_2469 : memref<4200xf32, #tpu.memory_space<hbm>>) dst(%dma_wait3A_2468 : memref<4200xf32, #tpu.memory_space<vmem>>)
    %dma_wait3A_2470 = arith.constant 0 : i32
    %dma_wait3A_2471 = tpu.memref_slice %arg9[%dma_wait3A_2470] : memref<25200xf32, #tpu.memory_space<vmem>> -> memref<16800xf32, #tpu.memory_space<vmem>>
    %dma_wait3A_2472 = tpu.memref_slice %arg5[%mul3A_2215] : memref<9676800xf32, #tpu.memory_space<hbm>> -> memref<16800xf32, #tpu.memory_space<hbm>>
    %dma_wait3A_2473 = tpu.memref_slice %arg5[%mul3A_2215] : memref<9676800xf32, #tpu.memory_space<hbm>> -> memref<16800xf32, #tpu.memory_space<hbm>>
    %dma_wait3A_2474 = arith.constant 0 : i32
    %dma_wait3A_2475 = tpu.memref_slice %arg9[%dma_wait3A_2474] : memref<25200xf32, #tpu.memory_space<vmem>> -> memref<16800xf32, #tpu.memory_space<vmem>>
    tpu.wait_dma2 semaphore(%arg13 : memref<!tpu.dma_semaphore, #tpu.memory_space<semaphore_mem>>) src(%dma_wait3A_2475 : memref<16800xf32, #tpu.memory_space<vmem>>) dst(%dma_wait3A_2473 : memref<16800xf32, #tpu.memory_space<hbm>>)
    %shift_right_arithmetic3A_2476 = arith.constant 2 : i32
    %shift_right_arithmetic3A_2477 = vector.broadcast %shift_right_arithmetic3A_2476 : i32 to vector<16xi32>
    %shift_right_arithmetic3A_2478 = arith.shrsi %iota3A, %shift_right_arithmetic3A_2477 : vector<16xi32>
    %and3A_2479 = arith.constant 3 : i32
    %and3A_2480 = vector.broadcast %and3A_2479 : i32 to vector<16xi32>
    %and3A_2481 = arith.andi %iota3A, %and3A_2480 : vector<16xi32>
    %mul3A_2482 = arith.constant 4200 : i32
    %mul3A_2483 = vector.broadcast %mul3A_2482 : i32 to vector<16xi32>
    %mul3A_2484 = arith.muli %and3A_2481, %mul3A_2483 : vector<16xi32>
    %add3A_2485 = arith.addi %shift_right_arithmetic3A_2478, %mul3A_2484 : vector<16xi32>
    %mul3A_2486 = arith.constant 18 : i32
    %mul3A_2487 = arith.muli %add3A, %mul3A_2486 : i32
    %add3A_2488 = arith.constant 9 : i32
    %add3A_2489 = arith.addi %mul3A_2487, %add3A_2488 : i32
    %jit3A_2490 = arith.constant 9 : i32
    %div3A_2491 = arith.divsi %add3A_2489, %jit3A_2490 : i32
    %sign3A_2492 = arith.constant 0 : i32
    %sign3A_2493 = arith.cmpi sgt, %add3A_2489, %sign3A_2492 : i32
    %sign3A_2494 = arith.extui %sign3A_2493 : i1 to i32
    %sign3A_2495 = arith.constant 0 : i32
    %sign3A_2496 = arith.cmpi slt, %add3A_2489, %sign3A_2495 : i32
    %sign3A_2497 = arith.extui %sign3A_2496 : i1 to i32
    %sign3A_2498 = arith.subi %sign3A_2494, %sign3A_2497 : i32
    %sign3A_2499 = arith.constant 0 : i32
    %sign3A_2500 = arith.cmpi sgt, %jit3A_2490, %sign3A_2499 : i32
    %sign3A_2501 = arith.extui %sign3A_2500 : i1 to i32
    %sign3A_2502 = arith.constant 0 : i32
    %sign3A_2503 = arith.cmpi slt, %jit3A_2490, %sign3A_2502 : i32
    %sign3A_2504 = arith.extui %sign3A_2503 : i1 to i32
    %sign3A_2505 = arith.subi %sign3A_2501, %sign3A_2504 : i32
    %ne3A_2506 = arith.cmpi ne, %sign3A_2498, %sign3A_2505 : i32
    %rem3A_2507 = arith.remsi %add3A_2489, %jit3A_2490 : i32
    %ne3A_2508 = arith.constant 0 : i32
    %ne3A_2509 = arith.cmpi ne, %rem3A_2507, %ne3A_2508 : i32
    %and3A_2510 = arith.andi %ne3A_2506, %ne3A_2509 : i1
    %sub3A_2511 = arith.constant 1 : i32
    %sub3A_2512 = arith.subi %div3A_2491, %sub3A_2511 : i32
    %select_n3A_2513 = arith.select %and3A_2510, %sub3A_2512, %div3A_2491 : i32
    %mul3A_2514 = arith.constant 9 : i32
    %mul3A_2515 = arith.muli %select_n3A_2513, %mul3A_2514 : i32
    %sub3A_2516 = arith.subi %add3A_2489, %mul3A_2515 : i32
    %mul3A_2517 = arith.constant 9 : i32
    %mul3A_2518 = arith.muli %select_n3A_2513, %mul3A_2517 : i32
    %add3A_2519 = arith.addi %mul3A_2518, %sub3A_2516 : i32
    %mul3A_2520 = arith.constant 4 : i32
    %mul3A_2521 = arith.muli %add3A_2519, %mul3A_2520 : i32
    %mul3A_2522 = arith.constant 4200 : i32
    %mul3A_2523 = arith.muli %mul3A_2521, %mul3A_2522 : i32
    %dma_start3A_2524 = arith.constant 0 : i32
    %dma_start3A_2525 = tpu.memref_slice %arg9[%dma_start3A_2524] : memref<25200xf32, #tpu.memory_space<vmem>> -> memref<16800xf32, #tpu.memory_space<vmem>>
    %dma_start3A_2526 = tpu.memref_slice %arg5[%mul3A_2523] : memref<9676800xf32, #tpu.memory_space<hbm>> -> memref<16800xf32, #tpu.memory_space<hbm>>
    %dma_start3A_2527 = tpu.memref_slice %arg5[%mul3A_2523] : memref<9676800xf32, #tpu.memory_space<hbm>> -> memref<16800xf32, #tpu.memory_space<hbm>>
    %dma_start3A_2528 = arith.constant 0 : i32
    %dma_start3A_2529 = tpu.memref_slice %arg9[%dma_start3A_2528] : memref<25200xf32, #tpu.memory_space<vmem>> -> memref<16800xf32, #tpu.memory_space<vmem>>
    tpu.enqueue_dma source(%dma_start3A_2529 : memref<16800xf32, #tpu.memory_space<vmem>>) target(%dma_start3A_2527 : memref<16800xf32, #tpu.memory_space<hbm>>) target_semaphore(%arg13 : memref<!tpu.dma_semaphore, #tpu.memory_space<semaphore_mem>>)
    %mul3A_2530 = arith.constant 18 : i32
    %mul3A_2531 = arith.muli %add3A, %mul3A_2530 : i32
    %add3A_2532 = arith.constant 11 : i32
    %add3A_2533 = arith.addi %mul3A_2531, %add3A_2532 : i32
    %jit3A_2534 = arith.constant 9 : i32
    %div3A_2535 = arith.divsi %add3A_2533, %jit3A_2534 : i32
    %sign3A_2536 = arith.constant 0 : i32
    %sign3A_2537 = arith.cmpi sgt, %add3A_2533, %sign3A_2536 : i32
    %sign3A_2538 = arith.extui %sign3A_2537 : i1 to i32
    %sign3A_2539 = arith.constant 0 : i32
    %sign3A_2540 = arith.cmpi slt, %add3A_2533, %sign3A_2539 : i32
    %sign3A_2541 = arith.extui %sign3A_2540 : i1 to i32
    %sign3A_2542 = arith.subi %sign3A_2538, %sign3A_2541 : i32
    %sign3A_2543 = arith.constant 0 : i32
    %sign3A_2544 = arith.cmpi sgt, %jit3A_2534, %sign3A_2543 : i32
    %sign3A_2545 = arith.extui %sign3A_2544 : i1 to i32
    %sign3A_2546 = arith.constant 0 : i32
    %sign3A_2547 = arith.cmpi slt, %jit3A_2534, %sign3A_2546 : i32
    %sign3A_2548 = arith.extui %sign3A_2547 : i1 to i32
    %sign3A_2549 = arith.subi %sign3A_2545, %sign3A_2548 : i32
    %ne3A_2550 = arith.cmpi ne, %sign3A_2542, %sign3A_2549 : i32
    %rem3A_2551 = arith.remsi %add3A_2533, %jit3A_2534 : i32
    %ne3A_2552 = arith.constant 0 : i32
    %ne3A_2553 = arith.cmpi ne, %rem3A_2551, %ne3A_2552 : i32
    %and3A_2554 = arith.andi %ne3A_2550, %ne3A_2553 : i1
    %sub3A_2555 = arith.constant 1 : i32
    %sub3A_2556 = arith.subi %div3A_2535, %sub3A_2555 : i32
    %select_n3A_2557 = arith.select %and3A_2554, %sub3A_2556, %div3A_2535 : i32
    %mul3A_2558 = arith.constant 9 : i32
    %mul3A_2559 = arith.muli %select_n3A_2557, %mul3A_2558 : i32
    %sub3A_2560 = arith.subi %add3A_2533, %mul3A_2559 : i32
    %mul3A_2561 = arith.constant 4 : i32
    %mul3A_2562 = arith.muli %select_n3A_2557, %mul3A_2561 : i32
    %mul3A_2563 = arith.constant 9 : i32
    %mul3A_2564 = arith.muli %mul3A_2562, %mul3A_2563 : i32
    %add3A_2565 = arith.addi %mul3A_2564, %sub3A_2560 : i32
    %mul3A_2566 = arith.constant 4200 : i32
    %mul3A_2567 = arith.muli %add3A_2565, %mul3A_2566 : i32
    %add3A_2568 = arith.constant 0 : i32
    %add3A_2569 = arith.addi %mul3A_2567, %add3A_2568 : i32
    %dma_start3A_2570 = arith.constant 0 : i32
    %dma_start3A_2571 = tpu.memref_slice %arg7[%dma_start3A_2570] : memref<25200xf32, #tpu.memory_space<vmem>> -> memref<4200xf32, #tpu.memory_space<vmem>>
    %dma_start3A_2572 = tpu.memref_slice %arg3[%add3A_2569] : memref<9676800xf32, #tpu.memory_space<hbm>> -> memref<4200xf32, #tpu.memory_space<hbm>>
    %dma_start3A_2573 = arith.constant 0 : i32
    %dma_start3A_2574 = tpu.memref_slice %arg7[%dma_start3A_2573] : memref<25200xf32, #tpu.memory_space<vmem>> -> memref<4200xf32, #tpu.memory_space<vmem>>
    %dma_start3A_2575 = tpu.memref_slice %arg3[%add3A_2569] : memref<9676800xf32, #tpu.memory_space<hbm>> -> memref<4200xf32, #tpu.memory_space<hbm>>
    tpu.enqueue_dma source(%dma_start3A_2575 : memref<4200xf32, #tpu.memory_space<hbm>>) target(%dma_start3A_2574 : memref<4200xf32, #tpu.memory_space<vmem>>) target_semaphore(%arg11 : memref<!tpu.dma_semaphore, #tpu.memory_space<semaphore_mem>>)
    %add3A_2576 = arith.constant 37800 : i32
    %add3A_2577 = arith.addi %mul3A_2567, %add3A_2576 : i32
    %dma_start3A_2578 = arith.constant 4200 : i32
    %dma_start3A_2579 = tpu.memref_slice %arg7[%dma_start3A_2578] : memref<25200xf32, #tpu.memory_space<vmem>> -> memref<4200xf32, #tpu.memory_space<vmem>>
    %dma_start3A_2580 = tpu.memref_slice %arg3[%add3A_2577] : memref<9676800xf32, #tpu.memory_space<hbm>> -> memref<4200xf32, #tpu.memory_space<hbm>>
    %dma_start3A_2581 = arith.constant 4200 : i32
    %dma_start3A_2582 = tpu.memref_slice %arg7[%dma_start3A_2581] : memref<25200xf32, #tpu.memory_space<vmem>> -> memref<4200xf32, #tpu.memory_space<vmem>>
    %dma_start3A_2583 = tpu.memref_slice %arg3[%add3A_2577] : memref<9676800xf32, #tpu.memory_space<hbm>> -> memref<4200xf32, #tpu.memory_space<hbm>>
    tpu.enqueue_dma source(%dma_start3A_2583 : memref<4200xf32, #tpu.memory_space<hbm>>) target(%dma_start3A_2582 : memref<4200xf32, #tpu.memory_space<vmem>>) target_semaphore(%arg11 : memref<!tpu.dma_semaphore, #tpu.memory_space<semaphore_mem>>)
    %add3A_2584 = arith.constant 75600 : i32
    %add3A_2585 = arith.addi %mul3A_2567, %add3A_2584 : i32
    %dma_start3A_2586 = arith.constant 8400 : i32
    %dma_start3A_2587 = tpu.memref_slice %arg7[%dma_start3A_2586] : memref<25200xf32, #tpu.memory_space<vmem>> -> memref<4200xf32, #tpu.memory_space<vmem>>
    %dma_start3A_2588 = tpu.memref_slice %arg3[%add3A_2585] : memref<9676800xf32, #tpu.memory_space<hbm>> -> memref<4200xf32, #tpu.memory_space<hbm>>
    %dma_start3A_2589 = arith.constant 8400 : i32
    %dma_start3A_2590 = tpu.memref_slice %arg7[%dma_start3A_2589] : memref<25200xf32, #tpu.memory_space<vmem>> -> memref<4200xf32, #tpu.memory_space<vmem>>
    %dma_start3A_2591 = tpu.memref_slice %arg3[%add3A_2585] : memref<9676800xf32, #tpu.memory_space<hbm>> -> memref<4200xf32, #tpu.memory_space<hbm>>
    tpu.enqueue_dma source(%dma_start3A_2591 : memref<4200xf32, #tpu.memory_space<hbm>>) target(%dma_start3A_2590 : memref<4200xf32, #tpu.memory_space<vmem>>) target_semaphore(%arg11 : memref<!tpu.dma_semaphore, #tpu.memory_space<semaphore_mem>>)
    %add3A_2592 = arith.constant 113400 : i32
    %add3A_2593 = arith.addi %mul3A_2567, %add3A_2592 : i32
    %dma_start3A_2594 = arith.constant 12600 : i32
    %dma_start3A_2595 = tpu.memref_slice %arg7[%dma_start3A_2594] : memref<25200xf32, #tpu.memory_space<vmem>> -> memref<4200xf32, #tpu.memory_space<vmem>>
    %dma_start3A_2596 = tpu.memref_slice %arg3[%add3A_2593] : memref<9676800xf32, #tpu.memory_space<hbm>> -> memref<4200xf32, #tpu.memory_space<hbm>>
    %dma_start3A_2597 = arith.constant 12600 : i32
    %dma_start3A_2598 = tpu.memref_slice %arg7[%dma_start3A_2597] : memref<25200xf32, #tpu.memory_space<vmem>> -> memref<4200xf32, #tpu.memory_space<vmem>>
    %dma_start3A_2599 = tpu.memref_slice %arg3[%add3A_2593] : memref<9676800xf32, #tpu.memory_space<hbm>> -> memref<4200xf32, #tpu.memory_space<hbm>>
    tpu.enqueue_dma source(%dma_start3A_2599 : memref<4200xf32, #tpu.memory_space<hbm>>) target(%dma_start3A_2598 : memref<4200xf32, #tpu.memory_space<vmem>>) target_semaphore(%arg11 : memref<!tpu.dma_semaphore, #tpu.memory_space<semaphore_mem>>)
    %dma_wait3A_2600 = arith.constant 0 : i32
    %dma_wait3A_2601 = tpu.memref_slice %arg6[%dma_wait3A_2600] : memref<25200xf32, #tpu.memory_space<vmem>> -> memref<4200xf32, #tpu.memory_space<vmem>>
    %dma_wait3A_2602 = tpu.memref_slice %arg3[%add3A_2415] : memref<9676800xf32, #tpu.memory_space<hbm>> -> memref<4200xf32, #tpu.memory_space<hbm>>
    %dma_wait3A_2603 = arith.constant 0 : i32
    %dma_wait3A_2604 = tpu.memref_slice %arg6[%dma_wait3A_2603] : memref<25200xf32, #tpu.memory_space<vmem>> -> memref<4200xf32, #tpu.memory_space<vmem>>
    %dma_wait3A_2605 = tpu.memref_slice %arg3[%add3A_2415] : memref<9676800xf32, #tpu.memory_space<hbm>> -> memref<4200xf32, #tpu.memory_space<hbm>>
    tpu.wait_dma2 semaphore(%arg10 : memref<!tpu.dma_semaphore, #tpu.memory_space<semaphore_mem>>) src(%dma_wait3A_2605 : memref<4200xf32, #tpu.memory_space<hbm>>) dst(%dma_wait3A_2604 : memref<4200xf32, #tpu.memory_space<vmem>>)
    %dma_wait3A_2606 = arith.constant 4200 : i32
    %dma_wait3A_2607 = tpu.memref_slice %arg6[%dma_wait3A_2606] : memref<25200xf32, #tpu.memory_space<vmem>> -> memref<4200xf32, #tpu.memory_space<vmem>>
    %dma_wait3A_2608 = tpu.memref_slice %arg3[%add3A_2423] : memref<9676800xf32, #tpu.memory_space<hbm>> -> memref<4200xf32, #tpu.memory_space<hbm>>
    %dma_wait3A_2609 = arith.constant 4200 : i32
    %dma_wait3A_2610 = tpu.memref_slice %arg6[%dma_wait3A_2609] : memref<25200xf32, #tpu.memory_space<vmem>> -> memref<4200xf32, #tpu.memory_space<vmem>>
    %dma_wait3A_2611 = tpu.memref_slice %arg3[%add3A_2423] : memref<9676800xf32, #tpu.memory_space<hbm>> -> memref<4200xf32, #tpu.memory_space<hbm>>
    tpu.wait_dma2 semaphore(%arg10 : memref<!tpu.dma_semaphore, #tpu.memory_space<semaphore_mem>>) src(%dma_wait3A_2611 : memref<4200xf32, #tpu.memory_space<hbm>>) dst(%dma_wait3A_2610 : memref<4200xf32, #tpu.memory_space<vmem>>)
    %dma_wait3A_2612 = arith.constant 8400 : i32
    %dma_wait3A_2613 = tpu.memref_slice %arg6[%dma_wait3A_2612] : memref<25200xf32, #tpu.memory_space<vmem>> -> memref<4200xf32, #tpu.memory_space<vmem>>
    %dma_wait3A_2614 = tpu.memref_slice %arg3[%add3A_2431] : memref<9676800xf32, #tpu.memory_space<hbm>> -> memref<4200xf32, #tpu.memory_space<hbm>>
    %dma_wait3A_2615 = arith.constant 8400 : i32
    %dma_wait3A_2616 = tpu.memref_slice %arg6[%dma_wait3A_2615] : memref<25200xf32, #tpu.memory_space<vmem>> -> memref<4200xf32, #tpu.memory_space<vmem>>
    %dma_wait3A_2617 = tpu.memref_slice %arg3[%add3A_2431] : memref<9676800xf32, #tpu.memory_space<hbm>> -> memref<4200xf32, #tpu.memory_space<hbm>>
    tpu.wait_dma2 semaphore(%arg10 : memref<!tpu.dma_semaphore, #tpu.memory_space<semaphore_mem>>) src(%dma_wait3A_2617 : memref<4200xf32, #tpu.memory_space<hbm>>) dst(%dma_wait3A_2616 : memref<4200xf32, #tpu.memory_space<vmem>>)
    %dma_wait3A_2618 = arith.constant 12600 : i32
    %dma_wait3A_2619 = tpu.memref_slice %arg6[%dma_wait3A_2618] : memref<25200xf32, #tpu.memory_space<vmem>> -> memref<4200xf32, #tpu.memory_space<vmem>>
    %dma_wait3A_2620 = tpu.memref_slice %arg3[%add3A_2439] : memref<9676800xf32, #tpu.memory_space<hbm>> -> memref<4200xf32, #tpu.memory_space<hbm>>
    %dma_wait3A_2621 = arith.constant 12600 : i32
    %dma_wait3A_2622 = tpu.memref_slice %arg6[%dma_wait3A_2621] : memref<25200xf32, #tpu.memory_space<vmem>> -> memref<4200xf32, #tpu.memory_space<vmem>>
    %dma_wait3A_2623 = tpu.memref_slice %arg3[%add3A_2439] : memref<9676800xf32, #tpu.memory_space<hbm>> -> memref<4200xf32, #tpu.memory_space<hbm>>
    tpu.wait_dma2 semaphore(%arg10 : memref<!tpu.dma_semaphore, #tpu.memory_space<semaphore_mem>>) src(%dma_wait3A_2623 : memref<4200xf32, #tpu.memory_space<hbm>>) dst(%dma_wait3A_2622 : memref<4200xf32, #tpu.memory_space<vmem>>)
    %dma_wait3A_2624 = arith.constant 0 : i32
    %dma_wait3A_2625 = tpu.memref_slice %arg8[%dma_wait3A_2624] : memref<25200xf32, #tpu.memory_space<vmem>> -> memref<16800xf32, #tpu.memory_space<vmem>>
    %dma_wait3A_2626 = tpu.memref_slice %arg5[%mul3A_2369] : memref<9676800xf32, #tpu.memory_space<hbm>> -> memref<16800xf32, #tpu.memory_space<hbm>>
    %dma_wait3A_2627 = tpu.memref_slice %arg5[%mul3A_2369] : memref<9676800xf32, #tpu.memory_space<hbm>> -> memref<16800xf32, #tpu.memory_space<hbm>>
    %dma_wait3A_2628 = arith.constant 0 : i32
    %dma_wait3A_2629 = tpu.memref_slice %arg8[%dma_wait3A_2628] : memref<25200xf32, #tpu.memory_space<vmem>> -> memref<16800xf32, #tpu.memory_space<vmem>>
    tpu.wait_dma2 semaphore(%arg12 : memref<!tpu.dma_semaphore, #tpu.memory_space<semaphore_mem>>) src(%dma_wait3A_2629 : memref<16800xf32, #tpu.memory_space<vmem>>) dst(%dma_wait3A_2627 : memref<16800xf32, #tpu.memory_space<hbm>>)
    %shift_right_arithmetic3A_2630 = arith.constant 2 : i32
    %shift_right_arithmetic3A_2631 = vector.broadcast %shift_right_arithmetic3A_2630 : i32 to vector<16xi32>
    %shift_right_arithmetic3A_2632 = arith.shrsi %iota3A, %shift_right_arithmetic3A_2631 : vector<16xi32>
    %and3A_2633 = arith.constant 3 : i32
    %and3A_2634 = vector.broadcast %and3A_2633 : i32 to vector<16xi32>
    %and3A_2635 = arith.andi %iota3A, %and3A_2634 : vector<16xi32>
    %mul3A_2636 = arith.constant 4200 : i32
    %mul3A_2637 = vector.broadcast %mul3A_2636 : i32 to vector<16xi32>
    %mul3A_2638 = arith.muli %and3A_2635, %mul3A_2637 : vector<16xi32>
    %add3A_2639 = arith.addi %shift_right_arithmetic3A_2632, %mul3A_2638 : vector<16xi32>
    %mul3A_2640 = arith.constant 18 : i32
    %mul3A_2641 = arith.muli %add3A, %mul3A_2640 : i32
    %add3A_2642 = arith.constant 10 : i32
    %add3A_2643 = arith.addi %mul3A_2641, %add3A_2642 : i32
    %jit3A_2644 = arith.constant 9 : i32
    %div3A_2645 = arith.divsi %add3A_2643, %jit3A_2644 : i32
    %sign3A_2646 = arith.constant 0 : i32
    %sign3A_2647 = arith.cmpi sgt, %add3A_2643, %sign3A_2646 : i32
    %sign3A_2648 = arith.extui %sign3A_2647 : i1 to i32
    %sign3A_2649 = arith.constant 0 : i32
    %sign3A_2650 = arith.cmpi slt, %add3A_2643, %sign3A_2649 : i32
    %sign3A_2651 = arith.extui %sign3A_2650 : i1 to i32
    %sign3A_2652 = arith.subi %sign3A_2648, %sign3A_2651 : i32
    %sign3A_2653 = arith.constant 0 : i32
    %sign3A_2654 = arith.cmpi sgt, %jit3A_2644, %sign3A_2653 : i32
    %sign3A_2655 = arith.extui %sign3A_2654 : i1 to i32
    %sign3A_2656 = arith.constant 0 : i32
    %sign3A_2657 = arith.cmpi slt, %jit3A_2644, %sign3A_2656 : i32
    %sign3A_2658 = arith.extui %sign3A_2657 : i1 to i32
    %sign3A_2659 = arith.subi %sign3A_2655, %sign3A_2658 : i32
    %ne3A_2660 = arith.cmpi ne, %sign3A_2652, %sign3A_2659 : i32
    %rem3A_2661 = arith.remsi %add3A_2643, %jit3A_2644 : i32
    %ne3A_2662 = arith.constant 0 : i32
    %ne3A_2663 = arith.cmpi ne, %rem3A_2661, %ne3A_2662 : i32
    %and3A_2664 = arith.andi %ne3A_2660, %ne3A_2663 : i1
    %sub3A_2665 = arith.constant 1 : i32
    %sub3A_2666 = arith.subi %div3A_2645, %sub3A_2665 : i32
    %select_n3A_2667 = arith.select %and3A_2664, %sub3A_2666, %div3A_2645 : i32
    %mul3A_2668 = arith.constant 9 : i32
    %mul3A_2669 = arith.muli %select_n3A_2667, %mul3A_2668 : i32
    %sub3A_2670 = arith.subi %add3A_2643, %mul3A_2669 : i32
    %mul3A_2671 = arith.constant 9 : i32
    %mul3A_2672 = arith.muli %select_n3A_2667, %mul3A_2671 : i32
    %add3A_2673 = arith.addi %mul3A_2672, %sub3A_2670 : i32
    %mul3A_2674 = arith.constant 4 : i32
    %mul3A_2675 = arith.muli %add3A_2673, %mul3A_2674 : i32
    %mul3A_2676 = arith.constant 4200 : i32
    %mul3A_2677 = arith.muli %mul3A_2675, %mul3A_2676 : i32
    %dma_start3A_2678 = arith.constant 0 : i32
    %dma_start3A_2679 = tpu.memref_slice %arg8[%dma_start3A_2678] : memref<25200xf32, #tpu.memory_space<vmem>> -> memref<16800xf32, #tpu.memory_space<vmem>>
    %dma_start3A_2680 = tpu.memref_slice %arg5[%mul3A_2677] : memref<9676800xf32, #tpu.memory_space<hbm>> -> memref<16800xf32, #tpu.memory_space<hbm>>
    %dma_start3A_2681 = tpu.memref_slice %arg5[%mul3A_2677] : memref<9676800xf32, #tpu.memory_space<hbm>> -> memref<16800xf32, #tpu.memory_space<hbm>>
    %dma_start3A_2682 = arith.constant 0 : i32
    %dma_start3A_2683 = tpu.memref_slice %arg8[%dma_start3A_2682] : memref<25200xf32, #tpu.memory_space<vmem>> -> memref<16800xf32, #tpu.memory_space<vmem>>
    tpu.enqueue_dma source(%dma_start3A_2683 : memref<16800xf32, #tpu.memory_space<vmem>>) target(%dma_start3A_2681 : memref<16800xf32, #tpu.memory_space<hbm>>) target_semaphore(%arg12 : memref<!tpu.dma_semaphore, #tpu.memory_space<semaphore_mem>>)
    %mul3A_2684 = arith.constant 18 : i32
    %mul3A_2685 = arith.muli %add3A, %mul3A_2684 : i32
    %add3A_2686 = arith.constant 12 : i32
    %add3A_2687 = arith.addi %mul3A_2685, %add3A_2686 : i32
    %jit3A_2688 = arith.constant 9 : i32
    %div3A_2689 = arith.divsi %add3A_2687, %jit3A_2688 : i32
    %sign3A_2690 = arith.constant 0 : i32
    %sign3A_2691 = arith.cmpi sgt, %add3A_2687, %sign3A_2690 : i32
    %sign3A_2692 = arith.extui %sign3A_2691 : i1 to i32
    %sign3A_2693 = arith.constant 0 : i32
    %sign3A_2694 = arith.cmpi slt, %add3A_2687, %sign3A_2693 : i32
    %sign3A_2695 = arith.extui %sign3A_2694 : i1 to i32
    %sign3A_2696 = arith.subi %sign3A_2692, %sign3A_2695 : i32
    %sign3A_2697 = arith.constant 0 : i32
    %sign3A_2698 = arith.cmpi sgt, %jit3A_2688, %sign3A_2697 : i32
    %sign3A_2699 = arith.extui %sign3A_2698 : i1 to i32
    %sign3A_2700 = arith.constant 0 : i32
    %sign3A_2701 = arith.cmpi slt, %jit3A_2688, %sign3A_2700 : i32
    %sign3A_2702 = arith.extui %sign3A_2701 : i1 to i32
    %sign3A_2703 = arith.subi %sign3A_2699, %sign3A_2702 : i32
    %ne3A_2704 = arith.cmpi ne, %sign3A_2696, %sign3A_2703 : i32
    %rem3A_2705 = arith.remsi %add3A_2687, %jit3A_2688 : i32
    %ne3A_2706 = arith.constant 0 : i32
    %ne3A_2707 = arith.cmpi ne, %rem3A_2705, %ne3A_2706 : i32
    %and3A_2708 = arith.andi %ne3A_2704, %ne3A_2707 : i1
    %sub3A_2709 = arith.constant 1 : i32
    %sub3A_2710 = arith.subi %div3A_2689, %sub3A_2709 : i32
    %select_n3A_2711 = arith.select %and3A_2708, %sub3A_2710, %div3A_2689 : i32
    %mul3A_2712 = arith.constant 9 : i32
    %mul3A_2713 = arith.muli %select_n3A_2711, %mul3A_2712 : i32
    %sub3A_2714 = arith.subi %add3A_2687, %mul3A_2713 : i32
    %mul3A_2715 = arith.constant 4 : i32
    %mul3A_2716 = arith.muli %select_n3A_2711, %mul3A_2715 : i32
    %mul3A_2717 = arith.constant 9 : i32
    %mul3A_2718 = arith.muli %mul3A_2716, %mul3A_2717 : i32
    %add3A_2719 = arith.addi %mul3A_2718, %sub3A_2714 : i32
    %mul3A_2720 = arith.constant 4200 : i32
    %mul3A_2721 = arith.muli %add3A_2719, %mul3A_2720 : i32
    %add3A_2722 = arith.constant 0 : i32
    %add3A_2723 = arith.addi %mul3A_2721, %add3A_2722 : i32
    %dma_start3A_2724 = arith.constant 0 : i32
    %dma_start3A_2725 = tpu.memref_slice %arg6[%dma_start3A_2724] : memref<25200xf32, #tpu.memory_space<vmem>> -> memref<4200xf32, #tpu.memory_space<vmem>>
    %dma_start3A_2726 = tpu.memref_slice %arg3[%add3A_2723] : memref<9676800xf32, #tpu.memory_space<hbm>> -> memref<4200xf32, #tpu.memory_space<hbm>>
    %dma_start3A_2727 = arith.constant 0 : i32
    %dma_start3A_2728 = tpu.memref_slice %arg6[%dma_start3A_2727] : memref<25200xf32, #tpu.memory_space<vmem>> -> memref<4200xf32, #tpu.memory_space<vmem>>
    %dma_start3A_2729 = tpu.memref_slice %arg3[%add3A_2723] : memref<9676800xf32, #tpu.memory_space<hbm>> -> memref<4200xf32, #tpu.memory_space<hbm>>
    tpu.enqueue_dma source(%dma_start3A_2729 : memref<4200xf32, #tpu.memory_space<hbm>>) target(%dma_start3A_2728 : memref<4200xf32, #tpu.memory_space<vmem>>) target_semaphore(%arg10 : memref<!tpu.dma_semaphore, #tpu.memory_space<semaphore_mem>>)
    %add3A_2730 = arith.constant 37800 : i32
    %add3A_2731 = arith.addi %mul3A_2721, %add3A_2730 : i32
    %dma_start3A_2732 = arith.constant 4200 : i32
    %dma_start3A_2733 = tpu.memref_slice %arg6[%dma_start3A_2732] : memref<25200xf32, #tpu.memory_space<vmem>> -> memref<4200xf32, #tpu.memory_space<vmem>>
    %dma_start3A_2734 = tpu.memref_slice %arg3[%add3A_2731] : memref<9676800xf32, #tpu.memory_space<hbm>> -> memref<4200xf32, #tpu.memory_space<hbm>>
    %dma_start3A_2735 = arith.constant 4200 : i32
    %dma_start3A_2736 = tpu.memref_slice %arg6[%dma_start3A_2735] : memref<25200xf32, #tpu.memory_space<vmem>> -> memref<4200xf32, #tpu.memory_space<vmem>>
    %dma_start3A_2737 = tpu.memref_slice %arg3[%add3A_2731] : memref<9676800xf32, #tpu.memory_space<hbm>> -> memref<4200xf32, #tpu.memory_space<hbm>>
    tpu.enqueue_dma source(%dma_start3A_2737 : memref<4200xf32, #tpu.memory_space<hbm>>) target(%dma_start3A_2736 : memref<4200xf32, #tpu.memory_space<vmem>>) target_semaphore(%arg10 : memref<!tpu.dma_semaphore, #tpu.memory_space<semaphore_mem>>)
    %add3A_2738 = arith.constant 75600 : i32
    %add3A_2739 = arith.addi %mul3A_2721, %add3A_2738 : i32
    %dma_start3A_2740 = arith.constant 8400 : i32
    %dma_start3A_2741 = tpu.memref_slice %arg6[%dma_start3A_2740] : memref<25200xf32, #tpu.memory_space<vmem>> -> memref<4200xf32, #tpu.memory_space<vmem>>
    %dma_start3A_2742 = tpu.memref_slice %arg3[%add3A_2739] : memref<9676800xf32, #tpu.memory_space<hbm>> -> memref<4200xf32, #tpu.memory_space<hbm>>
    %dma_start3A_2743 = arith.constant 8400 : i32
    %dma_start3A_2744 = tpu.memref_slice %arg6[%dma_start3A_2743] : memref<25200xf32, #tpu.memory_space<vmem>> -> memref<4200xf32, #tpu.memory_space<vmem>>
    %dma_start3A_2745 = tpu.memref_slice %arg3[%add3A_2739] : memref<9676800xf32, #tpu.memory_space<hbm>> -> memref<4200xf32, #tpu.memory_space<hbm>>
    tpu.enqueue_dma source(%dma_start3A_2745 : memref<4200xf32, #tpu.memory_space<hbm>>) target(%dma_start3A_2744 : memref<4200xf32, #tpu.memory_space<vmem>>) target_semaphore(%arg10 : memref<!tpu.dma_semaphore, #tpu.memory_space<semaphore_mem>>)
    %add3A_2746 = arith.constant 113400 : i32
    %add3A_2747 = arith.addi %mul3A_2721, %add3A_2746 : i32
    %dma_start3A_2748 = arith.constant 12600 : i32
    %dma_start3A_2749 = tpu.memref_slice %arg6[%dma_start3A_2748] : memref<25200xf32, #tpu.memory_space<vmem>> -> memref<4200xf32, #tpu.memory_space<vmem>>
    %dma_start3A_2750 = tpu.memref_slice %arg3[%add3A_2747] : memref<9676800xf32, #tpu.memory_space<hbm>> -> memref<4200xf32, #tpu.memory_space<hbm>>
    %dma_start3A_2751 = arith.constant 12600 : i32
    %dma_start3A_2752 = tpu.memref_slice %arg6[%dma_start3A_2751] : memref<25200xf32, #tpu.memory_space<vmem>> -> memref<4200xf32, #tpu.memory_space<vmem>>
    %dma_start3A_2753 = tpu.memref_slice %arg3[%add3A_2747] : memref<9676800xf32, #tpu.memory_space<hbm>> -> memref<4200xf32, #tpu.memory_space<hbm>>
    tpu.enqueue_dma source(%dma_start3A_2753 : memref<4200xf32, #tpu.memory_space<hbm>>) target(%dma_start3A_2752 : memref<4200xf32, #tpu.memory_space<vmem>>) target_semaphore(%arg10 : memref<!tpu.dma_semaphore, #tpu.memory_space<semaphore_mem>>)
    %dma_wait3A_2754 = arith.constant 0 : i32
    %dma_wait3A_2755 = tpu.memref_slice %arg7[%dma_wait3A_2754] : memref<25200xf32, #tpu.memory_space<vmem>> -> memref<4200xf32, #tpu.memory_space<vmem>>
    %dma_wait3A_2756 = tpu.memref_slice %arg3[%add3A_2569] : memref<9676800xf32, #tpu.memory_space<hbm>> -> memref<4200xf32, #tpu.memory_space<hbm>>
    %dma_wait3A_2757 = arith.constant 0 : i32
    %dma_wait3A_2758 = tpu.memref_slice %arg7[%dma_wait3A_2757] : memref<25200xf32, #tpu.memory_space<vmem>> -> memref<4200xf32, #tpu.memory_space<vmem>>
    %dma_wait3A_2759 = tpu.memref_slice %arg3[%add3A_2569] : memref<9676800xf32, #tpu.memory_space<hbm>> -> memref<4200xf32, #tpu.memory_space<hbm>>
    tpu.wait_dma2 semaphore(%arg11 : memref<!tpu.dma_semaphore, #tpu.memory_space<semaphore_mem>>) src(%dma_wait3A_2759 : memref<4200xf32, #tpu.memory_space<hbm>>) dst(%dma_wait3A_2758 : memref<4200xf32, #tpu.memory_space<vmem>>)
    %dma_wait3A_2760 = arith.constant 4200 : i32
    %dma_wait3A_2761 = tpu.memref_slice %arg7[%dma_wait3A_2760] : memref<25200xf32, #tpu.memory_space<vmem>> -> memref<4200xf32, #tpu.memory_space<vmem>>
    %dma_wait3A_2762 = tpu.memref_slice %arg3[%add3A_2577] : memref<9676800xf32, #tpu.memory_space<hbm>> -> memref<4200xf32, #tpu.memory_space<hbm>>
    %dma_wait3A_2763 = arith.constant 4200 : i32
    %dma_wait3A_2764 = tpu.memref_slice %arg7[%dma_wait3A_2763] : memref<25200xf32, #tpu.memory_space<vmem>> -> memref<4200xf32, #tpu.memory_space<vmem>>
    %dma_wait3A_2765 = tpu.memref_slice %arg3[%add3A_2577] : memref<9676800xf32, #tpu.memory_space<hbm>> -> memref<4200xf32, #tpu.memory_space<hbm>>
    tpu.wait_dma2 semaphore(%arg11 : memref<!tpu.dma_semaphore, #tpu.memory_space<semaphore_mem>>) src(%dma_wait3A_2765 : memref<4200xf32, #tpu.memory_space<hbm>>) dst(%dma_wait3A_2764 : memref<4200xf32, #tpu.memory_space<vmem>>)
    %dma_wait3A_2766 = arith.constant 8400 : i32
    %dma_wait3A_2767 = tpu.memref_slice %arg7[%dma_wait3A_2766] : memref<25200xf32, #tpu.memory_space<vmem>> -> memref<4200xf32, #tpu.memory_space<vmem>>
    %dma_wait3A_2768 = tpu.memref_slice %arg3[%add3A_2585] : memref<9676800xf32, #tpu.memory_space<hbm>> -> memref<4200xf32, #tpu.memory_space<hbm>>
    %dma_wait3A_2769 = arith.constant 8400 : i32
    %dma_wait3A_2770 = tpu.memref_slice %arg7[%dma_wait3A_2769] : memref<25200xf32, #tpu.memory_space<vmem>> -> memref<4200xf32, #tpu.memory_space<vmem>>
    %dma_wait3A_2771 = tpu.memref_slice %arg3[%add3A_2585] : memref<9676800xf32, #tpu.memory_space<hbm>> -> memref<4200xf32, #tpu.memory_space<hbm>>
    tpu.wait_dma2 semaphore(%arg11 : memref<!tpu.dma_semaphore, #tpu.memory_space<semaphore_mem>>) src(%dma_wait3A_2771 : memref<4200xf32, #tpu.memory_space<hbm>>) dst(%dma_wait3A_2770 : memref<4200xf32, #tpu.memory_space<vmem>>)
    %dma_wait3A_2772 = arith.constant 12600 : i32
    %dma_wait3A_2773 = tpu.memref_slice %arg7[%dma_wait3A_2772] : memref<25200xf32, #tpu.memory_space<vmem>> -> memref<4200xf32, #tpu.memory_space<vmem>>
    %dma_wait3A_2774 = tpu.memref_slice %arg3[%add3A_2593] : memref<9676800xf32, #tpu.memory_space<hbm>> -> memref<4200xf32, #tpu.memory_space<hbm>>
    %dma_wait3A_2775 = arith.constant 12600 : i32
    %dma_wait3A_2776 = tpu.memref_slice %arg7[%dma_wait3A_2775] : memref<25200xf32, #tpu.memory_space<vmem>> -> memref<4200xf32, #tpu.memory_space<vmem>>
    %dma_wait3A_2777 = tpu.memref_slice %arg3[%add3A_2593] : memref<9676800xf32, #tpu.memory_space<hbm>> -> memref<4200xf32, #tpu.memory_space<hbm>>
    tpu.wait_dma2 semaphore(%arg11 : memref<!tpu.dma_semaphore, #tpu.memory_space<semaphore_mem>>) src(%dma_wait3A_2777 : memref<4200xf32, #tpu.memory_space<hbm>>) dst(%dma_wait3A_2776 : memref<4200xf32, #tpu.memory_space<vmem>>)
    %dma_wait3A_2778 = arith.constant 0 : i32
    %dma_wait3A_2779 = tpu.memref_slice %arg9[%dma_wait3A_2778] : memref<25200xf32, #tpu.memory_space<vmem>> -> memref<16800xf32, #tpu.memory_space<vmem>>
    %dma_wait3A_2780 = tpu.memref_slice %arg5[%mul3A_2523] : memref<9676800xf32, #tpu.memory_space<hbm>> -> memref<16800xf32, #tpu.memory_space<hbm>>
    %dma_wait3A_2781 = tpu.memref_slice %arg5[%mul3A_2523] : memref<9676800xf32, #tpu.memory_space<hbm>> -> memref<16800xf32, #tpu.memory_space<hbm>>
    %dma_wait3A_2782 = arith.constant 0 : i32
    %dma_wait3A_2783 = tpu.memref_slice %arg9[%dma_wait3A_2782] : memref<25200xf32, #tpu.memory_space<vmem>> -> memref<16800xf32, #tpu.memory_space<vmem>>
    tpu.wait_dma2 semaphore(%arg13 : memref<!tpu.dma_semaphore, #tpu.memory_space<semaphore_mem>>) src(%dma_wait3A_2783 : memref<16800xf32, #tpu.memory_space<vmem>>) dst(%dma_wait3A_2781 : memref<16800xf32, #tpu.memory_space<hbm>>)
    %shift_right_arithmetic3A_2784 = arith.constant 2 : i32
    %shift_right_arithmetic3A_2785 = vector.broadcast %shift_right_arithmetic3A_2784 : i32 to vector<16xi32>
    %shift_right_arithmetic3A_2786 = arith.shrsi %iota3A, %shift_right_arithmetic3A_2785 : vector<16xi32>
    %and3A_2787 = arith.constant 3 : i32
    %and3A_2788 = vector.broadcast %and3A_2787 : i32 to vector<16xi32>
    %and3A_2789 = arith.andi %iota3A, %and3A_2788 : vector<16xi32>
    %mul3A_2790 = arith.constant 4200 : i32
    %mul3A_2791 = vector.broadcast %mul3A_2790 : i32 to vector<16xi32>
    %mul3A_2792 = arith.muli %and3A_2789, %mul3A_2791 : vector<16xi32>
    %add3A_2793 = arith.addi %shift_right_arithmetic3A_2786, %mul3A_2792 : vector<16xi32>
    %mul3A_2794 = arith.constant 18 : i32
    %mul3A_2795 = arith.muli %add3A, %mul3A_2794 : i32
    %add3A_2796 = arith.constant 11 : i32
    %add3A_2797 = arith.addi %mul3A_2795, %add3A_2796 : i32
    %jit3A_2798 = arith.constant 9 : i32
    %div3A_2799 = arith.divsi %add3A_2797, %jit3A_2798 : i32
    %sign3A_2800 = arith.constant 0 : i32
    %sign3A_2801 = arith.cmpi sgt, %add3A_2797, %sign3A_2800 : i32
    %sign3A_2802 = arith.extui %sign3A_2801 : i1 to i32
    %sign3A_2803 = arith.constant 0 : i32
    %sign3A_2804 = arith.cmpi slt, %add3A_2797, %sign3A_2803 : i32
    %sign3A_2805 = arith.extui %sign3A_2804 : i1 to i32
    %sign3A_2806 = arith.subi %sign3A_2802, %sign3A_2805 : i32
    %sign3A_2807 = arith.constant 0 : i32
    %sign3A_2808 = arith.cmpi sgt, %jit3A_2798, %sign3A_2807 : i32
    %sign3A_2809 = arith.extui %sign3A_2808 : i1 to i32
    %sign3A_2810 = arith.constant 0 : i32
    %sign3A_2811 = arith.cmpi slt, %jit3A_2798, %sign3A_2810 : i32
    %sign3A_2812 = arith.extui %sign3A_2811 : i1 to i32
    %sign3A_2813 = arith.subi %sign3A_2809, %sign3A_2812 : i32
    %ne3A_2814 = arith.cmpi ne, %sign3A_2806, %sign3A_2813 : i32
    %rem3A_2815 = arith.remsi %add3A_2797, %jit3A_2798 : i32
    %ne3A_2816 = arith.constant 0 : i32
    %ne3A_2817 = arith.cmpi ne, %rem3A_2815, %ne3A_2816 : i32
    %and3A_2818 = arith.andi %ne3A_2814, %ne3A_2817 : i1
    %sub3A_2819 = arith.constant 1 : i32
    %sub3A_2820 = arith.subi %div3A_2799, %sub3A_2819 : i32
    %select_n3A_2821 = arith.select %and3A_2818, %sub3A_2820, %div3A_2799 : i32
    %mul3A_2822 = arith.constant 9 : i32
    %mul3A_2823 = arith.muli %select_n3A_2821, %mul3A_2822 : i32
    %sub3A_2824 = arith.subi %add3A_2797, %mul3A_2823 : i32
    %mul3A_2825 = arith.constant 9 : i32
    %mul3A_2826 = arith.muli %select_n3A_2821, %mul3A_2825 : i32
    %add3A_2827 = arith.addi %mul3A_2826, %sub3A_2824 : i32
    %mul3A_2828 = arith.constant 4 : i32
    %mul3A_2829 = arith.muli %add3A_2827, %mul3A_2828 : i32
    %mul3A_2830 = arith.constant 4200 : i32
    %mul3A_2831 = arith.muli %mul3A_2829, %mul3A_2830 : i32
    %dma_start3A_2832 = arith.constant 0 : i32
    %dma_start3A_2833 = tpu.memref_slice %arg9[%dma_start3A_2832] : memref<25200xf32, #tpu.memory_space<vmem>> -> memref<16800xf32, #tpu.memory_space<vmem>>
    %dma_start3A_2834 = tpu.memref_slice %arg5[%mul3A_2831] : memref<9676800xf32, #tpu.memory_space<hbm>> -> memref<16800xf32, #tpu.memory_space<hbm>>
    %dma_start3A_2835 = tpu.memref_slice %arg5[%mul3A_2831] : memref<9676800xf32, #tpu.memory_space<hbm>> -> memref<16800xf32, #tpu.memory_space<hbm>>
    %dma_start3A_2836 = arith.constant 0 : i32
    %dma_start3A_2837 = tpu.memref_slice %arg9[%dma_start3A_2836] : memref<25200xf32, #tpu.memory_space<vmem>> -> memref<16800xf32, #tpu.memory_space<vmem>>
    tpu.enqueue_dma source(%dma_start3A_2837 : memref<16800xf32, #tpu.memory_space<vmem>>) target(%dma_start3A_2835 : memref<16800xf32, #tpu.memory_space<hbm>>) target_semaphore(%arg13 : memref<!tpu.dma_semaphore, #tpu.memory_space<semaphore_mem>>)
    %mul3A_2838 = arith.constant 18 : i32
    %mul3A_2839 = arith.muli %add3A, %mul3A_2838 : i32
    %add3A_2840 = arith.constant 13 : i32
    %add3A_2841 = arith.addi %mul3A_2839, %add3A_2840 : i32
    %jit3A_2842 = arith.constant 9 : i32
    %div3A_2843 = arith.divsi %add3A_2841, %jit3A_2842 : i32
    %sign3A_2844 = arith.constant 0 : i32
    %sign3A_2845 = arith.cmpi sgt, %add3A_2841, %sign3A_2844 : i32
    %sign3A_2846 = arith.extui %sign3A_2845 : i1 to i32
    %sign3A_2847 = arith.constant 0 : i32
    %sign3A_2848 = arith.cmpi slt, %add3A_2841, %sign3A_2847 : i32
    %sign3A_2849 = arith.extui %sign3A_2848 : i1 to i32
    %sign3A_2850 = arith.subi %sign3A_2846, %sign3A_2849 : i32
    %sign3A_2851 = arith.constant 0 : i32
    %sign3A_2852 = arith.cmpi sgt, %jit3A_2842, %sign3A_2851 : i32
    %sign3A_2853 = arith.extui %sign3A_2852 : i1 to i32
    %sign3A_2854 = arith.constant 0 : i32
    %sign3A_2855 = arith.cmpi slt, %jit3A_2842, %sign3A_2854 : i32
    %sign3A_2856 = arith.extui %sign3A_2855 : i1 to i32
    %sign3A_2857 = arith.subi %sign3A_2853, %sign3A_2856 : i32
    %ne3A_2858 = arith.cmpi ne, %sign3A_2850, %sign3A_2857 : i32
    %rem3A_2859 = arith.remsi %add3A_2841, %jit3A_2842 : i32
    %ne3A_2860 = arith.constant 0 : i32
    %ne3A_2861 = arith.cmpi ne, %rem3A_2859, %ne3A_2860 : i32
    %and3A_2862 = arith.andi %ne3A_2858, %ne3A_2861 : i1
    %sub3A_2863 = arith.constant 1 : i32
    %sub3A_2864 = arith.subi %div3A_2843, %sub3A_2863 : i32
    %select_n3A_2865 = arith.select %and3A_2862, %sub3A_2864, %div3A_2843 : i32
    %mul3A_2866 = arith.constant 9 : i32
    %mul3A_2867 = arith.muli %select_n3A_2865, %mul3A_2866 : i32
    %sub3A_2868 = arith.subi %add3A_2841, %mul3A_2867 : i32
    %mul3A_2869 = arith.constant 4 : i32
    %mul3A_2870 = arith.muli %select_n3A_2865, %mul3A_2869 : i32
    %mul3A_2871 = arith.constant 9 : i32
    %mul3A_2872 = arith.muli %mul3A_2870, %mul3A_2871 : i32
    %add3A_2873 = arith.addi %mul3A_2872, %sub3A_2868 : i32
    %mul3A_2874 = arith.constant 4200 : i32
    %mul3A_2875 = arith.muli %add3A_2873, %mul3A_2874 : i32
    %add3A_2876 = arith.constant 0 : i32
    %add3A_2877 = arith.addi %mul3A_2875, %add3A_2876 : i32
    %dma_start3A_2878 = arith.constant 0 : i32
    %dma_start3A_2879 = tpu.memref_slice %arg7[%dma_start3A_2878] : memref<25200xf32, #tpu.memory_space<vmem>> -> memref<4200xf32, #tpu.memory_space<vmem>>
    %dma_start3A_2880 = tpu.memref_slice %arg3[%add3A_2877] : memref<9676800xf32, #tpu.memory_space<hbm>> -> memref<4200xf32, #tpu.memory_space<hbm>>
    %dma_start3A_2881 = arith.constant 0 : i32
    %dma_start3A_2882 = tpu.memref_slice %arg7[%dma_start3A_2881] : memref<25200xf32, #tpu.memory_space<vmem>> -> memref<4200xf32, #tpu.memory_space<vmem>>
    %dma_start3A_2883 = tpu.memref_slice %arg3[%add3A_2877] : memref<9676800xf32, #tpu.memory_space<hbm>> -> memref<4200xf32, #tpu.memory_space<hbm>>
    tpu.enqueue_dma source(%dma_start3A_2883 : memref<4200xf32, #tpu.memory_space<hbm>>) target(%dma_start3A_2882 : memref<4200xf32, #tpu.memory_space<vmem>>) target_semaphore(%arg11 : memref<!tpu.dma_semaphore, #tpu.memory_space<semaphore_mem>>)
    %add3A_2884 = arith.constant 37800 : i32
    %add3A_2885 = arith.addi %mul3A_2875, %add3A_2884 : i32
    %dma_start3A_2886 = arith.constant 4200 : i32
    %dma_start3A_2887 = tpu.memref_slice %arg7[%dma_start3A_2886] : memref<25200xf32, #tpu.memory_space<vmem>> -> memref<4200xf32, #tpu.memory_space<vmem>>
    %dma_start3A_2888 = tpu.memref_slice %arg3[%add3A_2885] : memref<9676800xf32, #tpu.memory_space<hbm>> -> memref<4200xf32, #tpu.memory_space<hbm>>
    %dma_start3A_2889 = arith.constant 4200 : i32
    %dma_start3A_2890 = tpu.memref_slice %arg7[%dma_start3A_2889] : memref<25200xf32, #tpu.memory_space<vmem>> -> memref<4200xf32, #tpu.memory_space<vmem>>
    %dma_start3A_2891 = tpu.memref_slice %arg3[%add3A_2885] : memref<9676800xf32, #tpu.memory_space<hbm>> -> memref<4200xf32, #tpu.memory_space<hbm>>
    tpu.enqueue_dma source(%dma_start3A_2891 : memref<4200xf32, #tpu.memory_space<hbm>>) target(%dma_start3A_2890 : memref<4200xf32, #tpu.memory_space<vmem>>) target_semaphore(%arg11 : memref<!tpu.dma_semaphore, #tpu.memory_space<semaphore_mem>>)
    %add3A_2892 = arith.constant 75600 : i32
    %add3A_2893 = arith.addi %mul3A_2875, %add3A_2892 : i32
    %dma_start3A_2894 = arith.constant 8400 : i32
    %dma_start3A_2895 = tpu.memref_slice %arg7[%dma_start3A_2894] : memref<25200xf32, #tpu.memory_space<vmem>> -> memref<4200xf32, #tpu.memory_space<vmem>>
    %dma_start3A_2896 = tpu.memref_slice %arg3[%add3A_2893] : memref<9676800xf32, #tpu.memory_space<hbm>> -> memref<4200xf32, #tpu.memory_space<hbm>>
    %dma_start3A_2897 = arith.constant 8400 : i32
    %dma_start3A_2898 = tpu.memref_slice %arg7[%dma_start3A_2897] : memref<25200xf32, #tpu.memory_space<vmem>> -> memref<4200xf32, #tpu.memory_space<vmem>>
    %dma_start3A_2899 = tpu.memref_slice %arg3[%add3A_2893] : memref<9676800xf32, #tpu.memory_space<hbm>> -> memref<4200xf32, #tpu.memory_space<hbm>>
    tpu.enqueue_dma source(%dma_start3A_2899 : memref<4200xf32, #tpu.memory_space<hbm>>) target(%dma_start3A_2898 : memref<4200xf32, #tpu.memory_space<vmem>>) target_semaphore(%arg11 : memref<!tpu.dma_semaphore, #tpu.memory_space<semaphore_mem>>)
    %add3A_2900 = arith.constant 113400 : i32
    %add3A_2901 = arith.addi %mul3A_2875, %add3A_2900 : i32
    %dma_start3A_2902 = arith.constant 12600 : i32
    %dma_start3A_2903 = tpu.memref_slice %arg7[%dma_start3A_2902] : memref<25200xf32, #tpu.memory_space<vmem>> -> memref<4200xf32, #tpu.memory_space<vmem>>
    %dma_start3A_2904 = tpu.memref_slice %arg3[%add3A_2901] : memref<9676800xf32, #tpu.memory_space<hbm>> -> memref<4200xf32, #tpu.memory_space<hbm>>
    %dma_start3A_2905 = arith.constant 12600 : i32
    %dma_start3A_2906 = tpu.memref_slice %arg7[%dma_start3A_2905] : memref<25200xf32, #tpu.memory_space<vmem>> -> memref<4200xf32, #tpu.memory_space<vmem>>
    %dma_start3A_2907 = tpu.memref_slice %arg3[%add3A_2901] : memref<9676800xf32, #tpu.memory_space<hbm>> -> memref<4200xf32, #tpu.memory_space<hbm>>
    tpu.enqueue_dma source(%dma_start3A_2907 : memref<4200xf32, #tpu.memory_space<hbm>>) target(%dma_start3A_2906 : memref<4200xf32, #tpu.memory_space<vmem>>) target_semaphore(%arg11 : memref<!tpu.dma_semaphore, #tpu.memory_space<semaphore_mem>>)
    %dma_wait3A_2908 = arith.constant 0 : i32
    %dma_wait3A_2909 = tpu.memref_slice %arg6[%dma_wait3A_2908] : memref<25200xf32, #tpu.memory_space<vmem>> -> memref<4200xf32, #tpu.memory_space<vmem>>
    %dma_wait3A_2910 = tpu.memref_slice %arg3[%add3A_2723] : memref<9676800xf32, #tpu.memory_space<hbm>> -> memref<4200xf32, #tpu.memory_space<hbm>>
    %dma_wait3A_2911 = arith.constant 0 : i32
    %dma_wait3A_2912 = tpu.memref_slice %arg6[%dma_wait3A_2911] : memref<25200xf32, #tpu.memory_space<vmem>> -> memref<4200xf32, #tpu.memory_space<vmem>>
    %dma_wait3A_2913 = tpu.memref_slice %arg3[%add3A_2723] : memref<9676800xf32, #tpu.memory_space<hbm>> -> memref<4200xf32, #tpu.memory_space<hbm>>
    tpu.wait_dma2 semaphore(%arg10 : memref<!tpu.dma_semaphore, #tpu.memory_space<semaphore_mem>>) src(%dma_wait3A_2913 : memref<4200xf32, #tpu.memory_space<hbm>>) dst(%dma_wait3A_2912 : memref<4200xf32, #tpu.memory_space<vmem>>)
    %dma_wait3A_2914 = arith.constant 4200 : i32
    %dma_wait3A_2915 = tpu.memref_slice %arg6[%dma_wait3A_2914] : memref<25200xf32, #tpu.memory_space<vmem>> -> memref<4200xf32, #tpu.memory_space<vmem>>
    %dma_wait3A_2916 = tpu.memref_slice %arg3[%add3A_2731] : memref<9676800xf32, #tpu.memory_space<hbm>> -> memref<4200xf32, #tpu.memory_space<hbm>>
    %dma_wait3A_2917 = arith.constant 4200 : i32
    %dma_wait3A_2918 = tpu.memref_slice %arg6[%dma_wait3A_2917] : memref<25200xf32, #tpu.memory_space<vmem>> -> memref<4200xf32, #tpu.memory_space<vmem>>
    %dma_wait3A_2919 = tpu.memref_slice %arg3[%add3A_2731] : memref<9676800xf32, #tpu.memory_space<hbm>> -> memref<4200xf32, #tpu.memory_space<hbm>>
    tpu.wait_dma2 semaphore(%arg10 : memref<!tpu.dma_semaphore, #tpu.memory_space<semaphore_mem>>) src(%dma_wait3A_2919 : memref<4200xf32, #tpu.memory_space<hbm>>) dst(%dma_wait3A_2918 : memref<4200xf32, #tpu.memory_space<vmem>>)
    %dma_wait3A_2920 = arith.constant 8400 : i32
    %dma_wait3A_2921 = tpu.memref_slice %arg6[%dma_wait3A_2920] : memref<25200xf32, #tpu.memory_space<vmem>> -> memref<4200xf32, #tpu.memory_space<vmem>>
    %dma_wait3A_2922 = tpu.memref_slice %arg3[%add3A_2739] : memref<9676800xf32, #tpu.memory_space<hbm>> -> memref<4200xf32, #tpu.memory_space<hbm>>
    %dma_wait3A_2923 = arith.constant 8400 : i32
    %dma_wait3A_2924 = tpu.memref_slice %arg6[%dma_wait3A_2923] : memref<25200xf32, #tpu.memory_space<vmem>> -> memref<4200xf32, #tpu.memory_space<vmem>>
    %dma_wait3A_2925 = tpu.memref_slice %arg3[%add3A_2739] : memref<9676800xf32, #tpu.memory_space<hbm>> -> memref<4200xf32, #tpu.memory_space<hbm>>
    tpu.wait_dma2 semaphore(%arg10 : memref<!tpu.dma_semaphore, #tpu.memory_space<semaphore_mem>>) src(%dma_wait3A_2925 : memref<4200xf32, #tpu.memory_space<hbm>>) dst(%dma_wait3A_2924 : memref<4200xf32, #tpu.memory_space<vmem>>)
    %dma_wait3A_2926 = arith.constant 12600 : i32
    %dma_wait3A_2927 = tpu.memref_slice %arg6[%dma_wait3A_2926] : memref<25200xf32, #tpu.memory_space<vmem>> -> memref<4200xf32, #tpu.memory_space<vmem>>
    %dma_wait3A_2928 = tpu.memref_slice %arg3[%add3A_2747] : memref<9676800xf32, #tpu.memory_space<hbm>> -> memref<4200xf32, #tpu.memory_space<hbm>>
    %dma_wait3A_2929 = arith.constant 12600 : i32
    %dma_wait3A_2930 = tpu.memref_slice %arg6[%dma_wait3A_2929] : memref<25200xf32, #tpu.memory_space<vmem>> -> memref<4200xf32, #tpu.memory_space<vmem>>
    %dma_wait3A_2931 = tpu.memref_slice %arg3[%add3A_2747] : memref<9676800xf32, #tpu.memory_space<hbm>> -> memref<4200xf32, #tpu.memory_space<hbm>>
    tpu.wait_dma2 semaphore(%arg10 : memref<!tpu.dma_semaphore, #tpu.memory_space<semaphore_mem>>) src(%dma_wait3A_2931 : memref<4200xf32, #tpu.memory_space<hbm>>) dst(%dma_wait3A_2930 : memref<4200xf32, #tpu.memory_space<vmem>>)
    %dma_wait3A_2932 = arith.constant 0 : i32
    %dma_wait3A_2933 = tpu.memref_slice %arg8[%dma_wait3A_2932] : memref<25200xf32, #tpu.memory_space<vmem>> -> memref<16800xf32, #tpu.memory_space<vmem>>
    %dma_wait3A_2934 = tpu.memref_slice %arg5[%mul3A_2677] : memref<9676800xf32, #tpu.memory_space<hbm>> -> memref<16800xf32, #tpu.memory_space<hbm>>
    %dma_wait3A_2935 = tpu.memref_slice %arg5[%mul3A_2677] : memref<9676800xf32, #tpu.memory_space<hbm>> -> memref<16800xf32, #tpu.memory_space<hbm>>
    %dma_wait3A_2936 = arith.constant 0 : i32
    %dma_wait3A_2937 = tpu.memref_slice %arg8[%dma_wait3A_2936] : memref<25200xf32, #tpu.memory_space<vmem>> -> memref<16800xf32, #tpu.memory_space<vmem>>
    tpu.wait_dma2 semaphore(%arg12 : memref<!tpu.dma_semaphore, #tpu.memory_space<semaphore_mem>>) src(%dma_wait3A_2937 : memref<16800xf32, #tpu.memory_space<vmem>>) dst(%dma_wait3A_2935 : memref<16800xf32, #tpu.memory_space<hbm>>)
    %shift_right_arithmetic3A_2938 = arith.constant 2 : i32
    %shift_right_arithmetic3A_2939 = vector.broadcast %shift_right_arithmetic3A_2938 : i32 to vector<16xi32>
    %shift_right_arithmetic3A_2940 = arith.shrsi %iota3A, %shift_right_arithmetic3A_2939 : vector<16xi32>
    %and3A_2941 = arith.constant 3 : i32
    %and3A_2942 = vector.broadcast %and3A_2941 : i32 to vector<16xi32>
    %and3A_2943 = arith.andi %iota3A, %and3A_2942 : vector<16xi32>
    %mul3A_2944 = arith.constant 4200 : i32
    %mul3A_2945 = vector.broadcast %mul3A_2944 : i32 to vector<16xi32>
    %mul3A_2946 = arith.muli %and3A_2943, %mul3A_2945 : vector<16xi32>
    %add3A_2947 = arith.addi %shift_right_arithmetic3A_2940, %mul3A_2946 : vector<16xi32>
    %mul3A_2948 = arith.constant 18 : i32
    %mul3A_2949 = arith.muli %add3A, %mul3A_2948 : i32
    %add3A_2950 = arith.constant 12 : i32
    %add3A_2951 = arith.addi %mul3A_2949, %add3A_2950 : i32
    %jit3A_2952 = arith.constant 9 : i32
    %div3A_2953 = arith.divsi %add3A_2951, %jit3A_2952 : i32
    %sign3A_2954 = arith.constant 0 : i32
    %sign3A_2955 = arith.cmpi sgt, %add3A_2951, %sign3A_2954 : i32
    %sign3A_2956 = arith.extui %sign3A_2955 : i1 to i32
    %sign3A_2957 = arith.constant 0 : i32
    %sign3A_2958 = arith.cmpi slt, %add3A_2951, %sign3A_2957 : i32
    %sign3A_2959 = arith.extui %sign3A_2958 : i1 to i32
    %sign3A_2960 = arith.subi %sign3A_2956, %sign3A_2959 : i32
    %sign3A_2961 = arith.constant 0 : i32
    %sign3A_2962 = arith.cmpi sgt, %jit3A_2952, %sign3A_2961 : i32
    %sign3A_2963 = arith.extui %sign3A_2962 : i1 to i32
    %sign3A_2964 = arith.constant 0 : i32
    %sign3A_2965 = arith.cmpi slt, %jit3A_2952, %sign3A_2964 : i32
    %sign3A_2966 = arith.extui %sign3A_2965 : i1 to i32
    %sign3A_2967 = arith.subi %sign3A_2963, %sign3A_2966 : i32
    %ne3A_2968 = arith.cmpi ne, %sign3A_2960, %sign3A_2967 : i32
    %rem3A_2969 = arith.remsi %add3A_2951, %jit3A_2952 : i32
    %ne3A_2970 = arith.constant 0 : i32
    %ne3A_2971 = arith.cmpi ne, %rem3A_2969, %ne3A_2970 : i32
    %and3A_2972 = arith.andi %ne3A_2968, %ne3A_2971 : i1
    %sub3A_2973 = arith.constant 1 : i32
    %sub3A_2974 = arith.subi %div3A_2953, %sub3A_2973 : i32
    %select_n3A_2975 = arith.select %and3A_2972, %sub3A_2974, %div3A_2953 : i32
    %mul3A_2976 = arith.constant 9 : i32
    %mul3A_2977 = arith.muli %select_n3A_2975, %mul3A_2976 : i32
    %sub3A_2978 = arith.subi %add3A_2951, %mul3A_2977 : i32
    %mul3A_2979 = arith.constant 9 : i32
    %mul3A_2980 = arith.muli %select_n3A_2975, %mul3A_2979 : i32
    %add3A_2981 = arith.addi %mul3A_2980, %sub3A_2978 : i32
    %mul3A_2982 = arith.constant 4 : i32
    %mul3A_2983 = arith.muli %add3A_2981, %mul3A_2982 : i32
    %mul3A_2984 = arith.constant 4200 : i32
    %mul3A_2985 = arith.muli %mul3A_2983, %mul3A_2984 : i32
    %dma_start3A_2986 = arith.constant 0 : i32
    %dma_start3A_2987 = tpu.memref_slice %arg8[%dma_start3A_2986] : memref<25200xf32, #tpu.memory_space<vmem>> -> memref<16800xf32, #tpu.memory_space<vmem>>
    %dma_start3A_2988 = tpu.memref_slice %arg5[%mul3A_2985] : memref<9676800xf32, #tpu.memory_space<hbm>> -> memref<16800xf32, #tpu.memory_space<hbm>>
    %dma_start3A_2989 = tpu.memref_slice %arg5[%mul3A_2985] : memref<9676800xf32, #tpu.memory_space<hbm>> -> memref<16800xf32, #tpu.memory_space<hbm>>
    %dma_start3A_2990 = arith.constant 0 : i32
    %dma_start3A_2991 = tpu.memref_slice %arg8[%dma_start3A_2990] : memref<25200xf32, #tpu.memory_space<vmem>> -> memref<16800xf32, #tpu.memory_space<vmem>>
    tpu.enqueue_dma source(%dma_start3A_2991 : memref<16800xf32, #tpu.memory_space<vmem>>) target(%dma_start3A_2989 : memref<16800xf32, #tpu.memory_space<hbm>>) target_semaphore(%arg12 : memref<!tpu.dma_semaphore, #tpu.memory_space<semaphore_mem>>)
    %mul3A_2992 = arith.constant 18 : i32
    %mul3A_2993 = arith.muli %add3A, %mul3A_2992 : i32
    %add3A_2994 = arith.constant 14 : i32
    %add3A_2995 = arith.addi %mul3A_2993, %add3A_2994 : i32
    %jit3A_2996 = arith.constant 9 : i32
    %div3A_2997 = arith.divsi %add3A_2995, %jit3A_2996 : i32
    %sign3A_2998 = arith.constant 0 : i32
    %sign3A_2999 = arith.cmpi sgt, %add3A_2995, %sign3A_2998 : i32
    %sign3A_3000 = arith.extui %sign3A_2999 : i1 to i32
    %sign3A_3001 = arith.constant 0 : i32
    %sign3A_3002 = arith.cmpi slt, %add3A_2995, %sign3A_3001 : i32
    %sign3A_3003 = arith.extui %sign3A_3002 : i1 to i32
    %sign3A_3004 = arith.subi %sign3A_3000, %sign3A_3003 : i32
    %sign3A_3005 = arith.constant 0 : i32
    %sign3A_3006 = arith.cmpi sgt, %jit3A_2996, %sign3A_3005 : i32
    %sign3A_3007 = arith.extui %sign3A_3006 : i1 to i32
    %sign3A_3008 = arith.constant 0 : i32
    %sign3A_3009 = arith.cmpi slt, %jit3A_2996, %sign3A_3008 : i32
    %sign3A_3010 = arith.extui %sign3A_3009 : i1 to i32
    %sign3A_3011 = arith.subi %sign3A_3007, %sign3A_3010 : i32
    %ne3A_3012 = arith.cmpi ne, %sign3A_3004, %sign3A_3011 : i32
    %rem3A_3013 = arith.remsi %add3A_2995, %jit3A_2996 : i32
    %ne3A_3014 = arith.constant 0 : i32
    %ne3A_3015 = arith.cmpi ne, %rem3A_3013, %ne3A_3014 : i32
    %and3A_3016 = arith.andi %ne3A_3012, %ne3A_3015 : i1
    %sub3A_3017 = arith.constant 1 : i32
    %sub3A_3018 = arith.subi %div3A_2997, %sub3A_3017 : i32
    %select_n3A_3019 = arith.select %and3A_3016, %sub3A_3018, %div3A_2997 : i32
    %mul3A_3020 = arith.constant 9 : i32
    %mul3A_3021 = arith.muli %select_n3A_3019, %mul3A_3020 : i32
    %sub3A_3022 = arith.subi %add3A_2995, %mul3A_3021 : i32
    %mul3A_3023 = arith.constant 4 : i32
    %mul3A_3024 = arith.muli %select_n3A_3019, %mul3A_3023 : i32
    %mul3A_3025 = arith.constant 9 : i32
    %mul3A_3026 = arith.muli %mul3A_3024, %mul3A_3025 : i32
    %add3A_3027 = arith.addi %mul3A_3026, %sub3A_3022 : i32
    %mul3A_3028 = arith.constant 4200 : i32
    %mul3A_3029 = arith.muli %add3A_3027, %mul3A_3028 : i32
    %add3A_3030 = arith.constant 0 : i32
    %add3A_3031 = arith.addi %mul3A_3029, %add3A_3030 : i32
    %dma_start3A_3032 = arith.constant 0 : i32
    %dma_start3A_3033 = tpu.memref_slice %arg6[%dma_start3A_3032] : memref<25200xf32, #tpu.memory_space<vmem>> -> memref<4200xf32, #tpu.memory_space<vmem>>
    %dma_start3A_3034 = tpu.memref_slice %arg3[%add3A_3031] : memref<9676800xf32, #tpu.memory_space<hbm>> -> memref<4200xf32, #tpu.memory_space<hbm>>
    %dma_start3A_3035 = arith.constant 0 : i32
    %dma_start3A_3036 = tpu.memref_slice %arg6[%dma_start3A_3035] : memref<25200xf32, #tpu.memory_space<vmem>> -> memref<4200xf32, #tpu.memory_space<vmem>>
    %dma_start3A_3037 = tpu.memref_slice %arg3[%add3A_3031] : memref<9676800xf32, #tpu.memory_space<hbm>> -> memref<4200xf32, #tpu.memory_space<hbm>>
    tpu.enqueue_dma source(%dma_start3A_3037 : memref<4200xf32, #tpu.memory_space<hbm>>) target(%dma_start3A_3036 : memref<4200xf32, #tpu.memory_space<vmem>>) target_semaphore(%arg10 : memref<!tpu.dma_semaphore, #tpu.memory_space<semaphore_mem>>)
    %add3A_3038 = arith.constant 37800 : i32
    %add3A_3039 = arith.addi %mul3A_3029, %add3A_3038 : i32
    %dma_start3A_3040 = arith.constant 4200 : i32
    %dma_start3A_3041 = tpu.memref_slice %arg6[%dma_start3A_3040] : memref<25200xf32, #tpu.memory_space<vmem>> -> memref<4200xf32, #tpu.memory_space<vmem>>
    %dma_start3A_3042 = tpu.memref_slice %arg3[%add3A_3039] : memref<9676800xf32, #tpu.memory_space<hbm>> -> memref<4200xf32, #tpu.memory_space<hbm>>
    %dma_start3A_3043 = arith.constant 4200 : i32
    %dma_start3A_3044 = tpu.memref_slice %arg6[%dma_start3A_3043] : memref<25200xf32, #tpu.memory_space<vmem>> -> memref<4200xf32, #tpu.memory_space<vmem>>
    %dma_start3A_3045 = tpu.memref_slice %arg3[%add3A_3039] : memref<9676800xf32, #tpu.memory_space<hbm>> -> memref<4200xf32, #tpu.memory_space<hbm>>
    tpu.enqueue_dma source(%dma_start3A_3045 : memref<4200xf32, #tpu.memory_space<hbm>>) target(%dma_start3A_3044 : memref<4200xf32, #tpu.memory_space<vmem>>) target_semaphore(%arg10 : memref<!tpu.dma_semaphore, #tpu.memory_space<semaphore_mem>>)
    %add3A_3046 = arith.constant 75600 : i32
    %add3A_3047 = arith.addi %mul3A_3029, %add3A_3046 : i32
    %dma_start3A_3048 = arith.constant 8400 : i32
    %dma_start3A_3049 = tpu.memref_slice %arg6[%dma_start3A_3048] : memref<25200xf32, #tpu.memory_space<vmem>> -> memref<4200xf32, #tpu.memory_space<vmem>>
    %dma_start3A_3050 = tpu.memref_slice %arg3[%add3A_3047] : memref<9676800xf32, #tpu.memory_space<hbm>> -> memref<4200xf32, #tpu.memory_space<hbm>>
    %dma_start3A_3051 = arith.constant 8400 : i32
    %dma_start3A_3052 = tpu.memref_slice %arg6[%dma_start3A_3051] : memref<25200xf32, #tpu.memory_space<vmem>> -> memref<4200xf32, #tpu.memory_space<vmem>>
    %dma_start3A_3053 = tpu.memref_slice %arg3[%add3A_3047] : memref<9676800xf32, #tpu.memory_space<hbm>> -> memref<4200xf32, #tpu.memory_space<hbm>>
    tpu.enqueue_dma source(%dma_start3A_3053 : memref<4200xf32, #tpu.memory_space<hbm>>) target(%dma_start3A_3052 : memref<4200xf32, #tpu.memory_space<vmem>>) target_semaphore(%arg10 : memref<!tpu.dma_semaphore, #tpu.memory_space<semaphore_mem>>)
    %add3A_3054 = arith.constant 113400 : i32
    %add3A_3055 = arith.addi %mul3A_3029, %add3A_3054 : i32
    %dma_start3A_3056 = arith.constant 12600 : i32
    %dma_start3A_3057 = tpu.memref_slice %arg6[%dma_start3A_3056] : memref<25200xf32, #tpu.memory_space<vmem>> -> memref<4200xf32, #tpu.memory_space<vmem>>
    %dma_start3A_3058 = tpu.memref_slice %arg3[%add3A_3055] : memref<9676800xf32, #tpu.memory_space<hbm>> -> memref<4200xf32, #tpu.memory_space<hbm>>
    %dma_start3A_3059 = arith.constant 12600 : i32
    %dma_start3A_3060 = tpu.memref_slice %arg6[%dma_start3A_3059] : memref<25200xf32, #tpu.memory_space<vmem>> -> memref<4200xf32, #tpu.memory_space<vmem>>
    %dma_start3A_3061 = tpu.memref_slice %arg3[%add3A_3055] : memref<9676800xf32, #tpu.memory_space<hbm>> -> memref<4200xf32, #tpu.memory_space<hbm>>
    tpu.enqueue_dma source(%dma_start3A_3061 : memref<4200xf32, #tpu.memory_space<hbm>>) target(%dma_start3A_3060 : memref<4200xf32, #tpu.memory_space<vmem>>) target_semaphore(%arg10 : memref<!tpu.dma_semaphore, #tpu.memory_space<semaphore_mem>>)
    %dma_wait3A_3062 = arith.constant 0 : i32
    %dma_wait3A_3063 = tpu.memref_slice %arg7[%dma_wait3A_3062] : memref<25200xf32, #tpu.memory_space<vmem>> -> memref<4200xf32, #tpu.memory_space<vmem>>
    %dma_wait3A_3064 = tpu.memref_slice %arg3[%add3A_2877] : memref<9676800xf32, #tpu.memory_space<hbm>> -> memref<4200xf32, #tpu.memory_space<hbm>>
    %dma_wait3A_3065 = arith.constant 0 : i32
    %dma_wait3A_3066 = tpu.memref_slice %arg7[%dma_wait3A_3065] : memref<25200xf32, #tpu.memory_space<vmem>> -> memref<4200xf32, #tpu.memory_space<vmem>>
    %dma_wait3A_3067 = tpu.memref_slice %arg3[%add3A_2877] : memref<9676800xf32, #tpu.memory_space<hbm>> -> memref<4200xf32, #tpu.memory_space<hbm>>
    tpu.wait_dma2 semaphore(%arg11 : memref<!tpu.dma_semaphore, #tpu.memory_space<semaphore_mem>>) src(%dma_wait3A_3067 : memref<4200xf32, #tpu.memory_space<hbm>>) dst(%dma_wait3A_3066 : memref<4200xf32, #tpu.memory_space<vmem>>)
    %dma_wait3A_3068 = arith.constant 4200 : i32
    %dma_wait3A_3069 = tpu.memref_slice %arg7[%dma_wait3A_3068] : memref<25200xf32, #tpu.memory_space<vmem>> -> memref<4200xf32, #tpu.memory_space<vmem>>
    %dma_wait3A_3070 = tpu.memref_slice %arg3[%add3A_2885] : memref<9676800xf32, #tpu.memory_space<hbm>> -> memref<4200xf32, #tpu.memory_space<hbm>>
    %dma_wait3A_3071 = arith.constant 4200 : i32
    %dma_wait3A_3072 = tpu.memref_slice %arg7[%dma_wait3A_3071] : memref<25200xf32, #tpu.memory_space<vmem>> -> memref<4200xf32, #tpu.memory_space<vmem>>
    %dma_wait3A_3073 = tpu.memref_slice %arg3[%add3A_2885] : memref<9676800xf32, #tpu.memory_space<hbm>> -> memref<4200xf32, #tpu.memory_space<hbm>>
    tpu.wait_dma2 semaphore(%arg11 : memref<!tpu.dma_semaphore, #tpu.memory_space<semaphore_mem>>) src(%dma_wait3A_3073 : memref<4200xf32, #tpu.memory_space<hbm>>) dst(%dma_wait3A_3072 : memref<4200xf32, #tpu.memory_space<vmem>>)
    %dma_wait3A_3074 = arith.constant 8400 : i32
    %dma_wait3A_3075 = tpu.memref_slice %arg7[%dma_wait3A_3074] : memref<25200xf32, #tpu.memory_space<vmem>> -> memref<4200xf32, #tpu.memory_space<vmem>>
    %dma_wait3A_3076 = tpu.memref_slice %arg3[%add3A_2893] : memref<9676800xf32, #tpu.memory_space<hbm>> -> memref<4200xf32, #tpu.memory_space<hbm>>
    %dma_wait3A_3077 = arith.constant 8400 : i32
    %dma_wait3A_3078 = tpu.memref_slice %arg7[%dma_wait3A_3077] : memref<25200xf32, #tpu.memory_space<vmem>> -> memref<4200xf32, #tpu.memory_space<vmem>>
    %dma_wait3A_3079 = tpu.memref_slice %arg3[%add3A_2893] : memref<9676800xf32, #tpu.memory_space<hbm>> -> memref<4200xf32, #tpu.memory_space<hbm>>
    tpu.wait_dma2 semaphore(%arg11 : memref<!tpu.dma_semaphore, #tpu.memory_space<semaphore_mem>>) src(%dma_wait3A_3079 : memref<4200xf32, #tpu.memory_space<hbm>>) dst(%dma_wait3A_3078 : memref<4200xf32, #tpu.memory_space<vmem>>)
    %dma_wait3A_3080 = arith.constant 12600 : i32
    %dma_wait3A_3081 = tpu.memref_slice %arg7[%dma_wait3A_3080] : memref<25200xf32, #tpu.memory_space<vmem>> -> memref<4200xf32, #tpu.memory_space<vmem>>
    %dma_wait3A_3082 = tpu.memref_slice %arg3[%add3A_2901] : memref<9676800xf32, #tpu.memory_space<hbm>> -> memref<4200xf32, #tpu.memory_space<hbm>>
    %dma_wait3A_3083 = arith.constant 12600 : i32
    %dma_wait3A_3084 = tpu.memref_slice %arg7[%dma_wait3A_3083] : memref<25200xf32, #tpu.memory_space<vmem>> -> memref<4200xf32, #tpu.memory_space<vmem>>
    %dma_wait3A_3085 = tpu.memref_slice %arg3[%add3A_2901] : memref<9676800xf32, #tpu.memory_space<hbm>> -> memref<4200xf32, #tpu.memory_space<hbm>>
    tpu.wait_dma2 semaphore(%arg11 : memref<!tpu.dma_semaphore, #tpu.memory_space<semaphore_mem>>) src(%dma_wait3A_3085 : memref<4200xf32, #tpu.memory_space<hbm>>) dst(%dma_wait3A_3084 : memref<4200xf32, #tpu.memory_space<vmem>>)
    %dma_wait3A_3086 = arith.constant 0 : i32
    %dma_wait3A_3087 = tpu.memref_slice %arg9[%dma_wait3A_3086] : memref<25200xf32, #tpu.memory_space<vmem>> -> memref<16800xf32, #tpu.memory_space<vmem>>
    %dma_wait3A_3088 = tpu.memref_slice %arg5[%mul3A_2831] : memref<9676800xf32, #tpu.memory_space<hbm>> -> memref<16800xf32, #tpu.memory_space<hbm>>
    %dma_wait3A_3089 = tpu.memref_slice %arg5[%mul3A_2831] : memref<9676800xf32, #tpu.memory_space<hbm>> -> memref<16800xf32, #tpu.memory_space<hbm>>
    %dma_wait3A_3090 = arith.constant 0 : i32
    %dma_wait3A_3091 = tpu.memref_slice %arg9[%dma_wait3A_3090] : memref<25200xf32, #tpu.memory_space<vmem>> -> memref<16800xf32, #tpu.memory_space<vmem>>
    tpu.wait_dma2 semaphore(%arg13 : memref<!tpu.dma_semaphore, #tpu.memory_space<semaphore_mem>>) src(%dma_wait3A_3091 : memref<16800xf32, #tpu.memory_space<vmem>>) dst(%dma_wait3A_3089 : memref<16800xf32, #tpu.memory_space<hbm>>)
    %shift_right_arithmetic3A_3092 = arith.constant 2 : i32
    %shift_right_arithmetic3A_3093 = vector.broadcast %shift_right_arithmetic3A_3092 : i32 to vector<16xi32>
    %shift_right_arithmetic3A_3094 = arith.shrsi %iota3A, %shift_right_arithmetic3A_3093 : vector<16xi32>
    %and3A_3095 = arith.constant 3 : i32
    %and3A_3096 = vector.broadcast %and3A_3095 : i32 to vector<16xi32>
    %and3A_3097 = arith.andi %iota3A, %and3A_3096 : vector<16xi32>
    %mul3A_3098 = arith.constant 4200 : i32
    %mul3A_3099 = vector.broadcast %mul3A_3098 : i32 to vector<16xi32>
    %mul3A_3100 = arith.muli %and3A_3097, %mul3A_3099 : vector<16xi32>
    %add3A_3101 = arith.addi %shift_right_arithmetic3A_3094, %mul3A_3100 : vector<16xi32>
    %mul3A_3102 = arith.constant 18 : i32
    %mul3A_3103 = arith.muli %add3A, %mul3A_3102 : i32
    %add3A_3104 = arith.constant 13 : i32
    %add3A_3105 = arith.addi %mul3A_3103, %add3A_3104 : i32
    %jit3A_3106 = arith.constant 9 : i32
    %div3A_3107 = arith.divsi %add3A_3105, %jit3A_3106 : i32
    %sign3A_3108 = arith.constant 0 : i32
    %sign3A_3109 = arith.cmpi sgt, %add3A_3105, %sign3A_3108 : i32
    %sign3A_3110 = arith.extui %sign3A_3109 : i1 to i32
    %sign3A_3111 = arith.constant 0 : i32
    %sign3A_3112 = arith.cmpi slt, %add3A_3105, %sign3A_3111 : i32
    %sign3A_3113 = arith.extui %sign3A_3112 : i1 to i32
    %sign3A_3114 = arith.subi %sign3A_3110, %sign3A_3113 : i32
    %sign3A_3115 = arith.constant 0 : i32
    %sign3A_3116 = arith.cmpi sgt, %jit3A_3106, %sign3A_3115 : i32
    %sign3A_3117 = arith.extui %sign3A_3116 : i1 to i32
    %sign3A_3118 = arith.constant 0 : i32
    %sign3A_3119 = arith.cmpi slt, %jit3A_3106, %sign3A_3118 : i32
    %sign3A_3120 = arith.extui %sign3A_3119 : i1 to i32
    %sign3A_3121 = arith.subi %sign3A_3117, %sign3A_3120 : i32
    %ne3A_3122 = arith.cmpi ne, %sign3A_3114, %sign3A_3121 : i32
    %rem3A_3123 = arith.remsi %add3A_3105, %jit3A_3106 : i32
    %ne3A_3124 = arith.constant 0 : i32
    %ne3A_3125 = arith.cmpi ne, %rem3A_3123, %ne3A_3124 : i32
    %and3A_3126 = arith.andi %ne3A_3122, %ne3A_3125 : i1
    %sub3A_3127 = arith.constant 1 : i32
    %sub3A_3128 = arith.subi %div3A_3107, %sub3A_3127 : i32
    %select_n3A_3129 = arith.select %and3A_3126, %sub3A_3128, %div3A_3107 : i32
    %mul3A_3130 = arith.constant 9 : i32
    %mul3A_3131 = arith.muli %select_n3A_3129, %mul3A_3130 : i32
    %sub3A_3132 = arith.subi %add3A_3105, %mul3A_3131 : i32
    %mul3A_3133 = arith.constant 9 : i32
    %mul3A_3134 = arith.muli %select_n3A_3129, %mul3A_3133 : i32
    %add3A_3135 = arith.addi %mul3A_3134, %sub3A_3132 : i32
    %mul3A_3136 = arith.constant 4 : i32
    %mul3A_3137 = arith.muli %add3A_3135, %mul3A_3136 : i32
    %mul3A_3138 = arith.constant 4200 : i32
    %mul3A_3139 = arith.muli %mul3A_3137, %mul3A_3138 : i32
    %dma_start3A_3140 = arith.constant 0 : i32
    %dma_start3A_3141 = tpu.memref_slice %arg9[%dma_start3A_3140] : memref<25200xf32, #tpu.memory_space<vmem>> -> memref<16800xf32, #tpu.memory_space<vmem>>
    %dma_start3A_3142 = tpu.memref_slice %arg5[%mul3A_3139] : memref<9676800xf32, #tpu.memory_space<hbm>> -> memref<16800xf32, #tpu.memory_space<hbm>>
    %dma_start3A_3143 = tpu.memref_slice %arg5[%mul3A_3139] : memref<9676800xf32, #tpu.memory_space<hbm>> -> memref<16800xf32, #tpu.memory_space<hbm>>
    %dma_start3A_3144 = arith.constant 0 : i32
    %dma_start3A_3145 = tpu.memref_slice %arg9[%dma_start3A_3144] : memref<25200xf32, #tpu.memory_space<vmem>> -> memref<16800xf32, #tpu.memory_space<vmem>>
    tpu.enqueue_dma source(%dma_start3A_3145 : memref<16800xf32, #tpu.memory_space<vmem>>) target(%dma_start3A_3143 : memref<16800xf32, #tpu.memory_space<hbm>>) target_semaphore(%arg13 : memref<!tpu.dma_semaphore, #tpu.memory_space<semaphore_mem>>)
    %mul3A_3146 = arith.constant 18 : i32
    %mul3A_3147 = arith.muli %add3A, %mul3A_3146 : i32
    %add3A_3148 = arith.constant 15 : i32
    %add3A_3149 = arith.addi %mul3A_3147, %add3A_3148 : i32
    %jit3A_3150 = arith.constant 9 : i32
    %div3A_3151 = arith.divsi %add3A_3149, %jit3A_3150 : i32
    %sign3A_3152 = arith.constant 0 : i32
    %sign3A_3153 = arith.cmpi sgt, %add3A_3149, %sign3A_3152 : i32
    %sign3A_3154 = arith.extui %sign3A_3153 : i1 to i32
    %sign3A_3155 = arith.constant 0 : i32
    %sign3A_3156 = arith.cmpi slt, %add3A_3149, %sign3A_3155 : i32
    %sign3A_3157 = arith.extui %sign3A_3156 : i1 to i32
    %sign3A_3158 = arith.subi %sign3A_3154, %sign3A_3157 : i32
    %sign3A_3159 = arith.constant 0 : i32
    %sign3A_3160 = arith.cmpi sgt, %jit3A_3150, %sign3A_3159 : i32
    %sign3A_3161 = arith.extui %sign3A_3160 : i1 to i32
    %sign3A_3162 = arith.constant 0 : i32
    %sign3A_3163 = arith.cmpi slt, %jit3A_3150, %sign3A_3162 : i32
    %sign3A_3164 = arith.extui %sign3A_3163 : i1 to i32
    %sign3A_3165 = arith.subi %sign3A_3161, %sign3A_3164 : i32
    %ne3A_3166 = arith.cmpi ne, %sign3A_3158, %sign3A_3165 : i32
    %rem3A_3167 = arith.remsi %add3A_3149, %jit3A_3150 : i32
    %ne3A_3168 = arith.constant 0 : i32
    %ne3A_3169 = arith.cmpi ne, %rem3A_3167, %ne3A_3168 : i32
    %and3A_3170 = arith.andi %ne3A_3166, %ne3A_3169 : i1
    %sub3A_3171 = arith.constant 1 : i32
    %sub3A_3172 = arith.subi %div3A_3151, %sub3A_3171 : i32
    %select_n3A_3173 = arith.select %and3A_3170, %sub3A_3172, %div3A_3151 : i32
    %mul3A_3174 = arith.constant 9 : i32
    %mul3A_3175 = arith.muli %select_n3A_3173, %mul3A_3174 : i32
    %sub3A_3176 = arith.subi %add3A_3149, %mul3A_3175 : i32
    %mul3A_3177 = arith.constant 4 : i32
    %mul3A_3178 = arith.muli %select_n3A_3173, %mul3A_3177 : i32
    %mul3A_3179 = arith.constant 9 : i32
    %mul3A_3180 = arith.muli %mul3A_3178, %mul3A_3179 : i32
    %add3A_3181 = arith.addi %mul3A_3180, %sub3A_3176 : i32
    %mul3A_3182 = arith.constant 4200 : i32
    %mul3A_3183 = arith.muli %add3A_3181, %mul3A_3182 : i32
    %add3A_3184 = arith.constant 0 : i32
    %add3A_3185 = arith.addi %mul3A_3183, %add3A_3184 : i32
    %dma_start3A_3186 = arith.constant 0 : i32
    %dma_start3A_3187 = tpu.memref_slice %arg7[%dma_start3A_3186] : memref<25200xf32, #tpu.memory_space<vmem>> -> memref<4200xf32, #tpu.memory_space<vmem>>
    %dma_start3A_3188 = tpu.memref_slice %arg3[%add3A_3185] : memref<9676800xf32, #tpu.memory_space<hbm>> -> memref<4200xf32, #tpu.memory_space<hbm>>
    %dma_start3A_3189 = arith.constant 0 : i32
    %dma_start3A_3190 = tpu.memref_slice %arg7[%dma_start3A_3189] : memref<25200xf32, #tpu.memory_space<vmem>> -> memref<4200xf32, #tpu.memory_space<vmem>>
    %dma_start3A_3191 = tpu.memref_slice %arg3[%add3A_3185] : memref<9676800xf32, #tpu.memory_space<hbm>> -> memref<4200xf32, #tpu.memory_space<hbm>>
    tpu.enqueue_dma source(%dma_start3A_3191 : memref<4200xf32, #tpu.memory_space<hbm>>) target(%dma_start3A_3190 : memref<4200xf32, #tpu.memory_space<vmem>>) target_semaphore(%arg11 : memref<!tpu.dma_semaphore, #tpu.memory_space<semaphore_mem>>)
    %add3A_3192 = arith.constant 37800 : i32
    %add3A_3193 = arith.addi %mul3A_3183, %add3A_3192 : i32
    %dma_start3A_3194 = arith.constant 4200 : i32
    %dma_start3A_3195 = tpu.memref_slice %arg7[%dma_start3A_3194] : memref<25200xf32, #tpu.memory_space<vmem>> -> memref<4200xf32, #tpu.memory_space<vmem>>
    %dma_start3A_3196 = tpu.memref_slice %arg3[%add3A_3193] : memref<9676800xf32, #tpu.memory_space<hbm>> -> memref<4200xf32, #tpu.memory_space<hbm>>
    %dma_start3A_3197 = arith.constant 4200 : i32
    %dma_start3A_3198 = tpu.memref_slice %arg7[%dma_start3A_3197] : memref<25200xf32, #tpu.memory_space<vmem>> -> memref<4200xf32, #tpu.memory_space<vmem>>
    %dma_start3A_3199 = tpu.memref_slice %arg3[%add3A_3193] : memref<9676800xf32, #tpu.memory_space<hbm>> -> memref<4200xf32, #tpu.memory_space<hbm>>
    tpu.enqueue_dma source(%dma_start3A_3199 : memref<4200xf32, #tpu.memory_space<hbm>>) target(%dma_start3A_3198 : memref<4200xf32, #tpu.memory_space<vmem>>) target_semaphore(%arg11 : memref<!tpu.dma_semaphore, #tpu.memory_space<semaphore_mem>>)
    %add3A_3200 = arith.constant 75600 : i32
    %add3A_3201 = arith.addi %mul3A_3183, %add3A_3200 : i32
    %dma_start3A_3202 = arith.constant 8400 : i32
    %dma_start3A_3203 = tpu.memref_slice %arg7[%dma_start3A_3202] : memref<25200xf32, #tpu.memory_space<vmem>> -> memref<4200xf32, #tpu.memory_space<vmem>>
    %dma_start3A_3204 = tpu.memref_slice %arg3[%add3A_3201] : memref<9676800xf32, #tpu.memory_space<hbm>> -> memref<4200xf32, #tpu.memory_space<hbm>>
    %dma_start3A_3205 = arith.constant 8400 : i32
    %dma_start3A_3206 = tpu.memref_slice %arg7[%dma_start3A_3205] : memref<25200xf32, #tpu.memory_space<vmem>> -> memref<4200xf32, #tpu.memory_space<vmem>>
    %dma_start3A_3207 = tpu.memref_slice %arg3[%add3A_3201] : memref<9676800xf32, #tpu.memory_space<hbm>> -> memref<4200xf32, #tpu.memory_space<hbm>>
    tpu.enqueue_dma source(%dma_start3A_3207 : memref<4200xf32, #tpu.memory_space<hbm>>) target(%dma_start3A_3206 : memref<4200xf32, #tpu.memory_space<vmem>>) target_semaphore(%arg11 : memref<!tpu.dma_semaphore, #tpu.memory_space<semaphore_mem>>)
    %add3A_3208 = arith.constant 113400 : i32
    %add3A_3209 = arith.addi %mul3A_3183, %add3A_3208 : i32
    %dma_start3A_3210 = arith.constant 12600 : i32
    %dma_start3A_3211 = tpu.memref_slice %arg7[%dma_start3A_3210] : memref<25200xf32, #tpu.memory_space<vmem>> -> memref<4200xf32, #tpu.memory_space<vmem>>
    %dma_start3A_3212 = tpu.memref_slice %arg3[%add3A_3209] : memref<9676800xf32, #tpu.memory_space<hbm>> -> memref<4200xf32, #tpu.memory_space<hbm>>
    %dma_start3A_3213 = arith.constant 12600 : i32
    %dma_start3A_3214 = tpu.memref_slice %arg7[%dma_start3A_3213] : memref<25200xf32, #tpu.memory_space<vmem>> -> memref<4200xf32, #tpu.memory_space<vmem>>
    %dma_start3A_3215 = tpu.memref_slice %arg3[%add3A_3209] : memref<9676800xf32, #tpu.memory_space<hbm>> -> memref<4200xf32, #tpu.memory_space<hbm>>
    tpu.enqueue_dma source(%dma_start3A_3215 : memref<4200xf32, #tpu.memory_space<hbm>>) target(%dma_start3A_3214 : memref<4200xf32, #tpu.memory_space<vmem>>) target_semaphore(%arg11 : memref<!tpu.dma_semaphore, #tpu.memory_space<semaphore_mem>>)
    %dma_wait3A_3216 = arith.constant 0 : i32
    %dma_wait3A_3217 = tpu.memref_slice %arg6[%dma_wait3A_3216] : memref<25200xf32, #tpu.memory_space<vmem>> -> memref<4200xf32, #tpu.memory_space<vmem>>
    %dma_wait3A_3218 = tpu.memref_slice %arg3[%add3A_3031] : memref<9676800xf32, #tpu.memory_space<hbm>> -> memref<4200xf32, #tpu.memory_space<hbm>>
    %dma_wait3A_3219 = arith.constant 0 : i32
    %dma_wait3A_3220 = tpu.memref_slice %arg6[%dma_wait3A_3219] : memref<25200xf32, #tpu.memory_space<vmem>> -> memref<4200xf32, #tpu.memory_space<vmem>>
    %dma_wait3A_3221 = tpu.memref_slice %arg3[%add3A_3031] : memref<9676800xf32, #tpu.memory_space<hbm>> -> memref<4200xf32, #tpu.memory_space<hbm>>
    tpu.wait_dma2 semaphore(%arg10 : memref<!tpu.dma_semaphore, #tpu.memory_space<semaphore_mem>>) src(%dma_wait3A_3221 : memref<4200xf32, #tpu.memory_space<hbm>>) dst(%dma_wait3A_3220 : memref<4200xf32, #tpu.memory_space<vmem>>)
    %dma_wait3A_3222 = arith.constant 4200 : i32
    %dma_wait3A_3223 = tpu.memref_slice %arg6[%dma_wait3A_3222] : memref<25200xf32, #tpu.memory_space<vmem>> -> memref<4200xf32, #tpu.memory_space<vmem>>
    %dma_wait3A_3224 = tpu.memref_slice %arg3[%add3A_3039] : memref<9676800xf32, #tpu.memory_space<hbm>> -> memref<4200xf32, #tpu.memory_space<hbm>>
    %dma_wait3A_3225 = arith.constant 4200 : i32
    %dma_wait3A_3226 = tpu.memref_slice %arg6[%dma_wait3A_3225] : memref<25200xf32, #tpu.memory_space<vmem>> -> memref<4200xf32, #tpu.memory_space<vmem>>
    %dma_wait3A_3227 = tpu.memref_slice %arg3[%add3A_3039] : memref<9676800xf32, #tpu.memory_space<hbm>> -> memref<4200xf32, #tpu.memory_space<hbm>>
    tpu.wait_dma2 semaphore(%arg10 : memref<!tpu.dma_semaphore, #tpu.memory_space<semaphore_mem>>) src(%dma_wait3A_3227 : memref<4200xf32, #tpu.memory_space<hbm>>) dst(%dma_wait3A_3226 : memref<4200xf32, #tpu.memory_space<vmem>>)
    %dma_wait3A_3228 = arith.constant 8400 : i32
    %dma_wait3A_3229 = tpu.memref_slice %arg6[%dma_wait3A_3228] : memref<25200xf32, #tpu.memory_space<vmem>> -> memref<4200xf32, #tpu.memory_space<vmem>>
    %dma_wait3A_3230 = tpu.memref_slice %arg3[%add3A_3047] : memref<9676800xf32, #tpu.memory_space<hbm>> -> memref<4200xf32, #tpu.memory_space<hbm>>
    %dma_wait3A_3231 = arith.constant 8400 : i32
    %dma_wait3A_3232 = tpu.memref_slice %arg6[%dma_wait3A_3231] : memref<25200xf32, #tpu.memory_space<vmem>> -> memref<4200xf32, #tpu.memory_space<vmem>>
    %dma_wait3A_3233 = tpu.memref_slice %arg3[%add3A_3047] : memref<9676800xf32, #tpu.memory_space<hbm>> -> memref<4200xf32, #tpu.memory_space<hbm>>
    tpu.wait_dma2 semaphore(%arg10 : memref<!tpu.dma_semaphore, #tpu.memory_space<semaphore_mem>>) src(%dma_wait3A_3233 : memref<4200xf32, #tpu.memory_space<hbm>>) dst(%dma_wait3A_3232 : memref<4200xf32, #tpu.memory_space<vmem>>)
    %dma_wait3A_3234 = arith.constant 12600 : i32
    %dma_wait3A_3235 = tpu.memref_slice %arg6[%dma_wait3A_3234] : memref<25200xf32, #tpu.memory_space<vmem>> -> memref<4200xf32, #tpu.memory_space<vmem>>
    %dma_wait3A_3236 = tpu.memref_slice %arg3[%add3A_3055] : memref<9676800xf32, #tpu.memory_space<hbm>> -> memref<4200xf32, #tpu.memory_space<hbm>>
    %dma_wait3A_3237 = arith.constant 12600 : i32
    %dma_wait3A_3238 = tpu.memref_slice %arg6[%dma_wait3A_3237] : memref<25200xf32, #tpu.memory_space<vmem>> -> memref<4200xf32, #tpu.memory_space<vmem>>
    %dma_wait3A_3239 = tpu.memref_slice %arg3[%add3A_3055] : memref<9676800xf32, #tpu.memory_space<hbm>> -> memref<4200xf32, #tpu.memory_space<hbm>>
    tpu.wait_dma2 semaphore(%arg10 : memref<!tpu.dma_semaphore, #tpu.memory_space<semaphore_mem>>) src(%dma_wait3A_3239 : memref<4200xf32, #tpu.memory_space<hbm>>) dst(%dma_wait3A_3238 : memref<4200xf32, #tpu.memory_space<vmem>>)
    %dma_wait3A_3240 = arith.constant 0 : i32
    %dma_wait3A_3241 = tpu.memref_slice %arg8[%dma_wait3A_3240] : memref<25200xf32, #tpu.memory_space<vmem>> -> memref<16800xf32, #tpu.memory_space<vmem>>
    %dma_wait3A_3242 = tpu.memref_slice %arg5[%mul3A_2985] : memref<9676800xf32, #tpu.memory_space<hbm>> -> memref<16800xf32, #tpu.memory_space<hbm>>
    %dma_wait3A_3243 = tpu.memref_slice %arg5[%mul3A_2985] : memref<9676800xf32, #tpu.memory_space<hbm>> -> memref<16800xf32, #tpu.memory_space<hbm>>
    %dma_wait3A_3244 = arith.constant 0 : i32
    %dma_wait3A_3245 = tpu.memref_slice %arg8[%dma_wait3A_3244] : memref<25200xf32, #tpu.memory_space<vmem>> -> memref<16800xf32, #tpu.memory_space<vmem>>
    tpu.wait_dma2 semaphore(%arg12 : memref<!tpu.dma_semaphore, #tpu.memory_space<semaphore_mem>>) src(%dma_wait3A_3245 : memref<16800xf32, #tpu.memory_space<vmem>>) dst(%dma_wait3A_3243 : memref<16800xf32, #tpu.memory_space<hbm>>)
    %shift_right_arithmetic3A_3246 = arith.constant 2 : i32
    %shift_right_arithmetic3A_3247 = vector.broadcast %shift_right_arithmetic3A_3246 : i32 to vector<16xi32>
    %shift_right_arithmetic3A_3248 = arith.shrsi %iota3A, %shift_right_arithmetic3A_3247 : vector<16xi32>
    %and3A_3249 = arith.constant 3 : i32
    %and3A_3250 = vector.broadcast %and3A_3249 : i32 to vector<16xi32>
    %and3A_3251 = arith.andi %iota3A, %and3A_3250 : vector<16xi32>
    %mul3A_3252 = arith.constant 4200 : i32
    %mul3A_3253 = vector.broadcast %mul3A_3252 : i32 to vector<16xi32>
    %mul3A_3254 = arith.muli %and3A_3251, %mul3A_3253 : vector<16xi32>
    %add3A_3255 = arith.addi %shift_right_arithmetic3A_3248, %mul3A_3254 : vector<16xi32>
    %mul3A_3256 = arith.constant 18 : i32
    %mul3A_3257 = arith.muli %add3A, %mul3A_3256 : i32
    %add3A_3258 = arith.constant 14 : i32
    %add3A_3259 = arith.addi %mul3A_3257, %add3A_3258 : i32
    %jit3A_3260 = arith.constant 9 : i32
    %div3A_3261 = arith.divsi %add3A_3259, %jit3A_3260 : i32
    %sign3A_3262 = arith.constant 0 : i32
    %sign3A_3263 = arith.cmpi sgt, %add3A_3259, %sign3A_3262 : i32
    %sign3A_3264 = arith.extui %sign3A_3263 : i1 to i32
    %sign3A_3265 = arith.constant 0 : i32
    %sign3A_3266 = arith.cmpi slt, %add3A_3259, %sign3A_3265 : i32
    %sign3A_3267 = arith.extui %sign3A_3266 : i1 to i32
    %sign3A_3268 = arith.subi %sign3A_3264, %sign3A_3267 : i32
    %sign3A_3269 = arith.constant 0 : i32
    %sign3A_3270 = arith.cmpi sgt, %jit3A_3260, %sign3A_3269 : i32
    %sign3A_3271 = arith.extui %sign3A_3270 : i1 to i32
    %sign3A_3272 = arith.constant 0 : i32
    %sign3A_3273 = arith.cmpi slt, %jit3A_3260, %sign3A_3272 : i32
    %sign3A_3274 = arith.extui %sign3A_3273 : i1 to i32
    %sign3A_3275 = arith.subi %sign3A_3271, %sign3A_3274 : i32
    %ne3A_3276 = arith.cmpi ne, %sign3A_3268, %sign3A_3275 : i32
    %rem3A_3277 = arith.remsi %add3A_3259, %jit3A_3260 : i32
    %ne3A_3278 = arith.constant 0 : i32
    %ne3A_3279 = arith.cmpi ne, %rem3A_3277, %ne3A_3278 : i32
    %and3A_3280 = arith.andi %ne3A_3276, %ne3A_3279 : i1
    %sub3A_3281 = arith.constant 1 : i32
    %sub3A_3282 = arith.subi %div3A_3261, %sub3A_3281 : i32
    %select_n3A_3283 = arith.select %and3A_3280, %sub3A_3282, %div3A_3261 : i32
    %mul3A_3284 = arith.constant 9 : i32
    %mul3A_3285 = arith.muli %select_n3A_3283, %mul3A_3284 : i32
    %sub3A_3286 = arith.subi %add3A_3259, %mul3A_3285 : i32
    %mul3A_3287 = arith.constant 9 : i32
    %mul3A_3288 = arith.muli %select_n3A_3283, %mul3A_3287 : i32
    %add3A_3289 = arith.addi %mul3A_3288, %sub3A_3286 : i32
    %mul3A_3290 = arith.constant 4 : i32
    %mul3A_3291 = arith.muli %add3A_3289, %mul3A_3290 : i32
    %mul3A_3292 = arith.constant 4200 : i32
    %mul3A_3293 = arith.muli %mul3A_3291, %mul3A_3292 : i32
    %dma_start3A_3294 = arith.constant 0 : i32
    %dma_start3A_3295 = tpu.memref_slice %arg8[%dma_start3A_3294] : memref<25200xf32, #tpu.memory_space<vmem>> -> memref<16800xf32, #tpu.memory_space<vmem>>
    %dma_start3A_3296 = tpu.memref_slice %arg5[%mul3A_3293] : memref<9676800xf32, #tpu.memory_space<hbm>> -> memref<16800xf32, #tpu.memory_space<hbm>>
    %dma_start3A_3297 = tpu.memref_slice %arg5[%mul3A_3293] : memref<9676800xf32, #tpu.memory_space<hbm>> -> memref<16800xf32, #tpu.memory_space<hbm>>
    %dma_start3A_3298 = arith.constant 0 : i32
    %dma_start3A_3299 = tpu.memref_slice %arg8[%dma_start3A_3298] : memref<25200xf32, #tpu.memory_space<vmem>> -> memref<16800xf32, #tpu.memory_space<vmem>>
    tpu.enqueue_dma source(%dma_start3A_3299 : memref<16800xf32, #tpu.memory_space<vmem>>) target(%dma_start3A_3297 : memref<16800xf32, #tpu.memory_space<hbm>>) target_semaphore(%arg12 : memref<!tpu.dma_semaphore, #tpu.memory_space<semaphore_mem>>)
    %mul3A_3300 = arith.constant 18 : i32
    %mul3A_3301 = arith.muli %add3A, %mul3A_3300 : i32
    %add3A_3302 = arith.constant 16 : i32
    %add3A_3303 = arith.addi %mul3A_3301, %add3A_3302 : i32
    %jit3A_3304 = arith.constant 9 : i32
    %div3A_3305 = arith.divsi %add3A_3303, %jit3A_3304 : i32
    %sign3A_3306 = arith.constant 0 : i32
    %sign3A_3307 = arith.cmpi sgt, %add3A_3303, %sign3A_3306 : i32
    %sign3A_3308 = arith.extui %sign3A_3307 : i1 to i32
    %sign3A_3309 = arith.constant 0 : i32
    %sign3A_3310 = arith.cmpi slt, %add3A_3303, %sign3A_3309 : i32
    %sign3A_3311 = arith.extui %sign3A_3310 : i1 to i32
    %sign3A_3312 = arith.subi %sign3A_3308, %sign3A_3311 : i32
    %sign3A_3313 = arith.constant 0 : i32
    %sign3A_3314 = arith.cmpi sgt, %jit3A_3304, %sign3A_3313 : i32
    %sign3A_3315 = arith.extui %sign3A_3314 : i1 to i32
    %sign3A_3316 = arith.constant 0 : i32
    %sign3A_3317 = arith.cmpi slt, %jit3A_3304, %sign3A_3316 : i32
    %sign3A_3318 = arith.extui %sign3A_3317 : i1 to i32
    %sign3A_3319 = arith.subi %sign3A_3315, %sign3A_3318 : i32
    %ne3A_3320 = arith.cmpi ne, %sign3A_3312, %sign3A_3319 : i32
    %rem3A_3321 = arith.remsi %add3A_3303, %jit3A_3304 : i32
    %ne3A_3322 = arith.constant 0 : i32
    %ne3A_3323 = arith.cmpi ne, %rem3A_3321, %ne3A_3322 : i32
    %and3A_3324 = arith.andi %ne3A_3320, %ne3A_3323 : i1
    %sub3A_3325 = arith.constant 1 : i32
    %sub3A_3326 = arith.subi %div3A_3305, %sub3A_3325 : i32
    %select_n3A_3327 = arith.select %and3A_3324, %sub3A_3326, %div3A_3305 : i32
    %mul3A_3328 = arith.constant 9 : i32
    %mul3A_3329 = arith.muli %select_n3A_3327, %mul3A_3328 : i32
    %sub3A_3330 = arith.subi %add3A_3303, %mul3A_3329 : i32
    %mul3A_3331 = arith.constant 4 : i32
    %mul3A_3332 = arith.muli %select_n3A_3327, %mul3A_3331 : i32
    %mul3A_3333 = arith.constant 9 : i32
    %mul3A_3334 = arith.muli %mul3A_3332, %mul3A_3333 : i32
    %add3A_3335 = arith.addi %mul3A_3334, %sub3A_3330 : i32
    %mul3A_3336 = arith.constant 4200 : i32
    %mul3A_3337 = arith.muli %add3A_3335, %mul3A_3336 : i32
    %add3A_3338 = arith.constant 0 : i32
    %add3A_3339 = arith.addi %mul3A_3337, %add3A_3338 : i32
    %dma_start3A_3340 = arith.constant 0 : i32
    %dma_start3A_3341 = tpu.memref_slice %arg6[%dma_start3A_3340] : memref<25200xf32, #tpu.memory_space<vmem>> -> memref<4200xf32, #tpu.memory_space<vmem>>
    %dma_start3A_3342 = tpu.memref_slice %arg3[%add3A_3339] : memref<9676800xf32, #tpu.memory_space<hbm>> -> memref<4200xf32, #tpu.memory_space<hbm>>
    %dma_start3A_3343 = arith.constant 0 : i32
    %dma_start3A_3344 = tpu.memref_slice %arg6[%dma_start3A_3343] : memref<25200xf32, #tpu.memory_space<vmem>> -> memref<4200xf32, #tpu.memory_space<vmem>>
    %dma_start3A_3345 = tpu.memref_slice %arg3[%add3A_3339] : memref<9676800xf32, #tpu.memory_space<hbm>> -> memref<4200xf32, #tpu.memory_space<hbm>>
    tpu.enqueue_dma source(%dma_start3A_3345 : memref<4200xf32, #tpu.memory_space<hbm>>) target(%dma_start3A_3344 : memref<4200xf32, #tpu.memory_space<vmem>>) target_semaphore(%arg10 : memref<!tpu.dma_semaphore, #tpu.memory_space<semaphore_mem>>)
    %add3A_3346 = arith.constant 37800 : i32
    %add3A_3347 = arith.addi %mul3A_3337, %add3A_3346 : i32
    %dma_start3A_3348 = arith.constant 4200 : i32
    %dma_start3A_3349 = tpu.memref_slice %arg6[%dma_start3A_3348] : memref<25200xf32, #tpu.memory_space<vmem>> -> memref<4200xf32, #tpu.memory_space<vmem>>
    %dma_start3A_3350 = tpu.memref_slice %arg3[%add3A_3347] : memref<9676800xf32, #tpu.memory_space<hbm>> -> memref<4200xf32, #tpu.memory_space<hbm>>
    %dma_start3A_3351 = arith.constant 4200 : i32
    %dma_start3A_3352 = tpu.memref_slice %arg6[%dma_start3A_3351] : memref<25200xf32, #tpu.memory_space<vmem>> -> memref<4200xf32, #tpu.memory_space<vmem>>
    %dma_start3A_3353 = tpu.memref_slice %arg3[%add3A_3347] : memref<9676800xf32, #tpu.memory_space<hbm>> -> memref<4200xf32, #tpu.memory_space<hbm>>
    tpu.enqueue_dma source(%dma_start3A_3353 : memref<4200xf32, #tpu.memory_space<hbm>>) target(%dma_start3A_3352 : memref<4200xf32, #tpu.memory_space<vmem>>) target_semaphore(%arg10 : memref<!tpu.dma_semaphore, #tpu.memory_space<semaphore_mem>>)
    %add3A_3354 = arith.constant 75600 : i32
    %add3A_3355 = arith.addi %mul3A_3337, %add3A_3354 : i32
    %dma_start3A_3356 = arith.constant 8400 : i32
    %dma_start3A_3357 = tpu.memref_slice %arg6[%dma_start3A_3356] : memref<25200xf32, #tpu.memory_space<vmem>> -> memref<4200xf32, #tpu.memory_space<vmem>>
    %dma_start3A_3358 = tpu.memref_slice %arg3[%add3A_3355] : memref<9676800xf32, #tpu.memory_space<hbm>> -> memref<4200xf32, #tpu.memory_space<hbm>>
    %dma_start3A_3359 = arith.constant 8400 : i32
    %dma_start3A_3360 = tpu.memref_slice %arg6[%dma_start3A_3359] : memref<25200xf32, #tpu.memory_space<vmem>> -> memref<4200xf32, #tpu.memory_space<vmem>>
    %dma_start3A_3361 = tpu.memref_slice %arg3[%add3A_3355] : memref<9676800xf32, #tpu.memory_space<hbm>> -> memref<4200xf32, #tpu.memory_space<hbm>>
    tpu.enqueue_dma source(%dma_start3A_3361 : memref<4200xf32, #tpu.memory_space<hbm>>) target(%dma_start3A_3360 : memref<4200xf32, #tpu.memory_space<vmem>>) target_semaphore(%arg10 : memref<!tpu.dma_semaphore, #tpu.memory_space<semaphore_mem>>)
    %add3A_3362 = arith.constant 113400 : i32
    %add3A_3363 = arith.addi %mul3A_3337, %add3A_3362 : i32
    %dma_start3A_3364 = arith.constant 12600 : i32
    %dma_start3A_3365 = tpu.memref_slice %arg6[%dma_start3A_3364] : memref<25200xf32, #tpu.memory_space<vmem>> -> memref<4200xf32, #tpu.memory_space<vmem>>
    %dma_start3A_3366 = tpu.memref_slice %arg3[%add3A_3363] : memref<9676800xf32, #tpu.memory_space<hbm>> -> memref<4200xf32, #tpu.memory_space<hbm>>
    %dma_start3A_3367 = arith.constant 12600 : i32
    %dma_start3A_3368 = tpu.memref_slice %arg6[%dma_start3A_3367] : memref<25200xf32, #tpu.memory_space<vmem>> -> memref<4200xf32, #tpu.memory_space<vmem>>
    %dma_start3A_3369 = tpu.memref_slice %arg3[%add3A_3363] : memref<9676800xf32, #tpu.memory_space<hbm>> -> memref<4200xf32, #tpu.memory_space<hbm>>
    tpu.enqueue_dma source(%dma_start3A_3369 : memref<4200xf32, #tpu.memory_space<hbm>>) target(%dma_start3A_3368 : memref<4200xf32, #tpu.memory_space<vmem>>) target_semaphore(%arg10 : memref<!tpu.dma_semaphore, #tpu.memory_space<semaphore_mem>>)
    %dma_wait3A_3370 = arith.constant 0 : i32
    %dma_wait3A_3371 = tpu.memref_slice %arg7[%dma_wait3A_3370] : memref<25200xf32, #tpu.memory_space<vmem>> -> memref<4200xf32, #tpu.memory_space<vmem>>
    %dma_wait3A_3372 = tpu.memref_slice %arg3[%add3A_3185] : memref<9676800xf32, #tpu.memory_space<hbm>> -> memref<4200xf32, #tpu.memory_space<hbm>>
    %dma_wait3A_3373 = arith.constant 0 : i32
    %dma_wait3A_3374 = tpu.memref_slice %arg7[%dma_wait3A_3373] : memref<25200xf32, #tpu.memory_space<vmem>> -> memref<4200xf32, #tpu.memory_space<vmem>>
    %dma_wait3A_3375 = tpu.memref_slice %arg3[%add3A_3185] : memref<9676800xf32, #tpu.memory_space<hbm>> -> memref<4200xf32, #tpu.memory_space<hbm>>
    tpu.wait_dma2 semaphore(%arg11 : memref<!tpu.dma_semaphore, #tpu.memory_space<semaphore_mem>>) src(%dma_wait3A_3375 : memref<4200xf32, #tpu.memory_space<hbm>>) dst(%dma_wait3A_3374 : memref<4200xf32, #tpu.memory_space<vmem>>)
    %dma_wait3A_3376 = arith.constant 4200 : i32
    %dma_wait3A_3377 = tpu.memref_slice %arg7[%dma_wait3A_3376] : memref<25200xf32, #tpu.memory_space<vmem>> -> memref<4200xf32, #tpu.memory_space<vmem>>
    %dma_wait3A_3378 = tpu.memref_slice %arg3[%add3A_3193] : memref<9676800xf32, #tpu.memory_space<hbm>> -> memref<4200xf32, #tpu.memory_space<hbm>>
    %dma_wait3A_3379 = arith.constant 4200 : i32
    %dma_wait3A_3380 = tpu.memref_slice %arg7[%dma_wait3A_3379] : memref<25200xf32, #tpu.memory_space<vmem>> -> memref<4200xf32, #tpu.memory_space<vmem>>
    %dma_wait3A_3381 = tpu.memref_slice %arg3[%add3A_3193] : memref<9676800xf32, #tpu.memory_space<hbm>> -> memref<4200xf32, #tpu.memory_space<hbm>>
    tpu.wait_dma2 semaphore(%arg11 : memref<!tpu.dma_semaphore, #tpu.memory_space<semaphore_mem>>) src(%dma_wait3A_3381 : memref<4200xf32, #tpu.memory_space<hbm>>) dst(%dma_wait3A_3380 : memref<4200xf32, #tpu.memory_space<vmem>>)
    %dma_wait3A_3382 = arith.constant 8400 : i32
    %dma_wait3A_3383 = tpu.memref_slice %arg7[%dma_wait3A_3382] : memref<25200xf32, #tpu.memory_space<vmem>> -> memref<4200xf32, #tpu.memory_space<vmem>>
    %dma_wait3A_3384 = tpu.memref_slice %arg3[%add3A_3201] : memref<9676800xf32, #tpu.memory_space<hbm>> -> memref<4200xf32, #tpu.memory_space<hbm>>
    %dma_wait3A_3385 = arith.constant 8400 : i32
    %dma_wait3A_3386 = tpu.memref_slice %arg7[%dma_wait3A_3385] : memref<25200xf32, #tpu.memory_space<vmem>> -> memref<4200xf32, #tpu.memory_space<vmem>>
    %dma_wait3A_3387 = tpu.memref_slice %arg3[%add3A_3201] : memref<9676800xf32, #tpu.memory_space<hbm>> -> memref<4200xf32, #tpu.memory_space<hbm>>
    tpu.wait_dma2 semaphore(%arg11 : memref<!tpu.dma_semaphore, #tpu.memory_space<semaphore_mem>>) src(%dma_wait3A_3387 : memref<4200xf32, #tpu.memory_space<hbm>>) dst(%dma_wait3A_3386 : memref<4200xf32, #tpu.memory_space<vmem>>)
    %dma_wait3A_3388 = arith.constant 12600 : i32
    %dma_wait3A_3389 = tpu.memref_slice %arg7[%dma_wait3A_3388] : memref<25200xf32, #tpu.memory_space<vmem>> -> memref<4200xf32, #tpu.memory_space<vmem>>
    %dma_wait3A_3390 = tpu.memref_slice %arg3[%add3A_3209] : memref<9676800xf32, #tpu.memory_space<hbm>> -> memref<4200xf32, #tpu.memory_space<hbm>>
    %dma_wait3A_3391 = arith.constant 12600 : i32
    %dma_wait3A_3392 = tpu.memref_slice %arg7[%dma_wait3A_3391] : memref<25200xf32, #tpu.memory_space<vmem>> -> memref<4200xf32, #tpu.memory_space<vmem>>
    %dma_wait3A_3393 = tpu.memref_slice %arg3[%add3A_3209] : memref<9676800xf32, #tpu.memory_space<hbm>> -> memref<4200xf32, #tpu.memory_space<hbm>>
    tpu.wait_dma2 semaphore(%arg11 : memref<!tpu.dma_semaphore, #tpu.memory_space<semaphore_mem>>) src(%dma_wait3A_3393 : memref<4200xf32, #tpu.memory_space<hbm>>) dst(%dma_wait3A_3392 : memref<4200xf32, #tpu.memory_space<vmem>>)
    %dma_wait3A_3394 = arith.constant 0 : i32
    %dma_wait3A_3395 = tpu.memref_slice %arg9[%dma_wait3A_3394] : memref<25200xf32, #tpu.memory_space<vmem>> -> memref<16800xf32, #tpu.memory_space<vmem>>
    %dma_wait3A_3396 = tpu.memref_slice %arg5[%mul3A_3139] : memref<9676800xf32, #tpu.memory_space<hbm>> -> memref<16800xf32, #tpu.memory_space<hbm>>
    %dma_wait3A_3397 = tpu.memref_slice %arg5[%mul3A_3139] : memref<9676800xf32, #tpu.memory_space<hbm>> -> memref<16800xf32, #tpu.memory_space<hbm>>
    %dma_wait3A_3398 = arith.constant 0 : i32
    %dma_wait3A_3399 = tpu.memref_slice %arg9[%dma_wait3A_3398] : memref<25200xf32, #tpu.memory_space<vmem>> -> memref<16800xf32, #tpu.memory_space<vmem>>
    tpu.wait_dma2 semaphore(%arg13 : memref<!tpu.dma_semaphore, #tpu.memory_space<semaphore_mem>>) src(%dma_wait3A_3399 : memref<16800xf32, #tpu.memory_space<vmem>>) dst(%dma_wait3A_3397 : memref<16800xf32, #tpu.memory_space<hbm>>)
    %shift_right_arithmetic3A_3400 = arith.constant 2 : i32
    %shift_right_arithmetic3A_3401 = vector.broadcast %shift_right_arithmetic3A_3400 : i32 to vector<16xi32>
    %shift_right_arithmetic3A_3402 = arith.shrsi %iota3A, %shift_right_arithmetic3A_3401 : vector<16xi32>
    %and3A_3403 = arith.constant 3 : i32
    %and3A_3404 = vector.broadcast %and3A_3403 : i32 to vector<16xi32>
    %and3A_3405 = arith.andi %iota3A, %and3A_3404 : vector<16xi32>
    %mul3A_3406 = arith.constant 4200 : i32
    %mul3A_3407 = vector.broadcast %mul3A_3406 : i32 to vector<16xi32>
    %mul3A_3408 = arith.muli %and3A_3405, %mul3A_3407 : vector<16xi32>
    %add3A_3409 = arith.addi %shift_right_arithmetic3A_3402, %mul3A_3408 : vector<16xi32>
    %mul3A_3410 = arith.constant 18 : i32
    %mul3A_3411 = arith.muli %add3A, %mul3A_3410 : i32
    %add3A_3412 = arith.constant 15 : i32
    %add3A_3413 = arith.addi %mul3A_3411, %add3A_3412 : i32
    %jit3A_3414 = arith.constant 9 : i32
    %div3A_3415 = arith.divsi %add3A_3413, %jit3A_3414 : i32
    %sign3A_3416 = arith.constant 0 : i32
    %sign3A_3417 = arith.cmpi sgt, %add3A_3413, %sign3A_3416 : i32
    %sign3A_3418 = arith.extui %sign3A_3417 : i1 to i32
    %sign3A_3419 = arith.constant 0 : i32
    %sign3A_3420 = arith.cmpi slt, %add3A_3413, %sign3A_3419 : i32
    %sign3A_3421 = arith.extui %sign3A_3420 : i1 to i32
    %sign3A_3422 = arith.subi %sign3A_3418, %sign3A_3421 : i32
    %sign3A_3423 = arith.constant 0 : i32
    %sign3A_3424 = arith.cmpi sgt, %jit3A_3414, %sign3A_3423 : i32
    %sign3A_3425 = arith.extui %sign3A_3424 : i1 to i32
    %sign3A_3426 = arith.constant 0 : i32
    %sign3A_3427 = arith.cmpi slt, %jit3A_3414, %sign3A_3426 : i32
    %sign3A_3428 = arith.extui %sign3A_3427 : i1 to i32
    %sign3A_3429 = arith.subi %sign3A_3425, %sign3A_3428 : i32
    %ne3A_3430 = arith.cmpi ne, %sign3A_3422, %sign3A_3429 : i32
    %rem3A_3431 = arith.remsi %add3A_3413, %jit3A_3414 : i32
    %ne3A_3432 = arith.constant 0 : i32
    %ne3A_3433 = arith.cmpi ne, %rem3A_3431, %ne3A_3432 : i32
    %and3A_3434 = arith.andi %ne3A_3430, %ne3A_3433 : i1
    %sub3A_3435 = arith.constant 1 : i32
    %sub3A_3436 = arith.subi %div3A_3415, %sub3A_3435 : i32
    %select_n3A_3437 = arith.select %and3A_3434, %sub3A_3436, %div3A_3415 : i32
    %mul3A_3438 = arith.constant 9 : i32
    %mul3A_3439 = arith.muli %select_n3A_3437, %mul3A_3438 : i32
    %sub3A_3440 = arith.subi %add3A_3413, %mul3A_3439 : i32
    %mul3A_3441 = arith.constant 9 : i32
    %mul3A_3442 = arith.muli %select_n3A_3437, %mul3A_3441 : i32
    %add3A_3443 = arith.addi %mul3A_3442, %sub3A_3440 : i32
    %mul3A_3444 = arith.constant 4 : i32
    %mul3A_3445 = arith.muli %add3A_3443, %mul3A_3444 : i32
    %mul3A_3446 = arith.constant 4200 : i32
    %mul3A_3447 = arith.muli %mul3A_3445, %mul3A_3446 : i32
    %dma_start3A_3448 = arith.constant 0 : i32
    %dma_start3A_3449 = tpu.memref_slice %arg9[%dma_start3A_3448] : memref<25200xf32, #tpu.memory_space<vmem>> -> memref<16800xf32, #tpu.memory_space<vmem>>
    %dma_start3A_3450 = tpu.memref_slice %arg5[%mul3A_3447] : memref<9676800xf32, #tpu.memory_space<hbm>> -> memref<16800xf32, #tpu.memory_space<hbm>>
    %dma_start3A_3451 = tpu.memref_slice %arg5[%mul3A_3447] : memref<9676800xf32, #tpu.memory_space<hbm>> -> memref<16800xf32, #tpu.memory_space<hbm>>
    %dma_start3A_3452 = arith.constant 0 : i32
    %dma_start3A_3453 = tpu.memref_slice %arg9[%dma_start3A_3452] : memref<25200xf32, #tpu.memory_space<vmem>> -> memref<16800xf32, #tpu.memory_space<vmem>>
    tpu.enqueue_dma source(%dma_start3A_3453 : memref<16800xf32, #tpu.memory_space<vmem>>) target(%dma_start3A_3451 : memref<16800xf32, #tpu.memory_space<hbm>>) target_semaphore(%arg13 : memref<!tpu.dma_semaphore, #tpu.memory_space<semaphore_mem>>)
    %mul3A_3454 = arith.constant 18 : i32
    %mul3A_3455 = arith.muli %add3A, %mul3A_3454 : i32
    %add3A_3456 = arith.constant 17 : i32
    %add3A_3457 = arith.addi %mul3A_3455, %add3A_3456 : i32
    %jit3A_3458 = arith.constant 9 : i32
    %div3A_3459 = arith.divsi %add3A_3457, %jit3A_3458 : i32
    %sign3A_3460 = arith.constant 0 : i32
    %sign3A_3461 = arith.cmpi sgt, %add3A_3457, %sign3A_3460 : i32
    %sign3A_3462 = arith.extui %sign3A_3461 : i1 to i32
    %sign3A_3463 = arith.constant 0 : i32
    %sign3A_3464 = arith.cmpi slt, %add3A_3457, %sign3A_3463 : i32
    %sign3A_3465 = arith.extui %sign3A_3464 : i1 to i32
    %sign3A_3466 = arith.subi %sign3A_3462, %sign3A_3465 : i32
    %sign3A_3467 = arith.constant 0 : i32
    %sign3A_3468 = arith.cmpi sgt, %jit3A_3458, %sign3A_3467 : i32
    %sign3A_3469 = arith.extui %sign3A_3468 : i1 to i32
    %sign3A_3470 = arith.constant 0 : i32
    %sign3A_3471 = arith.cmpi slt, %jit3A_3458, %sign3A_3470 : i32
    %sign3A_3472 = arith.extui %sign3A_3471 : i1 to i32
    %sign3A_3473 = arith.subi %sign3A_3469, %sign3A_3472 : i32
    %ne3A_3474 = arith.cmpi ne, %sign3A_3466, %sign3A_3473 : i32
    %rem3A_3475 = arith.remsi %add3A_3457, %jit3A_3458 : i32
    %ne3A_3476 = arith.constant 0 : i32
    %ne3A_3477 = arith.cmpi ne, %rem3A_3475, %ne3A_3476 : i32
    %and3A_3478 = arith.andi %ne3A_3474, %ne3A_3477 : i1
    %sub3A_3479 = arith.constant 1 : i32
    %sub3A_3480 = arith.subi %div3A_3459, %sub3A_3479 : i32
    %select_n3A_3481 = arith.select %and3A_3478, %sub3A_3480, %div3A_3459 : i32
    %mul3A_3482 = arith.constant 9 : i32
    %mul3A_3483 = arith.muli %select_n3A_3481, %mul3A_3482 : i32
    %sub3A_3484 = arith.subi %add3A_3457, %mul3A_3483 : i32
    %mul3A_3485 = arith.constant 4 : i32
    %mul3A_3486 = arith.muli %select_n3A_3481, %mul3A_3485 : i32
    %mul3A_3487 = arith.constant 9 : i32
    %mul3A_3488 = arith.muli %mul3A_3486, %mul3A_3487 : i32
    %add3A_3489 = arith.addi %mul3A_3488, %sub3A_3484 : i32
    %mul3A_3490 = arith.constant 4200 : i32
    %mul3A_3491 = arith.muli %add3A_3489, %mul3A_3490 : i32
    %add3A_3492 = arith.constant 0 : i32
    %add3A_3493 = arith.addi %mul3A_3491, %add3A_3492 : i32
    %dma_start3A_3494 = arith.constant 0 : i32
    %dma_start3A_3495 = tpu.memref_slice %arg7[%dma_start3A_3494] : memref<25200xf32, #tpu.memory_space<vmem>> -> memref<4200xf32, #tpu.memory_space<vmem>>
    %dma_start3A_3496 = tpu.memref_slice %arg3[%add3A_3493] : memref<9676800xf32, #tpu.memory_space<hbm>> -> memref<4200xf32, #tpu.memory_space<hbm>>
    %dma_start3A_3497 = arith.constant 0 : i32
    %dma_start3A_3498 = tpu.memref_slice %arg7[%dma_start3A_3497] : memref<25200xf32, #tpu.memory_space<vmem>> -> memref<4200xf32, #tpu.memory_space<vmem>>
    %dma_start3A_3499 = tpu.memref_slice %arg3[%add3A_3493] : memref<9676800xf32, #tpu.memory_space<hbm>> -> memref<4200xf32, #tpu.memory_space<hbm>>
    tpu.enqueue_dma source(%dma_start3A_3499 : memref<4200xf32, #tpu.memory_space<hbm>>) target(%dma_start3A_3498 : memref<4200xf32, #tpu.memory_space<vmem>>) target_semaphore(%arg11 : memref<!tpu.dma_semaphore, #tpu.memory_space<semaphore_mem>>)
    %add3A_3500 = arith.constant 37800 : i32
    %add3A_3501 = arith.addi %mul3A_3491, %add3A_3500 : i32
    %dma_start3A_3502 = arith.constant 4200 : i32
    %dma_start3A_3503 = tpu.memref_slice %arg7[%dma_start3A_3502] : memref<25200xf32, #tpu.memory_space<vmem>> -> memref<4200xf32, #tpu.memory_space<vmem>>
    %dma_start3A_3504 = tpu.memref_slice %arg3[%add3A_3501] : memref<9676800xf32, #tpu.memory_space<hbm>> -> memref<4200xf32, #tpu.memory_space<hbm>>
    %dma_start3A_3505 = arith.constant 4200 : i32
    %dma_start3A_3506 = tpu.memref_slice %arg7[%dma_start3A_3505] : memref<25200xf32, #tpu.memory_space<vmem>> -> memref<4200xf32, #tpu.memory_space<vmem>>
    %dma_start3A_3507 = tpu.memref_slice %arg3[%add3A_3501] : memref<9676800xf32, #tpu.memory_space<hbm>> -> memref<4200xf32, #tpu.memory_space<hbm>>
    tpu.enqueue_dma source(%dma_start3A_3507 : memref<4200xf32, #tpu.memory_space<hbm>>) target(%dma_start3A_3506 : memref<4200xf32, #tpu.memory_space<vmem>>) target_semaphore(%arg11 : memref<!tpu.dma_semaphore, #tpu.memory_space<semaphore_mem>>)
    %add3A_3508 = arith.constant 75600 : i32
    %add3A_3509 = arith.addi %mul3A_3491, %add3A_3508 : i32
    %dma_start3A_3510 = arith.constant 8400 : i32
    %dma_start3A_3511 = tpu.memref_slice %arg7[%dma_start3A_3510] : memref<25200xf32, #tpu.memory_space<vmem>> -> memref<4200xf32, #tpu.memory_space<vmem>>
    %dma_start3A_3512 = tpu.memref_slice %arg3[%add3A_3509] : memref<9676800xf32, #tpu.memory_space<hbm>> -> memref<4200xf32, #tpu.memory_space<hbm>>
    %dma_start3A_3513 = arith.constant 8400 : i32
    %dma_start3A_3514 = tpu.memref_slice %arg7[%dma_start3A_3513] : memref<25200xf32, #tpu.memory_space<vmem>> -> memref<4200xf32, #tpu.memory_space<vmem>>
    %dma_start3A_3515 = tpu.memref_slice %arg3[%add3A_3509] : memref<9676800xf32, #tpu.memory_space<hbm>> -> memref<4200xf32, #tpu.memory_space<hbm>>
    tpu.enqueue_dma source(%dma_start3A_3515 : memref<4200xf32, #tpu.memory_space<hbm>>) target(%dma_start3A_3514 : memref<4200xf32, #tpu.memory_space<vmem>>) target_semaphore(%arg11 : memref<!tpu.dma_semaphore, #tpu.memory_space<semaphore_mem>>)
    %add3A_3516 = arith.constant 113400 : i32
    %add3A_3517 = arith.addi %mul3A_3491, %add3A_3516 : i32
    %dma_start3A_3518 = arith.constant 12600 : i32
    %dma_start3A_3519 = tpu.memref_slice %arg7[%dma_start3A_3518] : memref<25200xf32, #tpu.memory_space<vmem>> -> memref<4200xf32, #tpu.memory_space<vmem>>
    %dma_start3A_3520 = tpu.memref_slice %arg3[%add3A_3517] : memref<9676800xf32, #tpu.memory_space<hbm>> -> memref<4200xf32, #tpu.memory_space<hbm>>
    %dma_start3A_3521 = arith.constant 12600 : i32
    %dma_start3A_3522 = tpu.memref_slice %arg7[%dma_start3A_3521] : memref<25200xf32, #tpu.memory_space<vmem>> -> memref<4200xf32, #tpu.memory_space<vmem>>
    %dma_start3A_3523 = tpu.memref_slice %arg3[%add3A_3517] : memref<9676800xf32, #tpu.memory_space<hbm>> -> memref<4200xf32, #tpu.memory_space<hbm>>
    tpu.enqueue_dma source(%dma_start3A_3523 : memref<4200xf32, #tpu.memory_space<hbm>>) target(%dma_start3A_3522 : memref<4200xf32, #tpu.memory_space<vmem>>) target_semaphore(%arg11 : memref<!tpu.dma_semaphore, #tpu.memory_space<semaphore_mem>>)
    %dma_wait3A_3524 = arith.constant 0 : i32
    %dma_wait3A_3525 = tpu.memref_slice %arg6[%dma_wait3A_3524] : memref<25200xf32, #tpu.memory_space<vmem>> -> memref<4200xf32, #tpu.memory_space<vmem>>
    %dma_wait3A_3526 = tpu.memref_slice %arg3[%add3A_3339] : memref<9676800xf32, #tpu.memory_space<hbm>> -> memref<4200xf32, #tpu.memory_space<hbm>>
    %dma_wait3A_3527 = arith.constant 0 : i32
    %dma_wait3A_3528 = tpu.memref_slice %arg6[%dma_wait3A_3527] : memref<25200xf32, #tpu.memory_space<vmem>> -> memref<4200xf32, #tpu.memory_space<vmem>>
    %dma_wait3A_3529 = tpu.memref_slice %arg3[%add3A_3339] : memref<9676800xf32, #tpu.memory_space<hbm>> -> memref<4200xf32, #tpu.memory_space<hbm>>
    tpu.wait_dma2 semaphore(%arg10 : memref<!tpu.dma_semaphore, #tpu.memory_space<semaphore_mem>>) src(%dma_wait3A_3529 : memref<4200xf32, #tpu.memory_space<hbm>>) dst(%dma_wait3A_3528 : memref<4200xf32, #tpu.memory_space<vmem>>)
    %dma_wait3A_3530 = arith.constant 4200 : i32
    %dma_wait3A_3531 = tpu.memref_slice %arg6[%dma_wait3A_3530] : memref<25200xf32, #tpu.memory_space<vmem>> -> memref<4200xf32, #tpu.memory_space<vmem>>
    %dma_wait3A_3532 = tpu.memref_slice %arg3[%add3A_3347] : memref<9676800xf32, #tpu.memory_space<hbm>> -> memref<4200xf32, #tpu.memory_space<hbm>>
    %dma_wait3A_3533 = arith.constant 4200 : i32
    %dma_wait3A_3534 = tpu.memref_slice %arg6[%dma_wait3A_3533] : memref<25200xf32, #tpu.memory_space<vmem>> -> memref<4200xf32, #tpu.memory_space<vmem>>
    %dma_wait3A_3535 = tpu.memref_slice %arg3[%add3A_3347] : memref<9676800xf32, #tpu.memory_space<hbm>> -> memref<4200xf32, #tpu.memory_space<hbm>>
    tpu.wait_dma2 semaphore(%arg10 : memref<!tpu.dma_semaphore, #tpu.memory_space<semaphore_mem>>) src(%dma_wait3A_3535 : memref<4200xf32, #tpu.memory_space<hbm>>) dst(%dma_wait3A_3534 : memref<4200xf32, #tpu.memory_space<vmem>>)
    %dma_wait3A_3536 = arith.constant 8400 : i32
    %dma_wait3A_3537 = tpu.memref_slice %arg6[%dma_wait3A_3536] : memref<25200xf32, #tpu.memory_space<vmem>> -> memref<4200xf32, #tpu.memory_space<vmem>>
    %dma_wait3A_3538 = tpu.memref_slice %arg3[%add3A_3355] : memref<9676800xf32, #tpu.memory_space<hbm>> -> memref<4200xf32, #tpu.memory_space<hbm>>
    %dma_wait3A_3539 = arith.constant 8400 : i32
    %dma_wait3A_3540 = tpu.memref_slice %arg6[%dma_wait3A_3539] : memref<25200xf32, #tpu.memory_space<vmem>> -> memref<4200xf32, #tpu.memory_space<vmem>>
    %dma_wait3A_3541 = tpu.memref_slice %arg3[%add3A_3355] : memref<9676800xf32, #tpu.memory_space<hbm>> -> memref<4200xf32, #tpu.memory_space<hbm>>
    tpu.wait_dma2 semaphore(%arg10 : memref<!tpu.dma_semaphore, #tpu.memory_space<semaphore_mem>>) src(%dma_wait3A_3541 : memref<4200xf32, #tpu.memory_space<hbm>>) dst(%dma_wait3A_3540 : memref<4200xf32, #tpu.memory_space<vmem>>)
    %dma_wait3A_3542 = arith.constant 12600 : i32
    %dma_wait3A_3543 = tpu.memref_slice %arg6[%dma_wait3A_3542] : memref<25200xf32, #tpu.memory_space<vmem>> -> memref<4200xf32, #tpu.memory_space<vmem>>
    %dma_wait3A_3544 = tpu.memref_slice %arg3[%add3A_3363] : memref<9676800xf32, #tpu.memory_space<hbm>> -> memref<4200xf32, #tpu.memory_space<hbm>>
    %dma_wait3A_3545 = arith.constant 12600 : i32
    %dma_wait3A_3546 = tpu.memref_slice %arg6[%dma_wait3A_3545] : memref<25200xf32, #tpu.memory_space<vmem>> -> memref<4200xf32, #tpu.memory_space<vmem>>
    %dma_wait3A_3547 = tpu.memref_slice %arg3[%add3A_3363] : memref<9676800xf32, #tpu.memory_space<hbm>> -> memref<4200xf32, #tpu.memory_space<hbm>>
    tpu.wait_dma2 semaphore(%arg10 : memref<!tpu.dma_semaphore, #tpu.memory_space<semaphore_mem>>) src(%dma_wait3A_3547 : memref<4200xf32, #tpu.memory_space<hbm>>) dst(%dma_wait3A_3546 : memref<4200xf32, #tpu.memory_space<vmem>>)
    %dma_wait3A_3548 = arith.constant 0 : i32
    %dma_wait3A_3549 = tpu.memref_slice %arg8[%dma_wait3A_3548] : memref<25200xf32, #tpu.memory_space<vmem>> -> memref<16800xf32, #tpu.memory_space<vmem>>
    %dma_wait3A_3550 = tpu.memref_slice %arg5[%mul3A_3293] : memref<9676800xf32, #tpu.memory_space<hbm>> -> memref<16800xf32, #tpu.memory_space<hbm>>
    %dma_wait3A_3551 = tpu.memref_slice %arg5[%mul3A_3293] : memref<9676800xf32, #tpu.memory_space<hbm>> -> memref<16800xf32, #tpu.memory_space<hbm>>
    %dma_wait3A_3552 = arith.constant 0 : i32
    %dma_wait3A_3553 = tpu.memref_slice %arg8[%dma_wait3A_3552] : memref<25200xf32, #tpu.memory_space<vmem>> -> memref<16800xf32, #tpu.memory_space<vmem>>
    tpu.wait_dma2 semaphore(%arg12 : memref<!tpu.dma_semaphore, #tpu.memory_space<semaphore_mem>>) src(%dma_wait3A_3553 : memref<16800xf32, #tpu.memory_space<vmem>>) dst(%dma_wait3A_3551 : memref<16800xf32, #tpu.memory_space<hbm>>)
    %shift_right_arithmetic3A_3554 = arith.constant 2 : i32
    %shift_right_arithmetic3A_3555 = vector.broadcast %shift_right_arithmetic3A_3554 : i32 to vector<16xi32>
    %shift_right_arithmetic3A_3556 = arith.shrsi %iota3A, %shift_right_arithmetic3A_3555 : vector<16xi32>
    %and3A_3557 = arith.constant 3 : i32
    %and3A_3558 = vector.broadcast %and3A_3557 : i32 to vector<16xi32>
    %and3A_3559 = arith.andi %iota3A, %and3A_3558 : vector<16xi32>
    %mul3A_3560 = arith.constant 4200 : i32
    %mul3A_3561 = vector.broadcast %mul3A_3560 : i32 to vector<16xi32>
    %mul3A_3562 = arith.muli %and3A_3559, %mul3A_3561 : vector<16xi32>
    %add3A_3563 = arith.addi %shift_right_arithmetic3A_3556, %mul3A_3562 : vector<16xi32>
    %mul3A_3564 = arith.constant 18 : i32
    %mul3A_3565 = arith.muli %add3A, %mul3A_3564 : i32
    %add3A_3566 = arith.constant 16 : i32
    %add3A_3567 = arith.addi %mul3A_3565, %add3A_3566 : i32
    %jit3A_3568 = arith.constant 9 : i32
    %div3A_3569 = arith.divsi %add3A_3567, %jit3A_3568 : i32
    %sign3A_3570 = arith.constant 0 : i32
    %sign3A_3571 = arith.cmpi sgt, %add3A_3567, %sign3A_3570 : i32
    %sign3A_3572 = arith.extui %sign3A_3571 : i1 to i32
    %sign3A_3573 = arith.constant 0 : i32
    %sign3A_3574 = arith.cmpi slt, %add3A_3567, %sign3A_3573 : i32
    %sign3A_3575 = arith.extui %sign3A_3574 : i1 to i32
    %sign3A_3576 = arith.subi %sign3A_3572, %sign3A_3575 : i32
    %sign3A_3577 = arith.constant 0 : i32
    %sign3A_3578 = arith.cmpi sgt, %jit3A_3568, %sign3A_3577 : i32
    %sign3A_3579 = arith.extui %sign3A_3578 : i1 to i32
    %sign3A_3580 = arith.constant 0 : i32
    %sign3A_3581 = arith.cmpi slt, %jit3A_3568, %sign3A_3580 : i32
    %sign3A_3582 = arith.extui %sign3A_3581 : i1 to i32
    %sign3A_3583 = arith.subi %sign3A_3579, %sign3A_3582 : i32
    %ne3A_3584 = arith.cmpi ne, %sign3A_3576, %sign3A_3583 : i32
    %rem3A_3585 = arith.remsi %add3A_3567, %jit3A_3568 : i32
    %ne3A_3586 = arith.constant 0 : i32
    %ne3A_3587 = arith.cmpi ne, %rem3A_3585, %ne3A_3586 : i32
    %and3A_3588 = arith.andi %ne3A_3584, %ne3A_3587 : i1
    %sub3A_3589 = arith.constant 1 : i32
    %sub3A_3590 = arith.subi %div3A_3569, %sub3A_3589 : i32
    %select_n3A_3591 = arith.select %and3A_3588, %sub3A_3590, %div3A_3569 : i32
    %mul3A_3592 = arith.constant 9 : i32
    %mul3A_3593 = arith.muli %select_n3A_3591, %mul3A_3592 : i32
    %sub3A_3594 = arith.subi %add3A_3567, %mul3A_3593 : i32
    %mul3A_3595 = arith.constant 9 : i32
    %mul3A_3596 = arith.muli %select_n3A_3591, %mul3A_3595 : i32
    %add3A_3597 = arith.addi %mul3A_3596, %sub3A_3594 : i32
    %mul3A_3598 = arith.constant 4 : i32
    %mul3A_3599 = arith.muli %add3A_3597, %mul3A_3598 : i32
    %mul3A_3600 = arith.constant 4200 : i32
    %mul3A_3601 = arith.muli %mul3A_3599, %mul3A_3600 : i32
    %dma_start3A_3602 = arith.constant 0 : i32
    %dma_start3A_3603 = tpu.memref_slice %arg8[%dma_start3A_3602] : memref<25200xf32, #tpu.memory_space<vmem>> -> memref<16800xf32, #tpu.memory_space<vmem>>
    %dma_start3A_3604 = tpu.memref_slice %arg5[%mul3A_3601] : memref<9676800xf32, #tpu.memory_space<hbm>> -> memref<16800xf32, #tpu.memory_space<hbm>>
    %dma_start3A_3605 = tpu.memref_slice %arg5[%mul3A_3601] : memref<9676800xf32, #tpu.memory_space<hbm>> -> memref<16800xf32, #tpu.memory_space<hbm>>
    %dma_start3A_3606 = arith.constant 0 : i32
    %dma_start3A_3607 = tpu.memref_slice %arg8[%dma_start3A_3606] : memref<25200xf32, #tpu.memory_space<vmem>> -> memref<16800xf32, #tpu.memory_space<vmem>>
    tpu.enqueue_dma source(%dma_start3A_3607 : memref<16800xf32, #tpu.memory_space<vmem>>) target(%dma_start3A_3605 : memref<16800xf32, #tpu.memory_space<hbm>>) target_semaphore(%arg12 : memref<!tpu.dma_semaphore, #tpu.memory_space<semaphore_mem>>)
    %dma_wait3A_3608 = arith.constant 0 : i32
    %dma_wait3A_3609 = tpu.memref_slice %arg7[%dma_wait3A_3608] : memref<25200xf32, #tpu.memory_space<vmem>> -> memref<4200xf32, #tpu.memory_space<vmem>>
    %dma_wait3A_3610 = tpu.memref_slice %arg3[%add3A_3493] : memref<9676800xf32, #tpu.memory_space<hbm>> -> memref<4200xf32, #tpu.memory_space<hbm>>
    %dma_wait3A_3611 = arith.constant 0 : i32
    %dma_wait3A_3612 = tpu.memref_slice %arg7[%dma_wait3A_3611] : memref<25200xf32, #tpu.memory_space<vmem>> -> memref<4200xf32, #tpu.memory_space<vmem>>
    %dma_wait3A_3613 = tpu.memref_slice %arg3[%add3A_3493] : memref<9676800xf32, #tpu.memory_space<hbm>> -> memref<4200xf32, #tpu.memory_space<hbm>>
    tpu.wait_dma2 semaphore(%arg11 : memref<!tpu.dma_semaphore, #tpu.memory_space<semaphore_mem>>) src(%dma_wait3A_3613 : memref<4200xf32, #tpu.memory_space<hbm>>) dst(%dma_wait3A_3612 : memref<4200xf32, #tpu.memory_space<vmem>>)
    %dma_wait3A_3614 = arith.constant 4200 : i32
    %dma_wait3A_3615 = tpu.memref_slice %arg7[%dma_wait3A_3614] : memref<25200xf32, #tpu.memory_space<vmem>> -> memref<4200xf32, #tpu.memory_space<vmem>>
    %dma_wait3A_3616 = tpu.memref_slice %arg3[%add3A_3501] : memref<9676800xf32, #tpu.memory_space<hbm>> -> memref<4200xf32, #tpu.memory_space<hbm>>
    %dma_wait3A_3617 = arith.constant 4200 : i32
    %dma_wait3A_3618 = tpu.memref_slice %arg7[%dma_wait3A_3617] : memref<25200xf32, #tpu.memory_space<vmem>> -> memref<4200xf32, #tpu.memory_space<vmem>>
    %dma_wait3A_3619 = tpu.memref_slice %arg3[%add3A_3501] : memref<9676800xf32, #tpu.memory_space<hbm>> -> memref<4200xf32, #tpu.memory_space<hbm>>
    tpu.wait_dma2 semaphore(%arg11 : memref<!tpu.dma_semaphore, #tpu.memory_space<semaphore_mem>>) src(%dma_wait3A_3619 : memref<4200xf32, #tpu.memory_space<hbm>>) dst(%dma_wait3A_3618 : memref<4200xf32, #tpu.memory_space<vmem>>)
    %dma_wait3A_3620 = arith.constant 8400 : i32
    %dma_wait3A_3621 = tpu.memref_slice %arg7[%dma_wait3A_3620] : memref<25200xf32, #tpu.memory_space<vmem>> -> memref<4200xf32, #tpu.memory_space<vmem>>
    %dma_wait3A_3622 = tpu.memref_slice %arg3[%add3A_3509] : memref<9676800xf32, #tpu.memory_space<hbm>> -> memref<4200xf32, #tpu.memory_space<hbm>>
    %dma_wait3A_3623 = arith.constant 8400 : i32
    %dma_wait3A_3624 = tpu.memref_slice %arg7[%dma_wait3A_3623] : memref<25200xf32, #tpu.memory_space<vmem>> -> memref<4200xf32, #tpu.memory_space<vmem>>
    %dma_wait3A_3625 = tpu.memref_slice %arg3[%add3A_3509] : memref<9676800xf32, #tpu.memory_space<hbm>> -> memref<4200xf32, #tpu.memory_space<hbm>>
    tpu.wait_dma2 semaphore(%arg11 : memref<!tpu.dma_semaphore, #tpu.memory_space<semaphore_mem>>) src(%dma_wait3A_3625 : memref<4200xf32, #tpu.memory_space<hbm>>) dst(%dma_wait3A_3624 : memref<4200xf32, #tpu.memory_space<vmem>>)
    %dma_wait3A_3626 = arith.constant 12600 : i32
    %dma_wait3A_3627 = tpu.memref_slice %arg7[%dma_wait3A_3626] : memref<25200xf32, #tpu.memory_space<vmem>> -> memref<4200xf32, #tpu.memory_space<vmem>>
    %dma_wait3A_3628 = tpu.memref_slice %arg3[%add3A_3517] : memref<9676800xf32, #tpu.memory_space<hbm>> -> memref<4200xf32, #tpu.memory_space<hbm>>
    %dma_wait3A_3629 = arith.constant 12600 : i32
    %dma_wait3A_3630 = tpu.memref_slice %arg7[%dma_wait3A_3629] : memref<25200xf32, #tpu.memory_space<vmem>> -> memref<4200xf32, #tpu.memory_space<vmem>>
    %dma_wait3A_3631 = tpu.memref_slice %arg3[%add3A_3517] : memref<9676800xf32, #tpu.memory_space<hbm>> -> memref<4200xf32, #tpu.memory_space<hbm>>
    tpu.wait_dma2 semaphore(%arg11 : memref<!tpu.dma_semaphore, #tpu.memory_space<semaphore_mem>>) src(%dma_wait3A_3631 : memref<4200xf32, #tpu.memory_space<hbm>>) dst(%dma_wait3A_3630 : memref<4200xf32, #tpu.memory_space<vmem>>)
    %dma_wait3A_3632 = arith.constant 0 : i32
    %dma_wait3A_3633 = tpu.memref_slice %arg9[%dma_wait3A_3632] : memref<25200xf32, #tpu.memory_space<vmem>> -> memref<16800xf32, #tpu.memory_space<vmem>>
    %dma_wait3A_3634 = tpu.memref_slice %arg5[%mul3A_3447] : memref<9676800xf32, #tpu.memory_space<hbm>> -> memref<16800xf32, #tpu.memory_space<hbm>>
    %dma_wait3A_3635 = tpu.memref_slice %arg5[%mul3A_3447] : memref<9676800xf32, #tpu.memory_space<hbm>> -> memref<16800xf32, #tpu.memory_space<hbm>>
    %dma_wait3A_3636 = arith.constant 0 : i32
    %dma_wait3A_3637 = tpu.memref_slice %arg9[%dma_wait3A_3636] : memref<25200xf32, #tpu.memory_space<vmem>> -> memref<16800xf32, #tpu.memory_space<vmem>>
    tpu.wait_dma2 semaphore(%arg13 : memref<!tpu.dma_semaphore, #tpu.memory_space<semaphore_mem>>) src(%dma_wait3A_3637 : memref<16800xf32, #tpu.memory_space<vmem>>) dst(%dma_wait3A_3635 : memref<16800xf32, #tpu.memory_space<hbm>>)
    %shift_right_arithmetic3A_3638 = arith.constant 2 : i32
    %shift_right_arithmetic3A_3639 = vector.broadcast %shift_right_arithmetic3A_3638 : i32 to vector<16xi32>
    %shift_right_arithmetic3A_3640 = arith.shrsi %iota3A, %shift_right_arithmetic3A_3639 : vector<16xi32>
    %and3A_3641 = arith.constant 3 : i32
    %and3A_3642 = vector.broadcast %and3A_3641 : i32 to vector<16xi32>
    %and3A_3643 = arith.andi %iota3A, %and3A_3642 : vector<16xi32>
    %mul3A_3644 = arith.constant 4200 : i32
    %mul3A_3645 = vector.broadcast %mul3A_3644 : i32 to vector<16xi32>
    %mul3A_3646 = arith.muli %and3A_3643, %mul3A_3645 : vector<16xi32>
    %add3A_3647 = arith.addi %shift_right_arithmetic3A_3640, %mul3A_3646 : vector<16xi32>
    %mul3A_3648 = arith.constant 18 : i32
    %mul3A_3649 = arith.muli %add3A, %mul3A_3648 : i32
    %add3A_3650 = arith.constant 17 : i32
    %add3A_3651 = arith.addi %mul3A_3649, %add3A_3650 : i32
    %jit3A_3652 = arith.constant 9 : i32
    %div3A_3653 = arith.divsi %add3A_3651, %jit3A_3652 : i32
    %sign3A_3654 = arith.constant 0 : i32
    %sign3A_3655 = arith.cmpi sgt, %add3A_3651, %sign3A_3654 : i32
    %sign3A_3656 = arith.extui %sign3A_3655 : i1 to i32
    %sign3A_3657 = arith.constant 0 : i32
    %sign3A_3658 = arith.cmpi slt, %add3A_3651, %sign3A_3657 : i32
    %sign3A_3659 = arith.extui %sign3A_3658 : i1 to i32
    %sign3A_3660 = arith.subi %sign3A_3656, %sign3A_3659 : i32
    %sign3A_3661 = arith.constant 0 : i32
    %sign3A_3662 = arith.cmpi sgt, %jit3A_3652, %sign3A_3661 : i32
    %sign3A_3663 = arith.extui %sign3A_3662 : i1 to i32
    %sign3A_3664 = arith.constant 0 : i32
    %sign3A_3665 = arith.cmpi slt, %jit3A_3652, %sign3A_3664 : i32
    %sign3A_3666 = arith.extui %sign3A_3665 : i1 to i32
    %sign3A_3667 = arith.subi %sign3A_3663, %sign3A_3666 : i32
    %ne3A_3668 = arith.cmpi ne, %sign3A_3660, %sign3A_3667 : i32
    %rem3A_3669 = arith.remsi %add3A_3651, %jit3A_3652 : i32
    %ne3A_3670 = arith.constant 0 : i32
    %ne3A_3671 = arith.cmpi ne, %rem3A_3669, %ne3A_3670 : i32
    %and3A_3672 = arith.andi %ne3A_3668, %ne3A_3671 : i1
    %sub3A_3673 = arith.constant 1 : i32
    %sub3A_3674 = arith.subi %div3A_3653, %sub3A_3673 : i32
    %select_n3A_3675 = arith.select %and3A_3672, %sub3A_3674, %div3A_3653 : i32
    %mul3A_3676 = arith.constant 9 : i32
    %mul3A_3677 = arith.muli %select_n3A_3675, %mul3A_3676 : i32
    %sub3A_3678 = arith.subi %add3A_3651, %mul3A_3677 : i32
    %mul3A_3679 = arith.constant 9 : i32
    %mul3A_3680 = arith.muli %select_n3A_3675, %mul3A_3679 : i32
    %add3A_3681 = arith.addi %mul3A_3680, %sub3A_3678 : i32
    %mul3A_3682 = arith.constant 4 : i32
    %mul3A_3683 = arith.muli %add3A_3681, %mul3A_3682 : i32
    %mul3A_3684 = arith.constant 4200 : i32
    %mul3A_3685 = arith.muli %mul3A_3683, %mul3A_3684 : i32
    %dma_start3A_3686 = arith.constant 0 : i32
    %dma_start3A_3687 = tpu.memref_slice %arg9[%dma_start3A_3686] : memref<25200xf32, #tpu.memory_space<vmem>> -> memref<16800xf32, #tpu.memory_space<vmem>>
    %dma_start3A_3688 = tpu.memref_slice %arg5[%mul3A_3685] : memref<9676800xf32, #tpu.memory_space<hbm>> -> memref<16800xf32, #tpu.memory_space<hbm>>
    %dma_start3A_3689 = tpu.memref_slice %arg5[%mul3A_3685] : memref<9676800xf32, #tpu.memory_space<hbm>> -> memref<16800xf32, #tpu.memory_space<hbm>>
    %dma_start3A_3690 = arith.constant 0 : i32
    %dma_start3A_3691 = tpu.memref_slice %arg9[%dma_start3A_3690] : memref<25200xf32, #tpu.memory_space<vmem>> -> memref<16800xf32, #tpu.memory_space<vmem>>
    tpu.enqueue_dma source(%dma_start3A_3691 : memref<16800xf32, #tpu.memory_space<vmem>>) target(%dma_start3A_3689 : memref<16800xf32, #tpu.memory_space<hbm>>) target_semaphore(%arg13 : memref<!tpu.dma_semaphore, #tpu.memory_space<semaphore_mem>>)
    %dma_wait3A_3692 = arith.constant 0 : i32
    %dma_wait3A_3693 = tpu.memref_slice %arg8[%dma_wait3A_3692] : memref<25200xf32, #tpu.memory_space<vmem>> -> memref<16800xf32, #tpu.memory_space<vmem>>
    %dma_wait3A_3694 = tpu.memref_slice %arg5[%mul3A_3601] : memref<9676800xf32, #tpu.memory_space<hbm>> -> memref<16800xf32, #tpu.memory_space<hbm>>
    %dma_wait3A_3695 = tpu.memref_slice %arg5[%mul3A_3601] : memref<9676800xf32, #tpu.memory_space<hbm>> -> memref<16800xf32, #tpu.memory_space<hbm>>
    %dma_wait3A_3696 = arith.constant 0 : i32
    %dma_wait3A_3697 = tpu.memref_slice %arg8[%dma_wait3A_3696] : memref<25200xf32, #tpu.memory_space<vmem>> -> memref<16800xf32, #tpu.memory_space<vmem>>
    tpu.wait_dma2 semaphore(%arg12 : memref<!tpu.dma_semaphore, #tpu.memory_space<semaphore_mem>>) src(%dma_wait3A_3697 : memref<16800xf32, #tpu.memory_space<vmem>>) dst(%dma_wait3A_3695 : memref<16800xf32, #tpu.memory_space<hbm>>)
    %dma_wait3A_3698 = arith.constant 0 : i32
    %dma_wait3A_3699 = tpu.memref_slice %arg9[%dma_wait3A_3698] : memref<25200xf32, #tpu.memory_space<vmem>> -> memref<16800xf32, #tpu.memory_space<vmem>>
    %dma_wait3A_3700 = tpu.memref_slice %arg5[%mul3A_3685] : memref<9676800xf32, #tpu.memory_space<hbm>> -> memref<16800xf32, #tpu.memory_space<hbm>>
    %dma_wait3A_3701 = tpu.memref_slice %arg5[%mul3A_3685] : memref<9676800xf32, #tpu.memory_space<hbm>> -> memref<16800xf32, #tpu.memory_space<hbm>>
    %dma_wait3A_3702 = arith.constant 0 : i32
    %dma_wait3A_3703 = tpu.memref_slice %arg9[%dma_wait3A_3702] : memref<25200xf32, #tpu.memory_space<vmem>> -> memref<16800xf32, #tpu.memory_space<vmem>>
    tpu.wait_dma2 semaphore(%arg13 : memref<!tpu.dma_semaphore, #tpu.memory_space<semaphore_mem>>) src(%dma_wait3A_3703 : memref<16800xf32, #tpu.memory_space<vmem>>) dst(%dma_wait3A_3701 : memref<16800xf32, #tpu.memory_space<hbm>>)
    return
  }
}

</mosaic_0001>

<sc_bundles>
// kernel: kernel.3.cloned.1.call-start
scs
__scs_entry_jumppad:
0x0: {  	(pc) =	sbr.rel $0x88, $3  }
0x1: {  	(tag) =	ssettag $0x0;
	lr =	simm.s32 $0x1  }
0x2: {  	[smem:$0x3F9F] =	sst lr;
	_ =	strace $0xD0000000  }
0x3: {  	_ = 	snop  }
0x4: {  	_ = 	snop  }
0x5: {  	_ = 	snop  }
0x6: {  	_ = 	snop  }
0x7: {  	_ = 	snop  }
__scs_overlays_trampoline_lowered:
0x8: {  	[smem:$0x3FAE] =	sst s0  }
0x9: {  	[smem:$0x3FAF] =	sst s1  }
0xa: {  	[smem:$0x3FB0] =	sst s2  }
0xb: {  	[smem:$0x3FB1] =	sst s3  }
0xc: {  	[smem:$0x3FB2] =	sst s4  }
0xd: {  	[smem:$0x3FB3] =	sst s5  }
0xe: {  	[smem:$0x3FB4] =	sst s6  }
0xf: {  	[smem:$0x3FB5] =	sst s7  }
0x10: {  	[smem:$0x3FB6] =	sst s8  }
0x11: {  	[smem:$0x3FB7] =	sst s9;
	s0 =	simm.s32 @!p0 $0x0  }
0x12: {  	s1 =	sld [smem:$0x3F9D];
	s0 =	simm.s32 @p0 $0x1  }
0x13: {  	[smem:$0x3FB8] =	sst s0;
	s0 =	simm.s32 @!p1 $0x0  }
0x14: {  	s2 =	sld [smem:$0x3F9C];
	s0 =	simm.s32 @p1 $0x1  }
0x15: {  	[smem:$0x3FB9] =	sst s0;
	s0 =	simm.s32 @!p2 $0x0  }
0x16: {  	s3 =	sld [smem:$0x3FDB];
	s0 =	simm.s32 @p2 $0x1  }
0x17: {  	s4 =	simm.s32 $0x1BF5;
	[smem:$0x3FBB] =	sst s0  }
0x18: {  	s0 =	sld [smem:$0x3F9E];
	_ =	swait.ge [sflag:s4], $0x0  }
0x19: {  	s7 =	sld [smem:$0x3F9F]  }
0x1a: {  	s8 =	sadd.s32 $0xFFFFE003, lr  }
0x1b: {  	s9 =	sadd.s32 $0xFFFFFEF7, lr;
	s5 =	simm.s32 $0xFFFFFFFF;
	p2 =	slt.u32 s8, $0xFFFFF086  }
0x1c: {  	p1 =	slt.u32 s9, $0xF7A;
	s5 =	simm.s32 @!p2 $0x0  }
0x1d: {  	s5 =	simm.s32 @p1 $0x1;
	p0 =	seq.s32 s7, s2  }
0x1e: {  	s7 =	smul.u32 @!p0 $0xF7A, s2;
	p2 =	seq.s32 @!p0 s5, $0x0  }
0x1f: {  	s9 =	smul.u32 $0xF7A, s1;
	s8 =	simm.s32 @!p0 $0x1BF5;
	p2 =	por !p2, p0  }
0x20: {  	[sflag:s8] =	ssyncset.s32 @!p0 $0xFFFFF086;
	s6 =	sadd.s32 @!p0 s3, s7;
	s7 =	simm.s32 @!p0 $0x108  }
0x21: {  	s3 =	sadd.s32 s3, s9;
	s6 =	sadd.s32 @!p0 $0x88, s6;
	s7 =	simm.s32 @p2 $0x1082  }
0x22: {  	[simem:s7], [sflag:s8] =	dma.local @!p0 [hbm:s6], $0xF7A  }
0x23: {  	s9 =	sor.u32 $0xD0000000, s2;
	s6 =	simm.s32 $0x108;
	_ =	swait.ge @!p0 [sflag:s8], $0x0  }
0x24: {  	s3 =	sadd.s32 $0x88, s3;
	s6 =	simm.s32 @!p1 $0x1082;
	[sflag:s4] =	ssyncset.s32 $0xFFFFF086  }
0x25: {  	[simem:s6], [sflag:s4] =	dma.local [hbm:s3], $0xF7A  }
0x26: {  	[smem:$0x3F9F] =	sst s1;
	(tag) =	ssettag s2;
	_ =	strace s9  }
0x27: {  	s1 =	sld [smem:$0x3FAF]  }
0x28: {  	s2 =	sld [smem:$0x3FB0]  }
0x29: {  	s4 =	sld [smem:$0x3FB2]  }
0x2a: {  	p0 =	seq.s32 s5, $0x0;
	s5 =	sld [smem:$0x3FB3]  }
0x2b: {  	s6 =	sld [smem:$0x3FB4]  }
0x2c: {  	s7 =	sld [smem:$0x3FB5]  }
0x2d: {  	s3 =	simm.s32 $0x108;
	s8 =	sld [smem:$0x3FB6]  }
0x2e: {  	s3 =	simm.s32 @!p0 $0x1082;
	s9 =	sld [smem:$0x3FB7]  }
0x2f: {  	lr =	sadd.s32 s0, s3;
	s0 =	sld [smem:$0x3FAE]  }
0x30: {  	s3 =	sld [smem:$0x3FB1]  }
0x31: {  	[smem:$0x3FBA] =	sst s10  }
0x32: {  	s10 =	sld [smem:$0x3FB8];
	_ =	sdelay $0x3  }
0x33: {  	p0 =	seq.s32 s10, $0x1;
	s10 =	sld [smem:$0x3FBA];
	_ =	sdelay $0x3  }
0x34: {  	[smem:$0x3FBA] =	sst s10  }
0x35: {  	s10 =	sld [smem:$0x3FB9];
	_ =	sdelay $0x3  }
0x36: {  	p1 =	seq.s32 s10, $0x1;
	s10 =	sld [smem:$0x3FBA];
	_ =	sdelay $0x3  }
0x37: {  	[smem:$0x3FBA] =	sst s10  }
0x38: {  	s10 =	sld [smem:$0x3FBB]  }
0x39: {  	_ = 	snop;
	(pc) =	sbr.ind lr, $3  }
0x3a: {  	_ = 	snop  }
0x3b: {  	_ = 	snop  }
0x3c: {  	p2 =	seq.s32 s10, $0x1;
	s10 =	sld [smem:$0x3FBA]  }
0x3d: {  	_ =	shalt  }
0x3e: {  	_ =	shalt  }
0x3f: {  	_ =	shalt  }
0x40: {  	_ =	shalt  }
0x41: {  	_ =	shalt  }
0x42: {  	_ =	shalt  }
0x43: {  	_ =	shalt  }
0x44: {  	_ =	shalt  }
0x45: {  	_ =	shalt  }
0x46: {  	_ =	shalt  }
0x47: {  	_ =	shalt  }
0x48: {  	_ =	shalt  }
0x49: {  	_ =	shalt  }
0x4a: {  	_ =	shalt  }
0x4b: {  	_ =	shalt  }
0x4c: {  	_ =	shalt  }
0x4d: {  	_ =	shalt  }
0x4e: {  	_ =	shalt  }
0x4f: {  	_ =	shalt  }
0x50: {  	_ =	shalt  }
0x51: {  	_ =	shalt  }
0x52: {  	_ =	shalt  }
0x53: {  	_ =	shalt  }
0x54: {  	_ =	shalt  }
0x55: {  	_ =	shalt  }
0x56: {  	_ =	shalt  }
0x57: {  	_ =	shalt  }
0x58: {  	_ =	shalt  }
0x59: {  	_ =	shalt  }
0x5a: {  	_ =	shalt  }
0x5b: {  	_ =	shalt  }
0x5c: {  	_ =	shalt  }
0x5d: {  	_ =	shalt  }
0x5e: {  	_ =	shalt  }
0x5f: {  	_ =	shalt  }
0x60: {  	_ =	shalt  }
0x61: {  	_ =	shalt  }
0x62: {  	_ =	shalt  }
0x63: {  	_ =	shalt  }
0x64: {  	_ =	shalt  }
0x65: {  	_ =	shalt  }
0x66: {  	_ =	shalt  }
0x67: {  	_ =	shalt  }
0x68: {  	_ =	shalt  }
0x69: {  	_ =	shalt  }
0x6a: {  	_ =	shalt  }
0x6b: {  	_ =	shalt  }
0x6c: {  	_ =	shalt  }
0x6d: {  	_ =	shalt  }
0x6e: {  	_ =	shalt  }
0x6f: {  	_ =	shalt  }
0x70: {  	_ =	shalt  }
0x71: {  	_ =	shalt  }
0x72: {  	_ =	shalt  }
0x73: {  	_ =	shalt  }
0x74: {  	_ =	shalt  }
0x75: {  	_ =	shalt  }
0x76: {  	_ =	shalt  }
0x77: {  	_ =	shalt  }
0x78: {  	_ =	shalt  }
0x79: {  	_ =	shalt  }
0x7a: {  	_ =	shalt  }
0x7b: {  	_ =	shalt  }
0x7c: {  	_ =	shalt  }
0x7d: {  	_ =	shalt  }
0x7e: {  	_ =	shalt  }
0x7f: {  	_ =	shalt  }
0x80: {  	_ =	shalt  }
0x81: {  	_ =	shalt  }
0x82: {  	_ =	shalt  }
0x83: {  	_ =	shalt  }
0x84: {  	_ =	shalt  }
0x85: {  	_ =	shalt  }
0x86: {  	_ =	shalt  }
0x87: {  	_ =	shalt  }
.Lfunc_end0:
.L_simem_size_0:
called_computation.1_lowered:
.L_overlay_start_0:
0x88: {  	s2 =	sld [smem:$0x3FD9]  }
0x89: {  	s3 =	sld [smem:$0x3FFE];
	_ =	sdelay $0x1  }
0x8a: {  	s1 =	srdreg.scid  }
0x8b: {  	s0 =	sand.u32 $0x1, s1  }
0x8c: {  	s14 =	sshll.u32 s0, $0xA;
	s2 =	sadd.s32 s3, s2  }
0x8d: {  	s2 =	sadd.s32 s2, s14  }
0x8e: {  	[smem:$0x3FC6] =	sst s2  }
0x8f: {  	_ = 	snop  }
0x90: {  	s2 =	sld [smem:$0x3FD0];
	_ =	sdelay $0x2  }
0x91: {  	s15 =	simm.s32 $0xA;
	s4 =	simm.s32 $0x10  }
0x92: {  	[smem:s4], [sflag:s15] =	dma.local [hbm:s2], $0x1  }
0x93: {  	_ =	swait.eq [sflag:s15], $0x1  }
0x94: {  	[sflag:s15] =	ssyncset.done $0x0  }
0x95: {  	s16 =	sld [smem:$0x10];
	[sflag:s15] =	ssyncadd.s32 $0xFFFFFFFF  }
0x96: {  	s17 =	sld [smem:$0x11];
	(tm) =	ssettm $0x1  }
0x97: {  	s18 =	sld [smem:$0x3FFB];
	_ =	sdelay $0x3  }
0x98: {  	_ =	strace s18  }
0x99: {  	s4 =	sld [smem:$0x3FFC];
	_ =	sdelay $0x3  }
0x9a: {  	_ =	strace s4  }
0x9b: {  	s4 =	sld [smem:$0x3FFD];
	_ =	sdelay $0x3  }
0x9c: {  	_ =	strace s4  }
0x9d: {  	_ =	strace $0x8FFFFFFF  }
0x9e: {  	s19 =	sld [smem:$0x3FDB];
	_ =	sdelay $0x1  }
0x9f: {  	s5 =	simm.s32 $_scs_section_size  }
0xa0: {  	s6 =	simm.s32 $_size__tile_overlayer_lowered;
	s7 =	simm.s32 $_tile_overlayer_lowered  }
0xa1: {  	s22 =	simm.s32 $0x1BFF;
	s21 =	sshll.u32 s7, $0x1;
	s4 =	sadd.s32 s5, s19  }
0xa2: {  	s8 =	simm.s32 $0x0;
	s20 =	sshll.u32 s6, $0x1;
	s6 =	sadd.s32 s21, s4  }
0xa3: {  	[timem:s8], [sflag:s22] =	dma.local [hbm:s6], s20  }
0xa4: {  	_ =	swait.ge [sflag:s22], s20  }
0xa5: {  	s5 =	ssub.s32 $0x0, s20;
	[sflag:s22] =	ssyncset.done $0x0  }
0xa6: {  	[sflag:s22] =	ssyncadd.s32 s5;
	_ =	sdelay $0x1  }
0xa7: {  	s23 =	simm.s32 $0x1B8B  }
0xa8: {  	_ =	swait.ge [sflag:s23], $0x1  }
0xa9: {  	[sflag:s23] =	ssyncset.done $0x0  }
0xaa: {  	s25 =	simm.s32 $0x1B8E;
	s24 =	sld [smem:$0x3FFE];
	[sflag:s23] =	ssyncadd.s32 $0xFFFFFFFF  }
0xab: {  	s26 =	simm.s32 $execute0_lowered;
	[smem:$0x3FD2] =	sst s25  }
0xac: {  	s6 =	sshll.u32 s26, $0x1;
	_ =	strace $0x80000046;
	[dreg:$0x1] =	wrdreg $0xFFFFFFFF  }
0xad: {  	s28 =	simm.s32 $_size_execute0_lowered;
	s4 =	sadd.s32 s4, s6;
	[dreg:$0x0] =	wrdreg $0x0  }
0xae: {  	s6 =	sshll.u32 s28, $0x1;
	[dreg:$0x2] =	wrdreg s4  }
0xaf: {  	[dreg:$0x3] =	wrdreg s6  }
0xb0: {  	[dreg:$0x4] =	wrdreg $0xC0  }
0xb1: {  	_ =	task [dreg:s8], $0x5FFFF  }
0xb2: {  	[dreg:$0x1] =	wrdreg $0xFFFFFFFF  }
0xb3: {  	[dreg:$0x0] =	wrdreg $0x60  }
0xb4: {  	[dreg:$0x2] =	wrdreg s16  }
0xb5: {  	[dreg:$0x3] =	wrdreg s17  }
0xb6: {  	[dreg:$0x4] =	wrdreg s24  }
0xb7: {  	[dreg:$0x5] =	wrdreg $0x9  }
0xb8: {  	_ =	task.clear_ibuf [dreg:s8], $0x6FFFF;
	_ =	strace $0x90000046  }
0xb9: {  	s29 =	simm.s32 $0x9;
	_ =	strace $0x80000048  }
0xba: {  	_ =	swait.ge [sflag:s29], $0x1  }
0xbb: {  	[sflag:s29] =	ssyncadd.s32 $0xFFFFFFFF  }
0xbc: {  	_ =	strace $0x90000048  }
0xbd: {  	_ =	sfence  }
0xbe: {  	s30 =	sld [smem:$0x0];
	_ =	sdelay $0x2  }
0xbf: {  	s31 =	sshll.u32 s1, $0xD;
	s1 =	sshrl.u32 s1, $0x2  }
0xc0: {  	s3 =	sand.u32 $0x4000, s31;
	s1 =	sadd.s32 s1, s30  }
0xc1: {  	s0 =	sor.u32 s3, s0;
	s1 =	sshll.u32 s1, $0x11  }
0xc2: {  	s0 =	sor.u32 s1, s0  }
0xc3: {  	s0 =	sadd.s32 $0x8F2B, s0  }
0xc4: {  	[sflag:s0] =	ssyncadd.remote.s32 $0x1  }
0xc5: {  	_ =	sfence.sel $0xFFFF  }
0xc6: {  	[dreg:$0x0] =	wrdreg $0xFFFFFFFF;
	(pc) =	sbr.abs _section_cstart, $3  }
0xc7: {  	[dreg:$0x1] =	wrdreg $0xFFFFFFFF  }
0xc8: {  	_ =	task.clear_ibuf [dreg:s8], $0x2FFFF;
	_ =	strace $0x9FFFFFFF  }
0xc9: {  	(tm) =	ssettm $0x7FFFFFFF  }
tec
execute0_lowered:
.L_overlay_start_1:
0x0: {  	(tag) =	ssettag $0x1  }
0x1: {  	s0 =	srdreg.scid;
	s1 =	stileid.u32  }
0x2: {  	s3 =	sand.u32 $0x1, s0;
	s14 =	sshll.u32 s1, $0x1  }
0x3: {  	s0 =	sor.u32 s3, s14  }
0x4: {  	s7 =	smul.u32 $0x6, s0;
	_ =	sdelay $0x1  }
0x5: {  	s2 =	sor.u32 $0x1, s7  }
0x6: {  	s15 =	smul.u32 $0xAB, s2;
	_ =	sdelay $0x1  }
0x7: {  	s1 =	sshrl.u32 s15, $0x9  }
0x8: {  	s5 =	rddreg [dreg:$0x0];
	s9 =	smul.u32 $0x24EA0, s0;
	s8 =	sand.u32 $0x7F, s1  }
0x9: {  	s4 =	rddreg [dreg:$0x1];
	s6 =	smul.u32 $0xFFFFFFFD, s8  }
0xa: {  	p0 =	por $0x0, $0x0;
	s24 =	smul.u32 $0x49D4, s0;
	s10 =	sadd.s32 $0x2, s7  }
0xb: {  	s12 =	sshrl.u32 s9, $0x3;
	s13 =	smul.u32 $0x12, s8;
	s6 =	sadd.s32 s2, s6  }
0xc: {  	s9 =	sadd.s32 $0x93A8, s9;
	s16 =	sand.u32 $0xFE, s10;
	s11 =	smul.u32 $0x3, s6  }
0xd: {  	s22 =	sadd.s32 $0x3, s7;
	s12 =	sadd.s32 s5, s12;
	s6 =	smul.u32 $0xAB, s16  }
0xe: {  	s17 =	sshrl.u32 s9, $0x3;
	s8 =	smul.u32 $0x9, s8;
	s16 =	sand.u32 $0xFF, s22  }
0xf: {  	s1 =	rddreg [dreg:$0x2];
	s23 =	smul.u32 $0xAB, s16;
	s14 =	sshrl.u32 s6, $0x9  }
0x10: {  	s2 =	simm.s32 $0x0;
	s18 =	sadd.s32 s13, s11;
	s19 =	smul.u32 $0xFFFFFFFD, s14  }
0x11: {  	s20 =	sadd.s32 s5, s17;
	[smem:$0x7FF] =	sst s2;
	s9 =	smul.u32 $0x1068, s18  }
0x12: {  	_ =	strace $0x80000047;
	s8 =	sadd.s32 s8, s11;
	s15 =	smul.u32 $0x12, s14  }
0x13: {  	[dreg:$0x4] =	wrdreg s12;
	s8 =	smul.u32 $0x20D0, s8;
	s21 =	sshrl.u32 s9, $0x3  }
0x14: {  	s14 =	smul.u32 $0x9, s14;
	s10 =	sadd.s32 s10, s19;
	s12 =	sadd.s32 s5, s21  }
0x15: {  	s10 =	smul.u32 $0x3, s10;
	[dreg:$0x6] =	wrdreg s12;
	s12 =	sshrl.u32 s23, $0x9  }
0x16: {  	s18 =	sadd.s32 $0x4, s7;
	s7 =	sadd.s32 $0x5, s7;
	s26 =	smul.u32 $0xFFFFFFFD, s12  }
0x17: {  	[dreg:$0x5] =	wrdreg s20;
	s23 =	sand.u32 $0xFF, s7;
	s20 =	smul.u32 $0x12, s12  }
0x18: {  	s6 =	sadd.s32 $0x128400, s1;
	s9 =	sadd.s32 $0x93A8, s9;
	s16 =	smul.u32 $0xAB, s23  }
0x19: {  	s9 =	sshrl.u32 s9, $0x3;
	s15 =	sadd.s32 s15, s10;
	s12 =	smul.u32 $0x9, s12  }
0x1a: {  	s9 =	sadd.s32 s5, s9;
	s10 =	sadd.s32 s14, s10;
	s15 =	smul.u32 $0x1068, s15  }
0x1b: {  	[dreg:$0x7] =	wrdreg s9;
	s10 =	smul.u32 $0x20D0, s10;
	s13 =	sadd.s32 s22, s26  }
0x1c: {  	s16 =	sshrl.u32 s16, $0x9;
	s17 =	sshrl.u32 s15, $0x3;
	s13 =	smul.u32 $0x3, s13  }
0x1d: {  	s26 =	smul.u32 $0xFFFFFFFD, s16;
	s9 =	sadd.s32 s5, s17;
	s17 =	sand.u32 $0xFE, s18  }
0x1e: {  	s25 =	sadd.s32 s6, s24;
	s8 =	sshrl.u32 s8, $0x3;
	s19 =	smul.u32 $0xAB, s17  }
0x1f: {  	s11 =	sadd.s32 s20, s13;
	s7 =	sadd.s32 s7, s26;
	s26 =	smul.u32 $0x9, s16  }
0x20: {  	[dreg:$0x8] =	wrdreg s25;
	s8 =	sadd.s32 s6, s8;
	s11 =	smul.u32 $0x1068, s11  }
0x21: {  	s15 =	sadd.s32 $0x93A8, s15;
	s12 =	sadd.s32 s12, s13;
	s7 =	smul.u32 $0x3, s7  }
0x22: {  	[dreg:$0x9] =	wrdreg s9;
	s12 =	smul.u32 $0x20D0, s12;
	s9 =	sshrl.u32 s19, $0x9  }
0x23: {  	[dreg:$0xb] =	wrdreg s8;
	s15 =	sshrl.u32 s15, $0x3;
	s21 =	smul.u32 $0xFFFFFFFD, s9  }
0x24: {  	s10 =	sshrl.u32 s10, $0x3;
	s15 =	sadd.s32 s5, s15;
	s25 =	smul.u32 $0x12, s9  }
0x25: {  	[dreg:$0xa] =	wrdreg s15;
	s22 =	sadd.s32 s18, s21;
	s21 =	smul.u32 $0x12, s16  }
0x26: {  	s19 =	sadd.s32 s6, s10;
	s24 =	sshrl.u32 s11, $0x3;
	s9 =	smul.u32 $0x9, s9  }
0x27: {  	s11 =	sadd.s32 $0x93A8, s11;
	s15 =	smul.u32 $0x3, s22;
	s10 =	sadd.s32 s21, s7  }
0x28: {  	[dreg:$0xe] =	wrdreg s19;
	s7 =	sadd.s32 s26, s7;
	s10 =	smul.u32 $0x1068, s10  }
0x29: {  	s8 =	sadd.s32 s5, s24;
	s14 =	sadd.s32 s25, s15;
	s7 =	smul.u32 $0x20D0, s7  }
0x2a: {  	s11 =	sshrl.u32 s11, $0x3;
	s9 =	sadd.s32 s9, s15;
	s18 =	smul.u32 $0x1068, s14  }
0x2b: {  	[dreg:$0xc] =	wrdreg s8;
	s11 =	sadd.s32 s5, s11;
	s9 =	smul.u32 $0x20D0, s9  }
0x2c: {  	s23 =	sshrl.u32 s12, $0x3;
	[dreg:$0xd] =	wrdreg s11;
	s14 =	smul.u32 $0x49D40, s0  }
0x2d: {  	s24 =	sshrl.u32 s10, $0x3;
	s10 =	sadd.s32 $0x93A8, s10;
	s7 =	sshrl.u32 s7, $0x3  }
0x2e: {  	s20 =	sshrl.u32 s18, $0x3;
	s11 =	sadd.s32 $0x93A8, s18;
	s25 =	sadd.s32 s5, s24  }
0x2f: {  	s19 =	sshrl.u32 s14, $0x3;
	s8 =	sadd.s32 s5, s20;
	[dreg:$0x12] =	wrdreg s25  }
0x30: {  	s11 =	sshrl.u32 s11, $0x3;
	s20 =	sadd.s32 s4, s19;
	[dreg:$0xf] =	wrdreg s8  }
0x31: {  	s12 =	sshrl.u32 s10, $0x3;
	s22 =	sadd.s32 s5, s11;
	[smem:$0x7B9] =	sst s20  }
0x32: {  	s16 =	sadd.s32 $0x93A8, s14;
	s8 =	sadd.s32 s6, s23;
	[dreg:$0x10] =	wrdreg s22  }
0x33: {  	[dreg:$0x11] =	wrdreg s8;
	s8 =	sadd.s32 s5, s12;
	s5 =	smul.u32 $0x12, s0  }
0x34: {  	s13 =	sshrl.u32 s9, $0x3;
	s17 =	sshrl.u32 s16, $0x3;
	[dreg:$0x13] =	wrdreg s8  }
0x35: {  	s8 =	sadd.s32 s6, s13;
	s6 =	sadd.s32 s6, s7;
	s10 =	sor.u32 $0x1, s5  }
0x36: {  	[dreg:$0x15] =	wrdreg s6;
	s6 =	sadd.s32 s4, s17;
	s15 =	smul.u32 $0x1C72, s10  }
0x37: {  	s29 =	simm.s32 $0x1068;
	[dreg:$0x16] =	wrdreg s6;
	s6 =	smul.u32 $0x20004, s0  }
0x38: {  	s21 =	sadd.s32 $0x1BAF8, s14;
	[dreg:$0x14] =	wrdreg s8;
	s18 =	sshrl.u32 s15, $0x10  }
0x39: {  	s8 =	sshrl.u32 s21, $0x3;
	s24 =	sadd.s32 $0x38E4, s6;
	s11 =	smul.u32 $0x1B, s18  }
0x3a: {  	s23 =	sadd.s32 s4, s8;
	s0 =	smul.u32 $0x93A8, s0;
	s8 =	sshrl.u32 s24, $0x10  }
0x3b: {  	s17 =	sadd.s32 $0x5556, s6;
	s8 =	smul.u32 $0x1B, s8;
	s11 =	sadd.s32 s10, s11  }
0x3c: {  	s22 =	sadd.s32 $0x24EA, s20;
	s19 =	sshrl.u32 s17, $0x10;
	s11 =	smul.u32 $0x1068, s11  }
0x3d: {  	s28 =	simm.s32 $0x20D0;
	[dreg:$0x17] =	wrdreg s22;
	s21 =	smul.u32 $0x1B, s19  }
0x3e: {  	[dreg:$0x18] =	wrdreg s23;
	s10 =	smul.u32 $0x834, s10;
	s25 =	sadd.s32 $0x93A8, s11  }
0x3f: {  	s26 =	sshrl.u32 s11, $0x3;
	s11 =	sadd.s32 $0x1BAF8, s11;
	s12 =	sshrl.u32 s25, $0x3  }
0x40: {  	s15 =	sadd.s32 s4, s26;
	s9 =	sshrl.u32 s11, $0x3;
	s11 =	sadd.s32 $0xE00, s1  }
0x41: {  	s26 =	sadd.s32 $0x71C8, s6;
	s7 =	sadd.s32 s4, s12;
	s12 =	sadd.s32 $0x2, s5  }
0x42: {  	s13 =	sadd.s32 $0x24EA, s15;
	s23 =	sadd.s32 s11, s10;
	s10 =	sshrl.u32 s26, $0x10  }
0x43: {  	s9 =	sadd.s32 s4, s9;
	[dreg:$0x19] =	wrdreg s7;
	s10 =	smul.u32 $0x1B, s10  }
0x44: {  	s8 =	sadd.s32 s12, s8;
	[dreg:$0x1a] =	wrdreg s13;
	s12 =	smul.u32 $0x834, s12  }
0x45: {  	s3 =	ssub.s32 $0x2, s3;
	[dreg:$0x1b] =	wrdreg s9;
	s8 =	smul.u32 $0x1068, s8  }
0x46: {  	[dreg:$0x1f] =	wrdreg s23;
	s10 =	sadd.s32 s10, s5;
	s13 =	sadd.s32 s11, s12  }
0x47: {  	s14 =	sadd.s32 $0x93A8, s8;
	s16 =	sshrl.u32 s8, $0x3;
	s20 =	sadd.s32 $0x1BAF8, s8  }
0x48: {  	s8 =	sadd.s32 s21, s5;
	s10 =	smul.u32 $0x1068, s10;
	s21 =	sadd.s32 s11, s0  }
0x49: {  	[smem:$0x7BE] =	sst s13;
	s1 =	sshrl.u32 s14, $0x3;
	s18 =	sadd.s32 s4, s16  }
0x4a: {  	s8 =	smul.u32 $0x1068, s8;
	s13 =	sadd.s32 $0x20D0, s21;
	[smem:$0x7BA] =	sst s18  }
0x4b: {  	s16 =	sadd.s32 $0x8E3A, s6;
	s1 =	sadd.s32 s4, s1;
	[smem:$0x7C6] =	sst s13  }
0x4c: {  	s22 =	sadd.s32 $0x24EA, s18;
	s14 =	sadd.s32 $0xD548, s10;
	[dreg:$0x1c] =	wrdreg s1  }
0x4d: {  	s17 =	sadd.s32 $0x41A0, s10;
	s1 =	sshrl.u32 s20, $0x3;
	[dreg:$0x1d] =	wrdreg s22  }
0x4e: {  	s24 =	sadd.s32 $0x3138, s8;
	s25 =	sadd.s32 $0xC4E0, s8;
	s8 =	sadd.s32 $0x1EC30, s8  }
0x4f: {  	s0 =	sshrl.u32 s14, $0x3;
	s11 =	sshrl.u32 s17, $0x3;
	s22 =	sadd.s32 $0x189C, s21  }
0x50: {  	s1 =	sadd.s32 s4, s1;
	s9 =	sshrl.u32 s25, $0x3;
	s8 =	sshrl.u32 s8, $0x3  }
0x51: {  	s18 =	sadd.s32 s4, s0;
	s19 =	sadd.s32 s4, s11;
	[smem:$0x7C2] =	sst s22  }
0x52: {  	[dreg:$0x1e] =	wrdreg s1;
	s1 =	sshrl.u32 s24, $0x3;
	s9 =	sadd.s32 s4, s9  }
0x53: {  	s8 =	sadd.s32 s4, s8;
	[smem:$0x7BF] =	sst s18;
	s11 =	sadd.s32 $0x24EA, s19  }
0x54: {  	s24 =	sadd.s32 $0xAAAC, s6;
	s1 =	sadd.s32 s4, s1;
	[smem:$0x7BB] =	sst s9  }
0x55: {  	[smem:$0x7BD] =	sst s8;
	s8 =	sshrl.u32 s16, $0x10;
	s9 =	sadd.s32 $0x1FC98, s10  }
0x56: {  	[smem:$0x7C0] =	sst s11;
	s11 =	sshrl.u32 s24, $0x10;
	s16 =	sadd.s32 $0xC71E, s6  }
0x57: {  	s24 =	sadd.s32 $0x2904, s21;
	s7 =	smov.u32 s1;
	s8 =	smul.u32 $0x1B, s8  }
0x58: {  	s1 =	sadd.s32 $0x24EA, s1;
	s11 =	smul.u32 $0x1B, s11;
	[smem:$0x7CA] =	sst s24  }
0x59: {  	s9 =	sshrl.u32 s9, $0x3;
	[smem:$0x7BC] =	sst s1;
	s8 =	sadd.s32 s8, s5  }
0x5a: {  	s9 =	sadd.s32 s4, s9;
	s11 =	sadd.s32 s11, s5;
	s8 =	smul.u32 $0x1068, s8  }
0x5b: {  	[smem:$0x7FD] =	sst s7;
	s1 =	smul.u32 $0x1068, s11;
	s11 =	sshrl.u32 s16, $0x10  }
0x5c: {  	s20 =	smov.u32 s19;
	[smem:$0x7C1] =	sst s9;
	s11 =	smul.u32 $0x1B, s11  }
0x5d: {  	s23 =	sadd.s32 $0xE5B0, s8;
	s25 =	sadd.s32 $0x5208, s8;
	s8 =	sadd.s32 $0x20D00, s8  }
0x5e: {  	s14 =	sadd.s32 $0xF618, s1;
	s17 =	sadd.s32 $0x6270, s1;
	s19 =	sadd.s32 $0x21D68, s1  }
0x5f: {  	s9 =	sshrl.u32 s23, $0x3;
	s12 =	sshrl.u32 s25, $0x3;
	s8 =	sshrl.u32 s8, $0x3  }
0x60: {  	s11 =	sadd.s32 s11, s5;
	s9 =	sadd.s32 s4, s9;
	s26 =	sadd.s32 s4, s12  }
0x61: {  	s8 =	sadd.s32 s4, s8;
	s12 =	sshrl.u32 s17, $0x3;
	s23 =	smul.u32 $0x1068, s11  }
0x62: {  	[smem:$0x7C3] =	sst s9;
	s10 =	smov.u32 s26;
	s0 =	sadd.s32 $0x24EA, s26  }
0x63: {  	[smem:$0x7C5] =	sst s8;
	s8 =	sshrl.u32 s14, $0x3;
	s18 =	sadd.s32 s4, s12  }
0x64: {  	s26 =	sadd.s32 $0xE390, s6;
	[smem:$0x7C4] =	sst s0;
	s8 =	sadd.s32 s4, s8  }
0x65: {  	s1 =	smov.u32 s18;
	s22 =	sadd.s32 $0x24EA, s18;
	[smem:$0x7FC] =	sst s10  }
0x66: {  	s25 =	sadd.s32 $0x10680, s23;
	s0 =	sadd.s32 $0x72D8, s23;
	[smem:$0x7C7] =	sst s8  }
0x67: {  	s11 =	sshrl.u32 s26, $0x10;
	s18 =	sadd.s32 $0x3138, s21;
	[smem:$0x7C8] =	sst s22  }
0x68: {  	s14 =	sadd.s32 $0x22DD0, s23;
	s8 =	sshrl.u32 s19, $0x3;
	[smem:$0x7CF] =	sst s18  }
0x69: {  	s12 =	sshrl.u32 s0, $0x3;
	[smem:$0x7FB] =	sst s1;
	s8 =	sadd.s32 s4, s8  }
0x6a: {  	s11 =	smul.u32 $0x1B, s11;
	s13 =	sadd.s32 s4, s12;
	[smem:$0x7C9] =	sst s8  }
0x6b: {  	s22 =	sadd.s32 $0x10002, s6;
	s8 =	sshrl.u32 s25, $0x3;
	[smem:$0x7CC] =	sst s13  }
0x6c: {  	s16 =	sadd.s32 $0x24EA, s13;
	s11 =	sadd.s32 s11, s5;
	s13 =	sadd.s32 $0x396C, s21  }
0x6d: {  	s8 =	sadd.s32 s4, s8;
	[smem:$0x7CD] =	sst s16;
	s17 =	smul.u32 $0x1068, s11  }
0x6e: {  	s11 =	sshrl.u32 s22, $0x10;
	[smem:$0x7D3] =	sst s13;
	s16 =	sadd.s32 $0x11C74, s6  }
0x6f: {  	[smem:$0x7CB] =	sst s8;
	s8 =	sshrl.u32 s14, $0x3;
	s11 =	smul.u32 $0x1B, s11  }
0x70: {  	s8 =	sadd.s32 s4, s8;
	s19 =	sadd.s32 $0x116E8, s17;
	s23 =	sadd.s32 $0x8340, s17  }
0x71: {  	s25 =	sadd.s32 $0x23E38, s17;
	[smem:$0x7CE] =	sst s8;
	s8 =	sshrl.u32 s19, $0x3  }
0x72: {  	s12 =	sshrl.u32 s23, $0x3;
	s11 =	sadd.s32 s11, s5;
	s8 =	sadd.s32 s4, s8  }
0x73: {  	s24 =	sadd.s32 s4, s12;
	s0 =	smul.u32 $0x1068, s11;
	s11 =	sshrl.u32 s16, $0x10  }
0x74: {  	[smem:$0x7D0] =	sst s8;
	s31 =	smov.u32 s24;
	s26 =	sadd.s32 $0x24EA, s24  }
0x75: {  	s8 =	sshrl.u32 s25, $0x3;
	s11 =	smul.u32 $0x1B, s11;
	s24 =	sadd.s32 $0x41A0, s21  }
0x76: {  	[smem:$0x7D1] =	sst s26;
	s8 =	sadd.s32 s4, s8;
	s14 =	sadd.s32 $0x12750, s0  }
0x77: {  	s17 =	sadd.s32 $0x93A8, s0;
	s19 =	sadd.s32 $0x24EA0, s0;
	[smem:$0x7D7] =	sst s24  }
0x78: {  	s26 =	sadd.s32 $0x138E6, s6;
	[smem:$0x7D2] =	sst s8;
	s8 =	sshrl.u32 s14, $0x3  }
0x79: {  	s12 =	sshrl.u32 s17, $0x3;
	s11 =	sadd.s32 s11, s5;
	s8 =	sadd.s32 s4, s8  }
0x7a: {  	s18 =	sadd.s32 s4, s12;
	s23 =	smul.u32 $0x1068, s11;
	s11 =	sshrl.u32 s26, $0x10  }
0x7b: {  	[smem:$0x7D4] =	sst s8;
	s30 =	smov.u32 s18;
	s22 =	sadd.s32 $0x24EA, s18  }
0x7c: {  	s8 =	sshrl.u32 s19, $0x3;
	s11 =	smul.u32 $0x1B, s11;
	s18 =	sadd.s32 $0x49D4, s21  }
0x7d: {  	[smem:$0x7D5] =	sst s22;
	s8 =	sadd.s32 s4, s8;
	s25 =	sadd.s32 $0x137B8, s23  }
0x7e: {  	s0 =	sadd.s32 $0xA410, s23;
	s14 =	sadd.s32 $0x25F08, s23;
	[smem:$0x7DB] =	sst s18  }
0x7f: {  	s22 =	sadd.s32 $0x15558, s6;
	[smem:$0x7D6] =	sst s8;
	s8 =	sshrl.u32 s25, $0x3  }
0x80: {  	s12 =	sshrl.u32 s0, $0x3;
	s11 =	sadd.s32 s11, s5;
	s8 =	sadd.s32 s4, s8  }
0x81: {  	s13 =	sadd.s32 s4, s12;
	s17 =	smul.u32 $0x1068, s11;
	s11 =	sshrl.u32 s22, $0x10  }
0x82: {  	[smem:$0x7D8] =	sst s8;
	s26 =	smov.u32 s13;
	s16 =	sadd.s32 $0x24EA, s13  }
0x83: {  	s8 =	sshrl.u32 s14, $0x3;
	s11 =	smul.u32 $0x1B, s11;
	s14 =	sadd.s32 $0x5208, s21  }
0x84: {  	[smem:$0x7D9] =	sst s16;
	s8 =	sadd.s32 s4, s8;
	s19 =	sadd.s32 $0x14820, s17  }
0x85: {  	s23 =	sadd.s32 $0xB478, s17;
	s9 =	sadd.s32 $0x26F70, s17;
	[smem:$0x7DF] =	sst s14  }
0x86: {  	s17 =	sadd.s32 $0x171CA, s6;
	[smem:$0x7DA] =	sst s8;
	s8 =	sshrl.u32 s19, $0x3  }
0x87: {  	s12 =	sshrl.u32 s23, $0x3;
	s11 =	sadd.s32 s11, s5;
	s8 =	sadd.s32 s4, s8  }
0x88: {  	s24 =	sadd.s32 s4, s12;
	s13 =	smul.u32 $0x1068, s11;
	s11 =	sshrl.u32 s17, $0x10  }
0x89: {  	[smem:$0x7DC] =	sst s8;
	s25 =	smov.u32 s24;
	s12 =	sadd.s32 $0x24EA, s24  }
0x8a: {  	s8 =	sshrl.u32 s9, $0x3;
	s11 =	smul.u32 $0x1B, s11;
	[smem:$0x7DD] =	sst s12  }
0x8b: {  	s8 =	sadd.s32 s4, s8;
	s16 =	sadd.s32 $0x15888, s13;
	s18 =	sadd.s32 $0xC4E0, s13  }
0x8c: {  	s22 =	sadd.s32 $0x27FD8, s13;
	s13 =	sadd.s32 $0x5A3C, s21;
	[smem:$0x7DE] =	sst s8  }
0x8d: {  	s8 =	sshrl.u32 s16, $0x3;
	s12 =	sshrl.u32 s18, $0x3;
	s11 =	sadd.s32 s11, s5  }
0x8e: {  	[smem:$0x7E3] =	sst s13;
	s16 =	sadd.s32 $0x18E3C, s6;
	s13 =	sadd.s32 $0x1AAAE, s6  }
0x8f: {  	s6 =	sadd.s32 $0x1C720, s6;
	s8 =	sadd.s32 s4, s8;
	s19 =	sadd.s32 s4, s12  }
0x90: {  	s0 =	smul.u32 $0x1068, s11;
	s11 =	sshrl.u32 s16, $0x10;
	s6 =	sshrl.u32 s6, $0x10  }
0x91: {  	[smem:$0x7E0] =	sst s8;
	s24 =	smov.u32 s19;
	s11 =	smul.u32 $0x1B, s11  }
0x92: {  	s23 =	sadd.s32 $0x24EA, s19;
	s8 =	sshrl.u32 s22, $0x3;
	s6 =	smul.u32 $0x1B, s6  }
0x93: {  	[smem:$0x7E1] =	sst s23;
	s8 =	sadd.s32 s4, s8;
	s14 =	sadd.s32 $0x168F0, s0  }
0x94: {  	s17 =	sadd.s32 $0xD548, s0;
	s19 =	sadd.s32 $0x29040, s0;
	[smem:$0x7E2] =	sst s8  }
0x95: {  	s8 =	sshrl.u32 s14, $0x3;
	s12 =	sshrl.u32 s17, $0x3;
	s11 =	sadd.s32 s11, s5  }
0x96: {  	s6 =	sadd.s32 s6, s5;
	s8 =	sadd.s32 s4, s8;
	s0 =	smul.u32 $0x1068, s11  }
0x97: {  	s18 =	sadd.s32 s4, s12;
	s11 =	sadd.s32 $0x6270, s21;
	s6 =	smul.u32 $0x1068, s6  }
0x98: {  	[smem:$0x7E4] =	sst s8;
	s23 =	smov.u32 s18;
	s22 =	sadd.s32 $0x24EA, s18  }
0x99: {  	s8 =	sshrl.u32 s19, $0x3;
	[smem:$0x7E7] =	sst s11;
	s11 =	sshrl.u32 s13, $0x10  }
0x9a: {  	[smem:$0x7E5] =	sst s22;
	s8 =	sadd.s32 s4, s8;
	s12 =	sadd.s32 $0x17958, s0  }
0x9b: {  	s14 =	sadd.s32 $0xE5B0, s0;
	s11 =	smul.u32 $0x1B, s11;
	s17 =	sadd.s32 $0x2A0A8, s0  }
0x9c: {  	s22 =	sadd.s32 $0x6AA4, s21;
	[smem:$0x7E6] =	sst s8;
	s8 =	sshrl.u32 s12, $0x3  }
0x9d: {  	s12 =	sshrl.u32 s14, $0x3;
	[smem:$0x7EC] =	sst s22;
	s8 =	sadd.s32 s4, s8  }
0x9e: {  	s22 =	sadd.s32 $0x10680, s6;
	s16 =	sadd.s32 s4, s12;
	[smem:$0x7E8] =	sst s8  }
0x9f: {  	s11 =	sadd.s32 s11, s5;
	s5 =	sadd.s32 $0x11, s5;
	[smem:$0x7E9] =	sst s16  }
0xa0: {  	s18 =	sadd.s32 $0x24EA, s16;
	s8 =	sshrl.u32 s17, $0x3;
	s19 =	smul.u32 $0x1068, s11  }
0xa1: {  	s16 =	smul.u32 $0x1C72, s5;
	s17 =	sadd.s32 $0x72D8, s21;
	[smem:$0x7EA] =	sst s18  }
0xa2: {  	s8 =	sadd.s32 s4, s8;
	s18 =	sadd.s32 $0x19A28, s6;
	[smem:$0x7F1] =	sst s17  }
0xa3: {  	s6 =	sadd.s32 $0x2C178, s6;
	[smem:$0x7EB] =	sst s8;
	s0 =	sadd.s32 $0x189C0, s19  }
0xa4: {  	s11 =	sadd.s32 $0xF618, s19;
	s9 =	sadd.s32 $0x2B110, s19;
	s19 =	sshrl.u32 s18, $0x3  }
0xa5: {  	s6 =	sshrl.u32 s6, $0x3;
	s18 =	sadd.s32 $0x8340, s21;
	s8 =	sshrl.u32 s0, $0x3  }
0xa6: {  	s11 =	sshrl.u32 s11, $0x3;
	s9 =	sshrl.u32 s9, $0x3;
	s0 =	sshrl.u32 s22, $0x3  }
0xa7: {  	s6 =	sadd.s32 s4, s6;
	[smem:$0x7F9] =	sst s18;
	s22 =	sadd.s32 $0x8B74, s21  }
0xa8: {  	s18 =	simm.s32 $0x8350;
	s8 =	sadd.s32 s4, s8;
	[smem:$0x7F4] =	sst s6  }
0xa9: {  	s12 =	sadd.s32 s4, s11;
	s14 =	sadd.s32 s4, s9;
	[smem:$0x7FA] =	sst s22  }
0xaa: {  	s9 =	sshrl.u32 s16, $0x10;
	s11 =	sadd.s32 s4, s0;
	[smem:$0x7ED] =	sst s8  }
0xab: {  	s22 =	simm.s32 $0x3138;
	s6 =	simm.s32 $0x2;
	[smem:$0x7EE] =	sst s12  }
0xac: {  	s13 =	sadd.s32 $0x24EA, s12;
	[smem:$0x7F0] =	sst s14;
	s8 =	sadd.s32 s4, s19  }
0xad: {  	s9 =	smul.u32 $0x1B, s9;
	s19 =	sshrl.u32 s3, $0x1;
	[smem:$0x7EF] =	sst s13  }
0xae: {  	[smem:$0x7F2] =	sst s8;
	s8 =	sadd.s32 $0x24EA, s11;
	s3 =	ssub.s32 s3, s19  }
0xaf: {  	s19 =	simm.s32 $0x72E8;
	s5 =	sadd.s32 s5, s9;
	[smem:$0x7F3] =	sst s8  }
0xb0: {  	s9 =	sadd.s32 $0x7B0C, s21;
	s3 =	smax.u32 s3, $0x1;
	s5 =	smul.u32 $0x1068, s5  }
0xb1: {  	[smem:$0x7F5] =	sst s9;
	p1 =	sne.s32 s3, $0x1;
	s9 =	simm.s32 $0x1  }
0xb2: {  	s12 =	sadd.s32 $0x93A8, s5;
	s13 =	sshrl.u32 s5, $0x3;
	s5 =	sadd.s32 $0x1BAF8, s5  }
0xb3: {  	s8 =	sshrl.u32 s12, $0x3;
	s17 =	sadd.s32 s4, s13;
	s5 =	sshrl.u32 s5, $0x3  }
.Ltmp0:
0xb4: {  	s13 =	rddreg [dreg:$0x4];
	s14 =	sadd.s32 s4, s8;
	(pc) =	sbr.rel @!p1 .LBB2_1-.Ltmp0, $4  }
0xb5: {  	s12 =	simm.s32 $0x93B8;
	s16 =	sadd.s32 $0x24EA, s17;
	[smem:$0x7F6] =	sst s14  }
0xb6: {  	s4 =	sadd.s32 s4, s5;
	s8 =	simm.s32 $0xC500;
	[smem:$0x7F7] =	sst s16  }
0xb7: {  	s5 =	simm.s32 $0x12780;
	[smem:$0x7F8] =	sst s4;
	s14 =	simm.s32 $0x6280  }
0xb8: {  	s16 =	sadd.s32 $0xFFFFFFFF, s3;
	s4 =	simm.s32 $0x3;
	s3 =	simm.s32 $0x4  }
0xb9: {  	[smem:$0x7B5] =	sst s11  }
0xba: {  	[tilespmem:s2], [sflag:$0x1] =	stream.linear.gather [hbm4b:s13+s2], $0x3138, $0x38;
	[tilespmem:$0x18A00] =	vst v63  }
0xbb: {  	s0 =	rddreg [dreg:$0x5]  }
0xbc: {  	[tilespmem:s22], [sflag:$0x1] =	stream.linear.gather [hbm4b:s0+s2], $0x3138, $0x38;
	[tilespmem:$0x18A00] =	vst v63  }
0xbd: {  	s13 =	rddreg [dreg:$0x6]  }
0xbe: {  	[tilespmem:s14], [sflag:$0x2] =	stream.linear.gather [hbm4b:s13+s2], $0x3138, $0x38;
	[tilespmem:$0x18A00] =	vst v63  }
0xbf: {  	s0 =	rddreg [dreg:$0x7]  }
0xc0: {  	[tilespmem:s12], [sflag:$0x2] =	stream.linear.gather [hbm4b:s0+s2], $0x3138, $0x38;
	[tilespmem:$0x18A00] =	vst v63  }
0xc1: {  	_ =	swait.ge [sflag:s9], $0x3138  }
0xc2: {  	[sflag:s9] =	ssyncset.done $0x0  }
0xc3: {  	[sflag:s9] =	ssyncadd.s32 $0xFFFFCEC8  }
0xc4: {  	_ =	swait.ge [sflag:s9], $0x3138  }
0xc5: {  	[sflag:s9] =	ssyncset.done $0x0  }
0xc6: {  	s0 =	rddreg [dreg:$0x8];
	[sflag:s9] =	ssyncadd.s32 $0xFFFFCEC8  }
0xc7: {  	[hbm4b:s0+s2] =	stream.linear.scatter [tilespmem:s8], [sflag:$0x3], $0x6270, $0x38;
	[tilespmem:$0x18A00] =	vst v63  }
0xc8: {  	s13 =	rddreg [dreg:$0x9]  }
0xc9: {  	[tilespmem:s2], [sflag:$0x1] =	stream.linear.gather [hbm4b:s13+s2], $0x3138, $0x38;
	[tilespmem:$0x18A00] =	vst v63  }
0xca: {  	s0 =	rddreg [dreg:$0xa]  }
0xcb: {  	[tilespmem:s22], [sflag:$0x1] =	stream.linear.gather [hbm4b:s0+s2], $0x3138, $0x38;
	[tilespmem:$0x18A00] =	vst v63  }
0xcc: {  	_ =	swait.ge [sflag:s6], $0x3138  }
0xcd: {  	[sflag:s6] =	ssyncset.done $0x0  }
0xce: {  	[sflag:s6] =	ssyncadd.s32 $0xFFFFCEC8  }
0xcf: {  	_ =	swait.ge [sflag:s6], $0x3138  }
0xd0: {  	[sflag:s6] =	ssyncset.done $0x0  }
0xd1: {  	s0 =	rddreg [dreg:$0xb];
	[sflag:s6] =	ssyncadd.s32 $0xFFFFCEC8  }
0xd2: {  	[hbm4b:s0+s2] =	stream.linear.scatter [tilespmem:s5], [sflag:$0x4], $0x6270, $0x38;
	[tilespmem:$0x18A00] =	vst v63  }
0xd3: {  	s13 =	rddreg [dreg:$0xc]  }
0xd4: {  	[tilespmem:s14], [sflag:$0x2] =	stream.linear.gather [hbm4b:s13+s2], $0x3138, $0x38;
	[tilespmem:$0x18A00] =	vst v63  }
0xd5: {  	s0 =	rddreg [dreg:$0xd]  }
0xd6: {  	[tilespmem:s12], [sflag:$0x2] =	stream.linear.gather [hbm4b:s0+s2], $0x3138, $0x38;
	[tilespmem:$0x18A00] =	vst v63  }
0xd7: {  	_ =	swait.ge [sflag:s9], $0x3138  }
0xd8: {  	[sflag:s9] =	ssyncset.done $0x0  }
0xd9: {  	[sflag:s9] =	ssyncadd.s32 $0xFFFFCEC8  }
0xda: {  	_ =	swait.ge [sflag:s9], $0x3138  }
0xdb: {  	[sflag:s9] =	ssyncset.done $0x0  }
0xdc: {  	[sflag:s9] =	ssyncadd.s32 $0xFFFFCEC8  }
0xdd: {  	_ =	swait.ge [sflag:s4], $0x6270  }
0xde: {  	[sflag:s4] =	ssyncset.done $0x0  }
0xdf: {  	s0 =	rddreg [dreg:$0xe];
	[sflag:s4] =	ssyncadd.s32 $0xFFFF9D90  }
0xe0: {  	[hbm4b:s0+s2] =	stream.linear.scatter [tilespmem:s8], [sflag:$0x3], $0x6270, $0x38;
	[tilespmem:$0x18A00] =	vst v63  }
0xe1: {  	s13 =	rddreg [dreg:$0xf]  }
0xe2: {  	[tilespmem:s2], [sflag:$0x1] =	stream.linear.gather [hbm4b:s13+s2], $0x3138, $0x38;
	[tilespmem:$0x18A00] =	vst v63  }
0xe3: {  	s0 =	rddreg [dreg:$0x10]  }
0xe4: {  	[tilespmem:s22], [sflag:$0x1] =	stream.linear.gather [hbm4b:s0+s2], $0x3138, $0x38;
	[tilespmem:$0x18A00] =	vst v63  }
0xe5: {  	_ =	swait.ge [sflag:s6], $0x3138  }
0xe6: {  	[sflag:s6] =	ssyncset.done $0x0  }
0xe7: {  	[sflag:s6] =	ssyncadd.s32 $0xFFFFCEC8  }
0xe8: {  	_ =	swait.ge [sflag:s6], $0x3138  }
0xe9: {  	[sflag:s6] =	ssyncset.done $0x0  }
0xea: {  	[sflag:s6] =	ssyncadd.s32 $0xFFFFCEC8  }
0xeb: {  	_ =	swait.ge [sflag:s3], $0x6270  }
0xec: {  	[sflag:s3] =	ssyncset.done $0x0  }
0xed: {  	s0 =	rddreg [dreg:$0x11];
	[sflag:s3] =	ssyncadd.s32 $0xFFFF9D90  }
0xee: {  	[hbm4b:s0+s2] =	stream.linear.scatter [tilespmem:s5], [sflag:$0x4], $0x6270, $0x38;
	[tilespmem:$0x18A00] =	vst v63  }
0xef: {  	s13 =	rddreg [dreg:$0x12]  }
0xf0: {  	[tilespmem:s14], [sflag:$0x2] =	stream.linear.gather [hbm4b:s13+s2], $0x3138, $0x38;
	[tilespmem:$0x18A00] =	vst v63  }
0xf1: {  	s0 =	rddreg [dreg:$0x13]  }
0xf2: {  	[tilespmem:s12], [sflag:$0x2] =	stream.linear.gather [hbm4b:s0+s2], $0x3138, $0x38;
	[tilespmem:$0x18A00] =	vst v63  }
0xf3: {  	_ =	swait.ge [sflag:s9], $0x3138  }
0xf4: {  	[sflag:s9] =	ssyncset.done $0x0  }
0xf5: {  	[sflag:s9] =	ssyncadd.s32 $0xFFFFCEC8  }
0xf6: {  	_ =	swait.ge [sflag:s9], $0x3138  }
0xf7: {  	[sflag:s9] =	ssyncset.done $0x0  }
0xf8: {  	[sflag:s9] =	ssyncadd.s32 $0xFFFFCEC8  }
0xf9: {  	_ =	swait.ge [sflag:s4], $0x6270  }
0xfa: {  	[sflag:s4] =	ssyncset.done $0x0  }
0xfb: {  	s13 =	rddreg [dreg:$0x14];
	[sflag:s4] =	ssyncadd.s32 $0xFFFF9D90  }
0xfc: {  	[hbm4b:s13+s2] =	stream.linear.scatter [tilespmem:s8], [sflag:$0x3], $0x6270, $0x38;
	[tilespmem:$0x18A00] =	vst v63  }
0xfd: {  	_ =	swait.ge [sflag:s6], $0x3138  }
0xfe: {  	[sflag:s6] =	ssyncset.done $0x0  }
0xff: {  	[sflag:s6] =	ssyncadd.s32 $0xFFFFCEC8  }
0x100: {  	_ =	swait.ge [sflag:s6], $0x3138  }
0x101: {  	[sflag:s6] =	ssyncset.done $0x0  }
0x102: {  	[sflag:s6] =	ssyncadd.s32 $0xFFFFCEC8  }
0x103: {  	_ =	swait.ge [sflag:s3], $0x6270  }
0x104: {  	[sflag:s3] =	ssyncset.done $0x0  }
0x105: {  	s0 =	rddreg [dreg:$0x15];
	[sflag:s3] =	ssyncadd.s32 $0xFFFF9D90  }
0x106: {  	[hbm4b:s0+s2] =	stream.linear.scatter [tilespmem:s5], [sflag:$0x4], $0x6270, $0x38;
	[tilespmem:$0x18A00] =	vst v63  }
0x107: {  	_ =	swait.ge [sflag:s4], $0x6270  }
0x108: {  	[sflag:s4] =	ssyncset.done $0x0  }
0x109: {  	[sflag:s4] =	ssyncadd.s32 $0xFFFF9D90  }
0x10a: {  	_ =	swait.ge [sflag:s3], $0x6270  }
0x10b: {  	s0 =	sld [smem:$0x7B9]  }
0x10c: {  	[sflag:s3] =	ssyncset.done $0x0  }
0x10d: {  	s13 =	rddreg [dreg:$0x16];
	[sflag:s3] =	ssyncadd.s32 $0xFFFF9D90  }
0x10e: {  	[tilespmem:s2], [sflag:$0x1] =	stream.linear.gather [hbm4b:s0+s2], $0x1068, $0x38;
	[tilespmem:$0x18A00] =	vst v63  }
0x10f: {  	[smem:$0x7B6] =	sst s16  }
0x110: {  	[tilespmem:s29], [sflag:$0x1] =	stream.linear.gather [hbm4b:s13+s2], $0x1068, $0x38;
	[tilespmem:$0x18A00] =	vst v63  }
0x111: {  	s16 =	rddreg [dreg:$0x17]  }
0x112: {  	[tilespmem:s28], [sflag:$0x1] =	stream.linear.gather [hbm4b:s16+s2], $0x1068, $0x38;
	[tilespmem:$0x18A00] =	vst v63  }
0x113: {  	s0 =	rddreg [dreg:$0x18]  }
0x114: {  	[tilespmem:s22], [sflag:$0x1] =	stream.linear.gather [hbm4b:s0+s2], $0x1068, $0x38;
	[tilespmem:$0x18A00] =	vst v63  }
0x115: {  	_ = 	snop  }
0x116: {  	[tilespmem:s14], [sflag:$0x2] =	stream.linear.gather [hbm4b:s15+s2], $0x1068, $0x38;
	[tilespmem:$0x18A00] =	vst v63  }
0x117: {  	s13 =	rddreg [dreg:$0x19]  }
0x118: {  	[tilespmem:s19], [sflag:$0x2] =	stream.linear.gather [hbm4b:s13+s2], $0x1068, $0x38;
	[tilespmem:$0x18A00] =	vst v63  }
0x119: {  	s16 =	rddreg [dreg:$0x1a]  }
0x11a: {  	[tilespmem:s18], [sflag:$0x2] =	stream.linear.gather [hbm4b:s16+s2], $0x1068, $0x38;
	[tilespmem:$0x18A00] =	vst v63  }
0x11b: {  	s0 =	rddreg [dreg:$0x1b]  }
0x11c: {  	[tilespmem:s12], [sflag:$0x2] =	stream.linear.gather [hbm4b:s0+s2], $0x1068, $0x38;
	[tilespmem:$0x18A00] =	vst v63  }
0x11d: {  	_ =	swait.ge [sflag:s9], $0x1068  }
0x11e: {  	[sflag:s9] =	ssyncset.done $0x0  }
0x11f: {  	[sflag:s9] =	ssyncadd.s32 $0xFFFFEF98  }
0x120: {  	_ =	swait.ge [sflag:s9], $0x1068  }
0x121: {  	[sflag:s9] =	ssyncset.done $0x0  }
0x122: {  	[sflag:s9] =	ssyncadd.s32 $0xFFFFEF98  }
0x123: {  	_ =	swait.ge [sflag:s9], $0x1068  }
0x124: {  	[sflag:s9] =	ssyncset.done $0x0  }
0x125: {  	[sflag:s9] =	ssyncadd.s32 $0xFFFFEF98  }
0x126: {  	_ =	swait.ge [sflag:s9], $0x1068  }
0x127: {  	[sflag:s9] =	ssyncset.done $0x0  }
0x128: {  	s13 =	sld [smem:$0x7BA];
	[sflag:s9] =	ssyncadd.s32 $0xFFFFEF98  }
0x129: {  	[hbm4b:s21+s2] =	stream.linear.scatter [tilespmem:s8], [sflag:$0x3], $0x41A0, $0x38;
	[tilespmem:$0x18A00] =	vst v63  }
0x12a: {  	_ = 	snop  }
0x12b: {  	[tilespmem:s2], [sflag:$0x1] =	stream.linear.gather [hbm4b:s13+s2], $0x1068, $0x38;
	[tilespmem:$0x18A00] =	vst v63  }
0x12c: {  	s11 =	rddreg [dreg:$0x1c]  }
0x12d: {  	[tilespmem:s29], [sflag:$0x1] =	stream.linear.gather [hbm4b:s11+s2], $0x1068, $0x38;
	[tilespmem:$0x18A00] =	vst v63  }
0x12e: {  	s16 =	rddreg [dreg:$0x1d]  }
0x12f: {  	[tilespmem:s28], [sflag:$0x1] =	stream.linear.gather [hbm4b:s16+s2], $0x1068, $0x38;
	[tilespmem:$0x18A00] =	vst v63  }
0x130: {  	s0 =	rddreg [dreg:$0x1e]  }
0x131: {  	[tilespmem:s22], [sflag:$0x1] =	stream.linear.gather [hbm4b:s0+s2], $0x1068, $0x38;
	[tilespmem:$0x18A00] =	vst v63  }
0x132: {  	_ =	swait.ge [sflag:s6], $0x1068  }
0x133: {  	[sflag:s6] =	ssyncset.done $0x0  }
0x134: {  	[sflag:s6] =	ssyncadd.s32 $0xFFFFEF98  }
0x135: {  	_ =	swait.ge [sflag:s6], $0x1068  }
0x136: {  	[sflag:s6] =	ssyncset.done $0x0  }
0x137: {  	[sflag:s6] =	ssyncadd.s32 $0xFFFFEF98  }
0x138: {  	_ =	swait.ge [sflag:s6], $0x1068  }
0x139: {  	[sflag:s6] =	ssyncset.done $0x0  }
0x13a: {  	[sflag:s6] =	ssyncadd.s32 $0xFFFFEF98  }
0x13b: {  	_ =	swait.ge [sflag:s6], $0x1068  }
0x13c: {  	[sflag:s6] =	ssyncset.done $0x0  }
0x13d: {  	s13 =	rddreg [dreg:$0x1f];
	[sflag:s6] =	ssyncadd.s32 $0xFFFFEF98  }
0x13e: {  	[hbm4b:s13+s2] =	stream.linear.scatter [tilespmem:s5], [sflag:$0x4], $0x41A0, $0x38;
	[tilespmem:$0x18A00] =	vst v63  }
0x13f: {  	s16 =	sld [smem:$0x7BB]  }
0x140: {  	[tilespmem:s14], [sflag:$0x2] =	stream.linear.gather [hbm4b:s7+s2], $0x1068, $0x38;
	[tilespmem:$0x18A00] =	vst v63  }
0x141: {  	s0 =	sld [smem:$0x7BC]  }
0x142: {  	[tilespmem:s19], [sflag:$0x2] =	stream.linear.gather [hbm4b:s16+s2], $0x1068, $0x38;
	[tilespmem:$0x18A00] =	vst v63  }
0x143: {  	s7 =	sld [smem:$0x7BD]  }
0x144: {  	[tilespmem:s18], [sflag:$0x2] =	stream.linear.gather [hbm4b:s0+s2], $0x1068, $0x38;
	[tilespmem:$0x18A00] =	vst v63  }
0x145: {  	_ = 	snop  }
0x146: {  	[tilespmem:s12], [sflag:$0x2] =	stream.linear.gather [hbm4b:s7+s2], $0x1068, $0x38;
	[tilespmem:$0x18A00] =	vst v63  }
0x147: {  	_ =	swait.ge [sflag:s9], $0x1068  }
0x148: {  	[sflag:s9] =	ssyncset.done $0x0  }
0x149: {  	[sflag:s9] =	ssyncadd.s32 $0xFFFFEF98  }
0x14a: {  	_ =	swait.ge [sflag:s9], $0x1068  }
0x14b: {  	[sflag:s9] =	ssyncset.done $0x0  }
0x14c: {  	[sflag:s9] =	ssyncadd.s32 $0xFFFFEF98  }
0x14d: {  	_ =	swait.ge [sflag:s9], $0x1068  }
0x14e: {  	[sflag:s9] =	ssyncset.done $0x0  }
0x14f: {  	[sflag:s9] =	ssyncadd.s32 $0xFFFFEF98  }
0x150: {  	_ =	swait.ge [sflag:s9], $0x1068  }
0x151: {  	[sflag:s9] =	ssyncset.done $0x0  }
0x152: {  	[sflag:s9] =	ssyncadd.s32 $0xFFFFEF98  }
0x153: {  	_ =	swait.ge [sflag:s4], $0x41A0  }
0x154: {  	s13 =	sld [smem:$0x7BE]  }
0x155: {  	[sflag:s4] =	ssyncset.done $0x0  }
0x156: {  	[sflag:s4] =	ssyncadd.s32 $0xFFFFBE60  }
0x157: {  	[hbm4b:s13+s2] =	stream.linear.scatter [tilespmem:s8], [sflag:$0x3], $0x41A0, $0x38;
	[tilespmem:$0x18A00] =	vst v63  }
0x158: {  	s16 =	sld [smem:$0x7BF]  }
0x159: {  	[tilespmem:s2], [sflag:$0x1] =	stream.linear.gather [hbm4b:s20+s2], $0x1068, $0x38;
	[tilespmem:$0x18A00] =	vst v63  }
0x15a: {  	s0 =	sld [smem:$0x7C0]  }
0x15b: {  	[tilespmem:s29], [sflag:$0x1] =	stream.linear.gather [hbm4b:s16+s2], $0x1068, $0x38;
	[tilespmem:$0x18A00] =	vst v63  }
0x15c: {  	s7 =	sld [smem:$0x7C1]  }
0x15d: {  	[tilespmem:s28], [sflag:$0x1] =	stream.linear.gather [hbm4b:s0+s2], $0x1068, $0x38;
	[tilespmem:$0x18A00] =	vst v63  }
0x15e: {  	[smem:$0x7B8] =	sst s15  }
0x15f: {  	[tilespmem:s22], [sflag:$0x1] =	stream.linear.gather [hbm4b:s7+s2], $0x1068, $0x38;
	[tilespmem:$0x18A00] =	vst v63  }
0x160: {  	_ =	swait.ge [sflag:s6], $0x1068  }
0x161: {  	[sflag:s6] =	ssyncset.done $0x0  }
0x162: {  	[sflag:s6] =	ssyncadd.s32 $0xFFFFEF98  }
0x163: {  	_ =	swait.ge [sflag:s6], $0x1068  }
0x164: {  	[sflag:s6] =	ssyncset.done $0x0  }
0x165: {  	[sflag:s6] =	ssyncadd.s32 $0xFFFFEF98  }
0x166: {  	_ =	swait.ge [sflag:s6], $0x1068  }
0x167: {  	[sflag:s6] =	ssyncset.done $0x0  }
0x168: {  	[sflag:s6] =	ssyncadd.s32 $0xFFFFEF98  }
0x169: {  	_ =	swait.ge [sflag:s6], $0x1068  }
0x16a: {  	[sflag:s6] =	ssyncset.done $0x0  }
0x16b: {  	[sflag:s6] =	ssyncadd.s32 $0xFFFFEF98  }
0x16c: {  	_ =	swait.ge [sflag:s3], $0x41A0  }
0x16d: {  	s16 =	sld [smem:$0x7C2]  }
0x16e: {  	[sflag:s3] =	ssyncset.done $0x0  }
0x16f: {  	[sflag:s3] =	ssyncadd.s32 $0xFFFFBE60  }
0x170: {  	[hbm4b:s16+s2] =	stream.linear.scatter [tilespmem:s5], [sflag:$0x4], $0x41A0, $0x38;
	[tilespmem:$0x18A00] =	vst v63  }
0x171: {  	s15 =	smov.u32 s20;
	s20 =	sld [smem:$0x7C3]  }
0x172: {  	[tilespmem:s14], [sflag:$0x2] =	stream.linear.gather [hbm4b:s10+s2], $0x1068, $0x38;
	[tilespmem:$0x18A00] =	vst v63  }
0x173: {  	s0 =	sld [smem:$0x7C4]  }
0x174: {  	[tilespmem:s19], [sflag:$0x2] =	stream.linear.gather [hbm4b:s20+s2], $0x1068, $0x38;
	[tilespmem:$0x18A00] =	vst v63  }
0x175: {  	s7 =	sld [smem:$0x7C5]  }
0x176: {  	[tilespmem:s18], [sflag:$0x2] =	stream.linear.gather [hbm4b:s0+s2], $0x1068, $0x38;
	[tilespmem:$0x18A00] =	vst v63  }
0x177: {  	_ = 	snop  }
0x178: {  	[tilespmem:s12], [sflag:$0x2] =	stream.linear.gather [hbm4b:s7+s2], $0x1068, $0x38;
	[tilespmem:$0x18A00] =	vst v63  }
0x179: {  	_ =	swait.ge [sflag:s9], $0x1068  }
0x17a: {  	[sflag:s9] =	ssyncset.done $0x0  }
0x17b: {  	[sflag:s9] =	ssyncadd.s32 $0xFFFFEF98  }
0x17c: {  	_ =	swait.ge [sflag:s9], $0x1068  }
0x17d: {  	[sflag:s9] =	ssyncset.done $0x0  }
0x17e: {  	[sflag:s9] =	ssyncadd.s32 $0xFFFFEF98  }
0x17f: {  	_ =	swait.ge [sflag:s9], $0x1068  }
0x180: {  	[sflag:s9] =	ssyncset.done $0x0  }
0x181: {  	[sflag:s9] =	ssyncadd.s32 $0xFFFFEF98  }
0x182: {  	_ =	swait.ge [sflag:s9], $0x1068  }
0x183: {  	[sflag:s9] =	ssyncset.done $0x0  }
0x184: {  	[sflag:s9] =	ssyncadd.s32 $0xFFFFEF98  }
0x185: {  	_ =	swait.ge [sflag:s4], $0x41A0  }
0x186: {  	s13 =	sld [smem:$0x7C6]  }
0x187: {  	[sflag:s4] =	ssyncset.done $0x0  }
0x188: {  	[sflag:s4] =	ssyncadd.s32 $0xFFFFBE60  }
0x189: {  	[hbm4b:s13+s2] =	stream.linear.scatter [tilespmem:s8], [sflag:$0x3], $0x41A0, $0x38;
	[tilespmem:$0x18A00] =	vst v63  }
0x18a: {  	s16 =	sld [smem:$0x7C7]  }
0x18b: {  	[tilespmem:s2], [sflag:$0x1] =	stream.linear.gather [hbm4b:s1+s2], $0x1068, $0x38;
	[tilespmem:$0x18A00] =	vst v63  }
0x18c: {  	s20 =	sld [smem:$0x7C8]  }
0x18d: {  	[tilespmem:s29], [sflag:$0x1] =	stream.linear.gather [hbm4b:s16+s2], $0x1068, $0x38;
	[tilespmem:$0x18A00] =	vst v63  }
0x18e: {  	s0 =	sld [smem:$0x7C9]  }
0x18f: {  	[tilespmem:s28], [sflag:$0x1] =	stream.linear.gather [hbm4b:s20+s2], $0x1068, $0x38;
	[tilespmem:$0x18A00] =	vst v63  }
0x190: {  	_ = 	snop  }
0x191: {  	[tilespmem:s22], [sflag:$0x1] =	stream.linear.gather [hbm4b:s0+s2], $0x1068, $0x38;
	[tilespmem:$0x18A00] =	vst v63  }
0x192: {  	_ =	swait.ge [sflag:s6], $0x1068  }
0x193: {  	[sflag:s6] =	ssyncset.done $0x0  }
0x194: {  	[sflag:s6] =	ssyncadd.s32 $0xFFFFEF98  }
0x195: {  	_ =	swait.ge [sflag:s6], $0x1068  }
0x196: {  	[sflag:s6] =	ssyncset.done $0x0  }
0x197: {  	[sflag:s6] =	ssyncadd.s32 $0xFFFFEF98  }
0x198: {  	_ =	swait.ge [sflag:s6], $0x1068  }
0x199: {  	[sflag:s6] =	ssyncset.done $0x0  }
0x19a: {  	[sflag:s6] =	ssyncadd.s32 $0xFFFFEF98  }
0x19b: {  	_ =	swait.ge [sflag:s6], $0x1068  }
0x19c: {  	[sflag:s6] =	ssyncset.done $0x0  }
0x19d: {  	[sflag:s6] =	ssyncadd.s32 $0xFFFFEF98  }
0x19e: {  	_ =	swait.ge [sflag:s3], $0x41A0  }
0x19f: {  	s7 =	smov.u32 s1;
	s1 =	sld [smem:$0x7CA]  }
0x1a0: {  	[sflag:s3] =	ssyncset.done $0x0  }
0x1a1: {  	s16 =	sld [smem:$0x7CC];
	[sflag:s3] =	ssyncadd.s32 $0xFFFFBE60  }
0x1a2: {  	[hbm4b:s1+s2] =	stream.linear.scatter [tilespmem:s5], [sflag:$0x4], $0x41A0, $0x38;
	[tilespmem:$0x18A00] =	vst v63  }
0x1a3: {  	s13 =	sld [smem:$0x7CB]  }
0x1a4: {  	[tilespmem:s14], [sflag:$0x2] =	stream.linear.gather [hbm4b:s16+s2], $0x1068, $0x38;
	[tilespmem:$0x18A00] =	vst v63  }
0x1a5: {  	s0 =	sld [smem:$0x7CD]  }
0x1a6: {  	[tilespmem:s19], [sflag:$0x2] =	stream.linear.gather [hbm4b:s13+s2], $0x1068, $0x38;
	[tilespmem:$0x18A00] =	vst v63  }
0x1a7: {  	s1 =	sld [smem:$0x7CE]  }
0x1a8: {  	[tilespmem:s18], [sflag:$0x2] =	stream.linear.gather [hbm4b:s0+s2], $0x1068, $0x38;
	[tilespmem:$0x18A00] =	vst v63  }
0x1a9: {  	_ = 	snop  }
0x1aa: {  	[tilespmem:s12], [sflag:$0x2] =	stream.linear.gather [hbm4b:s1+s2], $0x1068, $0x38;
	[tilespmem:$0x18A00] =	vst v63  }
0x1ab: {  	_ =	swait.ge [sflag:s9], $0x1068  }
0x1ac: {  	[sflag:s9] =	ssyncset.done $0x0  }
0x1ad: {  	[sflag:s9] =	ssyncadd.s32 $0xFFFFEF98  }
0x1ae: {  	_ =	swait.ge [sflag:s9], $0x1068  }
0x1af: {  	[sflag:s9] =	ssyncset.done $0x0  }
0x1b0: {  	[sflag:s9] =	ssyncadd.s32 $0xFFFFEF98  }
0x1b1: {  	_ =	swait.ge [sflag:s9], $0x1068  }
0x1b2: {  	[sflag:s9] =	ssyncset.done $0x0  }
0x1b3: {  	[sflag:s9] =	ssyncadd.s32 $0xFFFFEF98  }
0x1b4: {  	_ =	swait.ge [sflag:s9], $0x1068  }
0x1b5: {  	[sflag:s9] =	ssyncset.done $0x0  }
0x1b6: {  	[sflag:s9] =	ssyncadd.s32 $0xFFFFEF98  }
0x1b7: {  	_ =	swait.ge [sflag:s4], $0x41A0  }
0x1b8: {  	s16 =	sld [smem:$0x7CF]  }
0x1b9: {  	[sflag:s4] =	ssyncset.done $0x0  }
0x1ba: {  	[sflag:s4] =	ssyncadd.s32 $0xFFFFBE60  }
0x1bb: {  	[hbm4b:s16+s2] =	stream.linear.scatter [tilespmem:s8], [sflag:$0x3], $0x41A0, $0x38;
	[tilespmem:$0x18A00] =	vst v63  }
0x1bc: {  	s20 =	sld [smem:$0x7D0]  }
0x1bd: {  	[tilespmem:s2], [sflag:$0x1] =	stream.linear.gather [hbm4b:s31+s2], $0x1068, $0x38;
	[tilespmem:$0x18A00] =	vst v63  }
0x1be: {  	s0 =	sld [smem:$0x7D1]  }
0x1bf: {  	[tilespmem:s29], [sflag:$0x1] =	stream.linear.gather [hbm4b:s20+s2], $0x1068, $0x38;
	[tilespmem:$0x18A00] =	vst v63  }
0x1c0: {  	s1 =	sld [smem:$0x7D2]  }
0x1c1: {  	[tilespmem:s28], [sflag:$0x1] =	stream.linear.gather [hbm4b:s0+s2], $0x1068, $0x38;
	[tilespmem:$0x18A00] =	vst v63  }
0x1c2: {  	_ = 	snop  }
0x1c3: {  	[tilespmem:s22], [sflag:$0x1] =	stream.linear.gather [hbm4b:s1+s2], $0x1068, $0x38;
	[tilespmem:$0x18A00] =	vst v63  }
0x1c4: {  	_ =	swait.ge [sflag:s6], $0x1068  }
0x1c5: {  	[sflag:s6] =	ssyncset.done $0x0  }
0x1c6: {  	[sflag:s6] =	ssyncadd.s32 $0xFFFFEF98  }
0x1c7: {  	_ =	swait.ge [sflag:s6], $0x1068  }
0x1c8: {  	[sflag:s6] =	ssyncset.done $0x0  }
0x1c9: {  	[sflag:s6] =	ssyncadd.s32 $0xFFFFEF98  }
0x1ca: {  	_ =	swait.ge [sflag:s6], $0x1068  }
0x1cb: {  	[sflag:s6] =	ssyncset.done $0x0  }
0x1cc: {  	[sflag:s6] =	ssyncadd.s32 $0xFFFFEF98  }
0x1cd: {  	_ =	swait.ge [sflag:s6], $0x1068  }
0x1ce: {  	[sflag:s6] =	ssyncset.done $0x0  }
0x1cf: {  	[sflag:s6] =	ssyncadd.s32 $0xFFFFEF98  }
0x1d0: {  	_ =	swait.ge [sflag:s3], $0x41A0  }
0x1d1: {  	s16 =	sld [smem:$0x7D3]  }
0x1d2: {  	[sflag:s3] =	ssyncset.done $0x0  }
0x1d3: {  	[sflag:s3] =	ssyncadd.s32 $0xFFFFBE60  }
0x1d4: {  	[hbm4b:s16+s2] =	stream.linear.scatter [tilespmem:s5], [sflag:$0x4], $0x41A0, $0x38;
	[tilespmem:$0x18A00] =	vst v63  }
0x1d5: {  	s20 =	sld [smem:$0x7D4]  }
0x1d6: {  	[tilespmem:s14], [sflag:$0x2] =	stream.linear.gather [hbm4b:s30+s2], $0x1068, $0x38;
	[tilespmem:$0x18A00] =	vst v63  }
0x1d7: {  	s0 =	sld [smem:$0x7D5]  }
0x1d8: {  	[tilespmem:s19], [sflag:$0x2] =	stream.linear.gather [hbm4b:s20+s2], $0x1068, $0x38;
	[tilespmem:$0x18A00] =	vst v63  }
0x1d9: {  	s1 =	sld [smem:$0x7D6]  }
0x1da: {  	[tilespmem:s18], [sflag:$0x2] =	stream.linear.gather [hbm4b:s0+s2], $0x1068, $0x38;
	[tilespmem:$0x18A00] =	vst v63  }
0x1db: {  	_ = 	snop  }
0x1dc: {  	[tilespmem:s12], [sflag:$0x2] =	stream.linear.gather [hbm4b:s1+s2], $0x1068, $0x38;
	[tilespmem:$0x18A00] =	vst v63  }
0x1dd: {  	_ =	swait.ge [sflag:s9], $0x1068  }
0x1de: {  	[sflag:s9] =	ssyncset.done $0x0  }
0x1df: {  	[sflag:s9] =	ssyncadd.s32 $0xFFFFEF98  }
0x1e0: {  	_ =	swait.ge [sflag:s9], $0x1068  }
0x1e1: {  	[sflag:s9] =	ssyncset.done $0x0  }
0x1e2: {  	[sflag:s9] =	ssyncadd.s32 $0xFFFFEF98  }
0x1e3: {  	_ =	swait.ge [sflag:s9], $0x1068  }
0x1e4: {  	[sflag:s9] =	ssyncset.done $0x0  }
0x1e5: {  	[sflag:s9] =	ssyncadd.s32 $0xFFFFEF98  }
0x1e6: {  	_ =	swait.ge [sflag:s9], $0x1068  }
0x1e7: {  	[sflag:s9] =	ssyncset.done $0x0  }
0x1e8: {  	[sflag:s9] =	ssyncadd.s32 $0xFFFFEF98  }
0x1e9: {  	_ =	swait.ge [sflag:s4], $0x41A0  }
0x1ea: {  	s16 =	sld [smem:$0x7D7]  }
0x1eb: {  	[sflag:s4] =	ssyncset.done $0x0  }
0x1ec: {  	[sflag:s4] =	ssyncadd.s32 $0xFFFFBE60  }
0x1ed: {  	[hbm4b:s16+s2] =	stream.linear.scatter [tilespmem:s8], [sflag:$0x3], $0x41A0, $0x38;
	[tilespmem:$0x18A00] =	vst v63  }
0x1ee: {  	s20 =	sld [smem:$0x7D8]  }
0x1ef: {  	[tilespmem:s2], [sflag:$0x1] =	stream.linear.gather [hbm4b:s26+s2], $0x1068, $0x38;
	[tilespmem:$0x18A00] =	vst v63  }
0x1f0: {  	s0 =	sld [smem:$0x7D9]  }
0x1f1: {  	[tilespmem:s29], [sflag:$0x1] =	stream.linear.gather [hbm4b:s20+s2], $0x1068, $0x38;
	[tilespmem:$0x18A00] =	vst v63  }
0x1f2: {  	s1 =	sld [smem:$0x7DA]  }
0x1f3: {  	[tilespmem:s28], [sflag:$0x1] =	stream.linear.gather [hbm4b:s0+s2], $0x1068, $0x38;
	[tilespmem:$0x18A00] =	vst v63  }
0x1f4: {  	_ = 	snop  }
0x1f5: {  	[tilespmem:s22], [sflag:$0x1] =	stream.linear.gather [hbm4b:s1+s2], $0x1068, $0x38;
	[tilespmem:$0x18A00] =	vst v63  }
0x1f6: {  	_ =	swait.ge [sflag:s6], $0x1068  }
0x1f7: {  	[sflag:s6] =	ssyncset.done $0x0  }
0x1f8: {  	[sflag:s6] =	ssyncadd.s32 $0xFFFFEF98  }
0x1f9: {  	_ =	swait.ge [sflag:s6], $0x1068  }
0x1fa: {  	[sflag:s6] =	ssyncset.done $0x0  }
0x1fb: {  	[sflag:s6] =	ssyncadd.s32 $0xFFFFEF98  }
0x1fc: {  	_ =	swait.ge [sflag:s6], $0x1068  }
0x1fd: {  	[sflag:s6] =	ssyncset.done $0x0  }
0x1fe: {  	[sflag:s6] =	ssyncadd.s32 $0xFFFFEF98  }
0x1ff: {  	_ =	swait.ge [sflag:s6], $0x1068  }
0x200: {  	[sflag:s6] =	ssyncset.done $0x0  }
0x201: {  	[sflag:s6] =	ssyncadd.s32 $0xFFFFEF98  }
0x202: {  	_ =	swait.ge [sflag:s3], $0x41A0  }
0x203: {  	s16 =	sld [smem:$0x7DB]  }
0x204: {  	[sflag:s3] =	ssyncset.done $0x0  }
0x205: {  	[sflag:s3] =	ssyncadd.s32 $0xFFFFBE60  }
0x206: {  	[hbm4b:s16+s2] =	stream.linear.scatter [tilespmem:s5], [sflag:$0x4], $0x41A0, $0x38;
	[tilespmem:$0x18A00] =	vst v63  }
0x207: {  	s20 =	sld [smem:$0x7DC]  }
0x208: {  	[tilespmem:s14], [sflag:$0x2] =	stream.linear.gather [hbm4b:s25+s2], $0x1068, $0x38;
	[tilespmem:$0x18A00] =	vst v63  }
0x209: {  	s0 =	sld [smem:$0x7DD]  }
0x20a: {  	[tilespmem:s19], [sflag:$0x2] =	stream.linear.gather [hbm4b:s20+s2], $0x1068, $0x38;
	[tilespmem:$0x18A00] =	vst v63  }
0x20b: {  	s1 =	sld [smem:$0x7DE]  }
0x20c: {  	[tilespmem:s18], [sflag:$0x2] =	stream.linear.gather [hbm4b:s0+s2], $0x1068, $0x38;
	[tilespmem:$0x18A00] =	vst v63  }
0x20d: {  	_ = 	snop  }
0x20e: {  	[tilespmem:s12], [sflag:$0x2] =	stream.linear.gather [hbm4b:s1+s2], $0x1068, $0x38;
	[tilespmem:$0x18A00] =	vst v63  }
0x20f: {  	_ =	swait.ge [sflag:s9], $0x1068  }
0x210: {  	[sflag:s9] =	ssyncset.done $0x0  }
0x211: {  	[sflag:s9] =	ssyncadd.s32 $0xFFFFEF98  }
0x212: {  	_ =	swait.ge [sflag:s9], $0x1068  }
0x213: {  	[sflag:s9] =	ssyncset.done $0x0  }
0x214: {  	[sflag:s9] =	ssyncadd.s32 $0xFFFFEF98  }
0x215: {  	_ =	swait.ge [sflag:s9], $0x1068  }
0x216: {  	[sflag:s9] =	ssyncset.done $0x0  }
0x217: {  	[sflag:s9] =	ssyncadd.s32 $0xFFFFEF98  }
0x218: {  	_ =	swait.ge [sflag:s9], $0x1068  }
0x219: {  	[sflag:s9] =	ssyncset.done $0x0  }
0x21a: {  	[sflag:s9] =	ssyncadd.s32 $0xFFFFEF98  }
0x21b: {  	_ =	swait.ge [sflag:s4], $0x41A0  }
0x21c: {  	s16 =	sld [smem:$0x7DF]  }
0x21d: {  	[sflag:s4] =	ssyncset.done $0x0  }
0x21e: {  	[sflag:s4] =	ssyncadd.s32 $0xFFFFBE60  }
0x21f: {  	[hbm4b:s16+s2] =	stream.linear.scatter [tilespmem:s8], [sflag:$0x3], $0x41A0, $0x38;
	[tilespmem:$0x18A00] =	vst v63  }
0x220: {  	s20 =	sld [smem:$0x7E0]  }
0x221: {  	[tilespmem:s2], [sflag:$0x1] =	stream.linear.gather [hbm4b:s24+s2], $0x1068, $0x38;
	[tilespmem:$0x18A00] =	vst v63  }
0x222: {  	s0 =	sld [smem:$0x7E1]  }
0x223: {  	[tilespmem:s29], [sflag:$0x1] =	stream.linear.gather [hbm4b:s20+s2], $0x1068, $0x38;
	[tilespmem:$0x18A00] =	vst v63  }
0x224: {  	s1 =	sld [smem:$0x7E2]  }
0x225: {  	[tilespmem:s28], [sflag:$0x1] =	stream.linear.gather [hbm4b:s0+s2], $0x1068, $0x38;
	[tilespmem:$0x18A00] =	vst v63  }
0x226: {  	_ = 	snop  }
0x227: {  	[tilespmem:s22], [sflag:$0x1] =	stream.linear.gather [hbm4b:s1+s2], $0x1068, $0x38;
	[tilespmem:$0x18A00] =	vst v63  }
0x228: {  	_ =	swait.ge [sflag:s6], $0x1068  }
0x229: {  	[sflag:s6] =	ssyncset.done $0x0  }
0x22a: {  	[sflag:s6] =	ssyncadd.s32 $0xFFFFEF98  }
0x22b: {  	_ =	swait.ge [sflag:s6], $0x1068  }
0x22c: {  	[sflag:s6] =	ssyncset.done $0x0  }
0x22d: {  	[sflag:s6] =	ssyncadd.s32 $0xFFFFEF98  }
0x22e: {  	_ =	swait.ge [sflag:s6], $0x1068  }
0x22f: {  	[sflag:s6] =	ssyncset.done $0x0  }
0x230: {  	[sflag:s6] =	ssyncadd.s32 $0xFFFFEF98  }
0x231: {  	_ =	swait.ge [sflag:s6], $0x1068  }
0x232: {  	[sflag:s6] =	ssyncset.done $0x0  }
0x233: {  	[sflag:s6] =	ssyncadd.s32 $0xFFFFEF98  }
0x234: {  	_ =	swait.ge [sflag:s3], $0x41A0  }
0x235: {  	s13 =	sld [smem:$0x7E3]  }
0x236: {  	[sflag:s3] =	ssyncset.done $0x0  }
0x237: {  	[sflag:s3] =	ssyncadd.s32 $0xFFFFBE60  }
0x238: {  	[hbm4b:s13+s2] =	stream.linear.scatter [tilespmem:s5], [sflag:$0x4], $0x41A0, $0x38;
	[tilespmem:$0x18A00] =	vst v63  }
0x239: {  	s16 =	sld [smem:$0x7E4]  }
0x23a: {  	[tilespmem:s14], [sflag:$0x2] =	stream.linear.gather [hbm4b:s23+s2], $0x1068, $0x38;
	[tilespmem:$0x18A00] =	vst v63  }
0x23b: {  	s20 =	sld [smem:$0x7E5]  }
0x23c: {  	[tilespmem:s19], [sflag:$0x2] =	stream.linear.gather [hbm4b:s16+s2], $0x1068, $0x38;
	[tilespmem:$0x18A00] =	vst v63  }
0x23d: {  	s0 =	sld [smem:$0x7E6]  }
0x23e: {  	[tilespmem:s18], [sflag:$0x2] =	stream.linear.gather [hbm4b:s20+s2], $0x1068, $0x38;
	[tilespmem:$0x18A00] =	vst v63  }
0x23f: {  	_ = 	snop  }
0x240: {  	[tilespmem:s12], [sflag:$0x2] =	stream.linear.gather [hbm4b:s0+s2], $0x1068, $0x38;
	[tilespmem:$0x18A00] =	vst v63  }
0x241: {  	_ =	swait.ge [sflag:s9], $0x1068  }
0x242: {  	[sflag:s9] =	ssyncset.done $0x0  }
0x243: {  	[sflag:s9] =	ssyncadd.s32 $0xFFFFEF98  }
0x244: {  	_ =	swait.ge [sflag:s9], $0x1068  }
0x245: {  	[sflag:s9] =	ssyncset.done $0x0  }
0x246: {  	[sflag:s9] =	ssyncadd.s32 $0xFFFFEF98  }
0x247: {  	_ =	swait.ge [sflag:s9], $0x1068  }
0x248: {  	[sflag:s9] =	ssyncset.done $0x0  }
0x249: {  	[sflag:s9] =	ssyncadd.s32 $0xFFFFEF98  }
0x24a: {  	_ =	swait.ge [sflag:s9], $0x1068  }
0x24b: {  	[sflag:s9] =	ssyncset.done $0x0  }
0x24c: {  	[sflag:s9] =	ssyncadd.s32 $0xFFFFEF98  }
0x24d: {  	_ =	swait.ge [sflag:s4], $0x41A0  }
0x24e: {  	s1 =	sld [smem:$0x7E7]  }
0x24f: {  	[sflag:s4] =	ssyncset.done $0x0  }
0x250: {  	s16 =	sld [smem:$0x7E9];
	[sflag:s4] =	ssyncadd.s32 $0xFFFFBE60  }
0x251: {  	[hbm4b:s1+s2] =	stream.linear.scatter [tilespmem:s8], [sflag:$0x3], $0x41A0, $0x38;
	[tilespmem:$0x18A00] =	vst v63  }
0x252: {  	s13 =	sld [smem:$0x7E8]  }
0x253: {  	[tilespmem:s2], [sflag:$0x1] =	stream.linear.gather [hbm4b:s16+s2], $0x1068, $0x38;
	[tilespmem:$0x18A00] =	vst v63  }
0x254: {  	s20 =	sld [smem:$0x7EA]  }
0x255: {  	[tilespmem:s29], [sflag:$0x1] =	stream.linear.gather [hbm4b:s13+s2], $0x1068, $0x38;
	[tilespmem:$0x18A00] =	vst v63  }
0x256: {  	s0 =	sld [smem:$0x7EB]  }
0x257: {  	[tilespmem:s28], [sflag:$0x1] =	stream.linear.gather [hbm4b:s20+s2], $0x1068, $0x38;
	[tilespmem:$0x18A00] =	vst v63  }
0x258: {  	_ = 	snop  }
0x259: {  	[tilespmem:s22], [sflag:$0x1] =	stream.linear.gather [hbm4b:s0+s2], $0x1068, $0x38;
	[tilespmem:$0x18A00] =	vst v63  }
0x25a: {  	_ =	swait.ge [sflag:s6], $0x1068  }
0x25b: {  	[sflag:s6] =	ssyncset.done $0x0  }
0x25c: {  	[sflag:s6] =	ssyncadd.s32 $0xFFFFEF98  }
0x25d: {  	_ =	swait.ge [sflag:s6], $0x1068  }
0x25e: {  	[sflag:s6] =	ssyncset.done $0x0  }
0x25f: {  	[sflag:s6] =	ssyncadd.s32 $0xFFFFEF98  }
0x260: {  	_ =	swait.ge [sflag:s6], $0x1068  }
0x261: {  	[sflag:s6] =	ssyncset.done $0x0  }
0x262: {  	[sflag:s6] =	ssyncadd.s32 $0xFFFFEF98  }
0x263: {  	_ =	swait.ge [sflag:s6], $0x1068  }
0x264: {  	[sflag:s6] =	ssyncset.done $0x0  }
0x265: {  	[sflag:s6] =	ssyncadd.s32 $0xFFFFEF98  }
0x266: {  	_ =	swait.ge [sflag:s3], $0x41A0  }
0x267: {  	s1 =	sld [smem:$0x7EC]  }
0x268: {  	[sflag:s3] =	ssyncset.done $0x0  }
0x269: {  	s16 =	sld [smem:$0x7EE];
	[sflag:s3] =	ssyncadd.s32 $0xFFFFBE60  }
0x26a: {  	[hbm4b:s1+s2] =	stream.linear.scatter [tilespmem:s5], [sflag:$0x4], $0x41A0, $0x38;
	[tilespmem:$0x18A00] =	vst v63  }
0x26b: {  	s13 =	sld [smem:$0x7ED]  }
0x26c: {  	[tilespmem:s14], [sflag:$0x2] =	stream.linear.gather [hbm4b:s16+s2], $0x1068, $0x38;
	[tilespmem:$0x18A00] =	vst v63  }
0x26d: {  	s20 =	sld [smem:$0x7EF]  }
0x26e: {  	[tilespmem:s19], [sflag:$0x2] =	stream.linear.gather [hbm4b:s13+s2], $0x1068, $0x38;
	[tilespmem:$0x18A00] =	vst v63  }
0x26f: {  	s0 =	sld [smem:$0x7F0]  }
0x270: {  	[tilespmem:s18], [sflag:$0x2] =	stream.linear.gather [hbm4b:s20+s2], $0x1068, $0x38;
	[tilespmem:$0x18A00] =	vst v63  }
0x271: {  	_ = 	snop  }
0x272: {  	[tilespmem:s12], [sflag:$0x2] =	stream.linear.gather [hbm4b:s0+s2], $0x1068, $0x38;
	[tilespmem:$0x18A00] =	vst v63  }
0x273: {  	_ =	swait.ge [sflag:s9], $0x1068  }
0x274: {  	[sflag:s9] =	ssyncset.done $0x0  }
0x275: {  	[sflag:s9] =	ssyncadd.s32 $0xFFFFEF98  }
0x276: {  	_ =	swait.ge [sflag:s9], $0x1068  }
0x277: {  	[sflag:s9] =	ssyncset.done $0x0  }
0x278: {  	[sflag:s9] =	ssyncadd.s32 $0xFFFFEF98  }
0x279: {  	_ =	swait.ge [sflag:s9], $0x1068  }
0x27a: {  	[sflag:s9] =	ssyncset.done $0x0  }
0x27b: {  	[sflag:s9] =	ssyncadd.s32 $0xFFFFEF98  }
0x27c: {  	_ =	swait.ge [sflag:s9], $0x1068  }
0x27d: {  	[sflag:s9] =	ssyncset.done $0x0  }
0x27e: {  	[sflag:s9] =	ssyncadd.s32 $0xFFFFEF98  }
0x27f: {  	_ =	swait.ge [sflag:s4], $0x41A0  }
0x280: {  	s1 =	sld [smem:$0x7F1]  }
0x281: {  	[sflag:s4] =	ssyncset.done $0x0  }
0x282: {  	s16 =	smov.u32 s17;
	s17 =	sld [smem:$0x7B5];
	[sflag:s4] =	ssyncadd.s32 $0xFFFFBE60  }
0x283: {  	[hbm4b:s1+s2] =	stream.linear.scatter [tilespmem:s8], [sflag:$0x3], $0x41A0, $0x38;
	[tilespmem:$0x18A00] =	vst v63  }
0x284: {  	s13 =	sld [smem:$0x7F2]  }
0x285: {  	[tilespmem:s2], [sflag:$0x1] =	stream.linear.gather [hbm4b:s17+s2], $0x1068, $0x38;
	[tilespmem:$0x18A00] =	vst v63  }
0x286: {  	s20 =	sld [smem:$0x7F3]  }
0x287: {  	[tilespmem:s29], [sflag:$0x1] =	stream.linear.gather [hbm4b:s13+s2], $0x1068, $0x38;
	[tilespmem:$0x18A00] =	vst v63  }
0x288: {  	s0 =	sld [smem:$0x7F4]  }
0x289: {  	[tilespmem:s28], [sflag:$0x1] =	stream.linear.gather [hbm4b:s20+s2], $0x1068, $0x38;
	[tilespmem:$0x18A00] =	vst v63  }
0x28a: {  	_ = 	snop  }
0x28b: {  	[tilespmem:s22], [sflag:$0x1] =	stream.linear.gather [hbm4b:s0+s2], $0x1068, $0x38;
	[tilespmem:$0x18A00] =	vst v63  }
0x28c: {  	_ =	swait.ge [sflag:s6], $0x1068  }
0x28d: {  	[sflag:s6] =	ssyncset.done $0x0  }
0x28e: {  	[sflag:s6] =	ssyncadd.s32 $0xFFFFEF98  }
0x28f: {  	_ =	swait.ge [sflag:s6], $0x1068  }
0x290: {  	[sflag:s6] =	ssyncset.done $0x0  }
0x291: {  	[sflag:s6] =	ssyncadd.s32 $0xFFFFEF98  }
0x292: {  	_ =	swait.ge [sflag:s6], $0x1068  }
0x293: {  	[sflag:s6] =	ssyncset.done $0x0  }
0x294: {  	[sflag:s6] =	ssyncadd.s32 $0xFFFFEF98  }
0x295: {  	_ =	swait.ge [sflag:s6], $0x1068  }
0x296: {  	[sflag:s6] =	ssyncset.done $0x0  }
0x297: {  	[sflag:s6] =	ssyncadd.s32 $0xFFFFEF98  }
0x298: {  	_ =	swait.ge [sflag:s3], $0x41A0  }
0x299: {  	s1 =	sld [smem:$0x7F5]  }
0x29a: {  	[sflag:s3] =	ssyncset.done $0x0  }
0x29b: {  	[sflag:s3] =	ssyncadd.s32 $0xFFFFBE60  }
0x29c: {  	[hbm4b:s1+s2] =	stream.linear.scatter [tilespmem:s5], [sflag:$0x4], $0x41A0, $0x38;
	[tilespmem:$0x18A00] =	vst v63  }
0x29d: {  	s13 =	sld [smem:$0x7F6]  }
0x29e: {  	[tilespmem:s14], [sflag:$0x2] =	stream.linear.gather [hbm4b:s16+s2], $0x1068, $0x38;
	[tilespmem:$0x18A00] =	vst v63  }
0x29f: {  	s20 =	sld [smem:$0x7F7]  }
0x2a0: {  	[tilespmem:s19], [sflag:$0x2] =	stream.linear.gather [hbm4b:s13+s2], $0x1068, $0x38;
	[tilespmem:$0x18A00] =	vst v63  }
0x2a1: {  	s0 =	sld [smem:$0x7F8]  }
0x2a2: {  	[tilespmem:s18], [sflag:$0x2] =	stream.linear.gather [hbm4b:s20+s2], $0x1068, $0x38;
	[tilespmem:$0x18A00] =	vst v63  }
0x2a3: {  	_ = 	snop  }
0x2a4: {  	[tilespmem:s12], [sflag:$0x2] =	stream.linear.gather [hbm4b:s0+s2], $0x1068, $0x38;
	[tilespmem:$0x18A00] =	vst v63  }
0x2a5: {  	_ =	swait.ge [sflag:s9], $0x1068  }
0x2a6: {  	[sflag:s9] =	ssyncset.done $0x0  }
0x2a7: {  	[sflag:s9] =	ssyncadd.s32 $0xFFFFEF98  }
0x2a8: {  	_ =	swait.ge [sflag:s9], $0x1068  }
0x2a9: {  	[sflag:s9] =	ssyncset.done $0x0  }
0x2aa: {  	[sflag:s9] =	ssyncadd.s32 $0xFFFFEF98  }
0x2ab: {  	_ =	swait.ge [sflag:s9], $0x1068  }
0x2ac: {  	[sflag:s9] =	ssyncset.done $0x0  }
0x2ad: {  	[sflag:s9] =	ssyncadd.s32 $0xFFFFEF98  }
0x2ae: {  	_ =	swait.ge [sflag:s9], $0x1068  }
0x2af: {  	[sflag:s9] =	ssyncset.done $0x0  }
0x2b0: {  	[sflag:s9] =	ssyncadd.s32 $0xFFFFEF98  }
0x2b1: {  	_ =	swait.ge [sflag:s4], $0x41A0  }
0x2b2: {  	s1 =	sld [smem:$0x7F9]  }
0x2b3: {  	[sflag:s4] =	ssyncset.done $0x0  }
0x2b4: {  	[sflag:s4] =	ssyncadd.s32 $0xFFFFBE60  }
0x2b5: {  	[hbm4b:s1+s2] =	stream.linear.scatter [tilespmem:s8], [sflag:$0x3], $0x41A0, $0x38;
	[tilespmem:$0x18A00] =	vst v63  }
0x2b6: {  	_ =	swait.ge [sflag:s6], $0x1068  }
0x2b7: {  	[sflag:s6] =	ssyncset.done $0x0  }
0x2b8: {  	[sflag:s6] =	ssyncadd.s32 $0xFFFFEF98  }
0x2b9: {  	_ =	swait.ge [sflag:s6], $0x1068  }
0x2ba: {  	[sflag:s6] =	ssyncset.done $0x0  }
0x2bb: {  	[sflag:s6] =	ssyncadd.s32 $0xFFFFEF98  }
0x2bc: {  	_ =	swait.ge [sflag:s6], $0x1068  }
0x2bd: {  	[sflag:s6] =	ssyncset.done $0x0  }
0x2be: {  	[sflag:s6] =	ssyncadd.s32 $0xFFFFEF98  }
0x2bf: {  	_ =	swait.ge [sflag:s6], $0x1068  }
0x2c0: {  	[sflag:s6] =	ssyncset.done $0x0  }
0x2c1: {  	[sflag:s6] =	ssyncadd.s32 $0xFFFFEF98  }
0x2c2: {  	_ =	swait.ge [sflag:s3], $0x41A0  }
0x2c3: {  	s13 =	sld [smem:$0x7FA]  }
0x2c4: {  	[sflag:s3] =	ssyncset.done $0x0  }
0x2c5: {  	[sflag:s3] =	ssyncadd.s32 $0xFFFFBE60  }
0x2c6: {  	[hbm4b:s13+s2] =	stream.linear.scatter [tilespmem:s5], [sflag:$0x4], $0x41A0, $0x38;
	[tilespmem:$0x18A00] =	vst v63  }
0x2c7: {  	_ =	swait.ge [sflag:s4], $0x41A0  }
0x2c8: {  	s20 =	sld [smem:$0x7B6]  }
0x2c9: {  	[sflag:s4] =	ssyncset.done $0x0  }
0x2ca: {  	[sflag:s4] =	ssyncadd.s32 $0xFFFFBE60  }
0x2cb: {  	_ =	swait.ge [sflag:s3], $0x41A0;
	p1 =	sne.s32 s20, $0x1  }
.Ltmp1:
0x2cc: {  	s13 =	rddreg [dreg:$0x4];
	(pc) =	sbr.rel @!p1 .LBB2_3-.Ltmp1, $4  }
0x2cd: {  	s1 =	smov.u32 s7;
	s7 =	sld [smem:$0x7FD]  }
0x2ce: {  	[smem:$0x7B7] =	sst s15  }
0x2cf: {  	p0 =	por $0x1, $0x1;
	s11 =	sadd.s32 $0xFFFFFFFF, s20;
	s20 =	sld [smem:$0x7BA]  }
0x2d0: {  	s0 =	smov.u32 s21;
	[sflag:s3] =	ssyncset.done $0x0;
	s21 =	sld [smem:$0x7B8]  }
.LBB2_4:
0x2d1: {  	[sflag:s3] =	ssyncadd.s32 $0xFFFFBE60  }
0x2d2: {  	[tilespmem:s2], [sflag:$0x1] =	stream.linear.gather [hbm4b:s13+s2], $0x3138, $0x38;
	[tilespmem:$0x18A00] =	vst v63  }
0x2d3: {  	s15 =	rddreg [dreg:$0x5]  }
0x2d4: {  	[tilespmem:s22], [sflag:$0x1] =	stream.linear.gather [hbm4b:s15+s2], $0x3138, $0x38;
	[tilespmem:$0x18A00] =	vst v63  }
0x2d5: {  	s13 =	rddreg [dreg:$0x6]  }
0x2d6: {  	[tilespmem:s14], [sflag:$0x2] =	stream.linear.gather [hbm4b:s13+s2], $0x3138, $0x38;
	[tilespmem:$0x18A00] =	vst v63  }
0x2d7: {  	s15 =	rddreg [dreg:$0x7]  }
0x2d8: {  	[tilespmem:s12], [sflag:$0x2] =	stream.linear.gather [hbm4b:s15+s2], $0x3138, $0x38;
	[tilespmem:$0x18A00] =	vst v63  }
0x2d9: {  	_ =	swait.ge [sflag:s9], $0x3138  }
0x2da: {  	[sflag:s9] =	ssyncset.done $0x0  }
0x2db: {  	[sflag:s9] =	ssyncadd.s32 $0xFFFFCEC8  }
0x2dc: {  	_ =	swait.ge [sflag:s9], $0x3138  }
0x2dd: {  	[sflag:s9] =	ssyncset.done $0x0  }
0x2de: {  	s13 =	rddreg [dreg:$0x8];
	[sflag:s9] =	ssyncadd.s32 $0xFFFFCEC8  }
0x2df: {  	[hbm4b:s13+s2] =	stream.linear.scatter [tilespmem:s8], [sflag:$0x3], $0x6270, $0x38;
	[tilespmem:$0x18A00] =	vst v63  }
0x2e0: {  	s15 =	rddreg [dreg:$0x9]  }
0x2e1: {  	[tilespmem:s2], [sflag:$0x1] =	stream.linear.gather [hbm4b:s15+s2], $0x3138, $0x38;
	[tilespmem:$0x18A00] =	vst v63  }
0x2e2: {  	s13 =	rddreg [dreg:$0xa]  }
0x2e3: {  	[tilespmem:s22], [sflag:$0x1] =	stream.linear.gather [hbm4b:s13+s2], $0x3138, $0x38;
	[tilespmem:$0x18A00] =	vst v63  }
0x2e4: {  	_ =	swait.ge [sflag:s6], $0x3138  }
0x2e5: {  	[sflag:s6] =	ssyncset.done $0x0  }
0x2e6: {  	[sflag:s6] =	ssyncadd.s32 $0xFFFFCEC8  }
0x2e7: {  	_ =	swait.ge [sflag:s6], $0x3138  }
0x2e8: {  	[sflag:s6] =	ssyncset.done $0x0  }
0x2e9: {  	s13 =	rddreg [dreg:$0xb];
	[sflag:s6] =	ssyncadd.s32 $0xFFFFCEC8  }
0x2ea: {  	[hbm4b:s13+s2] =	stream.linear.scatter [tilespmem:s5], [sflag:$0x4], $0x6270, $0x38;
	[tilespmem:$0x18A00] =	vst v63  }
0x2eb: {  	s15 =	rddreg [dreg:$0xc]  }
0x2ec: {  	[tilespmem:s14], [sflag:$0x2] =	stream.linear.gather [hbm4b:s15+s2], $0x3138, $0x38;
	[tilespmem:$0x18A00] =	vst v63  }
0x2ed: {  	s13 =	rddreg [dreg:$0xd]  }
0x2ee: {  	[tilespmem:s12], [sflag:$0x2] =	stream.linear.gather [hbm4b:s13+s2], $0x3138, $0x38;
	[tilespmem:$0x18A00] =	vst v63  }
0x2ef: {  	_ =	swait.ge [sflag:s9], $0x3138  }
0x2f0: {  	[sflag:s9] =	ssyncset.done $0x0  }
0x2f1: {  	[sflag:s9] =	ssyncadd.s32 $0xFFFFCEC8  }
0x2f2: {  	_ =	swait.ge [sflag:s9], $0x3138  }
0x2f3: {  	[sflag:s9] =	ssyncset.done $0x0  }
0x2f4: {  	[sflag:s9] =	ssyncadd.s32 $0xFFFFCEC8  }
0x2f5: {  	_ =	swait.ge [sflag:s4], $0x6270  }
0x2f6: {  	[sflag:s4] =	ssyncset.done $0x0  }
0x2f7: {  	s13 =	rddreg [dreg:$0xe];
	[sflag:s4] =	ssyncadd.s32 $0xFFFF9D90  }
0x2f8: {  	[hbm4b:s13+s2] =	stream.linear.scatter [tilespmem:s8], [sflag:$0x3], $0x6270, $0x38;
	[tilespmem:$0x18A00] =	vst v63  }
0x2f9: {  	s15 =	rddreg [dreg:$0xf]  }
0x2fa: {  	[tilespmem:s2], [sflag:$0x1] =	stream.linear.gather [hbm4b:s15+s2], $0x3138, $0x38;
	[tilespmem:$0x18A00] =	vst v63  }
0x2fb: {  	s13 =	rddreg [dreg:$0x10]  }
0x2fc: {  	[tilespmem:s22], [sflag:$0x1] =	stream.linear.gather [hbm4b:s13+s2], $0x3138, $0x38;
	[tilespmem:$0x18A00] =	vst v63  }
0x2fd: {  	_ =	swait.ge [sflag:s6], $0x3138  }
0x2fe: {  	[sflag:s6] =	ssyncset.done $0x0  }
0x2ff: {  	[sflag:s6] =	ssyncadd.s32 $0xFFFFCEC8  }
0x300: {  	_ =	swait.ge [sflag:s6], $0x3138  }
0x301: {  	[sflag:s6] =	ssyncset.done $0x0  }
0x302: {  	[sflag:s6] =	ssyncadd.s32 $0xFFFFCEC8  }
0x303: {  	_ =	swait.ge [sflag:s3], $0x6270  }
0x304: {  	[sflag:s3] =	ssyncset.done $0x0  }
0x305: {  	s13 =	rddreg [dreg:$0x11];
	[sflag:s3] =	ssyncadd.s32 $0xFFFF9D90  }
0x306: {  	[hbm4b:s13+s2] =	stream.linear.scatter [tilespmem:s5], [sflag:$0x4], $0x6270, $0x38;
	[tilespmem:$0x18A00] =	vst v63  }
0x307: {  	s15 =	rddreg [dreg:$0x12]  }
0x308: {  	[tilespmem:s14], [sflag:$0x2] =	stream.linear.gather [hbm4b:s15+s2], $0x3138, $0x38;
	[tilespmem:$0x18A00] =	vst v63  }
0x309: {  	s13 =	rddreg [dreg:$0x13]  }
0x30a: {  	[tilespmem:s12], [sflag:$0x2] =	stream.linear.gather [hbm4b:s13+s2], $0x3138, $0x38;
	[tilespmem:$0x18A00] =	vst v63  }
0x30b: {  	_ =	swait.ge [sflag:s9], $0x3138  }
0x30c: {  	[sflag:s9] =	ssyncset.done $0x0  }
0x30d: {  	[sflag:s9] =	ssyncadd.s32 $0xFFFFCEC8  }
0x30e: {  	_ =	swait.ge [sflag:s9], $0x3138  }
0x30f: {  	[sflag:s9] =	ssyncset.done $0x0  }
0x310: {  	[sflag:s9] =	ssyncadd.s32 $0xFFFFCEC8  }
0x311: {  	_ =	swait.ge [sflag:s4], $0x6270  }
0x312: {  	[sflag:s4] =	ssyncset.done $0x0  }
0x313: {  	s15 =	rddreg [dreg:$0x14];
	[sflag:s4] =	ssyncadd.s32 $0xFFFF9D90  }
0x314: {  	[hbm4b:s15+s2] =	stream.linear.scatter [tilespmem:s8], [sflag:$0x3], $0x6270, $0x38;
	[tilespmem:$0x18A00] =	vst v63  }
0x315: {  	_ =	swait.ge [sflag:s6], $0x3138  }
0x316: {  	[sflag:s6] =	ssyncset.done $0x0  }
0x317: {  	[sflag:s6] =	ssyncadd.s32 $0xFFFFCEC8  }
0x318: {  	_ =	swait.ge [sflag:s6], $0x3138  }
0x319: {  	[sflag:s6] =	ssyncset.done $0x0  }
0x31a: {  	[sflag:s6] =	ssyncadd.s32 $0xFFFFCEC8  }
0x31b: {  	_ =	swait.ge [sflag:s3], $0x6270  }
0x31c: {  	[sflag:s3] =	ssyncset.done $0x0  }
0x31d: {  	s15 =	rddreg [dreg:$0x15];
	[sflag:s3] =	ssyncadd.s32 $0xFFFF9D90  }
0x31e: {  	[hbm4b:s15+s2] =	stream.linear.scatter [tilespmem:s5], [sflag:$0x4], $0x6270, $0x38;
	[tilespmem:$0x18A00] =	vst v63  }
0x31f: {  	_ =	swait.ge [sflag:s4], $0x6270  }
0x320: {  	[sflag:s4] =	ssyncset.done $0x0  }
0x321: {  	[sflag:s4] =	ssyncadd.s32 $0xFFFF9D90  }
0x322: {  	_ =	swait.ge [sflag:s3], $0x6270  }
0x323: {  	s15 =	sld [smem:$0x7B9]  }
0x324: {  	[sflag:s3] =	ssyncset.done $0x0  }
0x325: {  	[sflag:s3] =	ssyncadd.s32 $0xFFFF9D90  }
0x326: {  	[tilespmem:s2], [sflag:$0x1] =	stream.linear.gather [hbm4b:s15+s2], $0x1068, $0x38;
	[tilespmem:$0x18A00] =	vst v63  }
0x327: {  	s13 =	rddreg [dreg:$0x16]  }
0x328: {  	[tilespmem:s29], [sflag:$0x1] =	stream.linear.gather [hbm4b:s13+s2], $0x1068, $0x38;
	[tilespmem:$0x18A00] =	vst v63  }
0x329: {  	s15 =	rddreg [dreg:$0x17]  }
0x32a: {  	[tilespmem:s28], [sflag:$0x1] =	stream.linear.gather [hbm4b:s15+s2], $0x1068, $0x38;
	[tilespmem:$0x18A00] =	vst v63  }
0x32b: {  	s13 =	rddreg [dreg:$0x18]  }
0x32c: {  	[tilespmem:s22], [sflag:$0x1] =	stream.linear.gather [hbm4b:s13+s2], $0x1068, $0x38;
	[tilespmem:$0x18A00] =	vst v63  }
0x32d: {  	_ = 	snop  }
0x32e: {  	[tilespmem:s14], [sflag:$0x2] =	stream.linear.gather [hbm4b:s21+s2], $0x1068, $0x38;
	[tilespmem:$0x18A00] =	vst v63  }
0x32f: {  	s13 =	rddreg [dreg:$0x19]  }
0x330: {  	[tilespmem:s19], [sflag:$0x2] =	stream.linear.gather [hbm4b:s13+s2], $0x1068, $0x38;
	[tilespmem:$0x18A00] =	vst v63  }
0x331: {  	s15 =	rddreg [dreg:$0x1a]  }
0x332: {  	[tilespmem:s18], [sflag:$0x2] =	stream.linear.gather [hbm4b:s15+s2], $0x1068, $0x38;
	[tilespmem:$0x18A00] =	vst v63  }
0x333: {  	s13 =	rddreg [dreg:$0x1b]  }
0x334: {  	[tilespmem:s12], [sflag:$0x2] =	stream.linear.gather [hbm4b:s13+s2], $0x1068, $0x38;
	[tilespmem:$0x18A00] =	vst v63  }
0x335: {  	_ =	swait.ge [sflag:s9], $0x1068  }
0x336: {  	[sflag:s9] =	ssyncset.done $0x0  }
0x337: {  	[sflag:s9] =	ssyncadd.s32 $0xFFFFEF98  }
0x338: {  	_ =	swait.ge [sflag:s9], $0x1068  }
0x339: {  	[sflag:s9] =	ssyncset.done $0x0  }
0x33a: {  	[sflag:s9] =	ssyncadd.s32 $0xFFFFEF98  }
0x33b: {  	_ =	swait.ge [sflag:s9], $0x1068  }
0x33c: {  	[sflag:s9] =	ssyncset.done $0x0  }
0x33d: {  	[sflag:s9] =	ssyncadd.s32 $0xFFFFEF98  }
0x33e: {  	_ =	swait.ge [sflag:s9], $0x1068  }
0x33f: {  	[sflag:s9] =	ssyncset.done $0x0  }
0x340: {  	[sflag:s9] =	ssyncadd.s32 $0xFFFFEF98  }
0x341: {  	[hbm4b:s0+s2] =	stream.linear.scatter [tilespmem:s8], [sflag:$0x3], $0x41A0, $0x38;
	[tilespmem:$0x18A00] =	vst v63  }
0x342: {  	_ = 	snop  }
0x343: {  	[tilespmem:s2], [sflag:$0x1] =	stream.linear.gather [hbm4b:s20+s2], $0x1068, $0x38;
	[tilespmem:$0x18A00] =	vst v63  }
0x344: {  	s13 =	rddreg [dreg:$0x1c]  }
0x345: {  	[tilespmem:s29], [sflag:$0x1] =	stream.linear.gather [hbm4b:s13+s2], $0x1068, $0x38;
	[tilespmem:$0x18A00] =	vst v63  }
0x346: {  	s15 =	rddreg [dreg:$0x1d]  }
0x347: {  	[tilespmem:s28], [sflag:$0x1] =	stream.linear.gather [hbm4b:s15+s2], $0x1068, $0x38;
	[tilespmem:$0x18A00] =	vst v63  }
0x348: {  	s13 =	rddreg [dreg:$0x1e]  }
0x349: {  	[tilespmem:s22], [sflag:$0x1] =	stream.linear.gather [hbm4b:s13+s2], $0x1068, $0x38;
	[tilespmem:$0x18A00] =	vst v63  }
0x34a: {  	_ =	swait.ge [sflag:s6], $0x1068  }
0x34b: {  	[sflag:s6] =	ssyncset.done $0x0  }
0x34c: {  	[sflag:s6] =	ssyncadd.s32 $0xFFFFEF98  }
0x34d: {  	_ =	swait.ge [sflag:s6], $0x1068  }
0x34e: {  	[sflag:s6] =	ssyncset.done $0x0  }
0x34f: {  	[sflag:s6] =	ssyncadd.s32 $0xFFFFEF98  }
0x350: {  	_ =	swait.ge [sflag:s6], $0x1068  }
0x351: {  	[sflag:s6] =	ssyncset.done $0x0  }
0x352: {  	[sflag:s6] =	ssyncadd.s32 $0xFFFFEF98  }
0x353: {  	_ =	swait.ge [sflag:s6], $0x1068  }
0x354: {  	[sflag:s6] =	ssyncset.done $0x0  }
0x355: {  	s15 =	rddreg [dreg:$0x1f];
	[sflag:s6] =	ssyncadd.s32 $0xFFFFEF98  }
0x356: {  	[hbm4b:s15+s2] =	stream.linear.scatter [tilespmem:s5], [sflag:$0x4], $0x41A0, $0x38;
	[tilespmem:$0x18A00] =	vst v63  }
0x357: {  	s13 =	sld [smem:$0x7BB]  }
0x358: {  	[tilespmem:s14], [sflag:$0x2] =	stream.linear.gather [hbm4b:s7+s2], $0x1068, $0x38;
	[tilespmem:$0x18A00] =	vst v63  }
0x359: {  	s15 =	sld [smem:$0x7BC]  }
0x35a: {  	[tilespmem:s19], [sflag:$0x2] =	stream.linear.gather [hbm4b:s13+s2], $0x1068, $0x38;
	[tilespmem:$0x18A00] =	vst v63  }
0x35b: {  	s13 =	sld [smem:$0x7BD]  }
0x35c: {  	[tilespmem:s18], [sflag:$0x2] =	stream.linear.gather [hbm4b:s15+s2], $0x1068, $0x38;
	[tilespmem:$0x18A00] =	vst v63  }
0x35d: {  	_ = 	snop  }
0x35e: {  	[tilespmem:s12], [sflag:$0x2] =	stream.linear.gather [hbm4b:s13+s2], $0x1068, $0x38;
	[tilespmem:$0x18A00] =	vst v63  }
0x35f: {  	_ =	swait.ge [sflag:s9], $0x1068  }
0x360: {  	[sflag:s9] =	ssyncset.done $0x0  }
0x361: {  	[sflag:s9] =	ssyncadd.s32 $0xFFFFEF98  }
0x362: {  	_ =	swait.ge [sflag:s9], $0x1068  }
0x363: {  	[sflag:s9] =	ssyncset.done $0x0  }
0x364: {  	[sflag:s9] =	ssyncadd.s32 $0xFFFFEF98  }
0x365: {  	_ =	swait.ge [sflag:s9], $0x1068  }
0x366: {  	[sflag:s9] =	ssyncset.done $0x0  }
0x367: {  	[sflag:s9] =	ssyncadd.s32 $0xFFFFEF98  }
0x368: {  	_ =	swait.ge [sflag:s9], $0x1068  }
0x369: {  	[sflag:s9] =	ssyncset.done $0x0  }
0x36a: {  	[sflag:s9] =	ssyncadd.s32 $0xFFFFEF98  }
0x36b: {  	_ =	swait.ge [sflag:s4], $0x41A0  }
0x36c: {  	s15 =	sld [smem:$0x7BE]  }
0x36d: {  	[sflag:s4] =	ssyncset.done $0x0  }
0x36e: {  	[sflag:s4] =	ssyncadd.s32 $0xFFFFBE60  }
0x36f: {  	[hbm4b:s15+s2] =	stream.linear.scatter [tilespmem:s8], [sflag:$0x3], $0x41A0, $0x38;
	[tilespmem:$0x18A00] =	vst v63  }
0x370: {  	s15 =	sld [smem:$0x7B7];
	_ =	sdelay $0x1  }
0x371: {  	s13 =	sld [smem:$0x7BF]  }
0x372: {  	[tilespmem:s2], [sflag:$0x1] =	stream.linear.gather [hbm4b:s15+s2], $0x1068, $0x38;
	[tilespmem:$0x18A00] =	vst v63  }
0x373: {  	s15 =	sld [smem:$0x7C0]  }
0x374: {  	[tilespmem:s29], [sflag:$0x1] =	stream.linear.gather [hbm4b:s13+s2], $0x1068, $0x38;
	[tilespmem:$0x18A00] =	vst v63  }
0x375: {  	s13 =	sld [smem:$0x7C1]  }
0x376: {  	[tilespmem:s28], [sflag:$0x1] =	stream.linear.gather [hbm4b:s15+s2], $0x1068, $0x38;
	[tilespmem:$0x18A00] =	vst v63  }
0x377: {  	_ = 	snop  }
0x378: {  	[tilespmem:s22], [sflag:$0x1] =	stream.linear.gather [hbm4b:s13+s2], $0x1068, $0x38;
	[tilespmem:$0x18A00] =	vst v63  }
0x379: {  	_ =	swait.ge [sflag:s6], $0x1068  }
0x37a: {  	[sflag:s6] =	ssyncset.done $0x0  }
0x37b: {  	[sflag:s6] =	ssyncadd.s32 $0xFFFFEF98  }
0x37c: {  	_ =	swait.ge [sflag:s6], $0x1068  }
0x37d: {  	[sflag:s6] =	ssyncset.done $0x0  }
0x37e: {  	[sflag:s6] =	ssyncadd.s32 $0xFFFFEF98  }
0x37f: {  	_ =	swait.ge [sflag:s6], $0x1068  }
0x380: {  	[sflag:s6] =	ssyncset.done $0x0  }
0x381: {  	[sflag:s6] =	ssyncadd.s32 $0xFFFFEF98  }
0x382: {  	_ =	swait.ge [sflag:s6], $0x1068  }
0x383: {  	[sflag:s6] =	ssyncset.done $0x0  }
0x384: {  	[sflag:s6] =	ssyncadd.s32 $0xFFFFEF98  }
0x385: {  	_ =	swait.ge [sflag:s3], $0x41A0  }
0x386: {  	s15 =	sld [smem:$0x7C2]  }
0x387: {  	[sflag:s3] =	ssyncset.done $0x0  }
0x388: {  	[sflag:s3] =	ssyncadd.s32 $0xFFFFBE60  }
0x389: {  	[hbm4b:s15+s2] =	stream.linear.scatter [tilespmem:s5], [sflag:$0x4], $0x41A0, $0x38;
	[tilespmem:$0x18A00] =	vst v63  }
0x38a: {  	s13 =	sld [smem:$0x7C3]  }
0x38b: {  	[tilespmem:s14], [sflag:$0x2] =	stream.linear.gather [hbm4b:s10+s2], $0x1068, $0x38;
	[tilespmem:$0x18A00] =	vst v63  }
0x38c: {  	s15 =	sld [smem:$0x7C4]  }
0x38d: {  	[tilespmem:s19], [sflag:$0x2] =	stream.linear.gather [hbm4b:s13+s2], $0x1068, $0x38;
	[tilespmem:$0x18A00] =	vst v63  }
0x38e: {  	s13 =	sld [smem:$0x7C5]  }
0x38f: {  	[tilespmem:s18], [sflag:$0x2] =	stream.linear.gather [hbm4b:s15+s2], $0x1068, $0x38;
	[tilespmem:$0x18A00] =	vst v63  }
0x390: {  	_ = 	snop  }
0x391: {  	[tilespmem:s12], [sflag:$0x2] =	stream.linear.gather [hbm4b:s13+s2], $0x1068, $0x38;
	[tilespmem:$0x18A00] =	vst v63  }
0x392: {  	_ =	swait.ge [sflag:s9], $0x1068  }
0x393: {  	[sflag:s9] =	ssyncset.done $0x0  }
0x394: {  	[sflag:s9] =	ssyncadd.s32 $0xFFFFEF98  }
0x395: {  	_ =	swait.ge [sflag:s9], $0x1068  }
0x396: {  	[sflag:s9] =	ssyncset.done $0x0  }
0x397: {  	[sflag:s9] =	ssyncadd.s32 $0xFFFFEF98  }
0x398: {  	_ =	swait.ge [sflag:s9], $0x1068  }
0x399: {  	[sflag:s9] =	ssyncset.done $0x0  }
0x39a: {  	[sflag:s9] =	ssyncadd.s32 $0xFFFFEF98  }
0x39b: {  	_ =	swait.ge [sflag:s9], $0x1068  }
0x39c: {  	[sflag:s9] =	ssyncset.done $0x0  }
0x39d: {  	[sflag:s9] =	ssyncadd.s32 $0xFFFFEF98  }
0x39e: {  	_ =	swait.ge [sflag:s4], $0x41A0  }
0x39f: {  	s15 =	sld [smem:$0x7C6]  }
0x3a0: {  	[sflag:s4] =	ssyncset.done $0x0  }
0x3a1: {  	[sflag:s4] =	ssyncadd.s32 $0xFFFFBE60  }
0x3a2: {  	[hbm4b:s15+s2] =	stream.linear.scatter [tilespmem:s8], [sflag:$0x3], $0x41A0, $0x38;
	[tilespmem:$0x18A00] =	vst v63  }
0x3a3: {  	s13 =	sld [smem:$0x7C7]  }
0x3a4: {  	[tilespmem:s2], [sflag:$0x1] =	stream.linear.gather [hbm4b:s1+s2], $0x1068, $0x38;
	[tilespmem:$0x18A00] =	vst v63  }
0x3a5: {  	s15 =	sld [smem:$0x7C8]  }
0x3a6: {  	[tilespmem:s29], [sflag:$0x1] =	stream.linear.gather [hbm4b:s13+s2], $0x1068, $0x38;
	[tilespmem:$0x18A00] =	vst v63  }
0x3a7: {  	s13 =	sld [smem:$0x7C9]  }
0x3a8: {  	[tilespmem:s28], [sflag:$0x1] =	stream.linear.gather [hbm4b:s15+s2], $0x1068, $0x38;
	[tilespmem:$0x18A00] =	vst v63  }
0x3a9: {  	_ = 	snop  }
0x3aa: {  	[tilespmem:s22], [sflag:$0x1] =	stream.linear.gather [hbm4b:s13+s2], $0x1068, $0x38;
	[tilespmem:$0x18A00] =	vst v63  }
0x3ab: {  	_ =	swait.ge [sflag:s6], $0x1068  }
0x3ac: {  	[sflag:s6] =	ssyncset.done $0x0  }
0x3ad: {  	[sflag:s6] =	ssyncadd.s32 $0xFFFFEF98  }
0x3ae: {  	_ =	swait.ge [sflag:s6], $0x1068  }
0x3af: {  	[sflag:s6] =	ssyncset.done $0x0  }
0x3b0: {  	[sflag:s6] =	ssyncadd.s32 $0xFFFFEF98  }
0x3b1: {  	_ =	swait.ge [sflag:s6], $0x1068  }
0x3b2: {  	[sflag:s6] =	ssyncset.done $0x0  }
0x3b3: {  	[sflag:s6] =	ssyncadd.s32 $0xFFFFEF98  }
0x3b4: {  	_ =	swait.ge [sflag:s6], $0x1068  }
0x3b5: {  	[sflag:s6] =	ssyncset.done $0x0  }
0x3b6: {  	[sflag:s6] =	ssyncadd.s32 $0xFFFFEF98  }
0x3b7: {  	_ =	swait.ge [sflag:s3], $0x41A0  }
0x3b8: {  	s15 =	sld [smem:$0x7CA]  }
0x3b9: {  	[sflag:s3] =	ssyncset.done $0x0  }
0x3ba: {  	[sflag:s3] =	ssyncadd.s32 $0xFFFFBE60  }
0x3bb: {  	[hbm4b:s15+s2] =	stream.linear.scatter [tilespmem:s5], [sflag:$0x4], $0x41A0, $0x38;
	[tilespmem:$0x18A00] =	vst v63  }
0x3bc: {  	s15 =	sld [smem:$0x7CC];
	_ =	sdelay $0x1  }
0x3bd: {  	s13 =	sld [smem:$0x7CB]  }
0x3be: {  	[tilespmem:s14], [sflag:$0x2] =	stream.linear.gather [hbm4b:s15+s2], $0x1068, $0x38;
	[tilespmem:$0x18A00] =	vst v63  }
0x3bf: {  	s15 =	sld [smem:$0x7CD]  }
0x3c0: {  	[tilespmem:s19], [sflag:$0x2] =	stream.linear.gather [hbm4b:s13+s2], $0x1068, $0x38;
	[tilespmem:$0x18A00] =	vst v63  }
0x3c1: {  	s13 =	sld [smem:$0x7CE]  }
0x3c2: {  	[tilespmem:s18], [sflag:$0x2] =	stream.linear.gather [hbm4b:s15+s2], $0x1068, $0x38;
	[tilespmem:$0x18A00] =	vst v63  }
0x3c3: {  	_ = 	snop  }
0x3c4: {  	[tilespmem:s12], [sflag:$0x2] =	stream.linear.gather [hbm4b:s13+s2], $0x1068, $0x38;
	[tilespmem:$0x18A00] =	vst v63  }
0x3c5: {  	_ =	swait.ge [sflag:s9], $0x1068  }
0x3c6: {  	[sflag:s9] =	ssyncset.done $0x0  }
0x3c7: {  	[sflag:s9] =	ssyncadd.s32 $0xFFFFEF98  }
0x3c8: {  	_ =	swait.ge [sflag:s9], $0x1068  }
0x3c9: {  	[sflag:s9] =	ssyncset.done $0x0  }
0x3ca: {  	[sflag:s9] =	ssyncadd.s32 $0xFFFFEF98  }
0x3cb: {  	_ =	swait.ge [sflag:s9], $0x1068  }
0x3cc: {  	[sflag:s9] =	ssyncset.done $0x0  }
0x3cd: {  	[sflag:s9] =	ssyncadd.s32 $0xFFFFEF98  }
0x3ce: {  	_ =	swait.ge [sflag:s9], $0x1068  }
0x3cf: {  	[sflag:s9] =	ssyncset.done $0x0  }
0x3d0: {  	[sflag:s9] =	ssyncadd.s32 $0xFFFFEF98  }
0x3d1: {  	_ =	swait.ge [sflag:s4], $0x41A0  }
0x3d2: {  	s15 =	sld [smem:$0x7CF]  }
0x3d3: {  	[sflag:s4] =	ssyncset.done $0x0  }
0x3d4: {  	[sflag:s4] =	ssyncadd.s32 $0xFFFFBE60  }
0x3d5: {  	[hbm4b:s15+s2] =	stream.linear.scatter [tilespmem:s8], [sflag:$0x3], $0x41A0, $0x38;
	[tilespmem:$0x18A00] =	vst v63  }
0x3d6: {  	s13 =	sld [smem:$0x7D0]  }
0x3d7: {  	[tilespmem:s2], [sflag:$0x1] =	stream.linear.gather [hbm4b:s31+s2], $0x1068, $0x38;
	[tilespmem:$0x18A00] =	vst v63  }
0x3d8: {  	s15 =	sld [smem:$0x7D1]  }
0x3d9: {  	[tilespmem:s29], [sflag:$0x1] =	stream.linear.gather [hbm4b:s13+s2], $0x1068, $0x38;
	[tilespmem:$0x18A00] =	vst v63  }
0x3da: {  	s13 =	sld [smem:$0x7D2]  }
0x3db: {  	[tilespmem:s28], [sflag:$0x1] =	stream.linear.gather [hbm4b:s15+s2], $0x1068, $0x38;
	[tilespmem:$0x18A00] =	vst v63  }
0x3dc: {  	_ = 	snop  }
0x3dd: {  	[tilespmem:s22], [sflag:$0x1] =	stream.linear.gather [hbm4b:s13+s2], $0x1068, $0x38;
	[tilespmem:$0x18A00] =	vst v63  }
0x3de: {  	_ =	swait.ge [sflag:s6], $0x1068  }
0x3df: {  	[sflag:s6] =	ssyncset.done $0x0  }
0x3e0: {  	[sflag:s6] =	ssyncadd.s32 $0xFFFFEF98  }
0x3e1: {  	_ =	swait.ge [sflag:s6], $0x1068  }
0x3e2: {  	[sflag:s6] =	ssyncset.done $0x0  }
0x3e3: {  	[sflag:s6] =	ssyncadd.s32 $0xFFFFEF98  }
0x3e4: {  	_ =	swait.ge [sflag:s6], $0x1068  }
0x3e5: {  	[sflag:s6] =	ssyncset.done $0x0  }
0x3e6: {  	[sflag:s6] =	ssyncadd.s32 $0xFFFFEF98  }
0x3e7: {  	_ =	swait.ge [sflag:s6], $0x1068  }
0x3e8: {  	[sflag:s6] =	ssyncset.done $0x0  }
0x3e9: {  	[sflag:s6] =	ssyncadd.s32 $0xFFFFEF98  }
0x3ea: {  	_ =	swait.ge [sflag:s3], $0x41A0  }
0x3eb: {  	s15 =	sld [smem:$0x7D3]  }
0x3ec: {  	[sflag:s3] =	ssyncset.done $0x0  }
0x3ed: {  	[sflag:s3] =	ssyncadd.s32 $0xFFFFBE60  }
0x3ee: {  	[hbm4b:s15+s2] =	stream.linear.scatter [tilespmem:s5], [sflag:$0x4], $0x41A0, $0x38;
	[tilespmem:$0x18A00] =	vst v63  }
0x3ef: {  	s13 =	sld [smem:$0x7D4]  }
0x3f0: {  	[tilespmem:s14], [sflag:$0x2] =	stream.linear.gather [hbm4b:s30+s2], $0x1068, $0x38;
	[tilespmem:$0x18A00] =	vst v63  }
0x3f1: {  	s15 =	sld [smem:$0x7D5]  }
0x3f2: {  	[tilespmem:s19], [sflag:$0x2] =	stream.linear.gather [hbm4b:s13+s2], $0x1068, $0x38;
	[tilespmem:$0x18A00] =	vst v63  }
0x3f3: {  	s13 =	sld [smem:$0x7D6]  }
0x3f4: {  	[tilespmem:s18], [sflag:$0x2] =	stream.linear.gather [hbm4b:s15+s2], $0x1068, $0x38;
	[tilespmem:$0x18A00] =	vst v63  }
0x3f5: {  	_ = 	snop  }
0x3f6: {  	[tilespmem:s12], [sflag:$0x2] =	stream.linear.gather [hbm4b:s13+s2], $0x1068, $0x38;
	[tilespmem:$0x18A00] =	vst v63  }
0x3f7: {  	_ =	swait.ge [sflag:s9], $0x1068  }
0x3f8: {  	[sflag:s9] =	ssyncset.done $0x0  }
0x3f9: {  	[sflag:s9] =	ssyncadd.s32 $0xFFFFEF98  }
0x3fa: {  	_ =	swait.ge [sflag:s9], $0x1068  }
0x3fb: {  	[sflag:s9] =	ssyncset.done $0x0  }
0x3fc: {  	[sflag:s9] =	ssyncadd.s32 $0xFFFFEF98  }
0x3fd: {  	_ =	swait.ge [sflag:s9], $0x1068  }
0x3fe: {  	[sflag:s9] =	ssyncset.done $0x0  }
0x3ff: {  	[sflag:s9] =	ssyncadd.s32 $0xFFFFEF98  }
0x400: {  	_ =	swait.ge [sflag:s9], $0x1068  }
0x401: {  	[sflag:s9] =	ssyncset.done $0x0  }
0x402: {  	[sflag:s9] =	ssyncadd.s32 $0xFFFFEF98  }
0x403: {  	_ =	swait.ge [sflag:s4], $0x41A0  }
0x404: {  	s15 =	sld [smem:$0x7D7]  }
0x405: {  	[sflag:s4] =	ssyncset.done $0x0  }
0x406: {  	[sflag:s4] =	ssyncadd.s32 $0xFFFFBE60  }
0x407: {  	[hbm4b:s15+s2] =	stream.linear.scatter [tilespmem:s8], [sflag:$0x3], $0x41A0, $0x38;
	[tilespmem:$0x18A00] =	vst v63  }
0x408: {  	s13 =	sld [smem:$0x7D8]  }
0x409: {  	[tilespmem:s2], [sflag:$0x1] =	stream.linear.gather [hbm4b:s26+s2], $0x1068, $0x38;
	[tilespmem:$0x18A00] =	vst v63  }
0x40a: {  	s15 =	sld [smem:$0x7D9]  }
0x40b: {  	[tilespmem:s29], [sflag:$0x1] =	stream.linear.gather [hbm4b:s13+s2], $0x1068, $0x38;
	[tilespmem:$0x18A00] =	vst v63  }
0x40c: {  	s13 =	sld [smem:$0x7DA]  }
0x40d: {  	[tilespmem:s28], [sflag:$0x1] =	stream.linear.gather [hbm4b:s15+s2], $0x1068, $0x38;
	[tilespmem:$0x18A00] =	vst v63  }
0x40e: {  	_ = 	snop  }
0x40f: {  	[tilespmem:s22], [sflag:$0x1] =	stream.linear.gather [hbm4b:s13+s2], $0x1068, $0x38;
	[tilespmem:$0x18A00] =	vst v63  }
0x410: {  	_ =	swait.ge [sflag:s6], $0x1068  }
0x411: {  	[sflag:s6] =	ssyncset.done $0x0  }
0x412: {  	[sflag:s6] =	ssyncadd.s32 $0xFFFFEF98  }
0x413: {  	_ =	swait.ge [sflag:s6], $0x1068  }
0x414: {  	[sflag:s6] =	ssyncset.done $0x0  }
0x415: {  	[sflag:s6] =	ssyncadd.s32 $0xFFFFEF98  }
0x416: {  	_ =	swait.ge [sflag:s6], $0x1068  }
0x417: {  	[sflag:s6] =	ssyncset.done $0x0  }
0x418: {  	[sflag:s6] =	ssyncadd.s32 $0xFFFFEF98  }
0x419: {  	_ =	swait.ge [sflag:s6], $0x1068  }
0x41a: {  	[sflag:s6] =	ssyncset.done $0x0  }
0x41b: {  	[sflag:s6] =	ssyncadd.s32 $0xFFFFEF98  }
0x41c: {  	_ =	swait.ge [sflag:s3], $0x41A0  }
0x41d: {  	s15 =	sld [smem:$0x7DB]  }
0x41e: {  	[sflag:s3] =	ssyncset.done $0x0  }
0x41f: {  	[sflag:s3] =	ssyncadd.s32 $0xFFFFBE60  }
0x420: {  	[hbm4b:s15+s2] =	stream.linear.scatter [tilespmem:s5], [sflag:$0x4], $0x41A0, $0x38;
	[tilespmem:$0x18A00] =	vst v63  }
0x421: {  	s13 =	sld [smem:$0x7DC]  }
0x422: {  	[tilespmem:s14], [sflag:$0x2] =	stream.linear.gather [hbm4b:s25+s2], $0x1068, $0x38;
	[tilespmem:$0x18A00] =	vst v63  }
0x423: {  	s15 =	sld [smem:$0x7DD]  }
0x424: {  	[tilespmem:s19], [sflag:$0x2] =	stream.linear.gather [hbm4b:s13+s2], $0x1068, $0x38;
	[tilespmem:$0x18A00] =	vst v63  }
0x425: {  	s13 =	sld [smem:$0x7DE]  }
0x426: {  	[tilespmem:s18], [sflag:$0x2] =	stream.linear.gather [hbm4b:s15+s2], $0x1068, $0x38;
	[tilespmem:$0x18A00] =	vst v63  }
0x427: {  	_ = 	snop  }
0x428: {  	[tilespmem:s12], [sflag:$0x2] =	stream.linear.gather [hbm4b:s13+s2], $0x1068, $0x38;
	[tilespmem:$0x18A00] =	vst v63  }
0x429: {  	_ =	swait.ge [sflag:s9], $0x1068  }
0x42a: {  	[sflag:s9] =	ssyncset.done $0x0  }
0x42b: {  	[sflag:s9] =	ssyncadd.s32 $0xFFFFEF98  }
0x42c: {  	_ =	swait.ge [sflag:s9], $0x1068  }
0x42d: {  	[sflag:s9] =	ssyncset.done $0x0  }
0x42e: {  	[sflag:s9] =	ssyncadd.s32 $0xFFFFEF98  }
0x42f: {  	_ =	swait.ge [sflag:s9], $0x1068  }
0x430: {  	[sflag:s9] =	ssyncset.done $0x0  }
0x431: {  	[sflag:s9] =	ssyncadd.s32 $0xFFFFEF98  }
0x432: {  	_ =	swait.ge [sflag:s9], $0x1068  }
0x433: {  	[sflag:s9] =	ssyncset.done $0x0  }
0x434: {  	[sflag:s9] =	ssyncadd.s32 $0xFFFFEF98  }
0x435: {  	_ =	swait.ge [sflag:s4], $0x41A0  }
0x436: {  	s15 =	sld [smem:$0x7DF]  }
0x437: {  	[sflag:s4] =	ssyncset.done $0x0  }
0x438: {  	[sflag:s4] =	ssyncadd.s32 $0xFFFFBE60  }
0x439: {  	[hbm4b:s15+s2] =	stream.linear.scatter [tilespmem:s8], [sflag:$0x3], $0x41A0, $0x38;
	[tilespmem:$0x18A00] =	vst v63  }
0x43a: {  	s13 =	sld [smem:$0x7E0]  }
0x43b: {  	[tilespmem:s2], [sflag:$0x1] =	stream.linear.gather [hbm4b:s24+s2], $0x1068, $0x38;
	[tilespmem:$0x18A00] =	vst v63  }
0x43c: {  	s15 =	sld [smem:$0x7E1]  }
0x43d: {  	[tilespmem:s29], [sflag:$0x1] =	stream.linear.gather [hbm4b:s13+s2], $0x1068, $0x38;
	[tilespmem:$0x18A00] =	vst v63  }
0x43e: {  	s13 =	sld [smem:$0x7E2]  }
0x43f: {  	[tilespmem:s28], [sflag:$0x1] =	stream.linear.gather [hbm4b:s15+s2], $0x1068, $0x38;
	[tilespmem:$0x18A00] =	vst v63  }
0x440: {  	_ = 	snop  }
0x441: {  	[tilespmem:s22], [sflag:$0x1] =	stream.linear.gather [hbm4b:s13+s2], $0x1068, $0x38;
	[tilespmem:$0x18A00] =	vst v63  }
0x442: {  	_ =	swait.ge [sflag:s6], $0x1068  }
0x443: {  	[sflag:s6] =	ssyncset.done $0x0  }
0x444: {  	[sflag:s6] =	ssyncadd.s32 $0xFFFFEF98  }
0x445: {  	_ =	swait.ge [sflag:s6], $0x1068  }
0x446: {  	[sflag:s6] =	ssyncset.done $0x0  }
0x447: {  	[sflag:s6] =	ssyncadd.s32 $0xFFFFEF98  }
0x448: {  	_ =	swait.ge [sflag:s6], $0x1068  }
0x449: {  	[sflag:s6] =	ssyncset.done $0x0  }
0x44a: {  	[sflag:s6] =	ssyncadd.s32 $0xFFFFEF98  }
0x44b: {  	_ =	swait.ge [sflag:s6], $0x1068  }
0x44c: {  	[sflag:s6] =	ssyncset.done $0x0  }
0x44d: {  	[sflag:s6] =	ssyncadd.s32 $0xFFFFEF98  }
0x44e: {  	_ =	swait.ge [sflag:s3], $0x41A0  }
0x44f: {  	s15 =	sld [smem:$0x7E3]  }
0x450: {  	[sflag:s3] =	ssyncset.done $0x0  }
0x451: {  	[sflag:s3] =	ssyncadd.s32 $0xFFFFBE60  }
0x452: {  	[hbm4b:s15+s2] =	stream.linear.scatter [tilespmem:s5], [sflag:$0x4], $0x41A0, $0x38;
	[tilespmem:$0x18A00] =	vst v63  }
0x453: {  	s13 =	sld [smem:$0x7E4]  }
0x454: {  	[tilespmem:s14], [sflag:$0x2] =	stream.linear.gather [hbm4b:s23+s2], $0x1068, $0x38;
	[tilespmem:$0x18A00] =	vst v63  }
0x455: {  	s15 =	sld [smem:$0x7E5]  }
0x456: {  	[tilespmem:s19], [sflag:$0x2] =	stream.linear.gather [hbm4b:s13+s2], $0x1068, $0x38;
	[tilespmem:$0x18A00] =	vst v63  }
0x457: {  	s13 =	sld [smem:$0x7E6]  }
0x458: {  	[tilespmem:s18], [sflag:$0x2] =	stream.linear.gather [hbm4b:s15+s2], $0x1068, $0x38;
	[tilespmem:$0x18A00] =	vst v63  }
0x459: {  	_ = 	snop  }
0x45a: {  	[tilespmem:s12], [sflag:$0x2] =	stream.linear.gather [hbm4b:s13+s2], $0x1068, $0x38;
	[tilespmem:$0x18A00] =	vst v63  }
0x45b: {  	_ =	swait.ge [sflag:s9], $0x1068  }
0x45c: {  	[sflag:s9] =	ssyncset.done $0x0  }
0x45d: {  	[sflag:s9] =	ssyncadd.s32 $0xFFFFEF98  }
0x45e: {  	_ =	swait.ge [sflag:s9], $0x1068  }
0x45f: {  	[sflag:s9] =	ssyncset.done $0x0  }
0x460: {  	[sflag:s9] =	ssyncadd.s32 $0xFFFFEF98  }
0x461: {  	_ =	swait.ge [sflag:s9], $0x1068  }
0x462: {  	[sflag:s9] =	ssyncset.done $0x0  }
0x463: {  	[sflag:s9] =	ssyncadd.s32 $0xFFFFEF98  }
0x464: {  	_ =	swait.ge [sflag:s9], $0x1068  }
0x465: {  	[sflag:s9] =	ssyncset.done $0x0  }
0x466: {  	[sflag:s9] =	ssyncadd.s32 $0xFFFFEF98  }
0x467: {  	_ =	swait.ge [sflag:s4], $0x41A0  }
0x468: {  	s15 =	sld [smem:$0x7E7]  }
0x469: {  	[sflag:s4] =	ssyncset.done $0x0  }
0x46a: {  	[sflag:s4] =	ssyncadd.s32 $0xFFFFBE60  }
0x46b: {  	[hbm4b:s15+s2] =	stream.linear.scatter [tilespmem:s8], [sflag:$0x3], $0x41A0, $0x38;
	[tilespmem:$0x18A00] =	vst v63  }
0x46c: {  	s15 =	sld [smem:$0x7E9];
	_ =	sdelay $0x1  }
0x46d: {  	s13 =	sld [smem:$0x7E8]  }
0x46e: {  	[tilespmem:s2], [sflag:$0x1] =	stream.linear.gather [hbm4b:s15+s2], $0x1068, $0x38;
	[tilespmem:$0x18A00] =	vst v63  }
0x46f: {  	s15 =	sld [smem:$0x7EA]  }
0x470: {  	[tilespmem:s29], [sflag:$0x1] =	stream.linear.gather [hbm4b:s13+s2], $0x1068, $0x38;
	[tilespmem:$0x18A00] =	vst v63  }
0x471: {  	s13 =	sld [smem:$0x7EB]  }
0x472: {  	[tilespmem:s28], [sflag:$0x1] =	stream.linear.gather [hbm4b:s15+s2], $0x1068, $0x38;
	[tilespmem:$0x18A00] =	vst v63  }
0x473: {  	_ = 	snop  }
0x474: {  	[tilespmem:s22], [sflag:$0x1] =	stream.linear.gather [hbm4b:s13+s2], $0x1068, $0x38;
	[tilespmem:$0x18A00] =	vst v63  }
0x475: {  	_ =	swait.ge [sflag:s6], $0x1068  }
0x476: {  	[sflag:s6] =	ssyncset.done $0x0  }
0x477: {  	[sflag:s6] =	ssyncadd.s32 $0xFFFFEF98  }
0x478: {  	_ =	swait.ge [sflag:s6], $0x1068  }
0x479: {  	[sflag:s6] =	ssyncset.done $0x0  }
0x47a: {  	[sflag:s6] =	ssyncadd.s32 $0xFFFFEF98  }
0x47b: {  	_ =	swait.ge [sflag:s6], $0x1068  }
0x47c: {  	[sflag:s6] =	ssyncset.done $0x0  }
0x47d: {  	[sflag:s6] =	ssyncadd.s32 $0xFFFFEF98  }
0x47e: {  	_ =	swait.ge [sflag:s6], $0x1068  }
0x47f: {  	[sflag:s6] =	ssyncset.done $0x0  }
0x480: {  	[sflag:s6] =	ssyncadd.s32 $0xFFFFEF98  }
0x481: {  	_ =	swait.ge [sflag:s3], $0x41A0  }
0x482: {  	s15 =	sld [smem:$0x7EC]  }
0x483: {  	[sflag:s3] =	ssyncset.done $0x0  }
0x484: {  	[sflag:s3] =	ssyncadd.s32 $0xFFFFBE60  }
0x485: {  	[hbm4b:s15+s2] =	stream.linear.scatter [tilespmem:s5], [sflag:$0x4], $0x41A0, $0x38;
	[tilespmem:$0x18A00] =	vst v63  }
0x486: {  	s15 =	sld [smem:$0x7EE];
	_ =	sdelay $0x1  }
0x487: {  	s13 =	sld [smem:$0x7ED]  }
0x488: {  	[tilespmem:s14], [sflag:$0x2] =	stream.linear.gather [hbm4b:s15+s2], $0x1068, $0x38;
	[tilespmem:$0x18A00] =	vst v63  }
0x489: {  	s15 =	sld [smem:$0x7EF]  }
0x48a: {  	[tilespmem:s19], [sflag:$0x2] =	stream.linear.gather [hbm4b:s13+s2], $0x1068, $0x38;
	[tilespmem:$0x18A00] =	vst v63  }
0x48b: {  	s13 =	sld [smem:$0x7F0]  }
0x48c: {  	[tilespmem:s18], [sflag:$0x2] =	stream.linear.gather [hbm4b:s15+s2], $0x1068, $0x38;
	[tilespmem:$0x18A00] =	vst v63  }
0x48d: {  	_ = 	snop  }
0x48e: {  	[tilespmem:s12], [sflag:$0x2] =	stream.linear.gather [hbm4b:s13+s2], $0x1068, $0x38;
	[tilespmem:$0x18A00] =	vst v63  }
0x48f: {  	_ =	swait.ge [sflag:s9], $0x1068  }
0x490: {  	[sflag:s9] =	ssyncset.done $0x0  }
0x491: {  	[sflag:s9] =	ssyncadd.s32 $0xFFFFEF98  }
0x492: {  	_ =	swait.ge [sflag:s9], $0x1068  }
0x493: {  	[sflag:s9] =	ssyncset.done $0x0  }
0x494: {  	[sflag:s9] =	ssyncadd.s32 $0xFFFFEF98  }
0x495: {  	_ =	swait.ge [sflag:s9], $0x1068  }
0x496: {  	[sflag:s9] =	ssyncset.done $0x0  }
0x497: {  	[sflag:s9] =	ssyncadd.s32 $0xFFFFEF98  }
0x498: {  	_ =	swait.ge [sflag:s9], $0x1068  }
0x499: {  	[sflag:s9] =	ssyncset.done $0x0  }
0x49a: {  	[sflag:s9] =	ssyncadd.s32 $0xFFFFEF98  }
0x49b: {  	_ =	swait.ge [sflag:s4], $0x41A0  }
0x49c: {  	s15 =	sld [smem:$0x7F1]  }
0x49d: {  	[sflag:s4] =	ssyncset.done $0x0  }
0x49e: {  	[sflag:s4] =	ssyncadd.s32 $0xFFFFBE60  }
0x49f: {  	[hbm4b:s15+s2] =	stream.linear.scatter [tilespmem:s8], [sflag:$0x3], $0x41A0, $0x38;
	[tilespmem:$0x18A00] =	vst v63  }
0x4a0: {  	s13 =	sld [smem:$0x7F2]  }
0x4a1: {  	[tilespmem:s2], [sflag:$0x1] =	stream.linear.gather [hbm4b:s17+s2], $0x1068, $0x38;
	[tilespmem:$0x18A00] =	vst v63  }
0x4a2: {  	s15 =	sld [smem:$0x7F3]  }
0x4a3: {  	[tilespmem:s29], [sflag:$0x1] =	stream.linear.gather [hbm4b:s13+s2], $0x1068, $0x38;
	[tilespmem:$0x18A00] =	vst v63  }
0x4a4: {  	s13 =	sld [smem:$0x7F4]  }
0x4a5: {  	[tilespmem:s28], [sflag:$0x1] =	stream.linear.gather [hbm4b:s15+s2], $0x1068, $0x38;
	[tilespmem:$0x18A00] =	vst v63  }
0x4a6: {  	_ = 	snop  }
0x4a7: {  	[tilespmem:s22], [sflag:$0x1] =	stream.linear.gather [hbm4b:s13+s2], $0x1068, $0x38;
	[tilespmem:$0x18A00] =	vst v63  }
0x4a8: {  	_ =	swait.ge [sflag:s6], $0x1068  }
0x4a9: {  	[sflag:s6] =	ssyncset.done $0x0  }
0x4aa: {  	[sflag:s6] =	ssyncadd.s32 $0xFFFFEF98  }
0x4ab: {  	_ =	swait.ge [sflag:s6], $0x1068  }
0x4ac: {  	[sflag:s6] =	ssyncset.done $0x0  }
0x4ad: {  	[sflag:s6] =	ssyncadd.s32 $0xFFFFEF98  }
0x4ae: {  	_ =	swait.ge [sflag:s6], $0x1068  }
0x4af: {  	[sflag:s6] =	ssyncset.done $0x0  }
0x4b0: {  	[sflag:s6] =	ssyncadd.s32 $0xFFFFEF98  }
0x4b1: {  	_ =	swait.ge [sflag:s6], $0x1068  }
0x4b2: {  	[sflag:s6] =	ssyncset.done $0x0  }
0x4b3: {  	[sflag:s6] =	ssyncadd.s32 $0xFFFFEF98  }
0x4b4: {  	_ =	swait.ge [sflag:s3], $0x41A0  }
0x4b5: {  	s15 =	sld [smem:$0x7F5]  }
0x4b6: {  	[sflag:s3] =	ssyncset.done $0x0  }
0x4b7: {  	[sflag:s3] =	ssyncadd.s32 $0xFFFFBE60  }
0x4b8: {  	[hbm4b:s15+s2] =	stream.linear.scatter [tilespmem:s5], [sflag:$0x4], $0x41A0, $0x38;
	[tilespmem:$0x18A00] =	vst v63  }
0x4b9: {  	s13 =	sld [smem:$0x7F6]  }
0x4ba: {  	[tilespmem:s14], [sflag:$0x2] =	stream.linear.gather [hbm4b:s16+s2], $0x1068, $0x38;
	[tilespmem:$0x18A00] =	vst v63  }
0x4bb: {  	s15 =	sld [smem:$0x7F7]  }
0x4bc: {  	[tilespmem:s19], [sflag:$0x2] =	stream.linear.gather [hbm4b:s13+s2], $0x1068, $0x38;
	[tilespmem:$0x18A00] =	vst v63  }
0x4bd: {  	s13 =	sld [smem:$0x7F8]  }
0x4be: {  	[tilespmem:s18], [sflag:$0x2] =	stream.linear.gather [hbm4b:s15+s2], $0x1068, $0x38;
	[tilespmem:$0x18A00] =	vst v63  }
0x4bf: {  	_ = 	snop  }
0x4c0: {  	[tilespmem:s12], [sflag:$0x2] =	stream.linear.gather [hbm4b:s13+s2], $0x1068, $0x38;
	[tilespmem:$0x18A00] =	vst v63  }
0x4c1: {  	_ =	swait.ge [sflag:s9], $0x1068  }
0x4c2: {  	[sflag:s9] =	ssyncset.done $0x0  }
0x4c3: {  	[sflag:s9] =	ssyncadd.s32 $0xFFFFEF98  }
0x4c4: {  	_ =	swait.ge [sflag:s9], $0x1068  }
0x4c5: {  	[sflag:s9] =	ssyncset.done $0x0  }
0x4c6: {  	[sflag:s9] =	ssyncadd.s32 $0xFFFFEF98  }
0x4c7: {  	_ =	swait.ge [sflag:s9], $0x1068  }
0x4c8: {  	[sflag:s9] =	ssyncset.done $0x0  }
0x4c9: {  	[sflag:s9] =	ssyncadd.s32 $0xFFFFEF98  }
0x4ca: {  	_ =	swait.ge [sflag:s9], $0x1068  }
0x4cb: {  	[sflag:s9] =	ssyncset.done $0x0  }
0x4cc: {  	[sflag:s9] =	ssyncadd.s32 $0xFFFFEF98  }
0x4cd: {  	_ =	swait.ge [sflag:s4], $0x41A0  }
0x4ce: {  	s15 =	sld [smem:$0x7F9]  }
0x4cf: {  	[sflag:s4] =	ssyncset.done $0x0  }
0x4d0: {  	[sflag:s4] =	ssyncadd.s32 $0xFFFFBE60  }
0x4d1: {  	[hbm4b:s15+s2] =	stream.linear.scatter [tilespmem:s8], [sflag:$0x3], $0x41A0, $0x38;
	[tilespmem:$0x18A00] =	vst v63  }
0x4d2: {  	_ =	swait.ge [sflag:s6], $0x1068  }
0x4d3: {  	[sflag:s6] =	ssyncset.done $0x0  }
0x4d4: {  	[sflag:s6] =	ssyncadd.s32 $0xFFFFEF98  }
0x4d5: {  	_ =	swait.ge [sflag:s6], $0x1068  }
0x4d6: {  	[sflag:s6] =	ssyncset.done $0x0  }
0x4d7: {  	[sflag:s6] =	ssyncadd.s32 $0xFFFFEF98  }
0x4d8: {  	_ =	swait.ge [sflag:s6], $0x1068  }
0x4d9: {  	[sflag:s6] =	ssyncset.done $0x0  }
0x4da: {  	[sflag:s6] =	ssyncadd.s32 $0xFFFFEF98  }
0x4db: {  	_ =	swait.ge [sflag:s6], $0x1068  }
0x4dc: {  	[sflag:s6] =	ssyncset.done $0x0  }
0x4dd: {  	[sflag:s6] =	ssyncadd.s32 $0xFFFFEF98  }
0x4de: {  	_ =	swait.ge [sflag:s3], $0x41A0  }
0x4df: {  	s15 =	sld [smem:$0x7FA]  }
0x4e0: {  	[sflag:s3] =	ssyncset.done $0x0  }
0x4e1: {  	p1 =	sne.s32 s11, $0x1;
	[sflag:s3] =	ssyncadd.s32 $0xFFFFBE60  }
0x4e2: {  	[hbm4b:s15+s2] =	stream.linear.scatter [tilespmem:s5], [sflag:$0x4], $0x41A0, $0x38;
	[tilespmem:$0x18A00] =	vst v63  }
.Ltmp2:
0x4e3: {  	_ =	swait.ge [sflag:s4], $0x41A0;
	(pc) =	sbr.rel @p1 .LBB2_4-.Ltmp2, $4  }
0x4e4: {  	[sflag:s4] =	ssyncset.done $0x0  }
0x4e5: {  	[sflag:s4] =	ssyncadd.s32 $0xFFFFBE60  }
0x4e6: {  	_ =	swait.ge [sflag:s3], $0x41A0  }
0x4e7: {  	s11 =	sadd.s32 $0xFFFFFFFF, s11;
	s13 =	rddreg [dreg:$0x4];
	[sflag:s3] =	ssyncset.done $0x0  }
0x4e8: {  	s1 =	sld [smem:$0x7B9]  }
0x4e9: {  	s15 =	smov.u32 s0;
	s0 =	smov.u32 s20;
	s20 =	sld [smem:$0x7B7]  }
.LBB2_6:
0x4ea: {  	[sflag:s3] =	ssyncadd.s32 @p0 $0xFFFFBE60  }
0x4eb: {  	[tilespmem:s2], [sflag:$0x1] =	stream.linear.gather [hbm4b:s13+s2], $0x3138, $0x38;
	[tilespmem:$0x18A00] =	vst v63  }
0x4ec: {  	s11 =	rddreg [dreg:$0x5]  }
0x4ed: {  	[tilespmem:s22], [sflag:$0x1] =	stream.linear.gather [hbm4b:s11+s2], $0x3138, $0x38;
	[tilespmem:$0x18A00] =	vst v63  }
0x4ee: {  	s7 =	rddreg [dreg:$0x6]  }
0x4ef: {  	[tilespmem:s14], [sflag:$0x2] =	stream.linear.gather [hbm4b:s7+s2], $0x3138, $0x38;
	[tilespmem:$0x18A00] =	vst v63  }
0x4f0: {  	s10 =	rddreg [dreg:$0x7]  }
0x4f1: {  	[tilespmem:s12], [sflag:$0x2] =	stream.linear.gather [hbm4b:s10+s2], $0x3138, $0x38;
	[tilespmem:$0x18A00] =	vst v63  }
0x4f2: {  	_ =	swait.ge [sflag:s9], $0x3138  }
0x4f3: {  	[sflag:s9] =	ssyncset.done $0x0  }
0x4f4: {  	[sflag:s9] =	ssyncadd.s32 $0xFFFFCEC8  }
0x4f5: {  	_ =	swait.ge [sflag:s9], $0x3138  }
0x4f6: {  	[sflag:s9] =	ssyncset.done $0x0  }
0x4f7: {  	s13 =	rddreg [dreg:$0x8];
	[sflag:s9] =	ssyncadd.s32 $0xFFFFCEC8  }
0x4f8: {  	[hbm4b:s13+s2] =	stream.linear.scatter [tilespmem:s8], [sflag:$0x3], $0x6270, $0x38;
	[tilespmem:$0x18A00] =	vst v63  }
0x4f9: {  	s7 =	rddreg [dreg:$0x9]  }
0x4fa: {  	[tilespmem:s2], [sflag:$0x1] =	stream.linear.gather [hbm4b:s7+s2], $0x3138, $0x38;
	[tilespmem:$0x18A00] =	vst v63  }
0x4fb: {  	s10 =	rddreg [dreg:$0xa]  }
0x4fc: {  	[tilespmem:s22], [sflag:$0x1] =	stream.linear.gather [hbm4b:s10+s2], $0x3138, $0x38;
	[tilespmem:$0x18A00] =	vst v63  }
0x4fd: {  	_ =	swait.ge [sflag:s6], $0x3138  }
0x4fe: {  	[sflag:s6] =	ssyncset.done $0x0  }
0x4ff: {  	[sflag:s6] =	ssyncadd.s32 $0xFFFFCEC8  }
0x500: {  	_ =	swait.ge [sflag:s6], $0x3138  }
0x501: {  	[sflag:s6] =	ssyncset.done $0x0  }
0x502: {  	s13 =	rddreg [dreg:$0xb];
	[sflag:s6] =	ssyncadd.s32 $0xFFFFCEC8  }
0x503: {  	[hbm4b:s13+s2] =	stream.linear.scatter [tilespmem:s5], [sflag:$0x4], $0x6270, $0x38;
	[tilespmem:$0x18A00] =	vst v63  }
0x504: {  	s7 =	rddreg [dreg:$0xc]  }
0x505: {  	[tilespmem:s14], [sflag:$0x2] =	stream.linear.gather [hbm4b:s7+s2], $0x3138, $0x38;
	[tilespmem:$0x18A00] =	vst v63  }
0x506: {  	s10 =	rddreg [dreg:$0xd]  }
0x507: {  	[tilespmem:s12], [sflag:$0x2] =	stream.linear.gather [hbm4b:s10+s2], $0x3138, $0x38;
	[tilespmem:$0x18A00] =	vst v63  }
0x508: {  	_ =	swait.ge [sflag:s9], $0x3138  }
0x509: {  	[sflag:s9] =	ssyncset.done $0x0  }
0x50a: {  	[sflag:s9] =	ssyncadd.s32 $0xFFFFCEC8  }
0x50b: {  	_ =	swait.ge [sflag:s9], $0x3138  }
0x50c: {  	[sflag:s9] =	ssyncset.done $0x0  }
0x50d: {  	[sflag:s9] =	ssyncadd.s32 $0xFFFFCEC8  }
0x50e: {  	_ =	swait.ge [sflag:s4], $0x6270  }
0x50f: {  	[sflag:s4] =	ssyncset.done $0x0  }
0x510: {  	s13 =	rddreg [dreg:$0xe];
	[sflag:s4] =	ssyncadd.s32 $0xFFFF9D90  }
0x511: {  	[hbm4b:s13+s2] =	stream.linear.scatter [tilespmem:s8], [sflag:$0x3], $0x6270, $0x38;
	[tilespmem:$0x18A00] =	vst v63  }
0x512: {  	s7 =	rddreg [dreg:$0xf]  }
0x513: {  	[tilespmem:s2], [sflag:$0x1] =	stream.linear.gather [hbm4b:s7+s2], $0x3138, $0x38;
	[tilespmem:$0x18A00] =	vst v63  }
0x514: {  	s10 =	rddreg [dreg:$0x10]  }
0x515: {  	[tilespmem:s22], [sflag:$0x1] =	stream.linear.gather [hbm4b:s10+s2], $0x3138, $0x38;
	[tilespmem:$0x18A00] =	vst v63  }
0x516: {  	_ =	swait.ge [sflag:s6], $0x3138  }
0x517: {  	[sflag:s6] =	ssyncset.done $0x0  }
0x518: {  	[sflag:s6] =	ssyncadd.s32 $0xFFFFCEC8  }
0x519: {  	_ =	swait.ge [sflag:s6], $0x3138  }
0x51a: {  	[sflag:s6] =	ssyncset.done $0x0  }
0x51b: {  	[sflag:s6] =	ssyncadd.s32 $0xFFFFCEC8  }
0x51c: {  	_ =	swait.ge [sflag:s3], $0x6270  }
0x51d: {  	[sflag:s3] =	ssyncset.done $0x0  }
0x51e: {  	s13 =	rddreg [dreg:$0x11];
	[sflag:s3] =	ssyncadd.s32 $0xFFFF9D90  }
0x51f: {  	[hbm4b:s13+s2] =	stream.linear.scatter [tilespmem:s5], [sflag:$0x4], $0x6270, $0x38;
	[tilespmem:$0x18A00] =	vst v63  }
0x520: {  	s7 =	rddreg [dreg:$0x12]  }
0x521: {  	[tilespmem:s14], [sflag:$0x2] =	stream.linear.gather [hbm4b:s7+s2], $0x3138, $0x38;
	[tilespmem:$0x18A00] =	vst v63  }
0x522: {  	s10 =	rddreg [dreg:$0x13]  }
0x523: {  	[tilespmem:s12], [sflag:$0x2] =	stream.linear.gather [hbm4b:s10+s2], $0x3138, $0x38;
	[tilespmem:$0x18A00] =	vst v63  }
0x524: {  	_ =	swait.ge [sflag:s9], $0x3138  }
0x525: {  	[sflag:s9] =	ssyncset.done $0x0  }
0x526: {  	[sflag:s9] =	ssyncadd.s32 $0xFFFFCEC8  }
0x527: {  	_ =	swait.ge [sflag:s9], $0x3138  }
0x528: {  	[sflag:s9] =	ssyncset.done $0x0  }
0x529: {  	[sflag:s9] =	ssyncadd.s32 $0xFFFFCEC8  }
0x52a: {  	_ =	swait.ge [sflag:s4], $0x6270  }
0x52b: {  	[sflag:s4] =	ssyncset.done $0x0  }
0x52c: {  	s7 =	rddreg [dreg:$0x14];
	[sflag:s4] =	ssyncadd.s32 $0xFFFF9D90  }
0x52d: {  	[hbm4b:s7+s2] =	stream.linear.scatter [tilespmem:s8], [sflag:$0x3], $0x6270, $0x38;
	[tilespmem:$0x18A00] =	vst v63  }
0x52e: {  	_ =	swait.ge [sflag:s6], $0x3138  }
0x52f: {  	[sflag:s6] =	ssyncset.done $0x0  }
0x530: {  	[sflag:s6] =	ssyncadd.s32 $0xFFFFCEC8  }
0x531: {  	_ =	swait.ge [sflag:s6], $0x3138  }
0x532: {  	[sflag:s6] =	ssyncset.done $0x0  }
0x533: {  	[sflag:s6] =	ssyncadd.s32 $0xFFFFCEC8  }
0x534: {  	_ =	swait.ge [sflag:s3], $0x6270  }
0x535: {  	[sflag:s3] =	ssyncset.done $0x0  }
0x536: {  	s10 =	rddreg [dreg:$0x15];
	[sflag:s3] =	ssyncadd.s32 $0xFFFF9D90  }
0x537: {  	[hbm4b:s10+s2] =	stream.linear.scatter [tilespmem:s5], [sflag:$0x4], $0x6270, $0x38;
	[tilespmem:$0x18A00] =	vst v63  }
0x538: {  	_ =	swait.ge [sflag:s4], $0x6270  }
0x539: {  	[sflag:s4] =	ssyncset.done $0x0  }
0x53a: {  	[sflag:s4] =	ssyncadd.s32 $0xFFFF9D90  }
0x53b: {  	_ =	swait.ge [sflag:s3], $0x6270  }
0x53c: {  	[sflag:s3] =	ssyncset.done $0x0  }
0x53d: {  	[sflag:s3] =	ssyncadd.s32 $0xFFFF9D90  }
0x53e: {  	[tilespmem:s2], [sflag:$0x1] =	stream.linear.gather [hbm4b:s1+s2], $0x1068, $0x38;
	[tilespmem:$0x18A00] =	vst v63  }
0x53f: {  	s13 =	rddreg [dreg:$0x16]  }
0x540: {  	[tilespmem:s29], [sflag:$0x1] =	stream.linear.gather [hbm4b:s13+s2], $0x1068, $0x38;
	[tilespmem:$0x18A00] =	vst v63  }
0x541: {  	s1 =	rddreg [dreg:$0x17]  }
0x542: {  	[tilespmem:s28], [sflag:$0x1] =	stream.linear.gather [hbm4b:s1+s2], $0x1068, $0x38;
	[tilespmem:$0x18A00] =	vst v63  }
0x543: {  	s7 =	rddreg [dreg:$0x18]  }
0x544: {  	[tilespmem:s22], [sflag:$0x1] =	stream.linear.gather [hbm4b:s7+s2], $0x1068, $0x38;
	[tilespmem:$0x18A00] =	vst v63  }
0x545: {  	_ = 	snop  }
0x546: {  	[tilespmem:s14], [sflag:$0x2] =	stream.linear.gather [hbm4b:s21+s2], $0x1068, $0x38;
	[tilespmem:$0x18A00] =	vst v63  }
0x547: {  	s10 =	rddreg [dreg:$0x19]  }
0x548: {  	[tilespmem:s19], [sflag:$0x2] =	stream.linear.gather [hbm4b:s10+s2], $0x1068, $0x38;
	[tilespmem:$0x18A00] =	vst v63  }
0x549: {  	s7 =	rddreg [dreg:$0x1a]  }
0x54a: {  	[tilespmem:s18], [sflag:$0x2] =	stream.linear.gather [hbm4b:s7+s2], $0x1068, $0x38;
	[tilespmem:$0x18A00] =	vst v63  }
0x54b: {  	s13 =	rddreg [dreg:$0x1b]  }
0x54c: {  	[tilespmem:s12], [sflag:$0x2] =	stream.linear.gather [hbm4b:s13+s2], $0x1068, $0x38;
	[tilespmem:$0x18A00] =	vst v63  }
0x54d: {  	_ =	swait.ge [sflag:s9], $0x1068  }
0x54e: {  	[sflag:s9] =	ssyncset.done $0x0  }
0x54f: {  	[sflag:s9] =	ssyncadd.s32 $0xFFFFEF98  }
0x550: {  	_ =	swait.ge [sflag:s9], $0x1068  }
0x551: {  	[sflag:s9] =	ssyncset.done $0x0  }
0x552: {  	[sflag:s9] =	ssyncadd.s32 $0xFFFFEF98  }
0x553: {  	_ =	swait.ge [sflag:s9], $0x1068  }
0x554: {  	[sflag:s9] =	ssyncset.done $0x0  }
0x555: {  	[sflag:s9] =	ssyncadd.s32 $0xFFFFEF98  }
0x556: {  	_ =	swait.ge [sflag:s9], $0x1068  }
0x557: {  	[sflag:s9] =	ssyncset.done $0x0  }
0x558: {  	[sflag:s9] =	ssyncadd.s32 $0xFFFFEF98  }
0x559: {  	[hbm4b:s15+s2] =	stream.linear.scatter [tilespmem:s8], [sflag:$0x3], $0x41A0, $0x38;
	[tilespmem:$0x18A00] =	vst v63  }
0x55a: {  	_ = 	snop  }
0x55b: {  	[tilespmem:s2], [sflag:$0x1] =	stream.linear.gather [hbm4b:s0+s2], $0x1068, $0x38;
	[tilespmem:$0x18A00] =	vst v63  }
0x55c: {  	s21 =	rddreg [dreg:$0x1c]  }
0x55d: {  	[tilespmem:s29], [sflag:$0x1] =	stream.linear.gather [hbm4b:s21+s2], $0x1068, $0x38;
	[tilespmem:$0x18A00] =	vst v63  }
0x55e: {  	s10 =	rddreg [dreg:$0x1d]  }
0x55f: {  	[tilespmem:s28], [sflag:$0x1] =	stream.linear.gather [hbm4b:s10+s2], $0x1068, $0x38;
	[tilespmem:$0x18A00] =	vst v63  }
0x560: {  	s0 =	rddreg [dreg:$0x1e]  }
0x561: {  	[tilespmem:s22], [sflag:$0x1] =	stream.linear.gather [hbm4b:s0+s2], $0x1068, $0x38;
	[tilespmem:$0x18A00] =	vst v63  }
0x562: {  	_ =	swait.ge [sflag:s6], $0x1068  }
0x563: {  	[sflag:s6] =	ssyncset.done $0x0  }
0x564: {  	[sflag:s6] =	ssyncadd.s32 $0xFFFFEF98  }
0x565: {  	_ =	swait.ge [sflag:s6], $0x1068  }
0x566: {  	[sflag:s6] =	ssyncset.done $0x0  }
0x567: {  	[sflag:s6] =	ssyncadd.s32 $0xFFFFEF98  }
0x568: {  	_ =	swait.ge [sflag:s6], $0x1068  }
0x569: {  	[sflag:s6] =	ssyncset.done $0x0  }
0x56a: {  	[sflag:s6] =	ssyncadd.s32 $0xFFFFEF98  }
0x56b: {  	_ =	swait.ge [sflag:s6], $0x1068  }
0x56c: {  	s1 =	rddreg [dreg:$0x1f];
	[sflag:s6] =	ssyncset.done $0x0  }
0x56d: {  	s11 =	sld [smem:$0x7FD];
	[sflag:s6] =	ssyncadd.s32 $0xFFFFEF98  }
0x56e: {  	[hbm4b:s1+s2] =	stream.linear.scatter [tilespmem:s5], [sflag:$0x4], $0x41A0, $0x38;
	[tilespmem:$0x18A00] =	vst v63  }
0x56f: {  	s10 =	sld [smem:$0x7BB]  }
0x570: {  	[tilespmem:s14], [sflag:$0x2] =	stream.linear.gather [hbm4b:s11+s2], $0x1068, $0x38;
	[tilespmem:$0x18A00] =	vst v63  }
0x571: {  	s13 =	sld [smem:$0x7BC]  }
0x572: {  	[tilespmem:s19], [sflag:$0x2] =	stream.linear.gather [hbm4b:s10+s2], $0x1068, $0x38;
	[tilespmem:$0x18A00] =	vst v63  }
0x573: {  	s15 =	sld [smem:$0x7BD]  }
0x574: {  	[tilespmem:s18], [sflag:$0x2] =	stream.linear.gather [hbm4b:s13+s2], $0x1068, $0x38;
	[tilespmem:$0x18A00] =	vst v63  }
0x575: {  	_ = 	snop  }
0x576: {  	[tilespmem:s12], [sflag:$0x2] =	stream.linear.gather [hbm4b:s15+s2], $0x1068, $0x38;
	[tilespmem:$0x18A00] =	vst v63  }
0x577: {  	_ =	swait.ge [sflag:s9], $0x1068  }
0x578: {  	[sflag:s9] =	ssyncset.done $0x0  }
0x579: {  	[sflag:s9] =	ssyncadd.s32 $0xFFFFEF98  }
0x57a: {  	_ =	swait.ge [sflag:s9], $0x1068  }
0x57b: {  	[sflag:s9] =	ssyncset.done $0x0  }
0x57c: {  	[sflag:s9] =	ssyncadd.s32 $0xFFFFEF98  }
0x57d: {  	_ =	swait.ge [sflag:s9], $0x1068  }
0x57e: {  	[sflag:s9] =	ssyncset.done $0x0  }
0x57f: {  	[sflag:s9] =	ssyncadd.s32 $0xFFFFEF98  }
0x580: {  	_ =	swait.ge [sflag:s9], $0x1068  }
0x581: {  	[sflag:s9] =	ssyncset.done $0x0  }
0x582: {  	[sflag:s9] =	ssyncadd.s32 $0xFFFFEF98  }
0x583: {  	_ =	swait.ge [sflag:s4], $0x41A0  }
0x584: {  	s21 =	sld [smem:$0x7BE]  }
0x585: {  	[sflag:s4] =	ssyncset.done $0x0  }
0x586: {  	[sflag:s4] =	ssyncadd.s32 $0xFFFFBE60  }
0x587: {  	[hbm4b:s21+s2] =	stream.linear.scatter [tilespmem:s8], [sflag:$0x3], $0x41A0, $0x38;
	[tilespmem:$0x18A00] =	vst v63  }
0x588: {  	s0 =	sld [smem:$0x7BF]  }
0x589: {  	[tilespmem:s2], [sflag:$0x1] =	stream.linear.gather [hbm4b:s20+s2], $0x1068, $0x38;
	[tilespmem:$0x18A00] =	vst v63  }
0x58a: {  	s7 =	sld [smem:$0x7C0]  }
0x58b: {  	[tilespmem:s29], [sflag:$0x1] =	stream.linear.gather [hbm4b:s0+s2], $0x1068, $0x38;
	[tilespmem:$0x18A00] =	vst v63  }
0x58c: {  	s10 =	sld [smem:$0x7C1]  }
0x58d: {  	[tilespmem:s28], [sflag:$0x1] =	stream.linear.gather [hbm4b:s7+s2], $0x1068, $0x38;
	[tilespmem:$0x18A00] =	vst v63  }
0x58e: {  	_ = 	snop  }
0x58f: {  	[tilespmem:s22], [sflag:$0x1] =	stream.linear.gather [hbm4b:s10+s2], $0x1068, $0x38;
	[tilespmem:$0x18A00] =	vst v63  }
0x590: {  	_ =	swait.ge [sflag:s6], $0x1068  }
0x591: {  	[sflag:s6] =	ssyncset.done $0x0  }
0x592: {  	[sflag:s6] =	ssyncadd.s32 $0xFFFFEF98  }
0x593: {  	_ =	swait.ge [sflag:s6], $0x1068  }
0x594: {  	[sflag:s6] =	ssyncset.done $0x0  }
0x595: {  	[sflag:s6] =	ssyncadd.s32 $0xFFFFEF98  }
0x596: {  	_ =	swait.ge [sflag:s6], $0x1068  }
0x597: {  	[sflag:s6] =	ssyncset.done $0x0  }
0x598: {  	[sflag:s6] =	ssyncadd.s32 $0xFFFFEF98  }
0x599: {  	_ =	swait.ge [sflag:s6], $0x1068  }
0x59a: {  	[sflag:s6] =	ssyncset.done $0x0  }
0x59b: {  	[sflag:s6] =	ssyncadd.s32 $0xFFFFEF98  }
0x59c: {  	_ =	swait.ge [sflag:s3], $0x41A0  }
0x59d: {  	s11 =	sld [smem:$0x7C2]  }
0x59e: {  	[sflag:s3] =	ssyncset.done $0x0  }
0x59f: {  	s15 =	sld [smem:$0x7FC];
	[sflag:s3] =	ssyncadd.s32 $0xFFFFBE60  }
0x5a0: {  	[hbm4b:s11+s2] =	stream.linear.scatter [tilespmem:s5], [sflag:$0x4], $0x41A0, $0x38;
	[tilespmem:$0x18A00] =	vst v63  }
0x5a1: {  	s13 =	sld [smem:$0x7C3]  }
0x5a2: {  	[tilespmem:s14], [sflag:$0x2] =	stream.linear.gather [hbm4b:s15+s2], $0x1068, $0x38;
	[tilespmem:$0x18A00] =	vst v63  }
0x5a3: {  	s20 =	sld [smem:$0x7C4]  }
0x5a4: {  	[tilespmem:s19], [sflag:$0x2] =	stream.linear.gather [hbm4b:s13+s2], $0x1068, $0x38;
	[tilespmem:$0x18A00] =	vst v63  }
0x5a5: {  	s21 =	sld [smem:$0x7C5]  }
0x5a6: {  	[tilespmem:s18], [sflag:$0x2] =	stream.linear.gather [hbm4b:s20+s2], $0x1068, $0x38;
	[tilespmem:$0x18A00] =	vst v63  }
0x5a7: {  	_ = 	snop  }
0x5a8: {  	[tilespmem:s12], [sflag:$0x2] =	stream.linear.gather [hbm4b:s21+s2], $0x1068, $0x38;
	[tilespmem:$0x18A00] =	vst v63  }
0x5a9: {  	_ =	swait.ge [sflag:s9], $0x1068  }
0x5aa: {  	[sflag:s9] =	ssyncset.done $0x0  }
0x5ab: {  	[sflag:s9] =	ssyncadd.s32 $0xFFFFEF98  }
0x5ac: {  	_ =	swait.ge [sflag:s9], $0x1068  }
0x5ad: {  	[sflag:s9] =	ssyncset.done $0x0  }
0x5ae: {  	[sflag:s9] =	ssyncadd.s32 $0xFFFFEF98  }
0x5af: {  	_ =	swait.ge [sflag:s9], $0x1068  }
0x5b0: {  	[sflag:s9] =	ssyncset.done $0x0  }
0x5b1: {  	[sflag:s9] =	ssyncadd.s32 $0xFFFFEF98  }
0x5b2: {  	_ =	swait.ge [sflag:s9], $0x1068  }
0x5b3: {  	[sflag:s9] =	ssyncset.done $0x0  }
0x5b4: {  	[sflag:s9] =	ssyncadd.s32 $0xFFFFEF98  }
0x5b5: {  	_ =	swait.ge [sflag:s4], $0x41A0  }
0x5b6: {  	s7 =	sld [smem:$0x7C6]  }
0x5b7: {  	[sflag:s4] =	ssyncset.done $0x0  }
0x5b8: {  	s11 =	sld [smem:$0x7FB];
	[sflag:s4] =	ssyncadd.s32 $0xFFFFBE60  }
0x5b9: {  	[hbm4b:s7+s2] =	stream.linear.scatter [tilespmem:s8], [sflag:$0x3], $0x41A0, $0x38;
	[tilespmem:$0x18A00] =	vst v63  }
0x5ba: {  	s10 =	sld [smem:$0x7C7]  }
0x5bb: {  	[tilespmem:s2], [sflag:$0x1] =	stream.linear.gather [hbm4b:s11+s2], $0x1068, $0x38;
	[tilespmem:$0x18A00] =	vst v63  }
0x5bc: {  	s13 =	sld [smem:$0x7C8]  }
0x5bd: {  	[tilespmem:s29], [sflag:$0x1] =	stream.linear.gather [hbm4b:s10+s2], $0x1068, $0x38;
	[tilespmem:$0x18A00] =	vst v63  }
0x5be: {  	s15 =	sld [smem:$0x7C9]  }
0x5bf: {  	[tilespmem:s28], [sflag:$0x1] =	stream.linear.gather [hbm4b:s13+s2], $0x1068, $0x38;
	[tilespmem:$0x18A00] =	vst v63  }
0x5c0: {  	_ = 	snop  }
0x5c1: {  	[tilespmem:s22], [sflag:$0x1] =	stream.linear.gather [hbm4b:s15+s2], $0x1068, $0x38;
	[tilespmem:$0x18A00] =	vst v63  }
0x5c2: {  	_ =	swait.ge [sflag:s6], $0x1068  }
0x5c3: {  	[sflag:s6] =	ssyncset.done $0x0  }
0x5c4: {  	[sflag:s6] =	ssyncadd.s32 $0xFFFFEF98  }
0x5c5: {  	_ =	swait.ge [sflag:s6], $0x1068  }
0x5c6: {  	[sflag:s6] =	ssyncset.done $0x0  }
0x5c7: {  	[sflag:s6] =	ssyncadd.s32 $0xFFFFEF98  }
0x5c8: {  	_ =	swait.ge [sflag:s6], $0x1068  }
0x5c9: {  	[sflag:s6] =	ssyncset.done $0x0  }
0x5ca: {  	[sflag:s6] =	ssyncadd.s32 $0xFFFFEF98  }
0x5cb: {  	_ =	swait.ge [sflag:s6], $0x1068  }
0x5cc: {  	[sflag:s6] =	ssyncset.done $0x0  }
0x5cd: {  	[sflag:s6] =	ssyncadd.s32 $0xFFFFEF98  }
0x5ce: {  	_ =	swait.ge [sflag:s3], $0x41A0  }
0x5cf: {  	s20 =	sld [smem:$0x7CA]  }
0x5d0: {  	[sflag:s3] =	ssyncset.done $0x0  }
0x5d1: {  	s7 =	sld [smem:$0x7CC];
	[sflag:s3] =	ssyncadd.s32 $0xFFFFBE60  }
0x5d2: {  	[hbm4b:s20+s2] =	stream.linear.scatter [tilespmem:s5], [sflag:$0x4], $0x41A0, $0x38;
	[tilespmem:$0x18A00] =	vst v63  }
0x5d3: {  	s21 =	sld [smem:$0x7CB]  }
0x5d4: {  	[tilespmem:s14], [sflag:$0x2] =	stream.linear.gather [hbm4b:s7+s2], $0x1068, $0x38;
	[tilespmem:$0x18A00] =	vst v63  }
0x5d5: {  	s10 =	sld [smem:$0x7CD]  }
0x5d6: {  	[tilespmem:s19], [sflag:$0x2] =	stream.linear.gather [hbm4b:s21+s2], $0x1068, $0x38;
	[tilespmem:$0x18A00] =	vst v63  }
0x5d7: {  	s11 =	sld [smem:$0x7CE]  }
0x5d8: {  	[tilespmem:s18], [sflag:$0x2] =	stream.linear.gather [hbm4b:s10+s2], $0x1068, $0x38;
	[tilespmem:$0x18A00] =	vst v63  }
0x5d9: {  	_ = 	snop  }
0x5da: {  	[tilespmem:s12], [sflag:$0x2] =	stream.linear.gather [hbm4b:s11+s2], $0x1068, $0x38;
	[tilespmem:$0x18A00] =	vst v63  }
0x5db: {  	_ =	swait.ge [sflag:s9], $0x1068  }
0x5dc: {  	[sflag:s9] =	ssyncset.done $0x0  }
0x5dd: {  	[sflag:s9] =	ssyncadd.s32 $0xFFFFEF98  }
0x5de: {  	_ =	swait.ge [sflag:s9], $0x1068  }
0x5df: {  	[sflag:s9] =	ssyncset.done $0x0  }
0x5e0: {  	[sflag:s9] =	ssyncadd.s32 $0xFFFFEF98  }
0x5e1: {  	_ =	swait.ge [sflag:s9], $0x1068  }
0x5e2: {  	[sflag:s9] =	ssyncset.done $0x0  }
0x5e3: {  	[sflag:s9] =	ssyncadd.s32 $0xFFFFEF98  }
0x5e4: {  	_ =	swait.ge [sflag:s9], $0x1068  }
0x5e5: {  	[sflag:s9] =	ssyncset.done $0x0  }
0x5e6: {  	[sflag:s9] =	ssyncadd.s32 $0xFFFFEF98  }
0x5e7: {  	_ =	swait.ge [sflag:s4], $0x41A0  }
0x5e8: {  	s13 =	sld [smem:$0x7CF]  }
0x5e9: {  	[sflag:s4] =	ssyncset.done $0x0  }
0x5ea: {  	[sflag:s4] =	ssyncadd.s32 $0xFFFFBE60  }
0x5eb: {  	[hbm4b:s13+s2] =	stream.linear.scatter [tilespmem:s8], [sflag:$0x3], $0x41A0, $0x38;
	[tilespmem:$0x18A00] =	vst v63  }
0x5ec: {  	s15 =	sld [smem:$0x7D0]  }
0x5ed: {  	[tilespmem:s2], [sflag:$0x1] =	stream.linear.gather [hbm4b:s31+s2], $0x1068, $0x38;
	[tilespmem:$0x18A00] =	vst v63  }
0x5ee: {  	s20 =	sld [smem:$0x7D1]  }
0x5ef: {  	[tilespmem:s29], [sflag:$0x1] =	stream.linear.gather [hbm4b:s15+s2], $0x1068, $0x38;
	[tilespmem:$0x18A00] =	vst v63  }
0x5f0: {  	s21 =	sld [smem:$0x7D2]  }
0x5f1: {  	[tilespmem:s28], [sflag:$0x1] =	stream.linear.gather [hbm4b:s20+s2], $0x1068, $0x38;
	[tilespmem:$0x18A00] =	vst v63  }
0x5f2: {  	_ = 	snop  }
0x5f3: {  	[tilespmem:s22], [sflag:$0x1] =	stream.linear.gather [hbm4b:s21+s2], $0x1068, $0x38;
	[tilespmem:$0x18A00] =	vst v63  }
0x5f4: {  	_ =	swait.ge [sflag:s6], $0x1068  }
0x5f5: {  	[sflag:s6] =	ssyncset.done $0x0  }
0x5f6: {  	[sflag:s6] =	ssyncadd.s32 $0xFFFFEF98  }
0x5f7: {  	_ =	swait.ge [sflag:s6], $0x1068  }
0x5f8: {  	[sflag:s6] =	ssyncset.done $0x0  }
0x5f9: {  	[sflag:s6] =	ssyncadd.s32 $0xFFFFEF98  }
0x5fa: {  	_ =	swait.ge [sflag:s6], $0x1068  }
0x5fb: {  	[sflag:s6] =	ssyncset.done $0x0  }
0x5fc: {  	[sflag:s6] =	ssyncadd.s32 $0xFFFFEF98  }
0x5fd: {  	_ =	swait.ge [sflag:s6], $0x1068  }
0x5fe: {  	[sflag:s6] =	ssyncset.done $0x0  }
0x5ff: {  	[sflag:s6] =	ssyncadd.s32 $0xFFFFEF98  }
0x600: {  	_ =	swait.ge [sflag:s3], $0x41A0  }
0x601: {  	s31 =	sld [smem:$0x7D3]  }
0x602: {  	[sflag:s3] =	ssyncset.done $0x0  }
0x603: {  	[sflag:s3] =	ssyncadd.s32 $0xFFFFBE60  }
0x604: {  	[hbm4b:s31+s2] =	stream.linear.scatter [tilespmem:s5], [sflag:$0x4], $0x41A0, $0x38;
	[tilespmem:$0x18A00] =	vst v63  }
0x605: {  	s1 =	sld [smem:$0x7D4]  }
0x606: {  	[tilespmem:s14], [sflag:$0x2] =	stream.linear.gather [hbm4b:s30+s2], $0x1068, $0x38;
	[tilespmem:$0x18A00] =	vst v63  }
0x607: {  	s7 =	sld [smem:$0x7D5]  }
0x608: {  	[tilespmem:s19], [sflag:$0x2] =	stream.linear.gather [hbm4b:s1+s2], $0x1068, $0x38;
	[tilespmem:$0x18A00] =	vst v63  }
0x609: {  	s10 =	sld [smem:$0x7D6]  }
0x60a: {  	[tilespmem:s18], [sflag:$0x2] =	stream.linear.gather [hbm4b:s7+s2], $0x1068, $0x38;
	[tilespmem:$0x18A00] =	vst v63  }
0x60b: {  	_ = 	snop  }
0x60c: {  	[tilespmem:s12], [sflag:$0x2] =	stream.linear.gather [hbm4b:s10+s2], $0x1068, $0x38;
	[tilespmem:$0x18A00] =	vst v63  }
0x60d: {  	_ =	swait.ge [sflag:s9], $0x1068  }
0x60e: {  	[sflag:s9] =	ssyncset.done $0x0  }
0x60f: {  	[sflag:s9] =	ssyncadd.s32 $0xFFFFEF98  }
0x610: {  	_ =	swait.ge [sflag:s9], $0x1068  }
0x611: {  	[sflag:s9] =	ssyncset.done $0x0  }
0x612: {  	[sflag:s9] =	ssyncadd.s32 $0xFFFFEF98  }
0x613: {  	_ =	swait.ge [sflag:s9], $0x1068  }
0x614: {  	[sflag:s9] =	ssyncset.done $0x0  }
0x615: {  	[sflag:s9] =	ssyncadd.s32 $0xFFFFEF98  }
0x616: {  	_ =	swait.ge [sflag:s9], $0x1068  }
0x617: {  	[sflag:s9] =	ssyncset.done $0x0  }
0x618: {  	[sflag:s9] =	ssyncadd.s32 $0xFFFFEF98  }
0x619: {  	_ =	swait.ge [sflag:s4], $0x41A0  }
0x61a: {  	s11 =	sld [smem:$0x7D7]  }
0x61b: {  	[sflag:s4] =	ssyncset.done $0x0  }
0x61c: {  	[sflag:s4] =	ssyncadd.s32 $0xFFFFBE60  }
0x61d: {  	[hbm4b:s11+s2] =	stream.linear.scatter [tilespmem:s8], [sflag:$0x3], $0x41A0, $0x38;
	[tilespmem:$0x18A00] =	vst v63  }
0x61e: {  	s13 =	sld [smem:$0x7D8]  }
0x61f: {  	[tilespmem:s2], [sflag:$0x1] =	stream.linear.gather [hbm4b:s26+s2], $0x1068, $0x38;
	[tilespmem:$0x18A00] =	vst v63  }
0x620: {  	s15 =	sld [smem:$0x7D9]  }
0x621: {  	[tilespmem:s29], [sflag:$0x1] =	stream.linear.gather [hbm4b:s13+s2], $0x1068, $0x38;
	[tilespmem:$0x18A00] =	vst v63  }
0x622: {  	s20 =	sld [smem:$0x7DA]  }
0x623: {  	[tilespmem:s28], [sflag:$0x1] =	stream.linear.gather [hbm4b:s15+s2], $0x1068, $0x38;
	[tilespmem:$0x18A00] =	vst v63  }
0x624: {  	_ = 	snop  }
0x625: {  	[tilespmem:s22], [sflag:$0x1] =	stream.linear.gather [hbm4b:s20+s2], $0x1068, $0x38;
	[tilespmem:$0x18A00] =	vst v63  }
0x626: {  	_ =	swait.ge [sflag:s6], $0x1068  }
0x627: {  	[sflag:s6] =	ssyncset.done $0x0  }
0x628: {  	[sflag:s6] =	ssyncadd.s32 $0xFFFFEF98  }
0x629: {  	_ =	swait.ge [sflag:s6], $0x1068  }
0x62a: {  	[sflag:s6] =	ssyncset.done $0x0  }
0x62b: {  	[sflag:s6] =	ssyncadd.s32 $0xFFFFEF98  }
0x62c: {  	_ =	swait.ge [sflag:s6], $0x1068  }
0x62d: {  	[sflag:s6] =	ssyncset.done $0x0  }
0x62e: {  	[sflag:s6] =	ssyncadd.s32 $0xFFFFEF98  }
0x62f: {  	_ =	swait.ge [sflag:s6], $0x1068  }
0x630: {  	[sflag:s6] =	ssyncset.done $0x0  }
0x631: {  	[sflag:s6] =	ssyncadd.s32 $0xFFFFEF98  }
0x632: {  	_ =	swait.ge [sflag:s3], $0x41A0  }
0x633: {  	s21 =	sld [smem:$0x7DB]  }
0x634: {  	[sflag:s3] =	ssyncset.done $0x0  }
0x635: {  	[sflag:s3] =	ssyncadd.s32 $0xFFFFBE60  }
0x636: {  	[hbm4b:s21+s2] =	stream.linear.scatter [tilespmem:s5], [sflag:$0x4], $0x41A0, $0x38;
	[tilespmem:$0x18A00] =	vst v63  }
0x637: {  	s26 =	sld [smem:$0x7DC]  }
0x638: {  	[tilespmem:s14], [sflag:$0x2] =	stream.linear.gather [hbm4b:s25+s2], $0x1068, $0x38;
	[tilespmem:$0x18A00] =	vst v63  }
0x639: {  	s30 =	sld [smem:$0x7DD]  }
0x63a: {  	[tilespmem:s19], [sflag:$0x2] =	stream.linear.gather [hbm4b:s26+s2], $0x1068, $0x38;
	[tilespmem:$0x18A00] =	vst v63  }
0x63b: {  	s31 =	sld [smem:$0x7DE]  }
0x63c: {  	[tilespmem:s18], [sflag:$0x2] =	stream.linear.gather [hbm4b:s30+s2], $0x1068, $0x38;
	[tilespmem:$0x18A00] =	vst v63  }
0x63d: {  	_ = 	snop  }
0x63e: {  	[tilespmem:s12], [sflag:$0x2] =	stream.linear.gather [hbm4b:s31+s2], $0x1068, $0x38;
	[tilespmem:$0x18A00] =	vst v63  }
0x63f: {  	_ =	swait.ge [sflag:s9], $0x1068  }
0x640: {  	[sflag:s9] =	ssyncset.done $0x0  }
0x641: {  	[sflag:s9] =	ssyncadd.s32 $0xFFFFEF98  }
0x642: {  	_ =	swait.ge [sflag:s9], $0x1068  }
0x643: {  	[sflag:s9] =	ssyncset.done $0x0  }
0x644: {  	[sflag:s9] =	ssyncadd.s32 $0xFFFFEF98  }
0x645: {  	_ =	swait.ge [sflag:s9], $0x1068  }
0x646: {  	[sflag:s9] =	ssyncset.done $0x0  }
0x647: {  	[sflag:s9] =	ssyncadd.s32 $0xFFFFEF98  }
0x648: {  	_ =	swait.ge [sflag:s9], $0x1068  }
0x649: {  	[sflag:s9] =	ssyncset.done $0x0  }
0x64a: {  	[sflag:s9] =	ssyncadd.s32 $0xFFFFEF98  }
0x64b: {  	_ =	swait.ge [sflag:s4], $0x41A0  }
0x64c: {  	s7 =	sld [smem:$0x7DF]  }
0x64d: {  	[sflag:s4] =	ssyncset.done $0x0  }
0x64e: {  	[sflag:s4] =	ssyncadd.s32 $0xFFFFBE60  }
0x64f: {  	[hbm4b:s7+s2] =	stream.linear.scatter [tilespmem:s8], [sflag:$0x3], $0x41A0, $0x38;
	[tilespmem:$0x18A00] =	vst v63  }
0x650: {  	s10 =	sld [smem:$0x7E0]  }
0x651: {  	[tilespmem:s2], [sflag:$0x1] =	stream.linear.gather [hbm4b:s24+s2], $0x1068, $0x38;
	[tilespmem:$0x18A00] =	vst v63  }
0x652: {  	s11 =	sld [smem:$0x7E1]  }
0x653: {  	[tilespmem:s29], [sflag:$0x1] =	stream.linear.gather [hbm4b:s10+s2], $0x1068, $0x38;
	[tilespmem:$0x18A00] =	vst v63  }
0x654: {  	s13 =	sld [smem:$0x7E2]  }
0x655: {  	[tilespmem:s28], [sflag:$0x1] =	stream.linear.gather [hbm4b:s11+s2], $0x1068, $0x38;
	[tilespmem:$0x18A00] =	vst v63  }
0x656: {  	_ = 	snop  }
0x657: {  	[tilespmem:s22], [sflag:$0x1] =	stream.linear.gather [hbm4b:s13+s2], $0x1068, $0x38;
	[tilespmem:$0x18A00] =	vst v63  }
0x658: {  	_ =	swait.ge [sflag:s6], $0x1068  }
0x659: {  	[sflag:s6] =	ssyncset.done $0x0  }
0x65a: {  	[sflag:s6] =	ssyncadd.s32 $0xFFFFEF98  }
0x65b: {  	_ =	swait.ge [sflag:s6], $0x1068  }
0x65c: {  	[sflag:s6] =	ssyncset.done $0x0  }
0x65d: {  	[sflag:s6] =	ssyncadd.s32 $0xFFFFEF98  }
0x65e: {  	_ =	swait.ge [sflag:s6], $0x1068  }
0x65f: {  	[sflag:s6] =	ssyncset.done $0x0  }
0x660: {  	[sflag:s6] =	ssyncadd.s32 $0xFFFFEF98  }
0x661: {  	_ =	swait.ge [sflag:s6], $0x1068  }
0x662: {  	[sflag:s6] =	ssyncset.done $0x0  }
0x663: {  	[sflag:s6] =	ssyncadd.s32 $0xFFFFEF98  }
0x664: {  	_ =	swait.ge [sflag:s3], $0x41A0  }
0x665: {  	s15 =	sld [smem:$0x7E3]  }
0x666: {  	[sflag:s3] =	ssyncset.done $0x0  }
0x667: {  	[sflag:s3] =	ssyncadd.s32 $0xFFFFBE60  }
0x668: {  	[hbm4b:s15+s2] =	stream.linear.scatter [tilespmem:s5], [sflag:$0x4], $0x41A0, $0x38;
	[tilespmem:$0x18A00] =	vst v63  }
0x669: {  	s20 =	sld [smem:$0x7E4]  }
0x66a: {  	[tilespmem:s14], [sflag:$0x2] =	stream.linear.gather [hbm4b:s23+s2], $0x1068, $0x38;
	[tilespmem:$0x18A00] =	vst v63  }
0x66b: {  	s21 =	sld [smem:$0x7E5]  }
0x66c: {  	[tilespmem:s19], [sflag:$0x2] =	stream.linear.gather [hbm4b:s20+s2], $0x1068, $0x38;
	[tilespmem:$0x18A00] =	vst v63  }
0x66d: {  	s23 =	sld [smem:$0x7E6]  }
0x66e: {  	[tilespmem:s18], [sflag:$0x2] =	stream.linear.gather [hbm4b:s21+s2], $0x1068, $0x38;
	[tilespmem:$0x18A00] =	vst v63  }
0x66f: {  	_ = 	snop  }
0x670: {  	[tilespmem:s12], [sflag:$0x2] =	stream.linear.gather [hbm4b:s23+s2], $0x1068, $0x38;
	[tilespmem:$0x18A00] =	vst v63  }
0x671: {  	_ =	swait.ge [sflag:s9], $0x1068  }
0x672: {  	[sflag:s9] =	ssyncset.done $0x0  }
0x673: {  	[sflag:s9] =	ssyncadd.s32 $0xFFFFEF98  }
0x674: {  	_ =	swait.ge [sflag:s9], $0x1068  }
0x675: {  	[sflag:s9] =	ssyncset.done $0x0  }
0x676: {  	[sflag:s9] =	ssyncadd.s32 $0xFFFFEF98  }
0x677: {  	_ =	swait.ge [sflag:s9], $0x1068  }
0x678: {  	[sflag:s9] =	ssyncset.done $0x0  }
0x679: {  	[sflag:s9] =	ssyncadd.s32 $0xFFFFEF98  }
0x67a: {  	_ =	swait.ge [sflag:s9], $0x1068  }
0x67b: {  	[sflag:s9] =	ssyncset.done $0x0  }
0x67c: {  	[sflag:s9] =	ssyncadd.s32 $0xFFFFEF98  }
0x67d: {  	_ =	swait.ge [sflag:s4], $0x41A0  }
0x67e: {  	s24 =	sld [smem:$0x7E7]  }
0x67f: {  	[sflag:s4] =	ssyncset.done $0x0  }
0x680: {  	s26 =	sld [smem:$0x7E9];
	[sflag:s4] =	ssyncadd.s32 $0xFFFFBE60  }
0x681: {  	[hbm4b:s24+s2] =	stream.linear.scatter [tilespmem:s8], [sflag:$0x3], $0x41A0, $0x38;
	[tilespmem:$0x18A00] =	vst v63  }
0x682: {  	s25 =	sld [smem:$0x7E8]  }
0x683: {  	[tilespmem:s2], [sflag:$0x1] =	stream.linear.gather [hbm4b:s26+s2], $0x1068, $0x38;
	[tilespmem:$0x18A00] =	vst v63  }
0x684: {  	s30 =	sld [smem:$0x7EA]  }
0x685: {  	[tilespmem:s29], [sflag:$0x1] =	stream.linear.gather [hbm4b:s25+s2], $0x1068, $0x38;
	[tilespmem:$0x18A00] =	vst v63  }
0x686: {  	s31 =	sld [smem:$0x7EB]  }
0x687: {  	[tilespmem:s28], [sflag:$0x1] =	stream.linear.gather [hbm4b:s30+s2], $0x1068, $0x38;
	[tilespmem:$0x18A00] =	vst v63  }
0x688: {  	_ = 	snop  }
0x689: {  	[tilespmem:s22], [sflag:$0x1] =	stream.linear.gather [hbm4b:s31+s2], $0x1068, $0x38;
	[tilespmem:$0x18A00] =	vst v63  }
0x68a: {  	_ =	swait.ge [sflag:s6], $0x1068  }
0x68b: {  	[sflag:s6] =	ssyncset.done $0x0  }
0x68c: {  	[sflag:s6] =	ssyncadd.s32 $0xFFFFEF98  }
0x68d: {  	_ =	swait.ge [sflag:s6], $0x1068  }
0x68e: {  	[sflag:s6] =	ssyncset.done $0x0  }
0x68f: {  	[sflag:s6] =	ssyncadd.s32 $0xFFFFEF98  }
0x690: {  	_ =	swait.ge [sflag:s6], $0x1068  }
0x691: {  	[sflag:s6] =	ssyncset.done $0x0  }
0x692: {  	[sflag:s6] =	ssyncadd.s32 $0xFFFFEF98  }
0x693: {  	_ =	swait.ge [sflag:s6], $0x1068  }
0x694: {  	[sflag:s6] =	ssyncset.done $0x0  }
0x695: {  	[sflag:s6] =	ssyncadd.s32 $0xFFFFEF98  }
0x696: {  	_ =	swait.ge [sflag:s3], $0x41A0  }
0x697: {  	s1 =	sld [smem:$0x7EC]  }
0x698: {  	[sflag:s3] =	ssyncset.done $0x0  }
0x699: {  	s10 =	sld [smem:$0x7EE];
	[sflag:s3] =	ssyncadd.s32 $0xFFFFBE60  }
0x69a: {  	[hbm4b:s1+s2] =	stream.linear.scatter [tilespmem:s5], [sflag:$0x4], $0x41A0, $0x38;
	[tilespmem:$0x18A00] =	vst v63  }
0x69b: {  	s7 =	sld [smem:$0x7ED]  }
0x69c: {  	[tilespmem:s14], [sflag:$0x2] =	stream.linear.gather [hbm4b:s10+s2], $0x1068, $0x38;
	[tilespmem:$0x18A00] =	vst v63  }
0x69d: {  	s11 =	sld [smem:$0x7EF]  }
0x69e: {  	[tilespmem:s19], [sflag:$0x2] =	stream.linear.gather [hbm4b:s7+s2], $0x1068, $0x38;
	[tilespmem:$0x18A00] =	vst v63  }
0x69f: {  	s13 =	sld [smem:$0x7F0]  }
0x6a0: {  	[tilespmem:s18], [sflag:$0x2] =	stream.linear.gather [hbm4b:s11+s2], $0x1068, $0x38;
	[tilespmem:$0x18A00] =	vst v63  }
0x6a1: {  	_ = 	snop  }
0x6a2: {  	[tilespmem:s12], [sflag:$0x2] =	stream.linear.gather [hbm4b:s13+s2], $0x1068, $0x38;
	[tilespmem:$0x18A00] =	vst v63  }
0x6a3: {  	_ =	swait.ge [sflag:s9], $0x1068  }
0x6a4: {  	[sflag:s9] =	ssyncset.done $0x0  }
0x6a5: {  	[sflag:s9] =	ssyncadd.s32 $0xFFFFEF98  }
0x6a6: {  	_ =	swait.ge [sflag:s9], $0x1068  }
0x6a7: {  	[sflag:s9] =	ssyncset.done $0x0  }
0x6a8: {  	[sflag:s9] =	ssyncadd.s32 $0xFFFFEF98  }
0x6a9: {  	_ =	swait.ge [sflag:s9], $0x1068  }
0x6aa: {  	[sflag:s9] =	ssyncset.done $0x0  }
0x6ab: {  	[sflag:s9] =	ssyncadd.s32 $0xFFFFEF98  }
0x6ac: {  	_ =	swait.ge [sflag:s9], $0x1068  }
0x6ad: {  	[sflag:s9] =	ssyncset.done $0x0  }
0x6ae: {  	[sflag:s9] =	ssyncadd.s32 $0xFFFFEF98  }
0x6af: {  	_ =	swait.ge [sflag:s4], $0x41A0  }
0x6b0: {  	s15 =	sld [smem:$0x7F1]  }
0x6b1: {  	[sflag:s4] =	ssyncset.done $0x0  }
0x6b2: {  	[sflag:s4] =	ssyncadd.s32 $0xFFFFBE60  }
0x6b3: {  	[hbm4b:s15+s2] =	stream.linear.scatter [tilespmem:s8], [sflag:$0x3], $0x41A0, $0x38;
	[tilespmem:$0x18A00] =	vst v63  }
0x6b4: {  	s20 =	sld [smem:$0x7F2]  }
0x6b5: {  	[tilespmem:s2], [sflag:$0x1] =	stream.linear.gather [hbm4b:s17+s2], $0x1068, $0x38;
	[tilespmem:$0x18A00] =	vst v63  }
0x6b6: {  	s21 =	sld [smem:$0x7F3]  }
0x6b7: {  	[tilespmem:s29], [sflag:$0x1] =	stream.linear.gather [hbm4b:s20+s2], $0x1068, $0x38;
	[tilespmem:$0x18A00] =	vst v63  }
0x6b8: {  	s23 =	sld [smem:$0x7F4]  }
0x6b9: {  	[tilespmem:s28], [sflag:$0x1] =	stream.linear.gather [hbm4b:s21+s2], $0x1068, $0x38;
	[tilespmem:$0x18A00] =	vst v63  }
0x6ba: {  	_ = 	snop  }
0x6bb: {  	[tilespmem:s22], [sflag:$0x1] =	stream.linear.gather [hbm4b:s23+s2], $0x1068, $0x38;
	[tilespmem:$0x18A00] =	vst v63  }
0x6bc: {  	_ =	swait.ge [sflag:s6], $0x1068  }
0x6bd: {  	[sflag:s6] =	ssyncset.done $0x0  }
0x6be: {  	[sflag:s6] =	ssyncadd.s32 $0xFFFFEF98  }
0x6bf: {  	_ =	swait.ge [sflag:s6], $0x1068  }
0x6c0: {  	[sflag:s6] =	ssyncset.done $0x0  }
0x6c1: {  	[sflag:s6] =	ssyncadd.s32 $0xFFFFEF98  }
0x6c2: {  	_ =	swait.ge [sflag:s6], $0x1068  }
0x6c3: {  	[sflag:s6] =	ssyncset.done $0x0  }
0x6c4: {  	[sflag:s6] =	ssyncadd.s32 $0xFFFFEF98  }
0x6c5: {  	_ =	swait.ge [sflag:s6], $0x1068  }
0x6c6: {  	[sflag:s6] =	ssyncset.done $0x0  }
0x6c7: {  	[sflag:s6] =	ssyncadd.s32 $0xFFFFEF98  }
0x6c8: {  	_ =	swait.ge [sflag:s3], $0x41A0  }
0x6c9: {  	s24 =	sld [smem:$0x7F5]  }
0x6ca: {  	[sflag:s3] =	ssyncset.done $0x0  }
0x6cb: {  	[sflag:s3] =	ssyncadd.s32 $0xFFFFBE60  }
0x6cc: {  	[hbm4b:s24+s2] =	stream.linear.scatter [tilespmem:s5], [sflag:$0x4], $0x41A0, $0x38;
	[tilespmem:$0x18A00] =	vst v63  }
0x6cd: {  	s25 =	sld [smem:$0x7F6]  }
0x6ce: {  	[tilespmem:s14], [sflag:$0x2] =	stream.linear.gather [hbm4b:s16+s2], $0x1068, $0x38;
	[tilespmem:$0x18A00] =	vst v63  }
0x6cf: {  	s26 =	sld [smem:$0x7F7]  }
0x6d0: {  	[tilespmem:s19], [sflag:$0x2] =	stream.linear.gather [hbm4b:s25+s2], $0x1068, $0x38;
	[tilespmem:$0x18A00] =	vst v63  }
0x6d1: {  	s28 =	sld [smem:$0x7F8]  }
0x6d2: {  	[tilespmem:s18], [sflag:$0x2] =	stream.linear.gather [hbm4b:s26+s2], $0x1068, $0x38;
	[tilespmem:$0x18A00] =	vst v63  }
0x6d3: {  	_ = 	snop  }
0x6d4: {  	[tilespmem:s12], [sflag:$0x2] =	stream.linear.gather [hbm4b:s28+s2], $0x1068, $0x38;
	[tilespmem:$0x18A00] =	vst v63  }
0x6d5: {  	_ =	swait.ge [sflag:s9], $0x1068  }
0x6d6: {  	[sflag:s9] =	ssyncset.done $0x0  }
0x6d7: {  	[sflag:s9] =	ssyncadd.s32 $0xFFFFEF98  }
0x6d8: {  	_ =	swait.ge [sflag:s9], $0x1068  }
0x6d9: {  	[sflag:s9] =	ssyncset.done $0x0  }
0x6da: {  	[sflag:s9] =	ssyncadd.s32 $0xFFFFEF98  }
0x6db: {  	_ =	swait.ge [sflag:s9], $0x1068  }
0x6dc: {  	[sflag:s9] =	ssyncset.done $0x0  }
0x6dd: {  	[sflag:s9] =	ssyncadd.s32 $0xFFFFEF98  }
0x6de: {  	_ =	swait.ge [sflag:s9], $0x1068  }
0x6df: {  	[sflag:s9] =	ssyncset.done $0x0  }
0x6e0: {  	[sflag:s9] =	ssyncadd.s32 $0xFFFFEF98  }
0x6e1: {  	_ =	swait.ge [sflag:s4], $0x41A0  }
0x6e2: {  	s29 =	sld [smem:$0x7F9]  }
0x6e3: {  	[sflag:s4] =	ssyncset.done $0x0  }
0x6e4: {  	[sflag:s4] =	ssyncadd.s32 $0xFFFFBE60  }
0x6e5: {  	[hbm4b:s29+s2] =	stream.linear.scatter [tilespmem:s8], [sflag:$0x3], $0x41A0, $0x38;
	[tilespmem:$0x18A00] =	vst v63  }
0x6e6: {  	_ =	swait.ge [sflag:s6], $0x1068  }
0x6e7: {  	[sflag:s6] =	ssyncset.done $0x0  }
0x6e8: {  	[sflag:s6] =	ssyncadd.s32 $0xFFFFEF98  }
0x6e9: {  	_ =	swait.ge [sflag:s6], $0x1068  }
0x6ea: {  	[sflag:s6] =	ssyncset.done $0x0  }
0x6eb: {  	[sflag:s6] =	ssyncadd.s32 $0xFFFFEF98  }
0x6ec: {  	_ =	swait.ge [sflag:s6], $0x1068  }
0x6ed: {  	[sflag:s6] =	ssyncset.done $0x0  }
0x6ee: {  	[sflag:s6] =	ssyncadd.s32 $0xFFFFEF98  }
0x6ef: {  	_ =	swait.ge [sflag:s6], $0x1068  }
0x6f0: {  	[sflag:s6] =	ssyncset.done $0x0  }
0x6f1: {  	[sflag:s6] =	ssyncadd.s32 $0xFFFFEF98  }
0x6f2: {  	_ =	swait.ge [sflag:s3], $0x41A0  }
0x6f3: {  	s30 =	sld [smem:$0x7FA]  }
0x6f4: {  	[sflag:s3] =	ssyncset.done $0x0  }
0x6f5: {  	[sflag:s3] =	ssyncadd.s32 $0xFFFFBE60  }
0x6f6: {  	[hbm4b:s30+s2] =	stream.linear.scatter [tilespmem:s5], [sflag:$0x4], $0x41A0, $0x38;
	[tilespmem:$0x18A00] =	vst v63  }
0x6f7: {  	_ =	swait.ge [sflag:s4], $0x41A0  }
0x6f8: {  	[sflag:s4] =	ssyncset.done $0x0  }
0x6f9: {  	[sflag:s4] =	ssyncadd.s32 $0xFFFFBE60  }
0x6fa: {  	_ =	swait.ge [sflag:s3], $0x41A0  }
0x6fb: {  	[sflag:s3] =	ssyncset.done $0x0  }
0x6fc: {  	[sflag:s3] =	ssyncadd.s32 $0xFFFFBE60  }
0x6fd: {  	_ =	sfence.sel $0x180000  }
0x6fe: {  	[bflag:$0x0] =	sbarrier.arrive $0xFFFF  }
0x6ff: {  	_ =	strace $0x90000047  }
0x700: {  	s31 =	stileid.u32;
	[bflag:$0x2] =	sbarrier.arrive $0xFFFF  }
0x701: {  	p0 =	sne.s32 s31, $0x0;
	s0 =	rddreg [dreg:$0x3]  }
0x702: {  	s0 =	sadd.s32 @!p0 $0x100000, s0  }
0x703: {  	[sflag:s0] =	ssyncadd.tile.s32 @!p0 $0x1;
	_ =	shalt  }
.LBB2_1:
.Ltmp3:
0x704: {  	(pc) =	sbr.rel .LBB2_6-.Ltmp3, $4  }
0x705: {  	_ = 	snop  }
0x706: {  	s0 =	smov.u32 s15  }
0x707: {  	s15 =	smov.u32 s21;
	s1 =	sld [smem:$0x7B9];
	s16 =	smov.u32 s17  }
0x708: {  	s17 =	smov.u32 s11;
	s21 =	smov.u32 s0;
	s0 =	sld [smem:$0x7BA]  }
.LBB2_3:
.Ltmp4:
0x709: {  	(pc) =	sbr.rel .LBB2_6-.Ltmp4, $3  }
0x70a: {  	_ =	sdelay $0x1  }
0x70b: {  	s1 =	sld [smem:$0x7B9]  }
0x70c: {  	s15 =	smov.u32 s0;
	s0 =	smov.u32 s20;
	s20 =	sld [smem:$0x7B7]  }
.Lfunc_end2:
_tile_overlayer_lowered:
.L_overlay_start_2:
0x70d: {  	(tag) =	ssettag $0x2  }
0x70e: {  	s0 =	rddreg [dreg:$0x0];
	s2 =	stileid.u32  }
0x70f: {  	s1 =	rddreg [dreg:$0x1];
	p0 =	sne.s32 s2, $0x0  }
0x710: {  	s3 =	rddreg [dreg:$0x2];
	[bflag:$0x3] =	sbarrier.arrive $0xFFFF;
	s2 =	simm.s32 @!p0 $0x1C05  }
0x711: {  	[timem:s3], [sflag:s2] =	dma.local @!p0 [hbm:s0], s1  }
0x712: {  	s0 =	simm.s32 @!p0 $0x5  }
0x713: {  	_ =	swait.ge @!p0 [sflag:s0], s1  }
0x714: {  	s1 =	ssub.s32 @!p0 $0x0, s1;
	[sflag:s0] =	ssyncset.done @!p0 $0x0  }
0x715: {  	[sflag:s0] =	ssyncadd.s32 @!p0 s1  }
0x716: {  	[bflag:$0x3] =	sbarrier.arrive $0xFFFF  }
0x717: {  	_ =	shalt  }

// kernel: sparse-core-data-format-call.cloned.1.call-start
scs
called_computation_lowered:
.L_overlay_start_0:
0x0: {  	s2 =	sld [smem:$0x3FD9]  }
0x1: {  	s3 =	sld [smem:$0x3FFE];
	_ =	sdelay $0x1  }
0x2: {  	s1 =	srdreg.scid  }
0x3: {  	s0 =	sand.u32 $0x1, s1  }
0x4: {  	s15 =	sshll.u32 s0, $0xA;
	s2 =	sadd.s32 s3, s2  }
0x5: {  	s2 =	sadd.s32 s2, s15  }
0x6: {  	[smem:$0x3FC6] =	sst s2  }
0x7: {  	_ = 	snop  }
0x8: {  	s2 =	sld [smem:$0x3FD0];
	_ =	sdelay $0x2  }
0x9: {  	s16 =	simm.s32 $0xA;
	s4 =	simm.s32 $0x10  }
0xa: {  	[smem:s4], [sflag:s16] =	dma.local [hbm:s2], $0x1  }
0xb: {  	_ =	swait.eq [sflag:s16], $0x1  }
0xc: {  	[sflag:s16] =	ssyncset.done $0x0  }
0xd: {  	[sflag:s16] =	ssyncadd.s32 $0xFFFFFFFF  }
0xe: {  	s17 =	sld [smem:$0x11];
	(tm) =	ssettm $0x1  }
0xf: {  	s18 =	sld [smem:$0x3FFB];
	_ =	sdelay $0x3  }
0x10: {  	_ =	strace s18  }
0x11: {  	s3 =	sld [smem:$0x3FFC];
	_ =	sdelay $0x3  }
0x12: {  	_ =	strace s3  }
0x13: {  	s3 =	sld [smem:$0x3FFD];
	_ =	sdelay $0x3  }
0x14: {  	_ =	strace s3  }
0x15: {  	_ =	strace $0x8FFFFFFF  }
0x16: {  	s19 =	sld [smem:$0x3FDB];
	_ =	sdelay $0x1  }
0x17: {  	s20 =	simm.s32 $_scs_section_size  }
0x18: {  	s5 =	simm.s32 $_size__tile_overlayer_lowered;
	s6 =	simm.s32 $_tile_overlayer_lowered  }
0x19: {  	s23 =	simm.s32 $0x1BFF;
	s22 =	sshll.u32 s6, $0x1;
	s3 =	sadd.s32 s20, s19  }
0x1a: {  	s7 =	simm.s32 $0x0;
	s21 =	sshll.u32 s5, $0x1;
	s5 =	sadd.s32 s22, s3  }
0x1b: {  	[timem:s7], [sflag:s23] =	dma.local [hbm:s5], s21  }
0x1c: {  	_ =	swait.ge [sflag:s23], s21  }
0x1d: {  	s4 =	ssub.s32 $0x0, s21;
	[sflag:s23] =	ssyncset.done $0x0  }
0x1e: {  	[sflag:s23] =	ssyncadd.s32 s4;
	_ =	sdelay $0x1  }
0x1f: {  	s24 =	simm.s32 $0x1B8B  }
0x20: {  	_ =	swait.ge [sflag:s24], $0x1  }
0x21: {  	[sflag:s24] =	ssyncset.done $0x0  }
0x22: {  	s26 =	simm.s32 $0x1B8E;
	s25 =	sld [smem:$0x3FFE];
	[sflag:s24] =	ssyncadd.s32 $0xFFFFFFFF  }
0x23: {  	s27 =	simm.s32 $execute0_lowered;
	[smem:$0x3FD2] =	sst s26  }
0x24: {  	s5 =	sshll.u32 s27, $0x1;
	_ =	strace $0x80000049;
	[dreg:$0x1] =	wrdreg $0xFFFFFFFF  }
0x25: {  	s28 =	simm.s32 $_size_execute0_lowered;
	s3 =	sadd.s32 s3, s5;
	[dreg:$0x0] =	wrdreg $0x0  }
0x26: {  	s5 =	sshll.u32 s28, $0x1;
	[dreg:$0x2] =	wrdreg s3  }
0x27: {  	[dreg:$0x3] =	wrdreg s5  }
0x28: {  	[dreg:$0x4] =	wrdreg $0xC0  }
0x29: {  	_ =	task [dreg:s7], $0x5FFFF  }
0x2a: {  	[dreg:$0x1] =	wrdreg $0xFFFFFFFF  }
0x2b: {  	[dreg:$0x0] =	wrdreg $0x60  }
0x2c: {  	[dreg:$0x2] =	wrdreg s25  }
0x2d: {  	[dreg:$0x3] =	wrdreg s17  }
0x2e: {  	[dreg:$0x4] =	wrdreg $0x9  }
0x2f: {  	_ =	task.clear_ibuf [dreg:s7], $0x5FFFF;
	_ =	strace $0x90000049  }
0x30: {  	s29 =	simm.s32 $0x9;
	_ =	strace $0x8000004B  }
0x31: {  	_ =	swait.ge [sflag:s29], $0x1  }
0x32: {  	[sflag:s29] =	ssyncadd.s32 $0xFFFFFFFF  }
0x33: {  	_ =	strace $0x9000004B  }
0x34: {  	_ =	sfence  }
0x35: {  	s30 =	sld [smem:$0x0];
	_ =	sdelay $0x2  }
0x36: {  	s31 =	sshll.u32 s1, $0xD;
	s1 =	sshrl.u32 s1, $0x2  }
0x37: {  	s3 =	sand.u32 $0x4000, s31;
	s1 =	sadd.s32 s1, s30  }
0x38: {  	s0 =	sor.u32 s3, s0;
	s1 =	sshll.u32 s1, $0x11  }
0x39: {  	s0 =	sor.u32 s1, s0  }
0x3a: {  	s0 =	sadd.s32 $0x8F2B, s0  }
0x3b: {  	[sflag:s0] =	ssyncadd.remote.s32 $0x1  }
0x3c: {  	_ =	sfence.sel $0xFFFF  }
0x3d: {  	[dreg:$0x0] =	wrdreg $0xFFFFFFFF;
	(pc) =	sbr.abs _section_cstart, $3  }
0x3e: {  	[dreg:$0x1] =	wrdreg $0xFFFFFFFF  }
0x3f: {  	_ =	task.clear_ibuf [dreg:s7], $0x2FFFF;
	_ =	strace $0x9FFFFFFF  }
0x40: {  	(tm) =	ssettm $0x7FFFFFFF  }
0x41: {  	_ =	shalt  }
tec
execute0_lowered:
.L_overlay_start_1:
0x0: {  	(tag) =	ssettag $0x1  }
0x1: {  	s1 =	rddreg [dreg:$0x0]  }
0x2: {  	s2 =	rddreg [dreg:$0x1]  }
0x3: {  	s4 =	srdreg.scid;
	_ =	strace $0x8000004A;
	s6 =	simm.s32 $0x2  }
0x4: {  	p0 =	por $0x0, $0x0;
	s14 =	simm.s32 $0x0;
	s15 =	simm.s32 $0x0  }
0x5: {  	s16 =	simm.s32 $0x0;
	s7 =	simm.s32 $0x0;
	s9 =	simm.s32 $0x0  }
.Ltmp0:
0x6: {  	s10 =	simm.s32 $0x0;
	s11 =	simm.s32 $0x0;
	(pc) =	sbr.rel .LBB1_1-.Ltmp0, $4  }
0x7: {  	s12 =	simm.s32 $0x0;
	s3 =	sadd.s32 $0x1BC000, s1;
	s4 =	sshll.u32 s4, $0x4  }
0x8: {  	s1 =	stileid.u32;
	s5 =	sand.u32 $0x10, s4;
	s4 =	simm.s32 $0x1  }
0x9: {  	s8 =	simm.s32 $0x0;
	s5 =	sor.u32 s1, s5;
	[sflag:s4] =	ssyncpa.u1 $0x0  }
0xa: {  	[sflag:s6] =	ssyncpa.u1 $0x0;
	s6 =	simm.s32 $0x0;
	s13 =	smov.u32 s5  }
.LBB1_11:
0xb: {  	s0 =	smul.u32 $0x7080, s10  }
0xc: {  	s18 =	sand.u32 $0x1, s8;
	s19 =	smul.u32 $0xC80, s9  }
0xd: {  	s18 =	smul.u32 $0x1020, s18;
	s0 =	sadd.s32 s2, s0  }
0xe: {  	s17 =	sshll.u32 s17, $0x9;
	s20 =	sshll.u32 s7, $0x6;
	s0 =	sadd.s32 s19, s0  }
0xf: {  	s17 =	sand.u32 $0x3FFFFE00, s17;
	s18 =	sor.u32 $0x2000, s18;
	s0 =	sadd.s32 s20, s0  }
0x10: {  	[hbm4b:s0+s6] =	stream.linear.scatter [tilespmem:s18], [sflag:$0x2], s17, $0x20;
	[tilespmem:$0x4040] =	vst v63  }
.LBB1_12:
0x11: {  	p1 =	slt.u32 s8, $0x2;
	s0 =	smov.u32 s16  }
0x12: {  	p2 =	sgt.s32 @!p1 s16, $0x3F;
	s17 =	sshra.s32 @!p1 s16, $0x1F;
	p3 =	sgt.s32 @!p1 s14, $0x31  }
0x13: {  	s18 =	sshra.s32 @!p1 s14, $0x1F;
	p2 =	por !p2, p1;
	s16 =	sand.u32 @!p1 s17, s16  }
0x14: {  	s17 =	sshra.s32 @!p1 s15, $0x1F;
	s0 =	simm.s32 @p2 $0x3F;
	p2 =	sgt.s32 @!p1 s15, $0x8  }
0x15: {  	s0 =	ssub.s32 @!p1 s0, s16;
	p2 =	por !p2, p1;
	s16 =	smov.u32 s15  }
0x16: {  	s15 =	sand.u32 @!p1 s17, s15;
	s0 =	sadd.s32 @!p1 $0xFFFFFFC1, s0;
	s16 =	simm.s32 @p2 $0x8  }
0x17: {  	p3 =	por !p3, p1;
	p2 =	sgt.s32 @!p1 s0, $0x0;
	s15 =	ssub.s32 @!p1 s16, s15  }
0x18: {  	s16 =	smov.u32 s14;
	s14 =	sand.u32 @!p1 s18, s14;
	s0 =	sshll.u32 @!p1 s0, $0x9  }
0x19: {  	s17 =	sadd.s32 @!p1 $0xFFFFFFF8, s15;
	s16 =	simm.s32 @p3 $0x31;
	s15 =	ssub.s32 @!p1 $0x9, s15  }
0x1a: {  	s0 =	ssub.s32 @!p1 $0x200, s0;
	p3 =	sgt.s32 @!p1 s17, $0x0;
	s14 =	ssub.s32 @!p1 s16, s14  }
0x1b: {  	p2 =	por !p2, p1;
	p3 =	por !p3, p1;
	s16 =	sadd.s32 @!p1 $0xFFFFFFCF, s14  }
0x1c: {  	s0 =	simm.s32 @!p2 $0x0;
	s15 =	simm.s32 @!p3 $0x0;
	p3 =	sgt.s32 @!p1 s16, $0x0  }
0x1d: {  	s14 =	ssub.s32 @!p1 $0x32, s14;
	p2 =	por !p3, p1;
	s0 =	smul.u32 @!p1 s15, s0  }
0x1e: {  	s17 =	sadd.s32 $0x1, s11;
	s14 =	simm.s32 @!p2 $0x0  }
0x1f: {  	p2 =	sgt.s32 s17, $0x31;
	s0 =	smul.u32 @!p1 s14, s0;
	s14 =	simm.s32 $0x1  }
0x20: {  	s14 =	simm.s32 @!p2 $0x0  }
0x21: {  	s19 =	sadd.s32 s14, s12  }
0x22: {  	s20 =	smov.u32 s13;
	s14 =	sadd.s32 $0x20, s13;
	p3 =	sgt.s32 s19, $0x8  }
0x23: {  	s8 =	sadd.s32 $0x1, s8;
	p0 =	por !p0, !p0;
	s20 =	smov.u32 @p3 s14  }
0x24: {  	s18 =	simm.s32 @!p1 $0x2;
	s17 =	simm.s32 @p2 $0x0;
	p2 =	sgt.s32 s20, $0x3F  }
0x25: {  	s16 =	smov.u32 s10;
	s20 =	smov.u32 @p2 s5;
	p2 =	sne.s32 s8, $0x386  }
.Ltmp1:
0x26: {  	s10 =	smov.u32 s13;
	s0 =	sand.u32 @!p1 $0x3FFFFE00, s0;
	(pc) =	sbr.rel @!p2 .LBB1_13-.Ltmp1, $4  }
0x27: {  	s15 =	smov.u32 s9;
	s9 =	smov.u32 s12;
	_ =	swait.ge @!p1 [sflag:s18], s0  }
0x28: {  	s0 =	ssub.s32 @!p1 $0x0, s0;
	[sflag:s18] =	ssyncset.done @!p1 $0x0;
	s14 =	smov.u32 s7  }
0x29: {  	s19 =	simm.s32 @p3 $0x0;
	s7 =	smov.u32 s11;
	s11 =	smov.u32 s17  }
0x2a: {  	[sflag:s18] =	ssyncadd.s32 @!p1 s0;
	s12 =	smov.u32 s19;
	s13 =	smov.u32 s20  }
.LBB1_1:
0x2b: {  	p1 =	sgt.u32 s8, $0x383  }
0x2c: {  	s17 =	smov.u32 s13;
	p2 =	sgt.s32 @!p1 s13, $0x3F  }
0x2d: {  	s19 =	smov.u32 s12;
	s18 =	sshra.s32 @!p1 s13, $0x1F;
	p2 =	por !p2, p1  }
0x2e: {  	s18 =	sand.u32 @!p1 s18, s13;
	s17 =	simm.s32 @p2 $0x3F;
	p2 =	sgt.s32 @!p1 s12, $0x8  }
0x2f: {  	s20 =	sshra.s32 @!p1 s12, $0x1F;
	s17 =	ssub.s32 @!p1 s17, s18;
	p3 =	por !p2, p1  }
0x30: {  	s21 =	sshra.s32 @!p1 s11, $0x1F;
	s18 =	sadd.s32 @!p1 $0xFFFFFFC1, s17;
	s19 =	simm.s32 @p3 $0x8  }
0x31: {  	p3 =	sgt.s32 @!p1 s11, $0x31;
	p2 =	sgt.s32 @!p1 s18, $0x0;
	s18 =	sand.u32 @!p1 s20, s12  }
0x32: {  	s17 =	ssub.s32 @!p1 $0x40, s17;
	p3 =	por !p3, p1;
	s18 =	ssub.s32 @!p1 s19, s18  }
0x33: {  	s20 =	smov.u32 s11;
	s17 =	smul.u32 @!p1 $0x2C00, s17;
	s19 =	sadd.s32 @!p1 $0xFFFFFFF8, s18  }
0x34: {  	s20 =	simm.s32 @p3 $0x31;
	p2 =	por !p2, p1;
	p3 =	sgt.s32 @!p1 s19, $0x0  }
0x35: {  	s18 =	ssub.s32 @!p1 $0x9, s18;
	s19 =	sand.u32 @!p1 s21, s11;
	p3 =	por !p3, p1  }
0x36: {  	s17 =	simm.s32 @!p2 $0x0;
	s19 =	ssub.s32 @!p1 s20, s19;
	s18 =	simm.s32 @!p3 $0x0  }
0x37: {  	s20 =	sadd.s32 @!p1 $0xFFFFFFCF, s19;
	s17 =	smul.u32 @!p1 s18, s17  }
0x38: {  	p3 =	sgt.s32 @!p1 s20, $0x0;
	s18 =	smul.u32 @!p1 $0x9AB00, s13  }
0x39: {  	s19 =	ssub.s32 @!p1 $0x32, s19;
	s20 =	smul.u32 @!p1 $0x11300, s12;
	p2 =	por !p3, p1  }
0x3a: {  	s21 =	smul.u32 @!p1 $0x580, s11;
	s19 =	simm.s32 @!p2 $0x0;
	s18 =	sadd.s32 @!p1 s3, s18  }
0x3b: {  	s17 =	smul.u32 @!p1 s19, s17;
	s19 =	sxor.u32 @!p1 $0xFFFFFFFF, s8;
	s18 =	sadd.s32 @!p1 s20, s18  }
0x3c: {  	s20 =	simm.s32 @!p1 $0x20;
	s19 =	sshll.u32 @!p1 s19, $0xC;
	s18 =	sadd.s32 @!p1 s21, s18  }
0x3d: {  	s21 =	simm.s32 @!p1 $0x80;
	s19 =	sand.u32 @!p1 $0x1000, s19;
	s17 =	sshrl.u32 @!p1 s17, $0x2  }
0x3e: {  	[tilespmem:s19], [sflag:$0x1] =	stream.strided.gather @!p1 [hbm4b:s18+s20], s17, s21, s20, $0x38;
	[tilespmem:$0x4040] =	vst v63  }
0x3f: {  	p1 =	seq.s32 s8, $0x0  }
0x40: {  	p2 =	seq.s32 @!p1 s8, $0x385  }
0x41: {  	p1 =	por p1, p2  }
.Ltmp2:
0x42: {  	_ = 	snop;
	(pc) =	sbr.rel @p1 .LBB1_12-.Ltmp2, $1  }
0x43: {  	_ =	sdelay $0x3  }
0x44: {  	p1 =	sgt.s32 s10, $0x3F;
	s17 =	smov.u32 s10;
	s18 =	sshra.s32 s10, $0x1F  }
0x45: {  	s17 =	simm.s32 @!p1 $0x3F;
	s18 =	sand.u32 s18, s10  }
0x46: {  	s17 =	ssub.s32 s17, s18  }
0x47: {  	p2 =	sgt.s32 s9, $0x8;
	s19 =	sshra.s32 s9, $0x1F;
	s18 =	sadd.s32 $0xFFFFFFC1, s17  }
0x48: {  	s20 =	sshra.s32 s7, $0x1F;
	p1 =	sgt.s32 s18, $0x0;
	s18 =	smov.u32 s9  }
0x49: {  	s19 =	sand.u32 s19, s9;
	s20 =	sand.u32 s20, s7;
	s18 =	simm.s32 @!p2 $0x8  }
0x4a: {  	p2 =	sgt.s32 s7, $0x31;
	s18 =	ssub.s32 s18, s19;
	s19 =	smov.u32 s7  }
0x4b: {  	s17 =	ssub.s32 $0x40, s17;
	s21 =	sadd.s32 $0xFFFFFFF8, s18;
	s19 =	simm.s32 @!p2 $0x31  }
0x4c: {  	s18 =	ssub.s32 $0x9, s18;
	p2 =	sgt.s32 s21, $0x0;
	s19 =	ssub.s32 s19, s20  }
0x4d: {  	s17 =	simm.s32 @p1 $0x0;
	s18 =	simm.s32 @p2 $0x0;
	s20 =	sadd.s32 $0xFFFFFFCF, s19  }
0x4e: {  	s17 =	smul.u32 s17, s18;
	p1 =	sgt.s32 s20, $0x0;
	s18 =	ssub.s32 $0x32, s19  }
0x4f: {  	s18 =	simm.s32 @p1 $0x0  }
0x50: {  	s17 =	smul.u32 s18, s17;
	s18 =	sadd.s32 $0x1, s10  }
0x51: {  	s19 =	sadd.s32 $0x1, s9;
	p1 =	slt.s32 s18, $0x40  }
0x52: {  	s18 =	simm.s32 @!p1 $0x40;
	p1 =	slt.s32 s19, $0x9  }
0x53: {  	s21 =	sadd.s32 $0x1, s7;
	s18 =	ssub.s32 s18, s10;
	s19 =	simm.s32 @!p1 $0x9  }
0x54: {  	p1 =	slt.s32 s21, $0x32;
	s19 =	ssub.s32 s19, s9;
	p2 =	slt.s32 s18, $0x1  }
0x55: {  	s21 =	simm.s32 @!p1 $0x32;
	p1 =	slt.s32 @!p2 s19, $0x1  }
0x56: {  	s20 =	ssub.s32 s21, s7;
	p1 =	por p2, p1  }
0x57: {  	p2 =	slt.s32 @!p1 s20, $0x1  }
0x58: {  	s30 =	smul.u32 $0x2C00, s17;
	p1 =	por p1, p2  }
.Ltmp3:
0x59: {  	_ = 	snop;
	(pc) =	sbr.rel @p1 .LBB1_11-.Ltmp3, $4  }
0x5a: {  	s22 =	sshrl.u32 s30, $0x2  }
0x5b: {  	_ =	swait.ge [sflag:s4], s22  }
0x5c: {  	s31 =	ssub.s32 $0x0, s22;
	[sflag:s4] =	ssyncset.done $0x0  }
0x5d: {  	[sflag:s4] =	ssyncadd.s32 s31  }
0x5e: {  	s21 =	simm.s32 $0x1  }
0x5f: {  	s21 =	simm.s32 @!p0 $0x0  }
0x60: {  	s22 =	smul.u32 $0x4080, s21;
	_ =	sdelay $0x1  }
0x61: {  	s22 =	sshrl.u32 s22, $0x2  }
0x62: {  	s23 =	simm.s32 $0x0;
	s21 =	sshll.u32 s21, $0xC;
	s22 =	sor.u32 $0x2000, s22  }
.LBB1_4:
0x63: {  	s24 =	smov.u32 s22;
	s25 =	smov.u32 s21;
	s26 =	simm.s32 $0x0  }
.LBB1_5:
0x64: {  	s27 =	simm.s32 $0x0;
	s28 =	smov.u32 s24;
	s29 =	smov.u32 s25  }
.LBB1_6:
0x65: {  	v0 =	vmov s29;
	_ =	sdelay $0x3  }
0x66: {  	s30 =	simm.s32 $0x0  }
0x67: {  	v1 =	vld.idx.msk [tilespmem:v0+s30+$0x0 ss:$0x1], $0xffff;
	_ =	sdelay $0x2  }
0x68: {  	s31 =	simm.s32 $0x80;
	s30 =	smov.u32 s28  }
.LBB1_7:
0x69: {  	s0 =	sshra.s32 s31, $0x2;
	p1 =	sne.s32 s31, $0x2980;
	s31 =	sadd.s32 $0x80, s31  }
.Ltmp4:
0x6a: {  	[tilespmem:s30+$0x0 ss:$0x81] =	vst.msk $0xffff, v1;
	v1 =	vld.idx.msk [tilespmem:v0+s0+$0x0 ss:$0x1], $0xffff;
	(pc) =	sbr.rel @p1 .LBB1_7-.Ltmp4, $2  }
0x6b: {  	_ =	sdelay $0x2  }
0x6c: {  	s30 =	sadd.s32 $0x1, s30  }
0x6d: {  	s27 =	sadd.s32 $0x1, s27  }
0x6e: {  	p1 =	sne.s32 s27, s20  }
.Ltmp5:
0x6f: {  	_ = 	snop;
	(pc) =	sbr.rel @p1 .LBB1_6-.Ltmp5, $2  }
0x70: {  	_ =	sdelay $0x2  }
0x71: {  	[tilespmem:s30+$0x0 ss:$0x81] =	vst.msk $0xffff, v1;
	s29 =	sadd.s32 $0x1000, s29;
	s28 =	sadd.s32 $0x1020, s28  }
0x72: {  	s26 =	sadd.s32 $0x1, s26  }
0x73: {  	p1 =	sne.s32 s26, s19  }
.Ltmp6:
0x74: {  	_ = 	snop;
	(pc) =	sbr.rel @p1 .LBB1_5-.Ltmp6, $2  }
0x75: {  	_ =	sdelay $0x2  }
0x76: {  	s25 =	sadd.s32 $0x1000, s25;
	s24 =	sadd.s32 $0x1020, s24  }
0x77: {  	s23 =	sadd.s32 $0x1, s23  }
0x78: {  	p1 =	sne.s32 s23, s18  }
.Ltmp7:
0x79: {  	_ = 	snop;
	(pc) =	sbr.rel @p1 .LBB1_4-.Ltmp7, $4  }
.Ltmp8:
0x7a: {  	_ = 	snop;
	(pc) =	sbr.rel @!p1 .LBB1_11-.Ltmp8, $4  }
0x7b: {  	_ = 	snop  }
0x7c: {  	_ = 	snop  }
0x7d: {  	s21 =	sadd.s32 $0x1000, s21;
	s22 =	sadd.s32 $0x1020, s22  }
0x7e: {  	_ = 	snop  }
.LBB1_13:
0x7f: {  	_ =	sfence.sel $0x180000  }
0x80: {  	s0 =	simm.s32 $0x1;
	[bflag:$0x0] =	sbarrier.arrive $0xFFFF  }
0x81: {  	s31 =	simm.s32 $0x2;
	[sflag:s0] =	ssyncpa.u1 $0x1  }
0x82: {  	[sflag:s31] =	ssyncpa.u1 $0x1  }
0x83: {  	_ =	strace $0x9000004A  }
0x84: {  	[bflag:$0x2] =	sbarrier.arrive $0xFFFF  }
0x85: {  	p0 =	sne.s32 s1, $0x0;
	s0 =	rddreg [dreg:$0x2]  }
0x86: {  	s0 =	sadd.s32 @!p0 $0x100000, s0  }
0x87: {  	[sflag:s0] =	ssyncadd.tile.s32 @!p0 $0x1;
	_ =	shalt  }
.Lfunc_end1:
_tile_overlayer_lowered:
.L_overlay_start_2:
0x88: {  	(tag) =	ssettag $0x2  }
0x89: {  	s0 =	rddreg [dreg:$0x0];
	s2 =	stileid.u32  }
0x8a: {  	s1 =	rddreg [dreg:$0x1];
	p0 =	sne.s32 s2, $0x0  }
0x8b: {  	s3 =	rddreg [dreg:$0x2];
	[bflag:$0x3] =	sbarrier.arrive $0xFFFF;
	s2 =	simm.s32 @!p0 $0x1C01  }
0x8c: {  	[timem:s3], [sflag:s2] =	dma.local @!p0 [hbm:s0], s1  }
0x8d: {  	s0 =	simm.s32 @!p0 $0x1  }
0x8e: {  	_ =	swait.ge @!p0 [sflag:s0], s1  }
0x8f: {  	s1 =	ssub.s32 @!p0 $0x0, s1;
	[sflag:s0] =	ssyncset.done @!p0 $0x0  }
0x90: {  	[sflag:s0] =	ssyncadd.s32 @!p0 s1  }
0x91: {  	[bflag:$0x3] =	sbarrier.arrive $0xFFFF  }
0x92: {  	_ =	shalt  }

</sc_bundles>
